<compile_context>
chip_gen: v7x
topology: tpu7x:2x2x1
jax: 0.10.2.dev20260603
libtpu: 0.0.44.dev20260713+nightly
codegen_flags: <defaults>
</compile_context>

<pallas_src>
import functools

import jax
import jax.numpy as jnp
from jax import lax
from jax.experimental import pallas as pl
from jax.experimental.pallas import tpu as pltpu
from jax.experimental.pallas import tpu_sc as plsc

_INFO = plsc.get_sparse_core_info()
_NC = _INFO.num_cores
_NS = _INFO.num_subcores
_NW = _NC * _NS


def _make_gather(batch, hist, dim):
    blk = batch // _NW
    total = batch * hist
    mesh = plsc.VectorSubcoreMesh(core_axis_name="c", subcore_axis_name="s")

    @functools.partial(
        pl.kernel,
        mesh=mesh,
        compiler_params=pltpu.CompilerParams(use_tc_tiling_on_sc=False),
        out_type=jax.ShapeDtypeStruct((total, dim), jnp.float32),
        scratch_types=[
            pltpu.VMEM((hist * blk,), jnp.int32),
            pltpu.VMEM((blk, dim), jnp.float32),
            pltpu.VMEM((blk, dim), jnp.float32),
            pltpu.SemaphoreType.DMA,
            pltpu.SemaphoreType.DMA,
            pltpu.SemaphoreType.DMA,
            pltpu.SemaphoreType.DMA,
            pltpu.SemaphoreType.DMA,
        ],
    )
    def k(ids_hbm, table_hbm, out_hbm, ids_v, rows0, rows1, lsem, g0, g1,
          s0, s1):
        wid = lax.axis_index("s") * _NC + lax.axis_index("c")
        base_b = wid * blk
        rows = (rows0, rows1)
        gsem = (g0, g1)
        ssem = (s0, s1)

        lh = [
            pltpu.async_copy(
                ids_hbm.at[pl.ds(h * batch + base_b, blk)],
                ids_v.at[pl.ds(h * blk, blk)], lsem)
            for h in range(hist)
        ]
        for handle in lh:
            handle.wait()

        def issue_gather(h):
            b = h % 2
            return pltpu.async_copy(
                table_hbm.at[ids_v.at[pl.ds(h * blk, blk)]], rows[b],
                gsem[b])

        def issue_store(h):
            b = h % 2
            return pltpu.async_copy(
                rows[b], out_hbm.at[pl.ds(h * batch + base_b, blk)],
                ssem[b])

        gh = [None] * hist
        sh = [None] * hist
        gh[0] = issue_gather(0)
        for h in range(hist):
            gh[h].wait()
            if h + 1 < hist:
                if h >= 1:
                    sh[h - 1].wait()
                gh[h + 1] = issue_gather(h + 1)
            sh[h] = issue_store(h)
        sh[hist - 2].wait()
        sh[hist - 1].wait()

    return k


def kernel(ids, embeddings):
    batch, hist = ids.shape
    vocab, dim = embeddings.shape
    ids_hm = jnp.swapaxes(ids, 0, 1).reshape(batch * hist)
    flat = _make_gather(batch, hist, dim)(ids_hm, embeddings)
    return jnp.swapaxes(flat.reshape(hist, batch, dim), 0, 1)

# --- scband reference (transcript-rebuilt; emitter-appended) ---
"""Pipeline reference for scband-embedding-39599598469207 (READ-ONLY COPY).

The authoritative reference and input builder live on the scoring server;
editing this copy changes nothing except your own understanding.
"""

import jax, jax.numpy as jnp
import numpy as np

VOCAB_SIZE = 1000000
EMBED_DIM = 32
BATCH = 16384
HIST_LEN = 50


def setup_inputs(seed: int = 0) -> dict:
    key = jax.random.key(seed)
    k_ids, k_emb = jax.random.split(key)
    ids = jax.random.randint(k_ids, (BATCH, HIST_LEN), 0, VOCAB_SIZE, dtype=jnp.int64 if jax.config.jax_enable_x64 else jnp.int32)
    # Truncated-normal initialized embedding table (haiku default TruncatedNormal stddev=1)
    embeddings = jax.random.truncated_normal(k_emb, -2.0, 2.0, (VOCAB_SIZE, EMBED_DIM), dtype=jnp.float32)
    return {"ids": ids, "embeddings": embeddings}


def reference(ids, embeddings):
    # EmbedLookupStyle.ARRAY_INDEX: embeddings[ids]
    return jnp.take(embeddings, ids, axis=0)

if __name__ == "__main__":
    import jax
    _d = setup_inputs()
    print(jax.jit(kernel)(*tuple(_d.values())))

</pallas_src>

<mosaic_0001>
#map = affine_map<(d0, d1) -> (0)>
#map1 = affine_map<(d0, d1) -> (0, 0)>
module attributes {stable_mosaic.version = 14 : i64} {
  func.func @k(%arg0: i32, %arg1: i32, %arg2: memref<819200xi32, #tpu.memory_space<hbm>>, %arg3: memref<1000000x32xf32, #tpu.memory_space<hbm>>, %arg4: memref<819200x32xf32, #tpu.memory_space<hbm>>, %arg5: memref<25600xi32, #tpu.memory_space<vmem>>, %arg6: memref<512x32xf32, #tpu.memory_space<vmem>>, %arg7: memref<512x32xf32, #tpu.memory_space<vmem>>, %arg8: memref<!tpu.dma_semaphore, #tpu.memory_space<semaphore_mem>>, %arg9: memref<!tpu.dma_semaphore, #tpu.memory_space<semaphore_mem>>, %arg10: memref<!tpu.dma_semaphore, #tpu.memory_space<semaphore_mem>>, %arg11: memref<!tpu.dma_semaphore, #tpu.memory_space<semaphore_mem>>, %arg12: memref<!tpu.dma_semaphore, #tpu.memory_space<semaphore_mem>>) attributes {dimension_semantics = [#tpu.dimension_semantics<core_parallel>, #tpu.dimension_semantics<subcore_parallel>], iteration_bounds = array<i64: 2, 16>, scalar_prefetch = 0 : i64, scratch_operands = 8 : i64, tpu.core_type = #tpu.core_type<sc_vector_subcore>, window_params = [{transform_indices = #map}, {transform_indices = #map1}, {transform_indices = #map1}]} {
    %mul3A = arith.constant 2 : i32
    %mul3A_0 = arith.muli %arg1, %mul3A : i32
    %add3A = arith.addi %mul3A_0, %arg0 : i32
    %mul3A_1 = arith.constant 512 : i32
    %mul3A_2 = arith.muli %add3A, %mul3A_1 : i32
    %add3A_3 = arith.constant 0 : i32
    %add3A_4 = arith.addi %add3A_3, %mul3A_2 : i32
    %dma_start3A = arith.constant 0 : i32
    %dma_start3A_5 = tpu.memref_slice %arg5[%dma_start3A] : memref<25600xi32, #tpu.memory_space<vmem>> -> memref<512xi32, #tpu.memory_space<vmem>>
    %dma_start3A_6 = tpu.memref_slice %arg2[%add3A_4] : memref<819200xi32, #tpu.memory_space<hbm>> -> memref<512xi32, #tpu.memory_space<hbm>>
    %dma_start3A_7 = arith.constant 0 : i32
    %dma_start3A_8 = tpu.memref_slice %arg5[%dma_start3A_7] : memref<25600xi32, #tpu.memory_space<vmem>> -> memref<512xi32, #tpu.memory_space<vmem>>
    %dma_start3A_9 = tpu.memref_slice %arg2[%add3A_4] : memref<819200xi32, #tpu.memory_space<hbm>> -> memref<512xi32, #tpu.memory_space<hbm>>
    tpu.enqueue_dma source(%dma_start3A_9 : memref<512xi32, #tpu.memory_space<hbm>>) target(%dma_start3A_8 : memref<512xi32, #tpu.memory_space<vmem>>) target_semaphore(%arg8 : memref<!tpu.dma_semaphore, #tpu.memory_space<semaphore_mem>>)
    %add3A_10 = arith.constant 16384 : i32
    %add3A_11 = arith.addi %add3A_10, %mul3A_2 : i32
    %dma_start3A_12 = arith.constant 512 : i32
    %dma_start3A_13 = tpu.memref_slice %arg5[%dma_start3A_12] : memref<25600xi32, #tpu.memory_space<vmem>> -> memref<512xi32, #tpu.memory_space<vmem>>
    %dma_start3A_14 = tpu.memref_slice %arg2[%add3A_11] : memref<819200xi32, #tpu.memory_space<hbm>> -> memref<512xi32, #tpu.memory_space<hbm>>
    %dma_start3A_15 = arith.constant 512 : i32
    %dma_start3A_16 = tpu.memref_slice %arg5[%dma_start3A_15] : memref<25600xi32, #tpu.memory_space<vmem>> -> memref<512xi32, #tpu.memory_space<vmem>>
    %dma_start3A_17 = tpu.memref_slice %arg2[%add3A_11] : memref<819200xi32, #tpu.memory_space<hbm>> -> memref<512xi32, #tpu.memory_space<hbm>>
    tpu.enqueue_dma source(%dma_start3A_17 : memref<512xi32, #tpu.memory_space<hbm>>) target(%dma_start3A_16 : memref<512xi32, #tpu.memory_space<vmem>>) target_semaphore(%arg8 : memref<!tpu.dma_semaphore, #tpu.memory_space<semaphore_mem>>)
    %add3A_18 = arith.constant 32768 : i32
    %add3A_19 = arith.addi %add3A_18, %mul3A_2 : i32
    %dma_start3A_20 = arith.constant 1024 : i32
    %dma_start3A_21 = tpu.memref_slice %arg5[%dma_start3A_20] : memref<25600xi32, #tpu.memory_space<vmem>> -> memref<512xi32, #tpu.memory_space<vmem>>
    %dma_start3A_22 = tpu.memref_slice %arg2[%add3A_19] : memref<819200xi32, #tpu.memory_space<hbm>> -> memref<512xi32, #tpu.memory_space<hbm>>
    %dma_start3A_23 = arith.constant 1024 : i32
    %dma_start3A_24 = tpu.memref_slice %arg5[%dma_start3A_23] : memref<25600xi32, #tpu.memory_space<vmem>> -> memref<512xi32, #tpu.memory_space<vmem>>
    %dma_start3A_25 = tpu.memref_slice %arg2[%add3A_19] : memref<819200xi32, #tpu.memory_space<hbm>> -> memref<512xi32, #tpu.memory_space<hbm>>
    tpu.enqueue_dma source(%dma_start3A_25 : memref<512xi32, #tpu.memory_space<hbm>>) target(%dma_start3A_24 : memref<512xi32, #tpu.memory_space<vmem>>) target_semaphore(%arg8 : memref<!tpu.dma_semaphore, #tpu.memory_space<semaphore_mem>>)
    %add3A_26 = arith.constant 49152 : i32
    %add3A_27 = arith.addi %add3A_26, %mul3A_2 : i32
    %dma_start3A_28 = arith.constant 1536 : i32
    %dma_start3A_29 = tpu.memref_slice %arg5[%dma_start3A_28] : memref<25600xi32, #tpu.memory_space<vmem>> -> memref<512xi32, #tpu.memory_space<vmem>>
    %dma_start3A_30 = tpu.memref_slice %arg2[%add3A_27] : memref<819200xi32, #tpu.memory_space<hbm>> -> memref<512xi32, #tpu.memory_space<hbm>>
    %dma_start3A_31 = arith.constant 1536 : i32
    %dma_start3A_32 = tpu.memref_slice %arg5[%dma_start3A_31] : memref<25600xi32, #tpu.memory_space<vmem>> -> memref<512xi32, #tpu.memory_space<vmem>>
    %dma_start3A_33 = tpu.memref_slice %arg2[%add3A_27] : memref<819200xi32, #tpu.memory_space<hbm>> -> memref<512xi32, #tpu.memory_space<hbm>>
    tpu.enqueue_dma source(%dma_start3A_33 : memref<512xi32, #tpu.memory_space<hbm>>) target(%dma_start3A_32 : memref<512xi32, #tpu.memory_space<vmem>>) target_semaphore(%arg8 : memref<!tpu.dma_semaphore, #tpu.memory_space<semaphore_mem>>)
    %add3A_34 = arith.constant 65536 : i32
    %add3A_35 = arith.addi %add3A_34, %mul3A_2 : i32
    %dma_start3A_36 = arith.constant 2048 : i32
    %dma_start3A_37 = tpu.memref_slice %arg5[%dma_start3A_36] : memref<25600xi32, #tpu.memory_space<vmem>> -> memref<512xi32, #tpu.memory_space<vmem>>
    %dma_start3A_38 = tpu.memref_slice %arg2[%add3A_35] : memref<819200xi32, #tpu.memory_space<hbm>> -> memref<512xi32, #tpu.memory_space<hbm>>
    %dma_start3A_39 = arith.constant 2048 : i32
    %dma_start3A_40 = tpu.memref_slice %arg5[%dma_start3A_39] : memref<25600xi32, #tpu.memory_space<vmem>> -> memref<512xi32, #tpu.memory_space<vmem>>
    %dma_start3A_41 = tpu.memref_slice %arg2[%add3A_35] : memref<819200xi32, #tpu.memory_space<hbm>> -> memref<512xi32, #tpu.memory_space<hbm>>
    tpu.enqueue_dma source(%dma_start3A_41 : memref<512xi32, #tpu.memory_space<hbm>>) target(%dma_start3A_40 : memref<512xi32, #tpu.memory_space<vmem>>) target_semaphore(%arg8 : memref<!tpu.dma_semaphore, #tpu.memory_space<semaphore_mem>>)
    %add3A_42 = arith.constant 81920 : i32
    %add3A_43 = arith.addi %add3A_42, %mul3A_2 : i32
    %dma_start3A_44 = arith.constant 2560 : i32
    %dma_start3A_45 = tpu.memref_slice %arg5[%dma_start3A_44] : memref<25600xi32, #tpu.memory_space<vmem>> -> memref<512xi32, #tpu.memory_space<vmem>>
    %dma_start3A_46 = tpu.memref_slice %arg2[%add3A_43] : memref<819200xi32, #tpu.memory_space<hbm>> -> memref<512xi32, #tpu.memory_space<hbm>>
    %dma_start3A_47 = arith.constant 2560 : i32
    %dma_start3A_48 = tpu.memref_slice %arg5[%dma_start3A_47] : memref<25600xi32, #tpu.memory_space<vmem>> -> memref<512xi32, #tpu.memory_space<vmem>>
    %dma_start3A_49 = tpu.memref_slice %arg2[%add3A_43] : memref<819200xi32, #tpu.memory_space<hbm>> -> memref<512xi32, #tpu.memory_space<hbm>>
    tpu.enqueue_dma source(%dma_start3A_49 : memref<512xi32, #tpu.memory_space<hbm>>) target(%dma_start3A_48 : memref<512xi32, #tpu.memory_space<vmem>>) target_semaphore(%arg8 : memref<!tpu.dma_semaphore, #tpu.memory_space<semaphore_mem>>)
    %add3A_50 = arith.constant 98304 : i32
    %add3A_51 = arith.addi %add3A_50, %mul3A_2 : i32
    %dma_start3A_52 = arith.constant 3072 : i32
    %dma_start3A_53 = tpu.memref_slice %arg5[%dma_start3A_52] : memref<25600xi32, #tpu.memory_space<vmem>> -> memref<512xi32, #tpu.memory_space<vmem>>
    %dma_start3A_54 = tpu.memref_slice %arg2[%add3A_51] : memref<819200xi32, #tpu.memory_space<hbm>> -> memref<512xi32, #tpu.memory_space<hbm>>
    %dma_start3A_55 = arith.constant 3072 : i32
    %dma_start3A_56 = tpu.memref_slice %arg5[%dma_start3A_55] : memref<25600xi32, #tpu.memory_space<vmem>> -> memref<512xi32, #tpu.memory_space<vmem>>
    %dma_start3A_57 = tpu.memref_slice %arg2[%add3A_51] : memref<819200xi32, #tpu.memory_space<hbm>> -> memref<512xi32, #tpu.memory_space<hbm>>
    tpu.enqueue_dma source(%dma_start3A_57 : memref<512xi32, #tpu.memory_space<hbm>>) target(%dma_start3A_56 : memref<512xi32, #tpu.memory_space<vmem>>) target_semaphore(%arg8 : memref<!tpu.dma_semaphore, #tpu.memory_space<semaphore_mem>>)
    %add3A_58 = arith.constant 114688 : i32
    %add3A_59 = arith.addi %add3A_58, %mul3A_2 : i32
    %dma_start3A_60 = arith.constant 3584 : i32
    %dma_start3A_61 = tpu.memref_slice %arg5[%dma_start3A_60] : memref<25600xi32, #tpu.memory_space<vmem>> -> memref<512xi32, #tpu.memory_space<vmem>>
    %dma_start3A_62 = tpu.memref_slice %arg2[%add3A_59] : memref<819200xi32, #tpu.memory_space<hbm>> -> memref<512xi32, #tpu.memory_space<hbm>>
    %dma_start3A_63 = arith.constant 3584 : i32
    %dma_start3A_64 = tpu.memref_slice %arg5[%dma_start3A_63] : memref<25600xi32, #tpu.memory_space<vmem>> -> memref<512xi32, #tpu.memory_space<vmem>>
    %dma_start3A_65 = tpu.memref_slice %arg2[%add3A_59] : memref<819200xi32, #tpu.memory_space<hbm>> -> memref<512xi32, #tpu.memory_space<hbm>>
    tpu.enqueue_dma source(%dma_start3A_65 : memref<512xi32, #tpu.memory_space<hbm>>) target(%dma_start3A_64 : memref<512xi32, #tpu.memory_space<vmem>>) target_semaphore(%arg8 : memref<!tpu.dma_semaphore, #tpu.memory_space<semaphore_mem>>)
    %add3A_66 = arith.constant 131072 : i32
    %add3A_67 = arith.addi %add3A_66, %mul3A_2 : i32
    %dma_start3A_68 = arith.constant 4096 : i32
    %dma_start3A_69 = tpu.memref_slice %arg5[%dma_start3A_68] : memref<25600xi32, #tpu.memory_space<vmem>> -> memref<512xi32, #tpu.memory_space<vmem>>
    %dma_start3A_70 = tpu.memref_slice %arg2[%add3A_67] : memref<819200xi32, #tpu.memory_space<hbm>> -> memref<512xi32, #tpu.memory_space<hbm>>
    %dma_start3A_71 = arith.constant 4096 : i32
    %dma_start3A_72 = tpu.memref_slice %arg5[%dma_start3A_71] : memref<25600xi32, #tpu.memory_space<vmem>> -> memref<512xi32, #tpu.memory_space<vmem>>
    %dma_start3A_73 = tpu.memref_slice %arg2[%add3A_67] : memref<819200xi32, #tpu.memory_space<hbm>> -> memref<512xi32, #tpu.memory_space<hbm>>
    tpu.enqueue_dma source(%dma_start3A_73 : memref<512xi32, #tpu.memory_space<hbm>>) target(%dma_start3A_72 : memref<512xi32, #tpu.memory_space<vmem>>) target_semaphore(%arg8 : memref<!tpu.dma_semaphore, #tpu.memory_space<semaphore_mem>>)
    %add3A_74 = arith.constant 147456 : i32
    %add3A_75 = arith.addi %add3A_74, %mul3A_2 : i32
    %dma_start3A_76 = arith.constant 4608 : i32
    %dma_start3A_77 = tpu.memref_slice %arg5[%dma_start3A_76] : memref<25600xi32, #tpu.memory_space<vmem>> -> memref<512xi32, #tpu.memory_space<vmem>>
    %dma_start3A_78 = tpu.memref_slice %arg2[%add3A_75] : memref<819200xi32, #tpu.memory_space<hbm>> -> memref<512xi32, #tpu.memory_space<hbm>>
    %dma_start3A_79 = arith.constant 4608 : i32
    %dma_start3A_80 = tpu.memref_slice %arg5[%dma_start3A_79] : memref<25600xi32, #tpu.memory_space<vmem>> -> memref<512xi32, #tpu.memory_space<vmem>>
    %dma_start3A_81 = tpu.memref_slice %arg2[%add3A_75] : memref<819200xi32, #tpu.memory_space<hbm>> -> memref<512xi32, #tpu.memory_space<hbm>>
    tpu.enqueue_dma source(%dma_start3A_81 : memref<512xi32, #tpu.memory_space<hbm>>) target(%dma_start3A_80 : memref<512xi32, #tpu.memory_space<vmem>>) target_semaphore(%arg8 : memref<!tpu.dma_semaphore, #tpu.memory_space<semaphore_mem>>)
    %add3A_82 = arith.constant 163840 : i32
    %add3A_83 = arith.addi %add3A_82, %mul3A_2 : i32
    %dma_start3A_84 = arith.constant 5120 : i32
    %dma_start3A_85 = tpu.memref_slice %arg5[%dma_start3A_84] : memref<25600xi32, #tpu.memory_space<vmem>> -> memref<512xi32, #tpu.memory_space<vmem>>
    %dma_start3A_86 = tpu.memref_slice %arg2[%add3A_83] : memref<819200xi32, #tpu.memory_space<hbm>> -> memref<512xi32, #tpu.memory_space<hbm>>
    %dma_start3A_87 = arith.constant 5120 : i32
    %dma_start3A_88 = tpu.memref_slice %arg5[%dma_start3A_87] : memref<25600xi32, #tpu.memory_space<vmem>> -> memref<512xi32, #tpu.memory_space<vmem>>
    %dma_start3A_89 = tpu.memref_slice %arg2[%add3A_83] : memref<819200xi32, #tpu.memory_space<hbm>> -> memref<512xi32, #tpu.memory_space<hbm>>
    tpu.enqueue_dma source(%dma_start3A_89 : memref<512xi32, #tpu.memory_space<hbm>>) target(%dma_start3A_88 : memref<512xi32, #tpu.memory_space<vmem>>) target_semaphore(%arg8 : memref<!tpu.dma_semaphore, #tpu.memory_space<semaphore_mem>>)
    %add3A_90 = arith.constant 180224 : i32
    %add3A_91 = arith.addi %add3A_90, %mul3A_2 : i32
    %dma_start3A_92 = arith.constant 5632 : i32
    %dma_start3A_93 = tpu.memref_slice %arg5[%dma_start3A_92] : memref<25600xi32, #tpu.memory_space<vmem>> -> memref<512xi32, #tpu.memory_space<vmem>>
    %dma_start3A_94 = tpu.memref_slice %arg2[%add3A_91] : memref<819200xi32, #tpu.memory_space<hbm>> -> memref<512xi32, #tpu.memory_space<hbm>>
    %dma_start3A_95 = arith.constant 5632 : i32
    %dma_start3A_96 = tpu.memref_slice %arg5[%dma_start3A_95] : memref<25600xi32, #tpu.memory_space<vmem>> -> memref<512xi32, #tpu.memory_space<vmem>>
    %dma_start3A_97 = tpu.memref_slice %arg2[%add3A_91] : memref<819200xi32, #tpu.memory_space<hbm>> -> memref<512xi32, #tpu.memory_space<hbm>>
    tpu.enqueue_dma source(%dma_start3A_97 : memref<512xi32, #tpu.memory_space<hbm>>) target(%dma_start3A_96 : memref<512xi32, #tpu.memory_space<vmem>>) target_semaphore(%arg8 : memref<!tpu.dma_semaphore, #tpu.memory_space<semaphore_mem>>)
    %add3A_98 = arith.constant 196608 : i32
    %add3A_99 = arith.addi %add3A_98, %mul3A_2 : i32
    %dma_start3A_100 = arith.constant 6144 : i32
    %dma_start3A_101 = tpu.memref_slice %arg5[%dma_start3A_100] : memref<25600xi32, #tpu.memory_space<vmem>> -> memref<512xi32, #tpu.memory_space<vmem>>
    %dma_start3A_102 = tpu.memref_slice %arg2[%add3A_99] : memref<819200xi32, #tpu.memory_space<hbm>> -> memref<512xi32, #tpu.memory_space<hbm>>
    %dma_start3A_103 = arith.constant 6144 : i32
    %dma_start3A_104 = tpu.memref_slice %arg5[%dma_start3A_103] : memref<25600xi32, #tpu.memory_space<vmem>> -> memref<512xi32, #tpu.memory_space<vmem>>
    %dma_start3A_105 = tpu.memref_slice %arg2[%add3A_99] : memref<819200xi32, #tpu.memory_space<hbm>> -> memref<512xi32, #tpu.memory_space<hbm>>
    tpu.enqueue_dma source(%dma_start3A_105 : memref<512xi32, #tpu.memory_space<hbm>>) target(%dma_start3A_104 : memref<512xi32, #tpu.memory_space<vmem>>) target_semaphore(%arg8 : memref<!tpu.dma_semaphore, #tpu.memory_space<semaphore_mem>>)
    %add3A_106 = arith.constant 212992 : i32
    %add3A_107 = arith.addi %add3A_106, %mul3A_2 : i32
    %dma_start3A_108 = arith.constant 6656 : i32
    %dma_start3A_109 = tpu.memref_slice %arg5[%dma_start3A_108] : memref<25600xi32, #tpu.memory_space<vmem>> -> memref<512xi32, #tpu.memory_space<vmem>>
    %dma_start3A_110 = tpu.memref_slice %arg2[%add3A_107] : memref<819200xi32, #tpu.memory_space<hbm>> -> memref<512xi32, #tpu.memory_space<hbm>>
    %dma_start3A_111 = arith.constant 6656 : i32
    %dma_start3A_112 = tpu.memref_slice %arg5[%dma_start3A_111] : memref<25600xi32, #tpu.memory_space<vmem>> -> memref<512xi32, #tpu.memory_space<vmem>>
    %dma_start3A_113 = tpu.memref_slice %arg2[%add3A_107] : memref<819200xi32, #tpu.memory_space<hbm>> -> memref<512xi32, #tpu.memory_space<hbm>>
    tpu.enqueue_dma source(%dma_start3A_113 : memref<512xi32, #tpu.memory_space<hbm>>) target(%dma_start3A_112 : memref<512xi32, #tpu.memory_space<vmem>>) target_semaphore(%arg8 : memref<!tpu.dma_semaphore, #tpu.memory_space<semaphore_mem>>)
    %add3A_114 = arith.constant 229376 : i32
    %add3A_115 = arith.addi %add3A_114, %mul3A_2 : i32
    %dma_start3A_116 = arith.constant 7168 : i32
    %dma_start3A_117 = tpu.memref_slice %arg5[%dma_start3A_116] : memref<25600xi32, #tpu.memory_space<vmem>> -> memref<512xi32, #tpu.memory_space<vmem>>
    %dma_start3A_118 = tpu.memref_slice %arg2[%add3A_115] : memref<819200xi32, #tpu.memory_space<hbm>> -> memref<512xi32, #tpu.memory_space<hbm>>
    %dma_start3A_119 = arith.constant 7168 : i32
    %dma_start3A_120 = tpu.memref_slice %arg5[%dma_start3A_119] : memref<25600xi32, #tpu.memory_space<vmem>> -> memref<512xi32, #tpu.memory_space<vmem>>
    %dma_start3A_121 = tpu.memref_slice %arg2[%add3A_115] : memref<819200xi32, #tpu.memory_space<hbm>> -> memref<512xi32, #tpu.memory_space<hbm>>
    tpu.enqueue_dma source(%dma_start3A_121 : memref<512xi32, #tpu.memory_space<hbm>>) target(%dma_start3A_120 : memref<512xi32, #tpu.memory_space<vmem>>) target_semaphore(%arg8 : memref<!tpu.dma_semaphore, #tpu.memory_space<semaphore_mem>>)
    %add3A_122 = arith.constant 245760 : i32
    %add3A_123 = arith.addi %add3A_122, %mul3A_2 : i32
    %dma_start3A_124 = arith.constant 7680 : i32
    %dma_start3A_125 = tpu.memref_slice %arg5[%dma_start3A_124] : memref<25600xi32, #tpu.memory_space<vmem>> -> memref<512xi32, #tpu.memory_space<vmem>>
    %dma_start3A_126 = tpu.memref_slice %arg2[%add3A_123] : memref<819200xi32, #tpu.memory_space<hbm>> -> memref<512xi32, #tpu.memory_space<hbm>>
    %dma_start3A_127 = arith.constant 7680 : i32
    %dma_start3A_128 = tpu.memref_slice %arg5[%dma_start3A_127] : memref<25600xi32, #tpu.memory_space<vmem>> -> memref<512xi32, #tpu.memory_space<vmem>>
    %dma_start3A_129 = tpu.memref_slice %arg2[%add3A_123] : memref<819200xi32, #tpu.memory_space<hbm>> -> memref<512xi32, #tpu.memory_space<hbm>>
    tpu.enqueue_dma source(%dma_start3A_129 : memref<512xi32, #tpu.memory_space<hbm>>) target(%dma_start3A_128 : memref<512xi32, #tpu.memory_space<vmem>>) target_semaphore(%arg8 : memref<!tpu.dma_semaphore, #tpu.memory_space<semaphore_mem>>)
    %add3A_130 = arith.constant 262144 : i32
    %add3A_131 = arith.addi %add3A_130, %mul3A_2 : i32
    %dma_start3A_132 = arith.constant 8192 : i32
    %dma_start3A_133 = tpu.memref_slice %arg5[%dma_start3A_132] : memref<25600xi32, #tpu.memory_space<vmem>> -> memref<512xi32, #tpu.memory_space<vmem>>
    %dma_start3A_134 = tpu.memref_slice %arg2[%add3A_131] : memref<819200xi32, #tpu.memory_space<hbm>> -> memref<512xi32, #tpu.memory_space<hbm>>
    %dma_start3A_135 = arith.constant 8192 : i32
    %dma_start3A_136 = tpu.memref_slice %arg5[%dma_start3A_135] : memref<25600xi32, #tpu.memory_space<vmem>> -> memref<512xi32, #tpu.memory_space<vmem>>
    %dma_start3A_137 = tpu.memref_slice %arg2[%add3A_131] : memref<819200xi32, #tpu.memory_space<hbm>> -> memref<512xi32, #tpu.memory_space<hbm>>
    tpu.enqueue_dma source(%dma_start3A_137 : memref<512xi32, #tpu.memory_space<hbm>>) target(%dma_start3A_136 : memref<512xi32, #tpu.memory_space<vmem>>) target_semaphore(%arg8 : memref<!tpu.dma_semaphore, #tpu.memory_space<semaphore_mem>>)
    %add3A_138 = arith.constant 278528 : i32
    %add3A_139 = arith.addi %add3A_138, %mul3A_2 : i32
    %dma_start3A_140 = arith.constant 8704 : i32
    %dma_start3A_141 = tpu.memref_slice %arg5[%dma_start3A_140] : memref<25600xi32, #tpu.memory_space<vmem>> -> memref<512xi32, #tpu.memory_space<vmem>>
    %dma_start3A_142 = tpu.memref_slice %arg2[%add3A_139] : memref<819200xi32, #tpu.memory_space<hbm>> -> memref<512xi32, #tpu.memory_space<hbm>>
    %dma_start3A_143 = arith.constant 8704 : i32
    %dma_start3A_144 = tpu.memref_slice %arg5[%dma_start3A_143] : memref<25600xi32, #tpu.memory_space<vmem>> -> memref<512xi32, #tpu.memory_space<vmem>>
    %dma_start3A_145 = tpu.memref_slice %arg2[%add3A_139] : memref<819200xi32, #tpu.memory_space<hbm>> -> memref<512xi32, #tpu.memory_space<hbm>>
    tpu.enqueue_dma source(%dma_start3A_145 : memref<512xi32, #tpu.memory_space<hbm>>) target(%dma_start3A_144 : memref<512xi32, #tpu.memory_space<vmem>>) target_semaphore(%arg8 : memref<!tpu.dma_semaphore, #tpu.memory_space<semaphore_mem>>)
    %add3A_146 = arith.constant 294912 : i32
    %add3A_147 = arith.addi %add3A_146, %mul3A_2 : i32
    %dma_start3A_148 = arith.constant 9216 : i32
    %dma_start3A_149 = tpu.memref_slice %arg5[%dma_start3A_148] : memref<25600xi32, #tpu.memory_space<vmem>> -> memref<512xi32, #tpu.memory_space<vmem>>
    %dma_start3A_150 = tpu.memref_slice %arg2[%add3A_147] : memref<819200xi32, #tpu.memory_space<hbm>> -> memref<512xi32, #tpu.memory_space<hbm>>
    %dma_start3A_151 = arith.constant 9216 : i32
    %dma_start3A_152 = tpu.memref_slice %arg5[%dma_start3A_151] : memref<25600xi32, #tpu.memory_space<vmem>> -> memref<512xi32, #tpu.memory_space<vmem>>
    %dma_start3A_153 = tpu.memref_slice %arg2[%add3A_147] : memref<819200xi32, #tpu.memory_space<hbm>> -> memref<512xi32, #tpu.memory_space<hbm>>
    tpu.enqueue_dma source(%dma_start3A_153 : memref<512xi32, #tpu.memory_space<hbm>>) target(%dma_start3A_152 : memref<512xi32, #tpu.memory_space<vmem>>) target_semaphore(%arg8 : memref<!tpu.dma_semaphore, #tpu.memory_space<semaphore_mem>>)
    %add3A_154 = arith.constant 311296 : i32
    %add3A_155 = arith.addi %add3A_154, %mul3A_2 : i32
    %dma_start3A_156 = arith.constant 9728 : i32
    %dma_start3A_157 = tpu.memref_slice %arg5[%dma_start3A_156] : memref<25600xi32, #tpu.memory_space<vmem>> -> memref<512xi32, #tpu.memory_space<vmem>>
    %dma_start3A_158 = tpu.memref_slice %arg2[%add3A_155] : memref<819200xi32, #tpu.memory_space<hbm>> -> memref<512xi32, #tpu.memory_space<hbm>>
    %dma_start3A_159 = arith.constant 9728 : i32
    %dma_start3A_160 = tpu.memref_slice %arg5[%dma_start3A_159] : memref<25600xi32, #tpu.memory_space<vmem>> -> memref<512xi32, #tpu.memory_space<vmem>>
    %dma_start3A_161 = tpu.memref_slice %arg2[%add3A_155] : memref<819200xi32, #tpu.memory_space<hbm>> -> memref<512xi32, #tpu.memory_space<hbm>>
    tpu.enqueue_dma source(%dma_start3A_161 : memref<512xi32, #tpu.memory_space<hbm>>) target(%dma_start3A_160 : memref<512xi32, #tpu.memory_space<vmem>>) target_semaphore(%arg8 : memref<!tpu.dma_semaphore, #tpu.memory_space<semaphore_mem>>)
    %add3A_162 = arith.constant 327680 : i32
    %add3A_163 = arith.addi %add3A_162, %mul3A_2 : i32
    %dma_start3A_164 = arith.constant 10240 : i32
    %dma_start3A_165 = tpu.memref_slice %arg5[%dma_start3A_164] : memref<25600xi32, #tpu.memory_space<vmem>> -> memref<512xi32, #tpu.memory_space<vmem>>
    %dma_start3A_166 = tpu.memref_slice %arg2[%add3A_163] : memref<819200xi32, #tpu.memory_space<hbm>> -> memref<512xi32, #tpu.memory_space<hbm>>
    %dma_start3A_167 = arith.constant 10240 : i32
    %dma_start3A_168 = tpu.memref_slice %arg5[%dma_start3A_167] : memref<25600xi32, #tpu.memory_space<vmem>> -> memref<512xi32, #tpu.memory_space<vmem>>
    %dma_start3A_169 = tpu.memref_slice %arg2[%add3A_163] : memref<819200xi32, #tpu.memory_space<hbm>> -> memref<512xi32, #tpu.memory_space<hbm>>
    tpu.enqueue_dma source(%dma_start3A_169 : memref<512xi32, #tpu.memory_space<hbm>>) target(%dma_start3A_168 : memref<512xi32, #tpu.memory_space<vmem>>) target_semaphore(%arg8 : memref<!tpu.dma_semaphore, #tpu.memory_space<semaphore_mem>>)
    %add3A_170 = arith.constant 344064 : i32
    %add3A_171 = arith.addi %add3A_170, %mul3A_2 : i32
    %dma_start3A_172 = arith.constant 10752 : i32
    %dma_start3A_173 = tpu.memref_slice %arg5[%dma_start3A_172] : memref<25600xi32, #tpu.memory_space<vmem>> -> memref<512xi32, #tpu.memory_space<vmem>>
    %dma_start3A_174 = tpu.memref_slice %arg2[%add3A_171] : memref<819200xi32, #tpu.memory_space<hbm>> -> memref<512xi32, #tpu.memory_space<hbm>>
    %dma_start3A_175 = arith.constant 10752 : i32
    %dma_start3A_176 = tpu.memref_slice %arg5[%dma_start3A_175] : memref<25600xi32, #tpu.memory_space<vmem>> -> memref<512xi32, #tpu.memory_space<vmem>>
    %dma_start3A_177 = tpu.memref_slice %arg2[%add3A_171] : memref<819200xi32, #tpu.memory_space<hbm>> -> memref<512xi32, #tpu.memory_space<hbm>>
    tpu.enqueue_dma source(%dma_start3A_177 : memref<512xi32, #tpu.memory_space<hbm>>) target(%dma_start3A_176 : memref<512xi32, #tpu.memory_space<vmem>>) target_semaphore(%arg8 : memref<!tpu.dma_semaphore, #tpu.memory_space<semaphore_mem>>)
    %add3A_178 = arith.constant 360448 : i32
    %add3A_179 = arith.addi %add3A_178, %mul3A_2 : i32
    %dma_start3A_180 = arith.constant 11264 : i32
    %dma_start3A_181 = tpu.memref_slice %arg5[%dma_start3A_180] : memref<25600xi32, #tpu.memory_space<vmem>> -> memref<512xi32, #tpu.memory_space<vmem>>
    %dma_start3A_182 = tpu.memref_slice %arg2[%add3A_179] : memref<819200xi32, #tpu.memory_space<hbm>> -> memref<512xi32, #tpu.memory_space<hbm>>
    %dma_start3A_183 = arith.constant 11264 : i32
    %dma_start3A_184 = tpu.memref_slice %arg5[%dma_start3A_183] : memref<25600xi32, #tpu.memory_space<vmem>> -> memref<512xi32, #tpu.memory_space<vmem>>
    %dma_start3A_185 = tpu.memref_slice %arg2[%add3A_179] : memref<819200xi32, #tpu.memory_space<hbm>> -> memref<512xi32, #tpu.memory_space<hbm>>
    tpu.enqueue_dma source(%dma_start3A_185 : memref<512xi32, #tpu.memory_space<hbm>>) target(%dma_start3A_184 : memref<512xi32, #tpu.memory_space<vmem>>) target_semaphore(%arg8 : memref<!tpu.dma_semaphore, #tpu.memory_space<semaphore_mem>>)
    %add3A_186 = arith.constant 376832 : i32
    %add3A_187 = arith.addi %add3A_186, %mul3A_2 : i32
    %dma_start3A_188 = arith.constant 11776 : i32
    %dma_start3A_189 = tpu.memref_slice %arg5[%dma_start3A_188] : memref<25600xi32, #tpu.memory_space<vmem>> -> memref<512xi32, #tpu.memory_space<vmem>>
    %dma_start3A_190 = tpu.memref_slice %arg2[%add3A_187] : memref<819200xi32, #tpu.memory_space<hbm>> -> memref<512xi32, #tpu.memory_space<hbm>>
    %dma_start3A_191 = arith.constant 11776 : i32
    %dma_start3A_192 = tpu.memref_slice %arg5[%dma_start3A_191] : memref<25600xi32, #tpu.memory_space<vmem>> -> memref<512xi32, #tpu.memory_space<vmem>>
    %dma_start3A_193 = tpu.memref_slice %arg2[%add3A_187] : memref<819200xi32, #tpu.memory_space<hbm>> -> memref<512xi32, #tpu.memory_space<hbm>>
    tpu.enqueue_dma source(%dma_start3A_193 : memref<512xi32, #tpu.memory_space<hbm>>) target(%dma_start3A_192 : memref<512xi32, #tpu.memory_space<vmem>>) target_semaphore(%arg8 : memref<!tpu.dma_semaphore, #tpu.memory_space<semaphore_mem>>)
    %add3A_194 = arith.constant 393216 : i32
    %add3A_195 = arith.addi %add3A_194, %mul3A_2 : i32
    %dma_start3A_196 = arith.constant 12288 : i32
    %dma_start3A_197 = tpu.memref_slice %arg5[%dma_start3A_196] : memref<25600xi32, #tpu.memory_space<vmem>> -> memref<512xi32, #tpu.memory_space<vmem>>
    %dma_start3A_198 = tpu.memref_slice %arg2[%add3A_195] : memref<819200xi32, #tpu.memory_space<hbm>> -> memref<512xi32, #tpu.memory_space<hbm>>
    %dma_start3A_199 = arith.constant 12288 : i32
    %dma_start3A_200 = tpu.memref_slice %arg5[%dma_start3A_199] : memref<25600xi32, #tpu.memory_space<vmem>> -> memref<512xi32, #tpu.memory_space<vmem>>
    %dma_start3A_201 = tpu.memref_slice %arg2[%add3A_195] : memref<819200xi32, #tpu.memory_space<hbm>> -> memref<512xi32, #tpu.memory_space<hbm>>
    tpu.enqueue_dma source(%dma_start3A_201 : memref<512xi32, #tpu.memory_space<hbm>>) target(%dma_start3A_200 : memref<512xi32, #tpu.memory_space<vmem>>) target_semaphore(%arg8 : memref<!tpu.dma_semaphore, #tpu.memory_space<semaphore_mem>>)
    %add3A_202 = arith.constant 409600 : i32
    %add3A_203 = arith.addi %add3A_202, %mul3A_2 : i32
    %dma_start3A_204 = arith.constant 12800 : i32
    %dma_start3A_205 = tpu.memref_slice %arg5[%dma_start3A_204] : memref<25600xi32, #tpu.memory_space<vmem>> -> memref<512xi32, #tpu.memory_space<vmem>>
    %dma_start3A_206 = tpu.memref_slice %arg2[%add3A_203] : memref<819200xi32, #tpu.memory_space<hbm>> -> memref<512xi32, #tpu.memory_space<hbm>>
    %dma_start3A_207 = arith.constant 12800 : i32
    %dma_start3A_208 = tpu.memref_slice %arg5[%dma_start3A_207] : memref<25600xi32, #tpu.memory_space<vmem>> -> memref<512xi32, #tpu.memory_space<vmem>>
    %dma_start3A_209 = tpu.memref_slice %arg2[%add3A_203] : memref<819200xi32, #tpu.memory_space<hbm>> -> memref<512xi32, #tpu.memory_space<hbm>>
    tpu.enqueue_dma source(%dma_start3A_209 : memref<512xi32, #tpu.memory_space<hbm>>) target(%dma_start3A_208 : memref<512xi32, #tpu.memory_space<vmem>>) target_semaphore(%arg8 : memref<!tpu.dma_semaphore, #tpu.memory_space<semaphore_mem>>)
    %add3A_210 = arith.constant 425984 : i32
    %add3A_211 = arith.addi %add3A_210, %mul3A_2 : i32
    %dma_start3A_212 = arith.constant 13312 : i32
    %dma_start3A_213 = tpu.memref_slice %arg5[%dma_start3A_212] : memref<25600xi32, #tpu.memory_space<vmem>> -> memref<512xi32, #tpu.memory_space<vmem>>
    %dma_start3A_214 = tpu.memref_slice %arg2[%add3A_211] : memref<819200xi32, #tpu.memory_space<hbm>> -> memref<512xi32, #tpu.memory_space<hbm>>
    %dma_start3A_215 = arith.constant 13312 : i32
    %dma_start3A_216 = tpu.memref_slice %arg5[%dma_start3A_215] : memref<25600xi32, #tpu.memory_space<vmem>> -> memref<512xi32, #tpu.memory_space<vmem>>
    %dma_start3A_217 = tpu.memref_slice %arg2[%add3A_211] : memref<819200xi32, #tpu.memory_space<hbm>> -> memref<512xi32, #tpu.memory_space<hbm>>
    tpu.enqueue_dma source(%dma_start3A_217 : memref<512xi32, #tpu.memory_space<hbm>>) target(%dma_start3A_216 : memref<512xi32, #tpu.memory_space<vmem>>) target_semaphore(%arg8 : memref<!tpu.dma_semaphore, #tpu.memory_space<semaphore_mem>>)
    %add3A_218 = arith.constant 442368 : i32
    %add3A_219 = arith.addi %add3A_218, %mul3A_2 : i32
    %dma_start3A_220 = arith.constant 13824 : i32
    %dma_start3A_221 = tpu.memref_slice %arg5[%dma_start3A_220] : memref<25600xi32, #tpu.memory_space<vmem>> -> memref<512xi32, #tpu.memory_space<vmem>>
    %dma_start3A_222 = tpu.memref_slice %arg2[%add3A_219] : memref<819200xi32, #tpu.memory_space<hbm>> -> memref<512xi32, #tpu.memory_space<hbm>>
    %dma_start3A_223 = arith.constant 13824 : i32
    %dma_start3A_224 = tpu.memref_slice %arg5[%dma_start3A_223] : memref<25600xi32, #tpu.memory_space<vmem>> -> memref<512xi32, #tpu.memory_space<vmem>>
    %dma_start3A_225 = tpu.memref_slice %arg2[%add3A_219] : memref<819200xi32, #tpu.memory_space<hbm>> -> memref<512xi32, #tpu.memory_space<hbm>>
    tpu.enqueue_dma source(%dma_start3A_225 : memref<512xi32, #tpu.memory_space<hbm>>) target(%dma_start3A_224 : memref<512xi32, #tpu.memory_space<vmem>>) target_semaphore(%arg8 : memref<!tpu.dma_semaphore, #tpu.memory_space<semaphore_mem>>)
    %add3A_226 = arith.constant 458752 : i32
    %add3A_227 = arith.addi %add3A_226, %mul3A_2 : i32
    %dma_start3A_228 = arith.constant 14336 : i32
    %dma_start3A_229 = tpu.memref_slice %arg5[%dma_start3A_228] : memref<25600xi32, #tpu.memory_space<vmem>> -> memref<512xi32, #tpu.memory_space<vmem>>
    %dma_start3A_230 = tpu.memref_slice %arg2[%add3A_227] : memref<819200xi32, #tpu.memory_space<hbm>> -> memref<512xi32, #tpu.memory_space<hbm>>
    %dma_start3A_231 = arith.constant 14336 : i32
    %dma_start3A_232 = tpu.memref_slice %arg5[%dma_start3A_231] : memref<25600xi32, #tpu.memory_space<vmem>> -> memref<512xi32, #tpu.memory_space<vmem>>
    %dma_start3A_233 = tpu.memref_slice %arg2[%add3A_227] : memref<819200xi32, #tpu.memory_space<hbm>> -> memref<512xi32, #tpu.memory_space<hbm>>
    tpu.enqueue_dma source(%dma_start3A_233 : memref<512xi32, #tpu.memory_space<hbm>>) target(%dma_start3A_232 : memref<512xi32, #tpu.memory_space<vmem>>) target_semaphore(%arg8 : memref<!tpu.dma_semaphore, #tpu.memory_space<semaphore_mem>>)
    %add3A_234 = arith.constant 475136 : i32
    %add3A_235 = arith.addi %add3A_234, %mul3A_2 : i32
    %dma_start3A_236 = arith.constant 14848 : i32
    %dma_start3A_237 = tpu.memref_slice %arg5[%dma_start3A_236] : memref<25600xi32, #tpu.memory_space<vmem>> -> memref<512xi32, #tpu.memory_space<vmem>>
    %dma_start3A_238 = tpu.memref_slice %arg2[%add3A_235] : memref<819200xi32, #tpu.memory_space<hbm>> -> memref<512xi32, #tpu.memory_space<hbm>>
    %dma_start3A_239 = arith.constant 14848 : i32
    %dma_start3A_240 = tpu.memref_slice %arg5[%dma_start3A_239] : memref<25600xi32, #tpu.memory_space<vmem>> -> memref<512xi32, #tpu.memory_space<vmem>>
    %dma_start3A_241 = tpu.memref_slice %arg2[%add3A_235] : memref<819200xi32, #tpu.memory_space<hbm>> -> memref<512xi32, #tpu.memory_space<hbm>>
    tpu.enqueue_dma source(%dma_start3A_241 : memref<512xi32, #tpu.memory_space<hbm>>) target(%dma_start3A_240 : memref<512xi32, #tpu.memory_space<vmem>>) target_semaphore(%arg8 : memref<!tpu.dma_semaphore, #tpu.memory_space<semaphore_mem>>)
    %add3A_242 = arith.constant 491520 : i32
    %add3A_243 = arith.addi %add3A_242, %mul3A_2 : i32
    %dma_start3A_244 = arith.constant 15360 : i32
    %dma_start3A_245 = tpu.memref_slice %arg5[%dma_start3A_244] : memref<25600xi32, #tpu.memory_space<vmem>> -> memref<512xi32, #tpu.memory_space<vmem>>
    %dma_start3A_246 = tpu.memref_slice %arg2[%add3A_243] : memref<819200xi32, #tpu.memory_space<hbm>> -> memref<512xi32, #tpu.memory_space<hbm>>
    %dma_start3A_247 = arith.constant 15360 : i32
    %dma_start3A_248 = tpu.memref_slice %arg5[%dma_start3A_247] : memref<25600xi32, #tpu.memory_space<vmem>> -> memref<512xi32, #tpu.memory_space<vmem>>
    %dma_start3A_249 = tpu.memref_slice %arg2[%add3A_243] : memref<819200xi32, #tpu.memory_space<hbm>> -> memref<512xi32, #tpu.memory_space<hbm>>
    tpu.enqueue_dma source(%dma_start3A_249 : memref<512xi32, #tpu.memory_space<hbm>>) target(%dma_start3A_248 : memref<512xi32, #tpu.memory_space<vmem>>) target_semaphore(%arg8 : memref<!tpu.dma_semaphore, #tpu.memory_space<semaphore_mem>>)
    %add3A_250 = arith.constant 507904 : i32
    %add3A_251 = arith.addi %add3A_250, %mul3A_2 : i32
    %dma_start3A_252 = arith.constant 15872 : i32
    %dma_start3A_253 = tpu.memref_slice %arg5[%dma_start3A_252] : memref<25600xi32, #tpu.memory_space<vmem>> -> memref<512xi32, #tpu.memory_space<vmem>>
    %dma_start3A_254 = tpu.memref_slice %arg2[%add3A_251] : memref<819200xi32, #tpu.memory_space<hbm>> -> memref<512xi32, #tpu.memory_space<hbm>>
    %dma_start3A_255 = arith.constant 15872 : i32
    %dma_start3A_256 = tpu.memref_slice %arg5[%dma_start3A_255] : memref<25600xi32, #tpu.memory_space<vmem>> -> memref<512xi32, #tpu.memory_space<vmem>>
    %dma_start3A_257 = tpu.memref_slice %arg2[%add3A_251] : memref<819200xi32, #tpu.memory_space<hbm>> -> memref<512xi32, #tpu.memory_space<hbm>>
    tpu.enqueue_dma source(%dma_start3A_257 : memref<512xi32, #tpu.memory_space<hbm>>) target(%dma_start3A_256 : memref<512xi32, #tpu.memory_space<vmem>>) target_semaphore(%arg8 : memref<!tpu.dma_semaphore, #tpu.memory_space<semaphore_mem>>)
    %add3A_258 = arith.constant 524288 : i32
    %add3A_259 = arith.addi %add3A_258, %mul3A_2 : i32
    %dma_start3A_260 = arith.constant 16384 : i32
    %dma_start3A_261 = tpu.memref_slice %arg5[%dma_start3A_260] : memref<25600xi32, #tpu.memory_space<vmem>> -> memref<512xi32, #tpu.memory_space<vmem>>
    %dma_start3A_262 = tpu.memref_slice %arg2[%add3A_259] : memref<819200xi32, #tpu.memory_space<hbm>> -> memref<512xi32, #tpu.memory_space<hbm>>
    %dma_start3A_263 = arith.constant 16384 : i32
    %dma_start3A_264 = tpu.memref_slice %arg5[%dma_start3A_263] : memref<25600xi32, #tpu.memory_space<vmem>> -> memref<512xi32, #tpu.memory_space<vmem>>
    %dma_start3A_265 = tpu.memref_slice %arg2[%add3A_259] : memref<819200xi32, #tpu.memory_space<hbm>> -> memref<512xi32, #tpu.memory_space<hbm>>
    tpu.enqueue_dma source(%dma_start3A_265 : memref<512xi32, #tpu.memory_space<hbm>>) target(%dma_start3A_264 : memref<512xi32, #tpu.memory_space<vmem>>) target_semaphore(%arg8 : memref<!tpu.dma_semaphore, #tpu.memory_space<semaphore_mem>>)
    %add3A_266 = arith.constant 540672 : i32
    %add3A_267 = arith.addi %add3A_266, %mul3A_2 : i32
    %dma_start3A_268 = arith.constant 16896 : i32
    %dma_start3A_269 = tpu.memref_slice %arg5[%dma_start3A_268] : memref<25600xi32, #tpu.memory_space<vmem>> -> memref<512xi32, #tpu.memory_space<vmem>>
    %dma_start3A_270 = tpu.memref_slice %arg2[%add3A_267] : memref<819200xi32, #tpu.memory_space<hbm>> -> memref<512xi32, #tpu.memory_space<hbm>>
    %dma_start3A_271 = arith.constant 16896 : i32
    %dma_start3A_272 = tpu.memref_slice %arg5[%dma_start3A_271] : memref<25600xi32, #tpu.memory_space<vmem>> -> memref<512xi32, #tpu.memory_space<vmem>>
    %dma_start3A_273 = tpu.memref_slice %arg2[%add3A_267] : memref<819200xi32, #tpu.memory_space<hbm>> -> memref<512xi32, #tpu.memory_space<hbm>>
    tpu.enqueue_dma source(%dma_start3A_273 : memref<512xi32, #tpu.memory_space<hbm>>) target(%dma_start3A_272 : memref<512xi32, #tpu.memory_space<vmem>>) target_semaphore(%arg8 : memref<!tpu.dma_semaphore, #tpu.memory_space<semaphore_mem>>)
    %add3A_274 = arith.constant 557056 : i32
    %add3A_275 = arith.addi %add3A_274, %mul3A_2 : i32
    %dma_start3A_276 = arith.constant 17408 : i32
    %dma_start3A_277 = tpu.memref_slice %arg5[%dma_start3A_276] : memref<25600xi32, #tpu.memory_space<vmem>> -> memref<512xi32, #tpu.memory_space<vmem>>
    %dma_start3A_278 = tpu.memref_slice %arg2[%add3A_275] : memref<819200xi32, #tpu.memory_space<hbm>> -> memref<512xi32, #tpu.memory_space<hbm>>
    %dma_start3A_279 = arith.constant 17408 : i32
    %dma_start3A_280 = tpu.memref_slice %arg5[%dma_start3A_279] : memref<25600xi32, #tpu.memory_space<vmem>> -> memref<512xi32, #tpu.memory_space<vmem>>
    %dma_start3A_281 = tpu.memref_slice %arg2[%add3A_275] : memref<819200xi32, #tpu.memory_space<hbm>> -> memref<512xi32, #tpu.memory_space<hbm>>
    tpu.enqueue_dma source(%dma_start3A_281 : memref<512xi32, #tpu.memory_space<hbm>>) target(%dma_start3A_280 : memref<512xi32, #tpu.memory_space<vmem>>) target_semaphore(%arg8 : memref<!tpu.dma_semaphore, #tpu.memory_space<semaphore_mem>>)
    %add3A_282 = arith.constant 573440 : i32
    %add3A_283 = arith.addi %add3A_282, %mul3A_2 : i32
    %dma_start3A_284 = arith.constant 17920 : i32
    %dma_start3A_285 = tpu.memref_slice %arg5[%dma_start3A_284] : memref<25600xi32, #tpu.memory_space<vmem>> -> memref<512xi32, #tpu.memory_space<vmem>>
    %dma_start3A_286 = tpu.memref_slice %arg2[%add3A_283] : memref<819200xi32, #tpu.memory_space<hbm>> -> memref<512xi32, #tpu.memory_space<hbm>>
    %dma_start3A_287 = arith.constant 17920 : i32
    %dma_start3A_288 = tpu.memref_slice %arg5[%dma_start3A_287] : memref<25600xi32, #tpu.memory_space<vmem>> -> memref<512xi32, #tpu.memory_space<vmem>>
    %dma_start3A_289 = tpu.memref_slice %arg2[%add3A_283] : memref<819200xi32, #tpu.memory_space<hbm>> -> memref<512xi32, #tpu.memory_space<hbm>>
    tpu.enqueue_dma source(%dma_start3A_289 : memref<512xi32, #tpu.memory_space<hbm>>) target(%dma_start3A_288 : memref<512xi32, #tpu.memory_space<vmem>>) target_semaphore(%arg8 : memref<!tpu.dma_semaphore, #tpu.memory_space<semaphore_mem>>)
    %add3A_290 = arith.constant 589824 : i32
    %add3A_291 = arith.addi %add3A_290, %mul3A_2 : i32
    %dma_start3A_292 = arith.constant 18432 : i32
    %dma_start3A_293 = tpu.memref_slice %arg5[%dma_start3A_292] : memref<25600xi32, #tpu.memory_space<vmem>> -> memref<512xi32, #tpu.memory_space<vmem>>
    %dma_start3A_294 = tpu.memref_slice %arg2[%add3A_291] : memref<819200xi32, #tpu.memory_space<hbm>> -> memref<512xi32, #tpu.memory_space<hbm>>
    %dma_start3A_295 = arith.constant 18432 : i32
    %dma_start3A_296 = tpu.memref_slice %arg5[%dma_start3A_295] : memref<25600xi32, #tpu.memory_space<vmem>> -> memref<512xi32, #tpu.memory_space<vmem>>
    %dma_start3A_297 = tpu.memref_slice %arg2[%add3A_291] : memref<819200xi32, #tpu.memory_space<hbm>> -> memref<512xi32, #tpu.memory_space<hbm>>
    tpu.enqueue_dma source(%dma_start3A_297 : memref<512xi32, #tpu.memory_space<hbm>>) target(%dma_start3A_296 : memref<512xi32, #tpu.memory_space<vmem>>) target_semaphore(%arg8 : memref<!tpu.dma_semaphore, #tpu.memory_space<semaphore_mem>>)
    %add3A_298 = arith.constant 606208 : i32
    %add3A_299 = arith.addi %add3A_298, %mul3A_2 : i32
    %dma_start3A_300 = arith.constant 18944 : i32
    %dma_start3A_301 = tpu.memref_slice %arg5[%dma_start3A_300] : memref<25600xi32, #tpu.memory_space<vmem>> -> memref<512xi32, #tpu.memory_space<vmem>>
    %dma_start3A_302 = tpu.memref_slice %arg2[%add3A_299] : memref<819200xi32, #tpu.memory_space<hbm>> -> memref<512xi32, #tpu.memory_space<hbm>>
    %dma_start3A_303 = arith.constant 18944 : i32
    %dma_start3A_304 = tpu.memref_slice %arg5[%dma_start3A_303] : memref<25600xi32, #tpu.memory_space<vmem>> -> memref<512xi32, #tpu.memory_space<vmem>>
    %dma_start3A_305 = tpu.memref_slice %arg2[%add3A_299] : memref<819200xi32, #tpu.memory_space<hbm>> -> memref<512xi32, #tpu.memory_space<hbm>>
    tpu.enqueue_dma source(%dma_start3A_305 : memref<512xi32, #tpu.memory_space<hbm>>) target(%dma_start3A_304 : memref<512xi32, #tpu.memory_space<vmem>>) target_semaphore(%arg8 : memref<!tpu.dma_semaphore, #tpu.memory_space<semaphore_mem>>)
    %add3A_306 = arith.constant 622592 : i32
    %add3A_307 = arith.addi %add3A_306, %mul3A_2 : i32
    %dma_start3A_308 = arith.constant 19456 : i32
    %dma_start3A_309 = tpu.memref_slice %arg5[%dma_start3A_308] : memref<25600xi32, #tpu.memory_space<vmem>> -> memref<512xi32, #tpu.memory_space<vmem>>
    %dma_start3A_310 = tpu.memref_slice %arg2[%add3A_307] : memref<819200xi32, #tpu.memory_space<hbm>> -> memref<512xi32, #tpu.memory_space<hbm>>
    %dma_start3A_311 = arith.constant 19456 : i32
    %dma_start3A_312 = tpu.memref_slice %arg5[%dma_start3A_311] : memref<25600xi32, #tpu.memory_space<vmem>> -> memref<512xi32, #tpu.memory_space<vmem>>
    %dma_start3A_313 = tpu.memref_slice %arg2[%add3A_307] : memref<819200xi32, #tpu.memory_space<hbm>> -> memref<512xi32, #tpu.memory_space<hbm>>
    tpu.enqueue_dma source(%dma_start3A_313 : memref<512xi32, #tpu.memory_space<hbm>>) target(%dma_start3A_312 : memref<512xi32, #tpu.memory_space<vmem>>) target_semaphore(%arg8 : memref<!tpu.dma_semaphore, #tpu.memory_space<semaphore_mem>>)
    %add3A_314 = arith.constant 638976 : i32
    %add3A_315 = arith.addi %add3A_314, %mul3A_2 : i32
    %dma_start3A_316 = arith.constant 19968 : i32
    %dma_start3A_317 = tpu.memref_slice %arg5[%dma_start3A_316] : memref<25600xi32, #tpu.memory_space<vmem>> -> memref<512xi32, #tpu.memory_space<vmem>>
    %dma_start3A_318 = tpu.memref_slice %arg2[%add3A_315] : memref<819200xi32, #tpu.memory_space<hbm>> -> memref<512xi32, #tpu.memory_space<hbm>>
    %dma_start3A_319 = arith.constant 19968 : i32
    %dma_start3A_320 = tpu.memref_slice %arg5[%dma_start3A_319] : memref<25600xi32, #tpu.memory_space<vmem>> -> memref<512xi32, #tpu.memory_space<vmem>>
    %dma_start3A_321 = tpu.memref_slice %arg2[%add3A_315] : memref<819200xi32, #tpu.memory_space<hbm>> -> memref<512xi32, #tpu.memory_space<hbm>>
    tpu.enqueue_dma source(%dma_start3A_321 : memref<512xi32, #tpu.memory_space<hbm>>) target(%dma_start3A_320 : memref<512xi32, #tpu.memory_space<vmem>>) target_semaphore(%arg8 : memref<!tpu.dma_semaphore, #tpu.memory_space<semaphore_mem>>)
    %add3A_322 = arith.constant 655360 : i32
    %add3A_323 = arith.addi %add3A_322, %mul3A_2 : i32
    %dma_start3A_324 = arith.constant 20480 : i32
    %dma_start3A_325 = tpu.memref_slice %arg5[%dma_start3A_324] : memref<25600xi32, #tpu.memory_space<vmem>> -> memref<512xi32, #tpu.memory_space<vmem>>
    %dma_start3A_326 = tpu.memref_slice %arg2[%add3A_323] : memref<819200xi32, #tpu.memory_space<hbm>> -> memref<512xi32, #tpu.memory_space<hbm>>
    %dma_start3A_327 = arith.constant 20480 : i32
    %dma_start3A_328 = tpu.memref_slice %arg5[%dma_start3A_327] : memref<25600xi32, #tpu.memory_space<vmem>> -> memref<512xi32, #tpu.memory_space<vmem>>
    %dma_start3A_329 = tpu.memref_slice %arg2[%add3A_323] : memref<819200xi32, #tpu.memory_space<hbm>> -> memref<512xi32, #tpu.memory_space<hbm>>
    tpu.enqueue_dma source(%dma_start3A_329 : memref<512xi32, #tpu.memory_space<hbm>>) target(%dma_start3A_328 : memref<512xi32, #tpu.memory_space<vmem>>) target_semaphore(%arg8 : memref<!tpu.dma_semaphore, #tpu.memory_space<semaphore_mem>>)
    %add3A_330 = arith.constant 671744 : i32
    %add3A_331 = arith.addi %add3A_330, %mul3A_2 : i32
    %dma_start3A_332 = arith.constant 20992 : i32
    %dma_start3A_333 = tpu.memref_slice %arg5[%dma_start3A_332] : memref<25600xi32, #tpu.memory_space<vmem>> -> memref<512xi32, #tpu.memory_space<vmem>>
    %dma_start3A_334 = tpu.memref_slice %arg2[%add3A_331] : memref<819200xi32, #tpu.memory_space<hbm>> -> memref<512xi32, #tpu.memory_space<hbm>>
    %dma_start3A_335 = arith.constant 20992 : i32
    %dma_start3A_336 = tpu.memref_slice %arg5[%dma_start3A_335] : memref<25600xi32, #tpu.memory_space<vmem>> -> memref<512xi32, #tpu.memory_space<vmem>>
    %dma_start3A_337 = tpu.memref_slice %arg2[%add3A_331] : memref<819200xi32, #tpu.memory_space<hbm>> -> memref<512xi32, #tpu.memory_space<hbm>>
    tpu.enqueue_dma source(%dma_start3A_337 : memref<512xi32, #tpu.memory_space<hbm>>) target(%dma_start3A_336 : memref<512xi32, #tpu.memory_space<vmem>>) target_semaphore(%arg8 : memref<!tpu.dma_semaphore, #tpu.memory_space<semaphore_mem>>)
    %add3A_338 = arith.constant 688128 : i32
    %add3A_339 = arith.addi %add3A_338, %mul3A_2 : i32
    %dma_start3A_340 = arith.constant 21504 : i32
    %dma_start3A_341 = tpu.memref_slice %arg5[%dma_start3A_340] : memref<25600xi32, #tpu.memory_space<vmem>> -> memref<512xi32, #tpu.memory_space<vmem>>
    %dma_start3A_342 = tpu.memref_slice %arg2[%add3A_339] : memref<819200xi32, #tpu.memory_space<hbm>> -> memref<512xi32, #tpu.memory_space<hbm>>
    %dma_start3A_343 = arith.constant 21504 : i32
    %dma_start3A_344 = tpu.memref_slice %arg5[%dma_start3A_343] : memref<25600xi32, #tpu.memory_space<vmem>> -> memref<512xi32, #tpu.memory_space<vmem>>
    %dma_start3A_345 = tpu.memref_slice %arg2[%add3A_339] : memref<819200xi32, #tpu.memory_space<hbm>> -> memref<512xi32, #tpu.memory_space<hbm>>
    tpu.enqueue_dma source(%dma_start3A_345 : memref<512xi32, #tpu.memory_space<hbm>>) target(%dma_start3A_344 : memref<512xi32, #tpu.memory_space<vmem>>) target_semaphore(%arg8 : memref<!tpu.dma_semaphore, #tpu.memory_space<semaphore_mem>>)
    %add3A_346 = arith.constant 704512 : i32
    %add3A_347 = arith.addi %add3A_346, %mul3A_2 : i32
    %dma_start3A_348 = arith.constant 22016 : i32
    %dma_start3A_349 = tpu.memref_slice %arg5[%dma_start3A_348] : memref<25600xi32, #tpu.memory_space<vmem>> -> memref<512xi32, #tpu.memory_space<vmem>>
    %dma_start3A_350 = tpu.memref_slice %arg2[%add3A_347] : memref<819200xi32, #tpu.memory_space<hbm>> -> memref<512xi32, #tpu.memory_space<hbm>>
    %dma_start3A_351 = arith.constant 22016 : i32
    %dma_start3A_352 = tpu.memref_slice %arg5[%dma_start3A_351] : memref<25600xi32, #tpu.memory_space<vmem>> -> memref<512xi32, #tpu.memory_space<vmem>>
    %dma_start3A_353 = tpu.memref_slice %arg2[%add3A_347] : memref<819200xi32, #tpu.memory_space<hbm>> -> memref<512xi32, #tpu.memory_space<hbm>>
    tpu.enqueue_dma source(%dma_start3A_353 : memref<512xi32, #tpu.memory_space<hbm>>) target(%dma_start3A_352 : memref<512xi32, #tpu.memory_space<vmem>>) target_semaphore(%arg8 : memref<!tpu.dma_semaphore, #tpu.memory_space<semaphore_mem>>)
    %add3A_354 = arith.constant 720896 : i32
    %add3A_355 = arith.addi %add3A_354, %mul3A_2 : i32
    %dma_start3A_356 = arith.constant 22528 : i32
    %dma_start3A_357 = tpu.memref_slice %arg5[%dma_start3A_356] : memref<25600xi32, #tpu.memory_space<vmem>> -> memref<512xi32, #tpu.memory_space<vmem>>
    %dma_start3A_358 = tpu.memref_slice %arg2[%add3A_355] : memref<819200xi32, #tpu.memory_space<hbm>> -> memref<512xi32, #tpu.memory_space<hbm>>
    %dma_start3A_359 = arith.constant 22528 : i32
    %dma_start3A_360 = tpu.memref_slice %arg5[%dma_start3A_359] : memref<25600xi32, #tpu.memory_space<vmem>> -> memref<512xi32, #tpu.memory_space<vmem>>
    %dma_start3A_361 = tpu.memref_slice %arg2[%add3A_355] : memref<819200xi32, #tpu.memory_space<hbm>> -> memref<512xi32, #tpu.memory_space<hbm>>
    tpu.enqueue_dma source(%dma_start3A_361 : memref<512xi32, #tpu.memory_space<hbm>>) target(%dma_start3A_360 : memref<512xi32, #tpu.memory_space<vmem>>) target_semaphore(%arg8 : memref<!tpu.dma_semaphore, #tpu.memory_space<semaphore_mem>>)
    %add3A_362 = arith.constant 737280 : i32
    %add3A_363 = arith.addi %add3A_362, %mul3A_2 : i32
    %dma_start3A_364 = arith.constant 23040 : i32
    %dma_start3A_365 = tpu.memref_slice %arg5[%dma_start3A_364] : memref<25600xi32, #tpu.memory_space<vmem>> -> memref<512xi32, #tpu.memory_space<vmem>>
    %dma_start3A_366 = tpu.memref_slice %arg2[%add3A_363] : memref<819200xi32, #tpu.memory_space<hbm>> -> memref<512xi32, #tpu.memory_space<hbm>>
    %dma_start3A_367 = arith.constant 23040 : i32
    %dma_start3A_368 = tpu.memref_slice %arg5[%dma_start3A_367] : memref<25600xi32, #tpu.memory_space<vmem>> -> memref<512xi32, #tpu.memory_space<vmem>>
    %dma_start3A_369 = tpu.memref_slice %arg2[%add3A_363] : memref<819200xi32, #tpu.memory_space<hbm>> -> memref<512xi32, #tpu.memory_space<hbm>>
    tpu.enqueue_dma source(%dma_start3A_369 : memref<512xi32, #tpu.memory_space<hbm>>) target(%dma_start3A_368 : memref<512xi32, #tpu.memory_space<vmem>>) target_semaphore(%arg8 : memref<!tpu.dma_semaphore, #tpu.memory_space<semaphore_mem>>)
    %add3A_370 = arith.constant 753664 : i32
    %add3A_371 = arith.addi %add3A_370, %mul3A_2 : i32
    %dma_start3A_372 = arith.constant 23552 : i32
    %dma_start3A_373 = tpu.memref_slice %arg5[%dma_start3A_372] : memref<25600xi32, #tpu.memory_space<vmem>> -> memref<512xi32, #tpu.memory_space<vmem>>
    %dma_start3A_374 = tpu.memref_slice %arg2[%add3A_371] : memref<819200xi32, #tpu.memory_space<hbm>> -> memref<512xi32, #tpu.memory_space<hbm>>
    %dma_start3A_375 = arith.constant 23552 : i32
    %dma_start3A_376 = tpu.memref_slice %arg5[%dma_start3A_375] : memref<25600xi32, #tpu.memory_space<vmem>> -> memref<512xi32, #tpu.memory_space<vmem>>
    %dma_start3A_377 = tpu.memref_slice %arg2[%add3A_371] : memref<819200xi32, #tpu.memory_space<hbm>> -> memref<512xi32, #tpu.memory_space<hbm>>
    tpu.enqueue_dma source(%dma_start3A_377 : memref<512xi32, #tpu.memory_space<hbm>>) target(%dma_start3A_376 : memref<512xi32, #tpu.memory_space<vmem>>) target_semaphore(%arg8 : memref<!tpu.dma_semaphore, #tpu.memory_space<semaphore_mem>>)
    %add3A_378 = arith.constant 770048 : i32
    %add3A_379 = arith.addi %add3A_378, %mul3A_2 : i32
    %dma_start3A_380 = arith.constant 24064 : i32
    %dma_start3A_381 = tpu.memref_slice %arg5[%dma_start3A_380] : memref<25600xi32, #tpu.memory_space<vmem>> -> memref<512xi32, #tpu.memory_space<vmem>>
    %dma_start3A_382 = tpu.memref_slice %arg2[%add3A_379] : memref<819200xi32, #tpu.memory_space<hbm>> -> memref<512xi32, #tpu.memory_space<hbm>>
    %dma_start3A_383 = arith.constant 24064 : i32
    %dma_start3A_384 = tpu.memref_slice %arg5[%dma_start3A_383] : memref<25600xi32, #tpu.memory_space<vmem>> -> memref<512xi32, #tpu.memory_space<vmem>>
    %dma_start3A_385 = tpu.memref_slice %arg2[%add3A_379] : memref<819200xi32, #tpu.memory_space<hbm>> -> memref<512xi32, #tpu.memory_space<hbm>>
    tpu.enqueue_dma source(%dma_start3A_385 : memref<512xi32, #tpu.memory_space<hbm>>) target(%dma_start3A_384 : memref<512xi32, #tpu.memory_space<vmem>>) target_semaphore(%arg8 : memref<!tpu.dma_semaphore, #tpu.memory_space<semaphore_mem>>)
    %add3A_386 = arith.constant 786432 : i32
    %add3A_387 = arith.addi %add3A_386, %mul3A_2 : i32
    %dma_start3A_388 = arith.constant 24576 : i32
    %dma_start3A_389 = tpu.memref_slice %arg5[%dma_start3A_388] : memref<25600xi32, #tpu.memory_space<vmem>> -> memref<512xi32, #tpu.memory_space<vmem>>
    %dma_start3A_390 = tpu.memref_slice %arg2[%add3A_387] : memref<819200xi32, #tpu.memory_space<hbm>> -> memref<512xi32, #tpu.memory_space<hbm>>
    %dma_start3A_391 = arith.constant 24576 : i32
    %dma_start3A_392 = tpu.memref_slice %arg5[%dma_start3A_391] : memref<25600xi32, #tpu.memory_space<vmem>> -> memref<512xi32, #tpu.memory_space<vmem>>
    %dma_start3A_393 = tpu.memref_slice %arg2[%add3A_387] : memref<819200xi32, #tpu.memory_space<hbm>> -> memref<512xi32, #tpu.memory_space<hbm>>
    tpu.enqueue_dma source(%dma_start3A_393 : memref<512xi32, #tpu.memory_space<hbm>>) target(%dma_start3A_392 : memref<512xi32, #tpu.memory_space<vmem>>) target_semaphore(%arg8 : memref<!tpu.dma_semaphore, #tpu.memory_space<semaphore_mem>>)
    %add3A_394 = arith.constant 802816 : i32
    %add3A_395 = arith.addi %add3A_394, %mul3A_2 : i32
    %dma_start3A_396 = arith.constant 25088 : i32
    %dma_start3A_397 = tpu.memref_slice %arg5[%dma_start3A_396] : memref<25600xi32, #tpu.memory_space<vmem>> -> memref<512xi32, #tpu.memory_space<vmem>>
    %dma_start3A_398 = tpu.memref_slice %arg2[%add3A_395] : memref<819200xi32, #tpu.memory_space<hbm>> -> memref<512xi32, #tpu.memory_space<hbm>>
    %dma_start3A_399 = arith.constant 25088 : i32
    %dma_start3A_400 = tpu.memref_slice %arg5[%dma_start3A_399] : memref<25600xi32, #tpu.memory_space<vmem>> -> memref<512xi32, #tpu.memory_space<vmem>>
    %dma_start3A_401 = tpu.memref_slice %arg2[%add3A_395] : memref<819200xi32, #tpu.memory_space<hbm>> -> memref<512xi32, #tpu.memory_space<hbm>>
    tpu.enqueue_dma source(%dma_start3A_401 : memref<512xi32, #tpu.memory_space<hbm>>) target(%dma_start3A_400 : memref<512xi32, #tpu.memory_space<vmem>>) target_semaphore(%arg8 : memref<!tpu.dma_semaphore, #tpu.memory_space<semaphore_mem>>)
    %dma_wait3A = arith.constant 0 : i32
    %dma_wait3A_402 = tpu.memref_slice %arg5[%dma_wait3A] : memref<25600xi32, #tpu.memory_space<vmem>> -> memref<512xi32, #tpu.memory_space<vmem>>
    %dma_wait3A_403 = tpu.memref_slice %arg2[%add3A_4] : memref<819200xi32, #tpu.memory_space<hbm>> -> memref<512xi32, #tpu.memory_space<hbm>>
    %dma_wait3A_404 = arith.constant 0 : i32
    %dma_wait3A_405 = tpu.memref_slice %arg5[%dma_wait3A_404] : memref<25600xi32, #tpu.memory_space<vmem>> -> memref<512xi32, #tpu.memory_space<vmem>>
    %dma_wait3A_406 = tpu.memref_slice %arg2[%add3A_4] : memref<819200xi32, #tpu.memory_space<hbm>> -> memref<512xi32, #tpu.memory_space<hbm>>
    tpu.wait_dma2 semaphore(%arg8 : memref<!tpu.dma_semaphore, #tpu.memory_space<semaphore_mem>>) src(%dma_wait3A_406 : memref<512xi32, #tpu.memory_space<hbm>>) dst(%dma_wait3A_405 : memref<512xi32, #tpu.memory_space<vmem>>)
    %dma_wait3A_407 = arith.constant 512 : i32
    %dma_wait3A_408 = tpu.memref_slice %arg5[%dma_wait3A_407] : memref<25600xi32, #tpu.memory_space<vmem>> -> memref<512xi32, #tpu.memory_space<vmem>>
    %dma_wait3A_409 = tpu.memref_slice %arg2[%add3A_11] : memref<819200xi32, #tpu.memory_space<hbm>> -> memref<512xi32, #tpu.memory_space<hbm>>
    %dma_wait3A_410 = arith.constant 512 : i32
    %dma_wait3A_411 = tpu.memref_slice %arg5[%dma_wait3A_410] : memref<25600xi32, #tpu.memory_space<vmem>> -> memref<512xi32, #tpu.memory_space<vmem>>
    %dma_wait3A_412 = tpu.memref_slice %arg2[%add3A_11] : memref<819200xi32, #tpu.memory_space<hbm>> -> memref<512xi32, #tpu.memory_space<hbm>>
    tpu.wait_dma2 semaphore(%arg8 : memref<!tpu.dma_semaphore, #tpu.memory_space<semaphore_mem>>) src(%dma_wait3A_412 : memref<512xi32, #tpu.memory_space<hbm>>) dst(%dma_wait3A_411 : memref<512xi32, #tpu.memory_space<vmem>>)
    %dma_wait3A_413 = arith.constant 1024 : i32
    %dma_wait3A_414 = tpu.memref_slice %arg5[%dma_wait3A_413] : memref<25600xi32, #tpu.memory_space<vmem>> -> memref<512xi32, #tpu.memory_space<vmem>>
    %dma_wait3A_415 = tpu.memref_slice %arg2[%add3A_19] : memref<819200xi32, #tpu.memory_space<hbm>> -> memref<512xi32, #tpu.memory_space<hbm>>
    %dma_wait3A_416 = arith.constant 1024 : i32
    %dma_wait3A_417 = tpu.memref_slice %arg5[%dma_wait3A_416] : memref<25600xi32, #tpu.memory_space<vmem>> -> memref<512xi32, #tpu.memory_space<vmem>>
    %dma_wait3A_418 = tpu.memref_slice %arg2[%add3A_19] : memref<819200xi32, #tpu.memory_space<hbm>> -> memref<512xi32, #tpu.memory_space<hbm>>
    tpu.wait_dma2 semaphore(%arg8 : memref<!tpu.dma_semaphore, #tpu.memory_space<semaphore_mem>>) src(%dma_wait3A_418 : memref<512xi32, #tpu.memory_space<hbm>>) dst(%dma_wait3A_417 : memref<512xi32, #tpu.memory_space<vmem>>)
    %dma_wait3A_419 = arith.constant 1536 : i32
    %dma_wait3A_420 = tpu.memref_slice %arg5[%dma_wait3A_419] : memref<25600xi32, #tpu.memory_space<vmem>> -> memref<512xi32, #tpu.memory_space<vmem>>
    %dma_wait3A_421 = tpu.memref_slice %arg2[%add3A_27] : memref<819200xi32, #tpu.memory_space<hbm>> -> memref<512xi32, #tpu.memory_space<hbm>>
    %dma_wait3A_422 = arith.constant 1536 : i32
    %dma_wait3A_423 = tpu.memref_slice %arg5[%dma_wait3A_422] : memref<25600xi32, #tpu.memory_space<vmem>> -> memref<512xi32, #tpu.memory_space<vmem>>
    %dma_wait3A_424 = tpu.memref_slice %arg2[%add3A_27] : memref<819200xi32, #tpu.memory_space<hbm>> -> memref<512xi32, #tpu.memory_space<hbm>>
    tpu.wait_dma2 semaphore(%arg8 : memref<!tpu.dma_semaphore, #tpu.memory_space<semaphore_mem>>) src(%dma_wait3A_424 : memref<512xi32, #tpu.memory_space<hbm>>) dst(%dma_wait3A_423 : memref<512xi32, #tpu.memory_space<vmem>>)
    %dma_wait3A_425 = arith.constant 2048 : i32
    %dma_wait3A_426 = tpu.memref_slice %arg5[%dma_wait3A_425] : memref<25600xi32, #tpu.memory_space<vmem>> -> memref<512xi32, #tpu.memory_space<vmem>>
    %dma_wait3A_427 = tpu.memref_slice %arg2[%add3A_35] : memref<819200xi32, #tpu.memory_space<hbm>> -> memref<512xi32, #tpu.memory_space<hbm>>
    %dma_wait3A_428 = arith.constant 2048 : i32
    %dma_wait3A_429 = tpu.memref_slice %arg5[%dma_wait3A_428] : memref<25600xi32, #tpu.memory_space<vmem>> -> memref<512xi32, #tpu.memory_space<vmem>>
    %dma_wait3A_430 = tpu.memref_slice %arg2[%add3A_35] : memref<819200xi32, #tpu.memory_space<hbm>> -> memref<512xi32, #tpu.memory_space<hbm>>
    tpu.wait_dma2 semaphore(%arg8 : memref<!tpu.dma_semaphore, #tpu.memory_space<semaphore_mem>>) src(%dma_wait3A_430 : memref<512xi32, #tpu.memory_space<hbm>>) dst(%dma_wait3A_429 : memref<512xi32, #tpu.memory_space<vmem>>)
    %dma_wait3A_431 = arith.constant 2560 : i32
    %dma_wait3A_432 = tpu.memref_slice %arg5[%dma_wait3A_431] : memref<25600xi32, #tpu.memory_space<vmem>> -> memref<512xi32, #tpu.memory_space<vmem>>
    %dma_wait3A_433 = tpu.memref_slice %arg2[%add3A_43] : memref<819200xi32, #tpu.memory_space<hbm>> -> memref<512xi32, #tpu.memory_space<hbm>>
    %dma_wait3A_434 = arith.constant 2560 : i32
    %dma_wait3A_435 = tpu.memref_slice %arg5[%dma_wait3A_434] : memref<25600xi32, #tpu.memory_space<vmem>> -> memref<512xi32, #tpu.memory_space<vmem>>
    %dma_wait3A_436 = tpu.memref_slice %arg2[%add3A_43] : memref<819200xi32, #tpu.memory_space<hbm>> -> memref<512xi32, #tpu.memory_space<hbm>>
    tpu.wait_dma2 semaphore(%arg8 : memref<!tpu.dma_semaphore, #tpu.memory_space<semaphore_mem>>) src(%dma_wait3A_436 : memref<512xi32, #tpu.memory_space<hbm>>) dst(%dma_wait3A_435 : memref<512xi32, #tpu.memory_space<vmem>>)
    %dma_wait3A_437 = arith.constant 3072 : i32
    %dma_wait3A_438 = tpu.memref_slice %arg5[%dma_wait3A_437] : memref<25600xi32, #tpu.memory_space<vmem>> -> memref<512xi32, #tpu.memory_space<vmem>>
    %dma_wait3A_439 = tpu.memref_slice %arg2[%add3A_51] : memref<819200xi32, #tpu.memory_space<hbm>> -> memref<512xi32, #tpu.memory_space<hbm>>
    %dma_wait3A_440 = arith.constant 3072 : i32
    %dma_wait3A_441 = tpu.memref_slice %arg5[%dma_wait3A_440] : memref<25600xi32, #tpu.memory_space<vmem>> -> memref<512xi32, #tpu.memory_space<vmem>>
    %dma_wait3A_442 = tpu.memref_slice %arg2[%add3A_51] : memref<819200xi32, #tpu.memory_space<hbm>> -> memref<512xi32, #tpu.memory_space<hbm>>
    tpu.wait_dma2 semaphore(%arg8 : memref<!tpu.dma_semaphore, #tpu.memory_space<semaphore_mem>>) src(%dma_wait3A_442 : memref<512xi32, #tpu.memory_space<hbm>>) dst(%dma_wait3A_441 : memref<512xi32, #tpu.memory_space<vmem>>)
    %dma_wait3A_443 = arith.constant 3584 : i32
    %dma_wait3A_444 = tpu.memref_slice %arg5[%dma_wait3A_443] : memref<25600xi32, #tpu.memory_space<vmem>> -> memref<512xi32, #tpu.memory_space<vmem>>
    %dma_wait3A_445 = tpu.memref_slice %arg2[%add3A_59] : memref<819200xi32, #tpu.memory_space<hbm>> -> memref<512xi32, #tpu.memory_space<hbm>>
    %dma_wait3A_446 = arith.constant 3584 : i32
    %dma_wait3A_447 = tpu.memref_slice %arg5[%dma_wait3A_446] : memref<25600xi32, #tpu.memory_space<vmem>> -> memref<512xi32, #tpu.memory_space<vmem>>
    %dma_wait3A_448 = tpu.memref_slice %arg2[%add3A_59] : memref<819200xi32, #tpu.memory_space<hbm>> -> memref<512xi32, #tpu.memory_space<hbm>>
    tpu.wait_dma2 semaphore(%arg8 : memref<!tpu.dma_semaphore, #tpu.memory_space<semaphore_mem>>) src(%dma_wait3A_448 : memref<512xi32, #tpu.memory_space<hbm>>) dst(%dma_wait3A_447 : memref<512xi32, #tpu.memory_space<vmem>>)
    %dma_wait3A_449 = arith.constant 4096 : i32
    %dma_wait3A_450 = tpu.memref_slice %arg5[%dma_wait3A_449] : memref<25600xi32, #tpu.memory_space<vmem>> -> memref<512xi32, #tpu.memory_space<vmem>>
    %dma_wait3A_451 = tpu.memref_slice %arg2[%add3A_67] : memref<819200xi32, #tpu.memory_space<hbm>> -> memref<512xi32, #tpu.memory_space<hbm>>
    %dma_wait3A_452 = arith.constant 4096 : i32
    %dma_wait3A_453 = tpu.memref_slice %arg5[%dma_wait3A_452] : memref<25600xi32, #tpu.memory_space<vmem>> -> memref<512xi32, #tpu.memory_space<vmem>>
    %dma_wait3A_454 = tpu.memref_slice %arg2[%add3A_67] : memref<819200xi32, #tpu.memory_space<hbm>> -> memref<512xi32, #tpu.memory_space<hbm>>
    tpu.wait_dma2 semaphore(%arg8 : memref<!tpu.dma_semaphore, #tpu.memory_space<semaphore_mem>>) src(%dma_wait3A_454 : memref<512xi32, #tpu.memory_space<hbm>>) dst(%dma_wait3A_453 : memref<512xi32, #tpu.memory_space<vmem>>)
    %dma_wait3A_455 = arith.constant 4608 : i32
    %dma_wait3A_456 = tpu.memref_slice %arg5[%dma_wait3A_455] : memref<25600xi32, #tpu.memory_space<vmem>> -> memref<512xi32, #tpu.memory_space<vmem>>
    %dma_wait3A_457 = tpu.memref_slice %arg2[%add3A_75] : memref<819200xi32, #tpu.memory_space<hbm>> -> memref<512xi32, #tpu.memory_space<hbm>>
    %dma_wait3A_458 = arith.constant 4608 : i32
    %dma_wait3A_459 = tpu.memref_slice %arg5[%dma_wait3A_458] : memref<25600xi32, #tpu.memory_space<vmem>> -> memref<512xi32, #tpu.memory_space<vmem>>
    %dma_wait3A_460 = tpu.memref_slice %arg2[%add3A_75] : memref<819200xi32, #tpu.memory_space<hbm>> -> memref<512xi32, #tpu.memory_space<hbm>>
    tpu.wait_dma2 semaphore(%arg8 : memref<!tpu.dma_semaphore, #tpu.memory_space<semaphore_mem>>) src(%dma_wait3A_460 : memref<512xi32, #tpu.memory_space<hbm>>) dst(%dma_wait3A_459 : memref<512xi32, #tpu.memory_space<vmem>>)
    %dma_wait3A_461 = arith.constant 5120 : i32
    %dma_wait3A_462 = tpu.memref_slice %arg5[%dma_wait3A_461] : memref<25600xi32, #tpu.memory_space<vmem>> -> memref<512xi32, #tpu.memory_space<vmem>>
    %dma_wait3A_463 = tpu.memref_slice %arg2[%add3A_83] : memref<819200xi32, #tpu.memory_space<hbm>> -> memref<512xi32, #tpu.memory_space<hbm>>
    %dma_wait3A_464 = arith.constant 5120 : i32
    %dma_wait3A_465 = tpu.memref_slice %arg5[%dma_wait3A_464] : memref<25600xi32, #tpu.memory_space<vmem>> -> memref<512xi32, #tpu.memory_space<vmem>>
    %dma_wait3A_466 = tpu.memref_slice %arg2[%add3A_83] : memref<819200xi32, #tpu.memory_space<hbm>> -> memref<512xi32, #tpu.memory_space<hbm>>
    tpu.wait_dma2 semaphore(%arg8 : memref<!tpu.dma_semaphore, #tpu.memory_space<semaphore_mem>>) src(%dma_wait3A_466 : memref<512xi32, #tpu.memory_space<hbm>>) dst(%dma_wait3A_465 : memref<512xi32, #tpu.memory_space<vmem>>)
    %dma_wait3A_467 = arith.constant 5632 : i32
    %dma_wait3A_468 = tpu.memref_slice %arg5[%dma_wait3A_467] : memref<25600xi32, #tpu.memory_space<vmem>> -> memref<512xi32, #tpu.memory_space<vmem>>
    %dma_wait3A_469 = tpu.memref_slice %arg2[%add3A_91] : memref<819200xi32, #tpu.memory_space<hbm>> -> memref<512xi32, #tpu.memory_space<hbm>>
    %dma_wait3A_470 = arith.constant 5632 : i32
    %dma_wait3A_471 = tpu.memref_slice %arg5[%dma_wait3A_470] : memref<25600xi32, #tpu.memory_space<vmem>> -> memref<512xi32, #tpu.memory_space<vmem>>
    %dma_wait3A_472 = tpu.memref_slice %arg2[%add3A_91] : memref<819200xi32, #tpu.memory_space<hbm>> -> memref<512xi32, #tpu.memory_space<hbm>>
    tpu.wait_dma2 semaphore(%arg8 : memref<!tpu.dma_semaphore, #tpu.memory_space<semaphore_mem>>) src(%dma_wait3A_472 : memref<512xi32, #tpu.memory_space<hbm>>) dst(%dma_wait3A_471 : memref<512xi32, #tpu.memory_space<vmem>>)
    %dma_wait3A_473 = arith.constant 6144 : i32
    %dma_wait3A_474 = tpu.memref_slice %arg5[%dma_wait3A_473] : memref<25600xi32, #tpu.memory_space<vmem>> -> memref<512xi32, #tpu.memory_space<vmem>>
    %dma_wait3A_475 = tpu.memref_slice %arg2[%add3A_99] : memref<819200xi32, #tpu.memory_space<hbm>> -> memref<512xi32, #tpu.memory_space<hbm>>
    %dma_wait3A_476 = arith.constant 6144 : i32
    %dma_wait3A_477 = tpu.memref_slice %arg5[%dma_wait3A_476] : memref<25600xi32, #tpu.memory_space<vmem>> -> memref<512xi32, #tpu.memory_space<vmem>>
    %dma_wait3A_478 = tpu.memref_slice %arg2[%add3A_99] : memref<819200xi32, #tpu.memory_space<hbm>> -> memref<512xi32, #tpu.memory_space<hbm>>
    tpu.wait_dma2 semaphore(%arg8 : memref<!tpu.dma_semaphore, #tpu.memory_space<semaphore_mem>>) src(%dma_wait3A_478 : memref<512xi32, #tpu.memory_space<hbm>>) dst(%dma_wait3A_477 : memref<512xi32, #tpu.memory_space<vmem>>)
    %dma_wait3A_479 = arith.constant 6656 : i32
    %dma_wait3A_480 = tpu.memref_slice %arg5[%dma_wait3A_479] : memref<25600xi32, #tpu.memory_space<vmem>> -> memref<512xi32, #tpu.memory_space<vmem>>
    %dma_wait3A_481 = tpu.memref_slice %arg2[%add3A_107] : memref<819200xi32, #tpu.memory_space<hbm>> -> memref<512xi32, #tpu.memory_space<hbm>>
    %dma_wait3A_482 = arith.constant 6656 : i32
    %dma_wait3A_483 = tpu.memref_slice %arg5[%dma_wait3A_482] : memref<25600xi32, #tpu.memory_space<vmem>> -> memref<512xi32, #tpu.memory_space<vmem>>
    %dma_wait3A_484 = tpu.memref_slice %arg2[%add3A_107] : memref<819200xi32, #tpu.memory_space<hbm>> -> memref<512xi32, #tpu.memory_space<hbm>>
    tpu.wait_dma2 semaphore(%arg8 : memref<!tpu.dma_semaphore, #tpu.memory_space<semaphore_mem>>) src(%dma_wait3A_484 : memref<512xi32, #tpu.memory_space<hbm>>) dst(%dma_wait3A_483 : memref<512xi32, #tpu.memory_space<vmem>>)
    %dma_wait3A_485 = arith.constant 7168 : i32
    %dma_wait3A_486 = tpu.memref_slice %arg5[%dma_wait3A_485] : memref<25600xi32, #tpu.memory_space<vmem>> -> memref<512xi32, #tpu.memory_space<vmem>>
    %dma_wait3A_487 = tpu.memref_slice %arg2[%add3A_115] : memref<819200xi32, #tpu.memory_space<hbm>> -> memref<512xi32, #tpu.memory_space<hbm>>
    %dma_wait3A_488 = arith.constant 7168 : i32
    %dma_wait3A_489 = tpu.memref_slice %arg5[%dma_wait3A_488] : memref<25600xi32, #tpu.memory_space<vmem>> -> memref<512xi32, #tpu.memory_space<vmem>>
    %dma_wait3A_490 = tpu.memref_slice %arg2[%add3A_115] : memref<819200xi32, #tpu.memory_space<hbm>> -> memref<512xi32, #tpu.memory_space<hbm>>
    tpu.wait_dma2 semaphore(%arg8 : memref<!tpu.dma_semaphore, #tpu.memory_space<semaphore_mem>>) src(%dma_wait3A_490 : memref<512xi32, #tpu.memory_space<hbm>>) dst(%dma_wait3A_489 : memref<512xi32, #tpu.memory_space<vmem>>)
    %dma_wait3A_491 = arith.constant 7680 : i32
    %dma_wait3A_492 = tpu.memref_slice %arg5[%dma_wait3A_491] : memref<25600xi32, #tpu.memory_space<vmem>> -> memref<512xi32, #tpu.memory_space<vmem>>
    %dma_wait3A_493 = tpu.memref_slice %arg2[%add3A_123] : memref<819200xi32, #tpu.memory_space<hbm>> -> memref<512xi32, #tpu.memory_space<hbm>>
    %dma_wait3A_494 = arith.constant 7680 : i32
    %dma_wait3A_495 = tpu.memref_slice %arg5[%dma_wait3A_494] : memref<25600xi32, #tpu.memory_space<vmem>> -> memref<512xi32, #tpu.memory_space<vmem>>
    %dma_wait3A_496 = tpu.memref_slice %arg2[%add3A_123] : memref<819200xi32, #tpu.memory_space<hbm>> -> memref<512xi32, #tpu.memory_space<hbm>>
    tpu.wait_dma2 semaphore(%arg8 : memref<!tpu.dma_semaphore, #tpu.memory_space<semaphore_mem>>) src(%dma_wait3A_496 : memref<512xi32, #tpu.memory_space<hbm>>) dst(%dma_wait3A_495 : memref<512xi32, #tpu.memory_space<vmem>>)
    %dma_wait3A_497 = arith.constant 8192 : i32
    %dma_wait3A_498 = tpu.memref_slice %arg5[%dma_wait3A_497] : memref<25600xi32, #tpu.memory_space<vmem>> -> memref<512xi32, #tpu.memory_space<vmem>>
    %dma_wait3A_499 = tpu.memref_slice %arg2[%add3A_131] : memref<819200xi32, #tpu.memory_space<hbm>> -> memref<512xi32, #tpu.memory_space<hbm>>
    %dma_wait3A_500 = arith.constant 8192 : i32
    %dma_wait3A_501 = tpu.memref_slice %arg5[%dma_wait3A_500] : memref<25600xi32, #tpu.memory_space<vmem>> -> memref<512xi32, #tpu.memory_space<vmem>>
    %dma_wait3A_502 = tpu.memref_slice %arg2[%add3A_131] : memref<819200xi32, #tpu.memory_space<hbm>> -> memref<512xi32, #tpu.memory_space<hbm>>
    tpu.wait_dma2 semaphore(%arg8 : memref<!tpu.dma_semaphore, #tpu.memory_space<semaphore_mem>>) src(%dma_wait3A_502 : memref<512xi32, #tpu.memory_space<hbm>>) dst(%dma_wait3A_501 : memref<512xi32, #tpu.memory_space<vmem>>)
    %dma_wait3A_503 = arith.constant 8704 : i32
    %dma_wait3A_504 = tpu.memref_slice %arg5[%dma_wait3A_503] : memref<25600xi32, #tpu.memory_space<vmem>> -> memref<512xi32, #tpu.memory_space<vmem>>
    %dma_wait3A_505 = tpu.memref_slice %arg2[%add3A_139] : memref<819200xi32, #tpu.memory_space<hbm>> -> memref<512xi32, #tpu.memory_space<hbm>>
    %dma_wait3A_506 = arith.constant 8704 : i32
    %dma_wait3A_507 = tpu.memref_slice %arg5[%dma_wait3A_506] : memref<25600xi32, #tpu.memory_space<vmem>> -> memref<512xi32, #tpu.memory_space<vmem>>
    %dma_wait3A_508 = tpu.memref_slice %arg2[%add3A_139] : memref<819200xi32, #tpu.memory_space<hbm>> -> memref<512xi32, #tpu.memory_space<hbm>>
    tpu.wait_dma2 semaphore(%arg8 : memref<!tpu.dma_semaphore, #tpu.memory_space<semaphore_mem>>) src(%dma_wait3A_508 : memref<512xi32, #tpu.memory_space<hbm>>) dst(%dma_wait3A_507 : memref<512xi32, #tpu.memory_space<vmem>>)
    %dma_wait3A_509 = arith.constant 9216 : i32
    %dma_wait3A_510 = tpu.memref_slice %arg5[%dma_wait3A_509] : memref<25600xi32, #tpu.memory_space<vmem>> -> memref<512xi32, #tpu.memory_space<vmem>>
    %dma_wait3A_511 = tpu.memref_slice %arg2[%add3A_147] : memref<819200xi32, #tpu.memory_space<hbm>> -> memref<512xi32, #tpu.memory_space<hbm>>
    %dma_wait3A_512 = arith.constant 9216 : i32
    %dma_wait3A_513 = tpu.memref_slice %arg5[%dma_wait3A_512] : memref<25600xi32, #tpu.memory_space<vmem>> -> memref<512xi32, #tpu.memory_space<vmem>>
    %dma_wait3A_514 = tpu.memref_slice %arg2[%add3A_147] : memref<819200xi32, #tpu.memory_space<hbm>> -> memref<512xi32, #tpu.memory_space<hbm>>
    tpu.wait_dma2 semaphore(%arg8 : memref<!tpu.dma_semaphore, #tpu.memory_space<semaphore_mem>>) src(%dma_wait3A_514 : memref<512xi32, #tpu.memory_space<hbm>>) dst(%dma_wait3A_513 : memref<512xi32, #tpu.memory_space<vmem>>)
    %dma_wait3A_515 = arith.constant 9728 : i32
    %dma_wait3A_516 = tpu.memref_slice %arg5[%dma_wait3A_515] : memref<25600xi32, #tpu.memory_space<vmem>> -> memref<512xi32, #tpu.memory_space<vmem>>
    %dma_wait3A_517 = tpu.memref_slice %arg2[%add3A_155] : memref<819200xi32, #tpu.memory_space<hbm>> -> memref<512xi32, #tpu.memory_space<hbm>>
    %dma_wait3A_518 = arith.constant 9728 : i32
    %dma_wait3A_519 = tpu.memref_slice %arg5[%dma_wait3A_518] : memref<25600xi32, #tpu.memory_space<vmem>> -> memref<512xi32, #tpu.memory_space<vmem>>
    %dma_wait3A_520 = tpu.memref_slice %arg2[%add3A_155] : memref<819200xi32, #tpu.memory_space<hbm>> -> memref<512xi32, #tpu.memory_space<hbm>>
    tpu.wait_dma2 semaphore(%arg8 : memref<!tpu.dma_semaphore, #tpu.memory_space<semaphore_mem>>) src(%dma_wait3A_520 : memref<512xi32, #tpu.memory_space<hbm>>) dst(%dma_wait3A_519 : memref<512xi32, #tpu.memory_space<vmem>>)
    %dma_wait3A_521 = arith.constant 10240 : i32
    %dma_wait3A_522 = tpu.memref_slice %arg5[%dma_wait3A_521] : memref<25600xi32, #tpu.memory_space<vmem>> -> memref<512xi32, #tpu.memory_space<vmem>>
    %dma_wait3A_523 = tpu.memref_slice %arg2[%add3A_163] : memref<819200xi32, #tpu.memory_space<hbm>> -> memref<512xi32, #tpu.memory_space<hbm>>
    %dma_wait3A_524 = arith.constant 10240 : i32
    %dma_wait3A_525 = tpu.memref_slice %arg5[%dma_wait3A_524] : memref<25600xi32, #tpu.memory_space<vmem>> -> memref<512xi32, #tpu.memory_space<vmem>>
    %dma_wait3A_526 = tpu.memref_slice %arg2[%add3A_163] : memref<819200xi32, #tpu.memory_space<hbm>> -> memref<512xi32, #tpu.memory_space<hbm>>
    tpu.wait_dma2 semaphore(%arg8 : memref<!tpu.dma_semaphore, #tpu.memory_space<semaphore_mem>>) src(%dma_wait3A_526 : memref<512xi32, #tpu.memory_space<hbm>>) dst(%dma_wait3A_525 : memref<512xi32, #tpu.memory_space<vmem>>)
    %dma_wait3A_527 = arith.constant 10752 : i32
    %dma_wait3A_528 = tpu.memref_slice %arg5[%dma_wait3A_527] : memref<25600xi32, #tpu.memory_space<vmem>> -> memref<512xi32, #tpu.memory_space<vmem>>
    %dma_wait3A_529 = tpu.memref_slice %arg2[%add3A_171] : memref<819200xi32, #tpu.memory_space<hbm>> -> memref<512xi32, #tpu.memory_space<hbm>>
    %dma_wait3A_530 = arith.constant 10752 : i32
    %dma_wait3A_531 = tpu.memref_slice %arg5[%dma_wait3A_530] : memref<25600xi32, #tpu.memory_space<vmem>> -> memref<512xi32, #tpu.memory_space<vmem>>
    %dma_wait3A_532 = tpu.memref_slice %arg2[%add3A_171] : memref<819200xi32, #tpu.memory_space<hbm>> -> memref<512xi32, #tpu.memory_space<hbm>>
    tpu.wait_dma2 semaphore(%arg8 : memref<!tpu.dma_semaphore, #tpu.memory_space<semaphore_mem>>) src(%dma_wait3A_532 : memref<512xi32, #tpu.memory_space<hbm>>) dst(%dma_wait3A_531 : memref<512xi32, #tpu.memory_space<vmem>>)
    %dma_wait3A_533 = arith.constant 11264 : i32
    %dma_wait3A_534 = tpu.memref_slice %arg5[%dma_wait3A_533] : memref<25600xi32, #tpu.memory_space<vmem>> -> memref<512xi32, #tpu.memory_space<vmem>>
    %dma_wait3A_535 = tpu.memref_slice %arg2[%add3A_179] : memref<819200xi32, #tpu.memory_space<hbm>> -> memref<512xi32, #tpu.memory_space<hbm>>
    %dma_wait3A_536 = arith.constant 11264 : i32
    %dma_wait3A_537 = tpu.memref_slice %arg5[%dma_wait3A_536] : memref<25600xi32, #tpu.memory_space<vmem>> -> memref<512xi32, #tpu.memory_space<vmem>>
    %dma_wait3A_538 = tpu.memref_slice %arg2[%add3A_179] : memref<819200xi32, #tpu.memory_space<hbm>> -> memref<512xi32, #tpu.memory_space<hbm>>
    tpu.wait_dma2 semaphore(%arg8 : memref<!tpu.dma_semaphore, #tpu.memory_space<semaphore_mem>>) src(%dma_wait3A_538 : memref<512xi32, #tpu.memory_space<hbm>>) dst(%dma_wait3A_537 : memref<512xi32, #tpu.memory_space<vmem>>)
    %dma_wait3A_539 = arith.constant 11776 : i32
    %dma_wait3A_540 = tpu.memref_slice %arg5[%dma_wait3A_539] : memref<25600xi32, #tpu.memory_space<vmem>> -> memref<512xi32, #tpu.memory_space<vmem>>
    %dma_wait3A_541 = tpu.memref_slice %arg2[%add3A_187] : memref<819200xi32, #tpu.memory_space<hbm>> -> memref<512xi32, #tpu.memory_space<hbm>>
    %dma_wait3A_542 = arith.constant 11776 : i32
    %dma_wait3A_543 = tpu.memref_slice %arg5[%dma_wait3A_542] : memref<25600xi32, #tpu.memory_space<vmem>> -> memref<512xi32, #tpu.memory_space<vmem>>
    %dma_wait3A_544 = tpu.memref_slice %arg2[%add3A_187] : memref<819200xi32, #tpu.memory_space<hbm>> -> memref<512xi32, #tpu.memory_space<hbm>>
    tpu.wait_dma2 semaphore(%arg8 : memref<!tpu.dma_semaphore, #tpu.memory_space<semaphore_mem>>) src(%dma_wait3A_544 : memref<512xi32, #tpu.memory_space<hbm>>) dst(%dma_wait3A_543 : memref<512xi32, #tpu.memory_space<vmem>>)
    %dma_wait3A_545 = arith.constant 12288 : i32
    %dma_wait3A_546 = tpu.memref_slice %arg5[%dma_wait3A_545] : memref<25600xi32, #tpu.memory_space<vmem>> -> memref<512xi32, #tpu.memory_space<vmem>>
    %dma_wait3A_547 = tpu.memref_slice %arg2[%add3A_195] : memref<819200xi32, #tpu.memory_space<hbm>> -> memref<512xi32, #tpu.memory_space<hbm>>
    %dma_wait3A_548 = arith.constant 12288 : i32
    %dma_wait3A_549 = tpu.memref_slice %arg5[%dma_wait3A_548] : memref<25600xi32, #tpu.memory_space<vmem>> -> memref<512xi32, #tpu.memory_space<vmem>>
    %dma_wait3A_550 = tpu.memref_slice %arg2[%add3A_195] : memref<819200xi32, #tpu.memory_space<hbm>> -> memref<512xi32, #tpu.memory_space<hbm>>
    tpu.wait_dma2 semaphore(%arg8 : memref<!tpu.dma_semaphore, #tpu.memory_space<semaphore_mem>>) src(%dma_wait3A_550 : memref<512xi32, #tpu.memory_space<hbm>>) dst(%dma_wait3A_549 : memref<512xi32, #tpu.memory_space<vmem>>)
    %dma_wait3A_551 = arith.constant 12800 : i32
    %dma_wait3A_552 = tpu.memref_slice %arg5[%dma_wait3A_551] : memref<25600xi32, #tpu.memory_space<vmem>> -> memref<512xi32, #tpu.memory_space<vmem>>
    %dma_wait3A_553 = tpu.memref_slice %arg2[%add3A_203] : memref<819200xi32, #tpu.memory_space<hbm>> -> memref<512xi32, #tpu.memory_space<hbm>>
    %dma_wait3A_554 = arith.constant 12800 : i32
    %dma_wait3A_555 = tpu.memref_slice %arg5[%dma_wait3A_554] : memref<25600xi32, #tpu.memory_space<vmem>> -> memref<512xi32, #tpu.memory_space<vmem>>
    %dma_wait3A_556 = tpu.memref_slice %arg2[%add3A_203] : memref<819200xi32, #tpu.memory_space<hbm>> -> memref<512xi32, #tpu.memory_space<hbm>>
    tpu.wait_dma2 semaphore(%arg8 : memref<!tpu.dma_semaphore, #tpu.memory_space<semaphore_mem>>) src(%dma_wait3A_556 : memref<512xi32, #tpu.memory_space<hbm>>) dst(%dma_wait3A_555 : memref<512xi32, #tpu.memory_space<vmem>>)
    %dma_wait3A_557 = arith.constant 13312 : i32
    %dma_wait3A_558 = tpu.memref_slice %arg5[%dma_wait3A_557] : memref<25600xi32, #tpu.memory_space<vmem>> -> memref<512xi32, #tpu.memory_space<vmem>>
    %dma_wait3A_559 = tpu.memref_slice %arg2[%add3A_211] : memref<819200xi32, #tpu.memory_space<hbm>> -> memref<512xi32, #tpu.memory_space<hbm>>
    %dma_wait3A_560 = arith.constant 13312 : i32
    %dma_wait3A_561 = tpu.memref_slice %arg5[%dma_wait3A_560] : memref<25600xi32, #tpu.memory_space<vmem>> -> memref<512xi32, #tpu.memory_space<vmem>>
    %dma_wait3A_562 = tpu.memref_slice %arg2[%add3A_211] : memref<819200xi32, #tpu.memory_space<hbm>> -> memref<512xi32, #tpu.memory_space<hbm>>
    tpu.wait_dma2 semaphore(%arg8 : memref<!tpu.dma_semaphore, #tpu.memory_space<semaphore_mem>>) src(%dma_wait3A_562 : memref<512xi32, #tpu.memory_space<hbm>>) dst(%dma_wait3A_561 : memref<512xi32, #tpu.memory_space<vmem>>)
    %dma_wait3A_563 = arith.constant 13824 : i32
    %dma_wait3A_564 = tpu.memref_slice %arg5[%dma_wait3A_563] : memref<25600xi32, #tpu.memory_space<vmem>> -> memref<512xi32, #tpu.memory_space<vmem>>
    %dma_wait3A_565 = tpu.memref_slice %arg2[%add3A_219] : memref<819200xi32, #tpu.memory_space<hbm>> -> memref<512xi32, #tpu.memory_space<hbm>>
    %dma_wait3A_566 = arith.constant 13824 : i32
    %dma_wait3A_567 = tpu.memref_slice %arg5[%dma_wait3A_566] : memref<25600xi32, #tpu.memory_space<vmem>> -> memref<512xi32, #tpu.memory_space<vmem>>
    %dma_wait3A_568 = tpu.memref_slice %arg2[%add3A_219] : memref<819200xi32, #tpu.memory_space<hbm>> -> memref<512xi32, #tpu.memory_space<hbm>>
    tpu.wait_dma2 semaphore(%arg8 : memref<!tpu.dma_semaphore, #tpu.memory_space<semaphore_mem>>) src(%dma_wait3A_568 : memref<512xi32, #tpu.memory_space<hbm>>) dst(%dma_wait3A_567 : memref<512xi32, #tpu.memory_space<vmem>>)
    %dma_wait3A_569 = arith.constant 14336 : i32
    %dma_wait3A_570 = tpu.memref_slice %arg5[%dma_wait3A_569] : memref<25600xi32, #tpu.memory_space<vmem>> -> memref<512xi32, #tpu.memory_space<vmem>>
    %dma_wait3A_571 = tpu.memref_slice %arg2[%add3A_227] : memref<819200xi32, #tpu.memory_space<hbm>> -> memref<512xi32, #tpu.memory_space<hbm>>
    %dma_wait3A_572 = arith.constant 14336 : i32
    %dma_wait3A_573 = tpu.memref_slice %arg5[%dma_wait3A_572] : memref<25600xi32, #tpu.memory_space<vmem>> -> memref<512xi32, #tpu.memory_space<vmem>>
    %dma_wait3A_574 = tpu.memref_slice %arg2[%add3A_227] : memref<819200xi32, #tpu.memory_space<hbm>> -> memref<512xi32, #tpu.memory_space<hbm>>
    tpu.wait_dma2 semaphore(%arg8 : memref<!tpu.dma_semaphore, #tpu.memory_space<semaphore_mem>>) src(%dma_wait3A_574 : memref<512xi32, #tpu.memory_space<hbm>>) dst(%dma_wait3A_573 : memref<512xi32, #tpu.memory_space<vmem>>)
    %dma_wait3A_575 = arith.constant 14848 : i32
    %dma_wait3A_576 = tpu.memref_slice %arg5[%dma_wait3A_575] : memref<25600xi32, #tpu.memory_space<vmem>> -> memref<512xi32, #tpu.memory_space<vmem>>
    %dma_wait3A_577 = tpu.memref_slice %arg2[%add3A_235] : memref<819200xi32, #tpu.memory_space<hbm>> -> memref<512xi32, #tpu.memory_space<hbm>>
    %dma_wait3A_578 = arith.constant 14848 : i32
    %dma_wait3A_579 = tpu.memref_slice %arg5[%dma_wait3A_578] : memref<25600xi32, #tpu.memory_space<vmem>> -> memref<512xi32, #tpu.memory_space<vmem>>
    %dma_wait3A_580 = tpu.memref_slice %arg2[%add3A_235] : memref<819200xi32, #tpu.memory_space<hbm>> -> memref<512xi32, #tpu.memory_space<hbm>>
    tpu.wait_dma2 semaphore(%arg8 : memref<!tpu.dma_semaphore, #tpu.memory_space<semaphore_mem>>) src(%dma_wait3A_580 : memref<512xi32, #tpu.memory_space<hbm>>) dst(%dma_wait3A_579 : memref<512xi32, #tpu.memory_space<vmem>>)
    %dma_wait3A_581 = arith.constant 15360 : i32
    %dma_wait3A_582 = tpu.memref_slice %arg5[%dma_wait3A_581] : memref<25600xi32, #tpu.memory_space<vmem>> -> memref<512xi32, #tpu.memory_space<vmem>>
    %dma_wait3A_583 = tpu.memref_slice %arg2[%add3A_243] : memref<819200xi32, #tpu.memory_space<hbm>> -> memref<512xi32, #tpu.memory_space<hbm>>
    %dma_wait3A_584 = arith.constant 15360 : i32
    %dma_wait3A_585 = tpu.memref_slice %arg5[%dma_wait3A_584] : memref<25600xi32, #tpu.memory_space<vmem>> -> memref<512xi32, #tpu.memory_space<vmem>>
    %dma_wait3A_586 = tpu.memref_slice %arg2[%add3A_243] : memref<819200xi32, #tpu.memory_space<hbm>> -> memref<512xi32, #tpu.memory_space<hbm>>
    tpu.wait_dma2 semaphore(%arg8 : memref<!tpu.dma_semaphore, #tpu.memory_space<semaphore_mem>>) src(%dma_wait3A_586 : memref<512xi32, #tpu.memory_space<hbm>>) dst(%dma_wait3A_585 : memref<512xi32, #tpu.memory_space<vmem>>)
    %dma_wait3A_587 = arith.constant 15872 : i32
    %dma_wait3A_588 = tpu.memref_slice %arg5[%dma_wait3A_587] : memref<25600xi32, #tpu.memory_space<vmem>> -> memref<512xi32, #tpu.memory_space<vmem>>
    %dma_wait3A_589 = tpu.memref_slice %arg2[%add3A_251] : memref<819200xi32, #tpu.memory_space<hbm>> -> memref<512xi32, #tpu.memory_space<hbm>>
    %dma_wait3A_590 = arith.constant 15872 : i32
    %dma_wait3A_591 = tpu.memref_slice %arg5[%dma_wait3A_590] : memref<25600xi32, #tpu.memory_space<vmem>> -> memref<512xi32, #tpu.memory_space<vmem>>
    %dma_wait3A_592 = tpu.memref_slice %arg2[%add3A_251] : memref<819200xi32, #tpu.memory_space<hbm>> -> memref<512xi32, #tpu.memory_space<hbm>>
    tpu.wait_dma2 semaphore(%arg8 : memref<!tpu.dma_semaphore, #tpu.memory_space<semaphore_mem>>) src(%dma_wait3A_592 : memref<512xi32, #tpu.memory_space<hbm>>) dst(%dma_wait3A_591 : memref<512xi32, #tpu.memory_space<vmem>>)
    %dma_wait3A_593 = arith.constant 16384 : i32
    %dma_wait3A_594 = tpu.memref_slice %arg5[%dma_wait3A_593] : memref<25600xi32, #tpu.memory_space<vmem>> -> memref<512xi32, #tpu.memory_space<vmem>>
    %dma_wait3A_595 = tpu.memref_slice %arg2[%add3A_259] : memref<819200xi32, #tpu.memory_space<hbm>> -> memref<512xi32, #tpu.memory_space<hbm>>
    %dma_wait3A_596 = arith.constant 16384 : i32
    %dma_wait3A_597 = tpu.memref_slice %arg5[%dma_wait3A_596] : memref<25600xi32, #tpu.memory_space<vmem>> -> memref<512xi32, #tpu.memory_space<vmem>>
    %dma_wait3A_598 = tpu.memref_slice %arg2[%add3A_259] : memref<819200xi32, #tpu.memory_space<hbm>> -> memref<512xi32, #tpu.memory_space<hbm>>
    tpu.wait_dma2 semaphore(%arg8 : memref<!tpu.dma_semaphore, #tpu.memory_space<semaphore_mem>>) src(%dma_wait3A_598 : memref<512xi32, #tpu.memory_space<hbm>>) dst(%dma_wait3A_597 : memref<512xi32, #tpu.memory_space<vmem>>)
    %dma_wait3A_599 = arith.constant 16896 : i32
    %dma_wait3A_600 = tpu.memref_slice %arg5[%dma_wait3A_599] : memref<25600xi32, #tpu.memory_space<vmem>> -> memref<512xi32, #tpu.memory_space<vmem>>
    %dma_wait3A_601 = tpu.memref_slice %arg2[%add3A_267] : memref<819200xi32, #tpu.memory_space<hbm>> -> memref<512xi32, #tpu.memory_space<hbm>>
    %dma_wait3A_602 = arith.constant 16896 : i32
    %dma_wait3A_603 = tpu.memref_slice %arg5[%dma_wait3A_602] : memref<25600xi32, #tpu.memory_space<vmem>> -> memref<512xi32, #tpu.memory_space<vmem>>
    %dma_wait3A_604 = tpu.memref_slice %arg2[%add3A_267] : memref<819200xi32, #tpu.memory_space<hbm>> -> memref<512xi32, #tpu.memory_space<hbm>>
    tpu.wait_dma2 semaphore(%arg8 : memref<!tpu.dma_semaphore, #tpu.memory_space<semaphore_mem>>) src(%dma_wait3A_604 : memref<512xi32, #tpu.memory_space<hbm>>) dst(%dma_wait3A_603 : memref<512xi32, #tpu.memory_space<vmem>>)
    %dma_wait3A_605 = arith.constant 17408 : i32
    %dma_wait3A_606 = tpu.memref_slice %arg5[%dma_wait3A_605] : memref<25600xi32, #tpu.memory_space<vmem>> -> memref<512xi32, #tpu.memory_space<vmem>>
    %dma_wait3A_607 = tpu.memref_slice %arg2[%add3A_275] : memref<819200xi32, #tpu.memory_space<hbm>> -> memref<512xi32, #tpu.memory_space<hbm>>
    %dma_wait3A_608 = arith.constant 17408 : i32
    %dma_wait3A_609 = tpu.memref_slice %arg5[%dma_wait3A_608] : memref<25600xi32, #tpu.memory_space<vmem>> -> memref<512xi32, #tpu.memory_space<vmem>>
    %dma_wait3A_610 = tpu.memref_slice %arg2[%add3A_275] : memref<819200xi32, #tpu.memory_space<hbm>> -> memref<512xi32, #tpu.memory_space<hbm>>
    tpu.wait_dma2 semaphore(%arg8 : memref<!tpu.dma_semaphore, #tpu.memory_space<semaphore_mem>>) src(%dma_wait3A_610 : memref<512xi32, #tpu.memory_space<hbm>>) dst(%dma_wait3A_609 : memref<512xi32, #tpu.memory_space<vmem>>)
    %dma_wait3A_611 = arith.constant 17920 : i32
    %dma_wait3A_612 = tpu.memref_slice %arg5[%dma_wait3A_611] : memref<25600xi32, #tpu.memory_space<vmem>> -> memref<512xi32, #tpu.memory_space<vmem>>
    %dma_wait3A_613 = tpu.memref_slice %arg2[%add3A_283] : memref<819200xi32, #tpu.memory_space<hbm>> -> memref<512xi32, #tpu.memory_space<hbm>>
    %dma_wait3A_614 = arith.constant 17920 : i32
    %dma_wait3A_615 = tpu.memref_slice %arg5[%dma_wait3A_614] : memref<25600xi32, #tpu.memory_space<vmem>> -> memref<512xi32, #tpu.memory_space<vmem>>
    %dma_wait3A_616 = tpu.memref_slice %arg2[%add3A_283] : memref<819200xi32, #tpu.memory_space<hbm>> -> memref<512xi32, #tpu.memory_space<hbm>>
    tpu.wait_dma2 semaphore(%arg8 : memref<!tpu.dma_semaphore, #tpu.memory_space<semaphore_mem>>) src(%dma_wait3A_616 : memref<512xi32, #tpu.memory_space<hbm>>) dst(%dma_wait3A_615 : memref<512xi32, #tpu.memory_space<vmem>>)
    %dma_wait3A_617 = arith.constant 18432 : i32
    %dma_wait3A_618 = tpu.memref_slice %arg5[%dma_wait3A_617] : memref<25600xi32, #tpu.memory_space<vmem>> -> memref<512xi32, #tpu.memory_space<vmem>>
    %dma_wait3A_619 = tpu.memref_slice %arg2[%add3A_291] : memref<819200xi32, #tpu.memory_space<hbm>> -> memref<512xi32, #tpu.memory_space<hbm>>
    %dma_wait3A_620 = arith.constant 18432 : i32
    %dma_wait3A_621 = tpu.memref_slice %arg5[%dma_wait3A_620] : memref<25600xi32, #tpu.memory_space<vmem>> -> memref<512xi32, #tpu.memory_space<vmem>>
    %dma_wait3A_622 = tpu.memref_slice %arg2[%add3A_291] : memref<819200xi32, #tpu.memory_space<hbm>> -> memref<512xi32, #tpu.memory_space<hbm>>
    tpu.wait_dma2 semaphore(%arg8 : memref<!tpu.dma_semaphore, #tpu.memory_space<semaphore_mem>>) src(%dma_wait3A_622 : memref<512xi32, #tpu.memory_space<hbm>>) dst(%dma_wait3A_621 : memref<512xi32, #tpu.memory_space<vmem>>)
    %dma_wait3A_623 = arith.constant 18944 : i32
    %dma_wait3A_624 = tpu.memref_slice %arg5[%dma_wait3A_623] : memref<25600xi32, #tpu.memory_space<vmem>> -> memref<512xi32, #tpu.memory_space<vmem>>
    %dma_wait3A_625 = tpu.memref_slice %arg2[%add3A_299] : memref<819200xi32, #tpu.memory_space<hbm>> -> memref<512xi32, #tpu.memory_space<hbm>>
    %dma_wait3A_626 = arith.constant 18944 : i32
    %dma_wait3A_627 = tpu.memref_slice %arg5[%dma_wait3A_626] : memref<25600xi32, #tpu.memory_space<vmem>> -> memref<512xi32, #tpu.memory_space<vmem>>
    %dma_wait3A_628 = tpu.memref_slice %arg2[%add3A_299] : memref<819200xi32, #tpu.memory_space<hbm>> -> memref<512xi32, #tpu.memory_space<hbm>>
    tpu.wait_dma2 semaphore(%arg8 : memref<!tpu.dma_semaphore, #tpu.memory_space<semaphore_mem>>) src(%dma_wait3A_628 : memref<512xi32, #tpu.memory_space<hbm>>) dst(%dma_wait3A_627 : memref<512xi32, #tpu.memory_space<vmem>>)
    %dma_wait3A_629 = arith.constant 19456 : i32
    %dma_wait3A_630 = tpu.memref_slice %arg5[%dma_wait3A_629] : memref<25600xi32, #tpu.memory_space<vmem>> -> memref<512xi32, #tpu.memory_space<vmem>>
    %dma_wait3A_631 = tpu.memref_slice %arg2[%add3A_307] : memref<819200xi32, #tpu.memory_space<hbm>> -> memref<512xi32, #tpu.memory_space<hbm>>
    %dma_wait3A_632 = arith.constant 19456 : i32
    %dma_wait3A_633 = tpu.memref_slice %arg5[%dma_wait3A_632] : memref<25600xi32, #tpu.memory_space<vmem>> -> memref<512xi32, #tpu.memory_space<vmem>>
    %dma_wait3A_634 = tpu.memref_slice %arg2[%add3A_307] : memref<819200xi32, #tpu.memory_space<hbm>> -> memref<512xi32, #tpu.memory_space<hbm>>
    tpu.wait_dma2 semaphore(%arg8 : memref<!tpu.dma_semaphore, #tpu.memory_space<semaphore_mem>>) src(%dma_wait3A_634 : memref<512xi32, #tpu.memory_space<hbm>>) dst(%dma_wait3A_633 : memref<512xi32, #tpu.memory_space<vmem>>)
    %dma_wait3A_635 = arith.constant 19968 : i32
    %dma_wait3A_636 = tpu.memref_slice %arg5[%dma_wait3A_635] : memref<25600xi32, #tpu.memory_space<vmem>> -> memref<512xi32, #tpu.memory_space<vmem>>
    %dma_wait3A_637 = tpu.memref_slice %arg2[%add3A_315] : memref<819200xi32, #tpu.memory_space<hbm>> -> memref<512xi32, #tpu.memory_space<hbm>>
    %dma_wait3A_638 = arith.constant 19968 : i32
    %dma_wait3A_639 = tpu.memref_slice %arg5[%dma_wait3A_638] : memref<25600xi32, #tpu.memory_space<vmem>> -> memref<512xi32, #tpu.memory_space<vmem>>
    %dma_wait3A_640 = tpu.memref_slice %arg2[%add3A_315] : memref<819200xi32, #tpu.memory_space<hbm>> -> memref<512xi32, #tpu.memory_space<hbm>>
    tpu.wait_dma2 semaphore(%arg8 : memref<!tpu.dma_semaphore, #tpu.memory_space<semaphore_mem>>) src(%dma_wait3A_640 : memref<512xi32, #tpu.memory_space<hbm>>) dst(%dma_wait3A_639 : memref<512xi32, #tpu.memory_space<vmem>>)
    %dma_wait3A_641 = arith.constant 20480 : i32
    %dma_wait3A_642 = tpu.memref_slice %arg5[%dma_wait3A_641] : memref<25600xi32, #tpu.memory_space<vmem>> -> memref<512xi32, #tpu.memory_space<vmem>>
    %dma_wait3A_643 = tpu.memref_slice %arg2[%add3A_323] : memref<819200xi32, #tpu.memory_space<hbm>> -> memref<512xi32, #tpu.memory_space<hbm>>
    %dma_wait3A_644 = arith.constant 20480 : i32
    %dma_wait3A_645 = tpu.memref_slice %arg5[%dma_wait3A_644] : memref<25600xi32, #tpu.memory_space<vmem>> -> memref<512xi32, #tpu.memory_space<vmem>>
    %dma_wait3A_646 = tpu.memref_slice %arg2[%add3A_323] : memref<819200xi32, #tpu.memory_space<hbm>> -> memref<512xi32, #tpu.memory_space<hbm>>
    tpu.wait_dma2 semaphore(%arg8 : memref<!tpu.dma_semaphore, #tpu.memory_space<semaphore_mem>>) src(%dma_wait3A_646 : memref<512xi32, #tpu.memory_space<hbm>>) dst(%dma_wait3A_645 : memref<512xi32, #tpu.memory_space<vmem>>)
    %dma_wait3A_647 = arith.constant 20992 : i32
    %dma_wait3A_648 = tpu.memref_slice %arg5[%dma_wait3A_647] : memref<25600xi32, #tpu.memory_space<vmem>> -> memref<512xi32, #tpu.memory_space<vmem>>
    %dma_wait3A_649 = tpu.memref_slice %arg2[%add3A_331] : memref<819200xi32, #tpu.memory_space<hbm>> -> memref<512xi32, #tpu.memory_space<hbm>>
    %dma_wait3A_650 = arith.constant 20992 : i32
    %dma_wait3A_651 = tpu.memref_slice %arg5[%dma_wait3A_650] : memref<25600xi32, #tpu.memory_space<vmem>> -> memref<512xi32, #tpu.memory_space<vmem>>
    %dma_wait3A_652 = tpu.memref_slice %arg2[%add3A_331] : memref<819200xi32, #tpu.memory_space<hbm>> -> memref<512xi32, #tpu.memory_space<hbm>>
    tpu.wait_dma2 semaphore(%arg8 : memref<!tpu.dma_semaphore, #tpu.memory_space<semaphore_mem>>) src(%dma_wait3A_652 : memref<512xi32, #tpu.memory_space<hbm>>) dst(%dma_wait3A_651 : memref<512xi32, #tpu.memory_space<vmem>>)
    %dma_wait3A_653 = arith.constant 21504 : i32
    %dma_wait3A_654 = tpu.memref_slice %arg5[%dma_wait3A_653] : memref<25600xi32, #tpu.memory_space<vmem>> -> memref<512xi32, #tpu.memory_space<vmem>>
    %dma_wait3A_655 = tpu.memref_slice %arg2[%add3A_339] : memref<819200xi32, #tpu.memory_space<hbm>> -> memref<512xi32, #tpu.memory_space<hbm>>
    %dma_wait3A_656 = arith.constant 21504 : i32
    %dma_wait3A_657 = tpu.memref_slice %arg5[%dma_wait3A_656] : memref<25600xi32, #tpu.memory_space<vmem>> -> memref<512xi32, #tpu.memory_space<vmem>>
    %dma_wait3A_658 = tpu.memref_slice %arg2[%add3A_339] : memref<819200xi32, #tpu.memory_space<hbm>> -> memref<512xi32, #tpu.memory_space<hbm>>
    tpu.wait_dma2 semaphore(%arg8 : memref<!tpu.dma_semaphore, #tpu.memory_space<semaphore_mem>>) src(%dma_wait3A_658 : memref<512xi32, #tpu.memory_space<hbm>>) dst(%dma_wait3A_657 : memref<512xi32, #tpu.memory_space<vmem>>)
    %dma_wait3A_659 = arith.constant 22016 : i32
    %dma_wait3A_660 = tpu.memref_slice %arg5[%dma_wait3A_659] : memref<25600xi32, #tpu.memory_space<vmem>> -> memref<512xi32, #tpu.memory_space<vmem>>
    %dma_wait3A_661 = tpu.memref_slice %arg2[%add3A_347] : memref<819200xi32, #tpu.memory_space<hbm>> -> memref<512xi32, #tpu.memory_space<hbm>>
    %dma_wait3A_662 = arith.constant 22016 : i32
    %dma_wait3A_663 = tpu.memref_slice %arg5[%dma_wait3A_662] : memref<25600xi32, #tpu.memory_space<vmem>> -> memref<512xi32, #tpu.memory_space<vmem>>
    %dma_wait3A_664 = tpu.memref_slice %arg2[%add3A_347] : memref<819200xi32, #tpu.memory_space<hbm>> -> memref<512xi32, #tpu.memory_space<hbm>>
    tpu.wait_dma2 semaphore(%arg8 : memref<!tpu.dma_semaphore, #tpu.memory_space<semaphore_mem>>) src(%dma_wait3A_664 : memref<512xi32, #tpu.memory_space<hbm>>) dst(%dma_wait3A_663 : memref<512xi32, #tpu.memory_space<vmem>>)
    %dma_wait3A_665 = arith.constant 22528 : i32
    %dma_wait3A_666 = tpu.memref_slice %arg5[%dma_wait3A_665] : memref<25600xi32, #tpu.memory_space<vmem>> -> memref<512xi32, #tpu.memory_space<vmem>>
    %dma_wait3A_667 = tpu.memref_slice %arg2[%add3A_355] : memref<819200xi32, #tpu.memory_space<hbm>> -> memref<512xi32, #tpu.memory_space<hbm>>
    %dma_wait3A_668 = arith.constant 22528 : i32
    %dma_wait3A_669 = tpu.memref_slice %arg5[%dma_wait3A_668] : memref<25600xi32, #tpu.memory_space<vmem>> -> memref<512xi32, #tpu.memory_space<vmem>>
    %dma_wait3A_670 = tpu.memref_slice %arg2[%add3A_355] : memref<819200xi32, #tpu.memory_space<hbm>> -> memref<512xi32, #tpu.memory_space<hbm>>
    tpu.wait_dma2 semaphore(%arg8 : memref<!tpu.dma_semaphore, #tpu.memory_space<semaphore_mem>>) src(%dma_wait3A_670 : memref<512xi32, #tpu.memory_space<hbm>>) dst(%dma_wait3A_669 : memref<512xi32, #tpu.memory_space<vmem>>)
    %dma_wait3A_671 = arith.constant 23040 : i32
    %dma_wait3A_672 = tpu.memref_slice %arg5[%dma_wait3A_671] : memref<25600xi32, #tpu.memory_space<vmem>> -> memref<512xi32, #tpu.memory_space<vmem>>
    %dma_wait3A_673 = tpu.memref_slice %arg2[%add3A_363] : memref<819200xi32, #tpu.memory_space<hbm>> -> memref<512xi32, #tpu.memory_space<hbm>>
    %dma_wait3A_674 = arith.constant 23040 : i32
    %dma_wait3A_675 = tpu.memref_slice %arg5[%dma_wait3A_674] : memref<25600xi32, #tpu.memory_space<vmem>> -> memref<512xi32, #tpu.memory_space<vmem>>
    %dma_wait3A_676 = tpu.memref_slice %arg2[%add3A_363] : memref<819200xi32, #tpu.memory_space<hbm>> -> memref<512xi32, #tpu.memory_space<hbm>>
    tpu.wait_dma2 semaphore(%arg8 : memref<!tpu.dma_semaphore, #tpu.memory_space<semaphore_mem>>) src(%dma_wait3A_676 : memref<512xi32, #tpu.memory_space<hbm>>) dst(%dma_wait3A_675 : memref<512xi32, #tpu.memory_space<vmem>>)
    %dma_wait3A_677 = arith.constant 23552 : i32
    %dma_wait3A_678 = tpu.memref_slice %arg5[%dma_wait3A_677] : memref<25600xi32, #tpu.memory_space<vmem>> -> memref<512xi32, #tpu.memory_space<vmem>>
    %dma_wait3A_679 = tpu.memref_slice %arg2[%add3A_371] : memref<819200xi32, #tpu.memory_space<hbm>> -> memref<512xi32, #tpu.memory_space<hbm>>
    %dma_wait3A_680 = arith.constant 23552 : i32
    %dma_wait3A_681 = tpu.memref_slice %arg5[%dma_wait3A_680] : memref<25600xi32, #tpu.memory_space<vmem>> -> memref<512xi32, #tpu.memory_space<vmem>>
    %dma_wait3A_682 = tpu.memref_slice %arg2[%add3A_371] : memref<819200xi32, #tpu.memory_space<hbm>> -> memref<512xi32, #tpu.memory_space<hbm>>
    tpu.wait_dma2 semaphore(%arg8 : memref<!tpu.dma_semaphore, #tpu.memory_space<semaphore_mem>>) src(%dma_wait3A_682 : memref<512xi32, #tpu.memory_space<hbm>>) dst(%dma_wait3A_681 : memref<512xi32, #tpu.memory_space<vmem>>)
    %dma_wait3A_683 = arith.constant 24064 : i32
    %dma_wait3A_684 = tpu.memref_slice %arg5[%dma_wait3A_683] : memref<25600xi32, #tpu.memory_space<vmem>> -> memref<512xi32, #tpu.memory_space<vmem>>
    %dma_wait3A_685 = tpu.memref_slice %arg2[%add3A_379] : memref<819200xi32, #tpu.memory_space<hbm>> -> memref<512xi32, #tpu.memory_space<hbm>>
    %dma_wait3A_686 = arith.constant 24064 : i32
    %dma_wait3A_687 = tpu.memref_slice %arg5[%dma_wait3A_686] : memref<25600xi32, #tpu.memory_space<vmem>> -> memref<512xi32, #tpu.memory_space<vmem>>
    %dma_wait3A_688 = tpu.memref_slice %arg2[%add3A_379] : memref<819200xi32, #tpu.memory_space<hbm>> -> memref<512xi32, #tpu.memory_space<hbm>>
    tpu.wait_dma2 semaphore(%arg8 : memref<!tpu.dma_semaphore, #tpu.memory_space<semaphore_mem>>) src(%dma_wait3A_688 : memref<512xi32, #tpu.memory_space<hbm>>) dst(%dma_wait3A_687 : memref<512xi32, #tpu.memory_space<vmem>>)
    %dma_wait3A_689 = arith.constant 24576 : i32
    %dma_wait3A_690 = tpu.memref_slice %arg5[%dma_wait3A_689] : memref<25600xi32, #tpu.memory_space<vmem>> -> memref<512xi32, #tpu.memory_space<vmem>>
    %dma_wait3A_691 = tpu.memref_slice %arg2[%add3A_387] : memref<819200xi32, #tpu.memory_space<hbm>> -> memref<512xi32, #tpu.memory_space<hbm>>
    %dma_wait3A_692 = arith.constant 24576 : i32
    %dma_wait3A_693 = tpu.memref_slice %arg5[%dma_wait3A_692] : memref<25600xi32, #tpu.memory_space<vmem>> -> memref<512xi32, #tpu.memory_space<vmem>>
    %dma_wait3A_694 = tpu.memref_slice %arg2[%add3A_387] : memref<819200xi32, #tpu.memory_space<hbm>> -> memref<512xi32, #tpu.memory_space<hbm>>
    tpu.wait_dma2 semaphore(%arg8 : memref<!tpu.dma_semaphore, #tpu.memory_space<semaphore_mem>>) src(%dma_wait3A_694 : memref<512xi32, #tpu.memory_space<hbm>>) dst(%dma_wait3A_693 : memref<512xi32, #tpu.memory_space<vmem>>)
    %dma_wait3A_695 = arith.constant 25088 : i32
    %dma_wait3A_696 = tpu.memref_slice %arg5[%dma_wait3A_695] : memref<25600xi32, #tpu.memory_space<vmem>> -> memref<512xi32, #tpu.memory_space<vmem>>
    %dma_wait3A_697 = tpu.memref_slice %arg2[%add3A_395] : memref<819200xi32, #tpu.memory_space<hbm>> -> memref<512xi32, #tpu.memory_space<hbm>>
    %dma_wait3A_698 = arith.constant 25088 : i32
    %dma_wait3A_699 = tpu.memref_slice %arg5[%dma_wait3A_698] : memref<25600xi32, #tpu.memory_space<vmem>> -> memref<512xi32, #tpu.memory_space<vmem>>
    %dma_wait3A_700 = tpu.memref_slice %arg2[%add3A_395] : memref<819200xi32, #tpu.memory_space<hbm>> -> memref<512xi32, #tpu.memory_space<hbm>>
    tpu.wait_dma2 semaphore(%arg8 : memref<!tpu.dma_semaphore, #tpu.memory_space<semaphore_mem>>) src(%dma_wait3A_700 : memref<512xi32, #tpu.memory_space<hbm>>) dst(%dma_wait3A_699 : memref<512xi32, #tpu.memory_space<vmem>>)
    %dma_start3A_701 = arith.constant 0 : i32
    %dma_start3A_702 = tpu.memref_slice %arg5[%dma_start3A_701] : memref<25600xi32, #tpu.memory_space<vmem>> -> memref<512xi32, #tpu.memory_space<vmem>>
    %dma_start3A_703 = arith.constant 0 : i32
    %dma_start3A_704 = arith.constant 0 : i32
    %dma_start3A_705 = tpu.memref_slice %arg3[%dma_start3A_703, %dma_start3A_704] : memref<1000000x32xf32, #tpu.memory_space<hbm>> -> memref<1000000x32xf32, #tpu.memory_space<hbm>>
    tpu.enqueue_indirect_dma source(%dma_start3A_705 : memref<1000000x32xf32, #tpu.memory_space<hbm>>) target(%arg6 : memref<512x32xf32, #tpu.memory_space<vmem>>) offsets(%dma_start3A_702 : memref<512xi32, #tpu.memory_space<vmem>>) semaphore(%arg9 : memref<!tpu.dma_semaphore, #tpu.memory_space<semaphore_mem>>)
    %dma_wait3A_706 = arith.constant 0 : i32
    %dma_wait3A_707 = tpu.memref_slice %arg5[%dma_wait3A_706] : memref<25600xi32, #tpu.memory_space<vmem>> -> memref<512xi32, #tpu.memory_space<vmem>>
    %dma_wait3A_708 = arith.constant 0 : i32
    %dma_wait3A_709 = arith.constant 0 : i32
    %dma_wait3A_710 = tpu.memref_slice %arg3[%dma_wait3A_708, %dma_wait3A_709] : memref<1000000x32xf32, #tpu.memory_space<hbm>> -> memref<1000000x32xf32, #tpu.memory_space<hbm>>
    tpu.wait_indirect_dma semaphore(%arg9 : memref<!tpu.dma_semaphore, #tpu.memory_space<semaphore_mem>>) src(%dma_wait3A_710 : memref<1000000x32xf32, #tpu.memory_space<hbm>>) dst(%arg6 : memref<512x32xf32, #tpu.memory_space<vmem>>)
    %dma_start3A_711 = arith.constant 512 : i32
    %dma_start3A_712 = tpu.memref_slice %arg5[%dma_start3A_711] : memref<25600xi32, #tpu.memory_space<vmem>> -> memref<512xi32, #tpu.memory_space<vmem>>
    %dma_start3A_713 = arith.constant 0 : i32
    %dma_start3A_714 = arith.constant 0 : i32
    %dma_start3A_715 = tpu.memref_slice %arg3[%dma_start3A_713, %dma_start3A_714] : memref<1000000x32xf32, #tpu.memory_space<hbm>> -> memref<1000000x32xf32, #tpu.memory_space<hbm>>
    tpu.enqueue_indirect_dma source(%dma_start3A_715 : memref<1000000x32xf32, #tpu.memory_space<hbm>>) target(%arg7 : memref<512x32xf32, #tpu.memory_space<vmem>>) offsets(%dma_start3A_712 : memref<512xi32, #tpu.memory_space<vmem>>) semaphore(%arg10 : memref<!tpu.dma_semaphore, #tpu.memory_space<semaphore_mem>>)
    %add3A_716 = arith.constant 0 : i32
    %add3A_717 = arith.addi %add3A_716, %mul3A_2 : i32
    %dma_start3A_718 = arith.constant 0 : i32
    %dma_start3A_719 = tpu.memref_slice %arg4[%add3A_717, %dma_start3A_718] : memref<819200x32xf32, #tpu.memory_space<hbm>> -> memref<512x32xf32, #tpu.memory_space<hbm>>
    %dma_start3A_720 = arith.constant 0 : i32
    %dma_start3A_721 = tpu.memref_slice %arg4[%add3A_717, %dma_start3A_720] : memref<819200x32xf32, #tpu.memory_space<hbm>> -> memref<512x32xf32, #tpu.memory_space<hbm>>
    tpu.enqueue_dma source(%arg6 : memref<512x32xf32, #tpu.memory_space<vmem>>) target(%dma_start3A_721 : memref<512x32xf32, #tpu.memory_space<hbm>>) target_semaphore(%arg11 : memref<!tpu.dma_semaphore, #tpu.memory_space<semaphore_mem>>)
    %dma_wait3A_722 = arith.constant 512 : i32
    %dma_wait3A_723 = tpu.memref_slice %arg5[%dma_wait3A_722] : memref<25600xi32, #tpu.memory_space<vmem>> -> memref<512xi32, #tpu.memory_space<vmem>>
    %dma_wait3A_724 = arith.constant 0 : i32
    %dma_wait3A_725 = arith.constant 0 : i32
    %dma_wait3A_726 = tpu.memref_slice %arg3[%dma_wait3A_724, %dma_wait3A_725] : memref<1000000x32xf32, #tpu.memory_space<hbm>> -> memref<1000000x32xf32, #tpu.memory_space<hbm>>
    tpu.wait_indirect_dma semaphore(%arg10 : memref<!tpu.dma_semaphore, #tpu.memory_space<semaphore_mem>>) src(%dma_wait3A_726 : memref<1000000x32xf32, #tpu.memory_space<hbm>>) dst(%arg7 : memref<512x32xf32, #tpu.memory_space<vmem>>)
    %dma_wait3A_727 = arith.constant 0 : i32
    %dma_wait3A_728 = tpu.memref_slice %arg4[%add3A_717, %dma_wait3A_727] : memref<819200x32xf32, #tpu.memory_space<hbm>> -> memref<512x32xf32, #tpu.memory_space<hbm>>
    %dma_wait3A_729 = arith.constant 0 : i32
    %dma_wait3A_730 = tpu.memref_slice %arg4[%add3A_717, %dma_wait3A_729] : memref<819200x32xf32, #tpu.memory_space<hbm>> -> memref<512x32xf32, #tpu.memory_space<hbm>>
    tpu.wait_dma2 semaphore(%arg11 : memref<!tpu.dma_semaphore, #tpu.memory_space<semaphore_mem>>) src(%arg6 : memref<512x32xf32, #tpu.memory_space<vmem>>) dst(%dma_wait3A_730 : memref<512x32xf32, #tpu.memory_space<hbm>>)
    %dma_start3A_731 = arith.constant 1024 : i32
    %dma_start3A_732 = tpu.memref_slice %arg5[%dma_start3A_731] : memref<25600xi32, #tpu.memory_space<vmem>> -> memref<512xi32, #tpu.memory_space<vmem>>
    %dma_start3A_733 = arith.constant 0 : i32
    %dma_start3A_734 = arith.constant 0 : i32
    %dma_start3A_735 = tpu.memref_slice %arg3[%dma_start3A_733, %dma_start3A_734] : memref<1000000x32xf32, #tpu.memory_space<hbm>> -> memref<1000000x32xf32, #tpu.memory_space<hbm>>
    tpu.enqueue_indirect_dma source(%dma_start3A_735 : memref<1000000x32xf32, #tpu.memory_space<hbm>>) target(%arg6 : memref<512x32xf32, #tpu.memory_space<vmem>>) offsets(%dma_start3A_732 : memref<512xi32, #tpu.memory_space<vmem>>) semaphore(%arg9 : memref<!tpu.dma_semaphore, #tpu.memory_space<semaphore_mem>>)
    %add3A_736 = arith.constant 16384 : i32
    %add3A_737 = arith.addi %add3A_736, %mul3A_2 : i32
    %dma_start3A_738 = arith.constant 0 : i32
    %dma_start3A_739 = tpu.memref_slice %arg4[%add3A_737, %dma_start3A_738] : memref<819200x32xf32, #tpu.memory_space<hbm>> -> memref<512x32xf32, #tpu.memory_space<hbm>>
    %dma_start3A_740 = arith.constant 0 : i32
    %dma_start3A_741 = tpu.memref_slice %arg4[%add3A_737, %dma_start3A_740] : memref<819200x32xf32, #tpu.memory_space<hbm>> -> memref<512x32xf32, #tpu.memory_space<hbm>>
    tpu.enqueue_dma source(%arg7 : memref<512x32xf32, #tpu.memory_space<vmem>>) target(%dma_start3A_741 : memref<512x32xf32, #tpu.memory_space<hbm>>) target_semaphore(%arg12 : memref<!tpu.dma_semaphore, #tpu.memory_space<semaphore_mem>>)
    %dma_wait3A_742 = arith.constant 1024 : i32
    %dma_wait3A_743 = tpu.memref_slice %arg5[%dma_wait3A_742] : memref<25600xi32, #tpu.memory_space<vmem>> -> memref<512xi32, #tpu.memory_space<vmem>>
    %dma_wait3A_744 = arith.constant 0 : i32
    %dma_wait3A_745 = arith.constant 0 : i32
    %dma_wait3A_746 = tpu.memref_slice %arg3[%dma_wait3A_744, %dma_wait3A_745] : memref<1000000x32xf32, #tpu.memory_space<hbm>> -> memref<1000000x32xf32, #tpu.memory_space<hbm>>
    tpu.wait_indirect_dma semaphore(%arg9 : memref<!tpu.dma_semaphore, #tpu.memory_space<semaphore_mem>>) src(%dma_wait3A_746 : memref<1000000x32xf32, #tpu.memory_space<hbm>>) dst(%arg6 : memref<512x32xf32, #tpu.memory_space<vmem>>)
    %dma_wait3A_747 = arith.constant 0 : i32
    %dma_wait3A_748 = tpu.memref_slice %arg4[%add3A_737, %dma_wait3A_747] : memref<819200x32xf32, #tpu.memory_space<hbm>> -> memref<512x32xf32, #tpu.memory_space<hbm>>
    %dma_wait3A_749 = arith.constant 0 : i32
    %dma_wait3A_750 = tpu.memref_slice %arg4[%add3A_737, %dma_wait3A_749] : memref<819200x32xf32, #tpu.memory_space<hbm>> -> memref<512x32xf32, #tpu.memory_space<hbm>>
    tpu.wait_dma2 semaphore(%arg12 : memref<!tpu.dma_semaphore, #tpu.memory_space<semaphore_mem>>) src(%arg7 : memref<512x32xf32, #tpu.memory_space<vmem>>) dst(%dma_wait3A_750 : memref<512x32xf32, #tpu.memory_space<hbm>>)
    %dma_start3A_751 = arith.constant 1536 : i32
    %dma_start3A_752 = tpu.memref_slice %arg5[%dma_start3A_751] : memref<25600xi32, #tpu.memory_space<vmem>> -> memref<512xi32, #tpu.memory_space<vmem>>
    %dma_start3A_753 = arith.constant 0 : i32
    %dma_start3A_754 = arith.constant 0 : i32
    %dma_start3A_755 = tpu.memref_slice %arg3[%dma_start3A_753, %dma_start3A_754] : memref<1000000x32xf32, #tpu.memory_space<hbm>> -> memref<1000000x32xf32, #tpu.memory_space<hbm>>
    tpu.enqueue_indirect_dma source(%dma_start3A_755 : memref<1000000x32xf32, #tpu.memory_space<hbm>>) target(%arg7 : memref<512x32xf32, #tpu.memory_space<vmem>>) offsets(%dma_start3A_752 : memref<512xi32, #tpu.memory_space<vmem>>) semaphore(%arg10 : memref<!tpu.dma_semaphore, #tpu.memory_space<semaphore_mem>>)
    %add3A_756 = arith.constant 32768 : i32
    %add3A_757 = arith.addi %add3A_756, %mul3A_2 : i32
    %dma_start3A_758 = arith.constant 0 : i32
    %dma_start3A_759 = tpu.memref_slice %arg4[%add3A_757, %dma_start3A_758] : memref<819200x32xf32, #tpu.memory_space<hbm>> -> memref<512x32xf32, #tpu.memory_space<hbm>>
    %dma_start3A_760 = arith.constant 0 : i32
    %dma_start3A_761 = tpu.memref_slice %arg4[%add3A_757, %dma_start3A_760] : memref<819200x32xf32, #tpu.memory_space<hbm>> -> memref<512x32xf32, #tpu.memory_space<hbm>>
    tpu.enqueue_dma source(%arg6 : memref<512x32xf32, #tpu.memory_space<vmem>>) target(%dma_start3A_761 : memref<512x32xf32, #tpu.memory_space<hbm>>) target_semaphore(%arg11 : memref<!tpu.dma_semaphore, #tpu.memory_space<semaphore_mem>>)
    %dma_wait3A_762 = arith.constant 1536 : i32
    %dma_wait3A_763 = tpu.memref_slice %arg5[%dma_wait3A_762] : memref<25600xi32, #tpu.memory_space<vmem>> -> memref<512xi32, #tpu.memory_space<vmem>>
    %dma_wait3A_764 = arith.constant 0 : i32
    %dma_wait3A_765 = arith.constant 0 : i32
    %dma_wait3A_766 = tpu.memref_slice %arg3[%dma_wait3A_764, %dma_wait3A_765] : memref<1000000x32xf32, #tpu.memory_space<hbm>> -> memref<1000000x32xf32, #tpu.memory_space<hbm>>
    tpu.wait_indirect_dma semaphore(%arg10 : memref<!tpu.dma_semaphore, #tpu.memory_space<semaphore_mem>>) src(%dma_wait3A_766 : memref<1000000x32xf32, #tpu.memory_space<hbm>>) dst(%arg7 : memref<512x32xf32, #tpu.memory_space<vmem>>)
    %dma_wait3A_767 = arith.constant 0 : i32
    %dma_wait3A_768 = tpu.memref_slice %arg4[%add3A_757, %dma_wait3A_767] : memref<819200x32xf32, #tpu.memory_space<hbm>> -> memref<512x32xf32, #tpu.memory_space<hbm>>
    %dma_wait3A_769 = arith.constant 0 : i32
    %dma_wait3A_770 = tpu.memref_slice %arg4[%add3A_757, %dma_wait3A_769] : memref<819200x32xf32, #tpu.memory_space<hbm>> -> memref<512x32xf32, #tpu.memory_space<hbm>>
    tpu.wait_dma2 semaphore(%arg11 : memref<!tpu.dma_semaphore, #tpu.memory_space<semaphore_mem>>) src(%arg6 : memref<512x32xf32, #tpu.memory_space<vmem>>) dst(%dma_wait3A_770 : memref<512x32xf32, #tpu.memory_space<hbm>>)
    %dma_start3A_771 = arith.constant 2048 : i32
    %dma_start3A_772 = tpu.memref_slice %arg5[%dma_start3A_771] : memref<25600xi32, #tpu.memory_space<vmem>> -> memref<512xi32, #tpu.memory_space<vmem>>
    %dma_start3A_773 = arith.constant 0 : i32
    %dma_start3A_774 = arith.constant 0 : i32
    %dma_start3A_775 = tpu.memref_slice %arg3[%dma_start3A_773, %dma_start3A_774] : memref<1000000x32xf32, #tpu.memory_space<hbm>> -> memref<1000000x32xf32, #tpu.memory_space<hbm>>
    tpu.enqueue_indirect_dma source(%dma_start3A_775 : memref<1000000x32xf32, #tpu.memory_space<hbm>>) target(%arg6 : memref<512x32xf32, #tpu.memory_space<vmem>>) offsets(%dma_start3A_772 : memref<512xi32, #tpu.memory_space<vmem>>) semaphore(%arg9 : memref<!tpu.dma_semaphore, #tpu.memory_space<semaphore_mem>>)
    %add3A_776 = arith.constant 49152 : i32
    %add3A_777 = arith.addi %add3A_776, %mul3A_2 : i32
    %dma_start3A_778 = arith.constant 0 : i32
    %dma_start3A_779 = tpu.memref_slice %arg4[%add3A_777, %dma_start3A_778] : memref<819200x32xf32, #tpu.memory_space<hbm>> -> memref<512x32xf32, #tpu.memory_space<hbm>>
    %dma_start3A_780 = arith.constant 0 : i32
    %dma_start3A_781 = tpu.memref_slice %arg4[%add3A_777, %dma_start3A_780] : memref<819200x32xf32, #tpu.memory_space<hbm>> -> memref<512x32xf32, #tpu.memory_space<hbm>>
    tpu.enqueue_dma source(%arg7 : memref<512x32xf32, #tpu.memory_space<vmem>>) target(%dma_start3A_781 : memref<512x32xf32, #tpu.memory_space<hbm>>) target_semaphore(%arg12 : memref<!tpu.dma_semaphore, #tpu.memory_space<semaphore_mem>>)
    %dma_wait3A_782 = arith.constant 2048 : i32
    %dma_wait3A_783 = tpu.memref_slice %arg5[%dma_wait3A_782] : memref<25600xi32, #tpu.memory_space<vmem>> -> memref<512xi32, #tpu.memory_space<vmem>>
    %dma_wait3A_784 = arith.constant 0 : i32
    %dma_wait3A_785 = arith.constant 0 : i32
    %dma_wait3A_786 = tpu.memref_slice %arg3[%dma_wait3A_784, %dma_wait3A_785] : memref<1000000x32xf32, #tpu.memory_space<hbm>> -> memref<1000000x32xf32, #tpu.memory_space<hbm>>
    tpu.wait_indirect_dma semaphore(%arg9 : memref<!tpu.dma_semaphore, #tpu.memory_space<semaphore_mem>>) src(%dma_wait3A_786 : memref<1000000x32xf32, #tpu.memory_space<hbm>>) dst(%arg6 : memref<512x32xf32, #tpu.memory_space<vmem>>)
    %dma_wait3A_787 = arith.constant 0 : i32
    %dma_wait3A_788 = tpu.memref_slice %arg4[%add3A_777, %dma_wait3A_787] : memref<819200x32xf32, #tpu.memory_space<hbm>> -> memref<512x32xf32, #tpu.memory_space<hbm>>
    %dma_wait3A_789 = arith.constant 0 : i32
    %dma_wait3A_790 = tpu.memref_slice %arg4[%add3A_777, %dma_wait3A_789] : memref<819200x32xf32, #tpu.memory_space<hbm>> -> memref<512x32xf32, #tpu.memory_space<hbm>>
    tpu.wait_dma2 semaphore(%arg12 : memref<!tpu.dma_semaphore, #tpu.memory_space<semaphore_mem>>) src(%arg7 : memref<512x32xf32, #tpu.memory_space<vmem>>) dst(%dma_wait3A_790 : memref<512x32xf32, #tpu.memory_space<hbm>>)
    %dma_start3A_791 = arith.constant 2560 : i32
    %dma_start3A_792 = tpu.memref_slice %arg5[%dma_start3A_791] : memref<25600xi32, #tpu.memory_space<vmem>> -> memref<512xi32, #tpu.memory_space<vmem>>
    %dma_start3A_793 = arith.constant 0 : i32
    %dma_start3A_794 = arith.constant 0 : i32
    %dma_start3A_795 = tpu.memref_slice %arg3[%dma_start3A_793, %dma_start3A_794] : memref<1000000x32xf32, #tpu.memory_space<hbm>> -> memref<1000000x32xf32, #tpu.memory_space<hbm>>
    tpu.enqueue_indirect_dma source(%dma_start3A_795 : memref<1000000x32xf32, #tpu.memory_space<hbm>>) target(%arg7 : memref<512x32xf32, #tpu.memory_space<vmem>>) offsets(%dma_start3A_792 : memref<512xi32, #tpu.memory_space<vmem>>) semaphore(%arg10 : memref<!tpu.dma_semaphore, #tpu.memory_space<semaphore_mem>>)
    %add3A_796 = arith.constant 65536 : i32
    %add3A_797 = arith.addi %add3A_796, %mul3A_2 : i32
    %dma_start3A_798 = arith.constant 0 : i32
    %dma_start3A_799 = tpu.memref_slice %arg4[%add3A_797, %dma_start3A_798] : memref<819200x32xf32, #tpu.memory_space<hbm>> -> memref<512x32xf32, #tpu.memory_space<hbm>>
    %dma_start3A_800 = arith.constant 0 : i32
    %dma_start3A_801 = tpu.memref_slice %arg4[%add3A_797, %dma_start3A_800] : memref<819200x32xf32, #tpu.memory_space<hbm>> -> memref<512x32xf32, #tpu.memory_space<hbm>>
    tpu.enqueue_dma source(%arg6 : memref<512x32xf32, #tpu.memory_space<vmem>>) target(%dma_start3A_801 : memref<512x32xf32, #tpu.memory_space<hbm>>) target_semaphore(%arg11 : memref<!tpu.dma_semaphore, #tpu.memory_space<semaphore_mem>>)
    %dma_wait3A_802 = arith.constant 2560 : i32
    %dma_wait3A_803 = tpu.memref_slice %arg5[%dma_wait3A_802] : memref<25600xi32, #tpu.memory_space<vmem>> -> memref<512xi32, #tpu.memory_space<vmem>>
    %dma_wait3A_804 = arith.constant 0 : i32
    %dma_wait3A_805 = arith.constant 0 : i32
    %dma_wait3A_806 = tpu.memref_slice %arg3[%dma_wait3A_804, %dma_wait3A_805] : memref<1000000x32xf32, #tpu.memory_space<hbm>> -> memref<1000000x32xf32, #tpu.memory_space<hbm>>
    tpu.wait_indirect_dma semaphore(%arg10 : memref<!tpu.dma_semaphore, #tpu.memory_space<semaphore_mem>>) src(%dma_wait3A_806 : memref<1000000x32xf32, #tpu.memory_space<hbm>>) dst(%arg7 : memref<512x32xf32, #tpu.memory_space<vmem>>)
    %dma_wait3A_807 = arith.constant 0 : i32
    %dma_wait3A_808 = tpu.memref_slice %arg4[%add3A_797, %dma_wait3A_807] : memref<819200x32xf32, #tpu.memory_space<hbm>> -> memref<512x32xf32, #tpu.memory_space<hbm>>
    %dma_wait3A_809 = arith.constant 0 : i32
    %dma_wait3A_810 = tpu.memref_slice %arg4[%add3A_797, %dma_wait3A_809] : memref<819200x32xf32, #tpu.memory_space<hbm>> -> memref<512x32xf32, #tpu.memory_space<hbm>>
    tpu.wait_dma2 semaphore(%arg11 : memref<!tpu.dma_semaphore, #tpu.memory_space<semaphore_mem>>) src(%arg6 : memref<512x32xf32, #tpu.memory_space<vmem>>) dst(%dma_wait3A_810 : memref<512x32xf32, #tpu.memory_space<hbm>>)
    %dma_start3A_811 = arith.constant 3072 : i32
    %dma_start3A_812 = tpu.memref_slice %arg5[%dma_start3A_811] : memref<25600xi32, #tpu.memory_space<vmem>> -> memref<512xi32, #tpu.memory_space<vmem>>
    %dma_start3A_813 = arith.constant 0 : i32
    %dma_start3A_814 = arith.constant 0 : i32
    %dma_start3A_815 = tpu.memref_slice %arg3[%dma_start3A_813, %dma_start3A_814] : memref<1000000x32xf32, #tpu.memory_space<hbm>> -> memref<1000000x32xf32, #tpu.memory_space<hbm>>
    tpu.enqueue_indirect_dma source(%dma_start3A_815 : memref<1000000x32xf32, #tpu.memory_space<hbm>>) target(%arg6 : memref<512x32xf32, #tpu.memory_space<vmem>>) offsets(%dma_start3A_812 : memref<512xi32, #tpu.memory_space<vmem>>) semaphore(%arg9 : memref<!tpu.dma_semaphore, #tpu.memory_space<semaphore_mem>>)
    %add3A_816 = arith.constant 81920 : i32
    %add3A_817 = arith.addi %add3A_816, %mul3A_2 : i32
    %dma_start3A_818 = arith.constant 0 : i32
    %dma_start3A_819 = tpu.memref_slice %arg4[%add3A_817, %dma_start3A_818] : memref<819200x32xf32, #tpu.memory_space<hbm>> -> memref<512x32xf32, #tpu.memory_space<hbm>>
    %dma_start3A_820 = arith.constant 0 : i32
    %dma_start3A_821 = tpu.memref_slice %arg4[%add3A_817, %dma_start3A_820] : memref<819200x32xf32, #tpu.memory_space<hbm>> -> memref<512x32xf32, #tpu.memory_space<hbm>>
    tpu.enqueue_dma source(%arg7 : memref<512x32xf32, #tpu.memory_space<vmem>>) target(%dma_start3A_821 : memref<512x32xf32, #tpu.memory_space<hbm>>) target_semaphore(%arg12 : memref<!tpu.dma_semaphore, #tpu.memory_space<semaphore_mem>>)
    %dma_wait3A_822 = arith.constant 3072 : i32
    %dma_wait3A_823 = tpu.memref_slice %arg5[%dma_wait3A_822] : memref<25600xi32, #tpu.memory_space<vmem>> -> memref<512xi32, #tpu.memory_space<vmem>>
    %dma_wait3A_824 = arith.constant 0 : i32
    %dma_wait3A_825 = arith.constant 0 : i32
    %dma_wait3A_826 = tpu.memref_slice %arg3[%dma_wait3A_824, %dma_wait3A_825] : memref<1000000x32xf32, #tpu.memory_space<hbm>> -> memref<1000000x32xf32, #tpu.memory_space<hbm>>
    tpu.wait_indirect_dma semaphore(%arg9 : memref<!tpu.dma_semaphore, #tpu.memory_space<semaphore_mem>>) src(%dma_wait3A_826 : memref<1000000x32xf32, #tpu.memory_space<hbm>>) dst(%arg6 : memref<512x32xf32, #tpu.memory_space<vmem>>)
    %dma_wait3A_827 = arith.constant 0 : i32
    %dma_wait3A_828 = tpu.memref_slice %arg4[%add3A_817, %dma_wait3A_827] : memref<819200x32xf32, #tpu.memory_space<hbm>> -> memref<512x32xf32, #tpu.memory_space<hbm>>
    %dma_wait3A_829 = arith.constant 0 : i32
    %dma_wait3A_830 = tpu.memref_slice %arg4[%add3A_817, %dma_wait3A_829] : memref<819200x32xf32, #tpu.memory_space<hbm>> -> memref<512x32xf32, #tpu.memory_space<hbm>>
    tpu.wait_dma2 semaphore(%arg12 : memref<!tpu.dma_semaphore, #tpu.memory_space<semaphore_mem>>) src(%arg7 : memref<512x32xf32, #tpu.memory_space<vmem>>) dst(%dma_wait3A_830 : memref<512x32xf32, #tpu.memory_space<hbm>>)
    %dma_start3A_831 = arith.constant 3584 : i32
    %dma_start3A_832 = tpu.memref_slice %arg5[%dma_start3A_831] : memref<25600xi32, #tpu.memory_space<vmem>> -> memref<512xi32, #tpu.memory_space<vmem>>
    %dma_start3A_833 = arith.constant 0 : i32
    %dma_start3A_834 = arith.constant 0 : i32
    %dma_start3A_835 = tpu.memref_slice %arg3[%dma_start3A_833, %dma_start3A_834] : memref<1000000x32xf32, #tpu.memory_space<hbm>> -> memref<1000000x32xf32, #tpu.memory_space<hbm>>
    tpu.enqueue_indirect_dma source(%dma_start3A_835 : memref<1000000x32xf32, #tpu.memory_space<hbm>>) target(%arg7 : memref<512x32xf32, #tpu.memory_space<vmem>>) offsets(%dma_start3A_832 : memref<512xi32, #tpu.memory_space<vmem>>) semaphore(%arg10 : memref<!tpu.dma_semaphore, #tpu.memory_space<semaphore_mem>>)
    %add3A_836 = arith.constant 98304 : i32
    %add3A_837 = arith.addi %add3A_836, %mul3A_2 : i32
    %dma_start3A_838 = arith.constant 0 : i32
    %dma_start3A_839 = tpu.memref_slice %arg4[%add3A_837, %dma_start3A_838] : memref<819200x32xf32, #tpu.memory_space<hbm>> -> memref<512x32xf32, #tpu.memory_space<hbm>>
    %dma_start3A_840 = arith.constant 0 : i32
    %dma_start3A_841 = tpu.memref_slice %arg4[%add3A_837, %dma_start3A_840] : memref<819200x32xf32, #tpu.memory_space<hbm>> -> memref<512x32xf32, #tpu.memory_space<hbm>>
    tpu.enqueue_dma source(%arg6 : memref<512x32xf32, #tpu.memory_space<vmem>>) target(%dma_start3A_841 : memref<512x32xf32, #tpu.memory_space<hbm>>) target_semaphore(%arg11 : memref<!tpu.dma_semaphore, #tpu.memory_space<semaphore_mem>>)
    %dma_wait3A_842 = arith.constant 3584 : i32
    %dma_wait3A_843 = tpu.memref_slice %arg5[%dma_wait3A_842] : memref<25600xi32, #tpu.memory_space<vmem>> -> memref<512xi32, #tpu.memory_space<vmem>>
    %dma_wait3A_844 = arith.constant 0 : i32
    %dma_wait3A_845 = arith.constant 0 : i32
    %dma_wait3A_846 = tpu.memref_slice %arg3[%dma_wait3A_844, %dma_wait3A_845] : memref<1000000x32xf32, #tpu.memory_space<hbm>> -> memref<1000000x32xf32, #tpu.memory_space<hbm>>
    tpu.wait_indirect_dma semaphore(%arg10 : memref<!tpu.dma_semaphore, #tpu.memory_space<semaphore_mem>>) src(%dma_wait3A_846 : memref<1000000x32xf32, #tpu.memory_space<hbm>>) dst(%arg7 : memref<512x32xf32, #tpu.memory_space<vmem>>)
    %dma_wait3A_847 = arith.constant 0 : i32
    %dma_wait3A_848 = tpu.memref_slice %arg4[%add3A_837, %dma_wait3A_847] : memref<819200x32xf32, #tpu.memory_space<hbm>> -> memref<512x32xf32, #tpu.memory_space<hbm>>
    %dma_wait3A_849 = arith.constant 0 : i32
    %dma_wait3A_850 = tpu.memref_slice %arg4[%add3A_837, %dma_wait3A_849] : memref<819200x32xf32, #tpu.memory_space<hbm>> -> memref<512x32xf32, #tpu.memory_space<hbm>>
    tpu.wait_dma2 semaphore(%arg11 : memref<!tpu.dma_semaphore, #tpu.memory_space<semaphore_mem>>) src(%arg6 : memref<512x32xf32, #tpu.memory_space<vmem>>) dst(%dma_wait3A_850 : memref<512x32xf32, #tpu.memory_space<hbm>>)
    %dma_start3A_851 = arith.constant 4096 : i32
    %dma_start3A_852 = tpu.memref_slice %arg5[%dma_start3A_851] : memref<25600xi32, #tpu.memory_space<vmem>> -> memref<512xi32, #tpu.memory_space<vmem>>
    %dma_start3A_853 = arith.constant 0 : i32
    %dma_start3A_854 = arith.constant 0 : i32
    %dma_start3A_855 = tpu.memref_slice %arg3[%dma_start3A_853, %dma_start3A_854] : memref<1000000x32xf32, #tpu.memory_space<hbm>> -> memref<1000000x32xf32, #tpu.memory_space<hbm>>
    tpu.enqueue_indirect_dma source(%dma_start3A_855 : memref<1000000x32xf32, #tpu.memory_space<hbm>>) target(%arg6 : memref<512x32xf32, #tpu.memory_space<vmem>>) offsets(%dma_start3A_852 : memref<512xi32, #tpu.memory_space<vmem>>) semaphore(%arg9 : memref<!tpu.dma_semaphore, #tpu.memory_space<semaphore_mem>>)
    %add3A_856 = arith.constant 114688 : i32
    %add3A_857 = arith.addi %add3A_856, %mul3A_2 : i32
    %dma_start3A_858 = arith.constant 0 : i32
    %dma_start3A_859 = tpu.memref_slice %arg4[%add3A_857, %dma_start3A_858] : memref<819200x32xf32, #tpu.memory_space<hbm>> -> memref<512x32xf32, #tpu.memory_space<hbm>>
    %dma_start3A_860 = arith.constant 0 : i32
    %dma_start3A_861 = tpu.memref_slice %arg4[%add3A_857, %dma_start3A_860] : memref<819200x32xf32, #tpu.memory_space<hbm>> -> memref<512x32xf32, #tpu.memory_space<hbm>>
    tpu.enqueue_dma source(%arg7 : memref<512x32xf32, #tpu.memory_space<vmem>>) target(%dma_start3A_861 : memref<512x32xf32, #tpu.memory_space<hbm>>) target_semaphore(%arg12 : memref<!tpu.dma_semaphore, #tpu.memory_space<semaphore_mem>>)
    %dma_wait3A_862 = arith.constant 4096 : i32
    %dma_wait3A_863 = tpu.memref_slice %arg5[%dma_wait3A_862] : memref<25600xi32, #tpu.memory_space<vmem>> -> memref<512xi32, #tpu.memory_space<vmem>>
    %dma_wait3A_864 = arith.constant 0 : i32
    %dma_wait3A_865 = arith.constant 0 : i32
    %dma_wait3A_866 = tpu.memref_slice %arg3[%dma_wait3A_864, %dma_wait3A_865] : memref<1000000x32xf32, #tpu.memory_space<hbm>> -> memref<1000000x32xf32, #tpu.memory_space<hbm>>
    tpu.wait_indirect_dma semaphore(%arg9 : memref<!tpu.dma_semaphore, #tpu.memory_space<semaphore_mem>>) src(%dma_wait3A_866 : memref<1000000x32xf32, #tpu.memory_space<hbm>>) dst(%arg6 : memref<512x32xf32, #tpu.memory_space<vmem>>)
    %dma_wait3A_867 = arith.constant 0 : i32
    %dma_wait3A_868 = tpu.memref_slice %arg4[%add3A_857, %dma_wait3A_867] : memref<819200x32xf32, #tpu.memory_space<hbm>> -> memref<512x32xf32, #tpu.memory_space<hbm>>
    %dma_wait3A_869 = arith.constant 0 : i32
    %dma_wait3A_870 = tpu.memref_slice %arg4[%add3A_857, %dma_wait3A_869] : memref<819200x32xf32, #tpu.memory_space<hbm>> -> memref<512x32xf32, #tpu.memory_space<hbm>>
    tpu.wait_dma2 semaphore(%arg12 : memref<!tpu.dma_semaphore, #tpu.memory_space<semaphore_mem>>) src(%arg7 : memref<512x32xf32, #tpu.memory_space<vmem>>) dst(%dma_wait3A_870 : memref<512x32xf32, #tpu.memory_space<hbm>>)
    %dma_start3A_871 = arith.constant 4608 : i32
    %dma_start3A_872 = tpu.memref_slice %arg5[%dma_start3A_871] : memref<25600xi32, #tpu.memory_space<vmem>> -> memref<512xi32, #tpu.memory_space<vmem>>
    %dma_start3A_873 = arith.constant 0 : i32
    %dma_start3A_874 = arith.constant 0 : i32
    %dma_start3A_875 = tpu.memref_slice %arg3[%dma_start3A_873, %dma_start3A_874] : memref<1000000x32xf32, #tpu.memory_space<hbm>> -> memref<1000000x32xf32, #tpu.memory_space<hbm>>
    tpu.enqueue_indirect_dma source(%dma_start3A_875 : memref<1000000x32xf32, #tpu.memory_space<hbm>>) target(%arg7 : memref<512x32xf32, #tpu.memory_space<vmem>>) offsets(%dma_start3A_872 : memref<512xi32, #tpu.memory_space<vmem>>) semaphore(%arg10 : memref<!tpu.dma_semaphore, #tpu.memory_space<semaphore_mem>>)
    %add3A_876 = arith.constant 131072 : i32
    %add3A_877 = arith.addi %add3A_876, %mul3A_2 : i32
    %dma_start3A_878 = arith.constant 0 : i32
    %dma_start3A_879 = tpu.memref_slice %arg4[%add3A_877, %dma_start3A_878] : memref<819200x32xf32, #tpu.memory_space<hbm>> -> memref<512x32xf32, #tpu.memory_space<hbm>>
    %dma_start3A_880 = arith.constant 0 : i32
    %dma_start3A_881 = tpu.memref_slice %arg4[%add3A_877, %dma_start3A_880] : memref<819200x32xf32, #tpu.memory_space<hbm>> -> memref<512x32xf32, #tpu.memory_space<hbm>>
    tpu.enqueue_dma source(%arg6 : memref<512x32xf32, #tpu.memory_space<vmem>>) target(%dma_start3A_881 : memref<512x32xf32, #tpu.memory_space<hbm>>) target_semaphore(%arg11 : memref<!tpu.dma_semaphore, #tpu.memory_space<semaphore_mem>>)
    %dma_wait3A_882 = arith.constant 4608 : i32
    %dma_wait3A_883 = tpu.memref_slice %arg5[%dma_wait3A_882] : memref<25600xi32, #tpu.memory_space<vmem>> -> memref<512xi32, #tpu.memory_space<vmem>>
    %dma_wait3A_884 = arith.constant 0 : i32
    %dma_wait3A_885 = arith.constant 0 : i32
    %dma_wait3A_886 = tpu.memref_slice %arg3[%dma_wait3A_884, %dma_wait3A_885] : memref<1000000x32xf32, #tpu.memory_space<hbm>> -> memref<1000000x32xf32, #tpu.memory_space<hbm>>
    tpu.wait_indirect_dma semaphore(%arg10 : memref<!tpu.dma_semaphore, #tpu.memory_space<semaphore_mem>>) src(%dma_wait3A_886 : memref<1000000x32xf32, #tpu.memory_space<hbm>>) dst(%arg7 : memref<512x32xf32, #tpu.memory_space<vmem>>)
    %dma_wait3A_887 = arith.constant 0 : i32
    %dma_wait3A_888 = tpu.memref_slice %arg4[%add3A_877, %dma_wait3A_887] : memref<819200x32xf32, #tpu.memory_space<hbm>> -> memref<512x32xf32, #tpu.memory_space<hbm>>
    %dma_wait3A_889 = arith.constant 0 : i32
    %dma_wait3A_890 = tpu.memref_slice %arg4[%add3A_877, %dma_wait3A_889] : memref<819200x32xf32, #tpu.memory_space<hbm>> -> memref<512x32xf32, #tpu.memory_space<hbm>>
    tpu.wait_dma2 semaphore(%arg11 : memref<!tpu.dma_semaphore, #tpu.memory_space<semaphore_mem>>) src(%arg6 : memref<512x32xf32, #tpu.memory_space<vmem>>) dst(%dma_wait3A_890 : memref<512x32xf32, #tpu.memory_space<hbm>>)
    %dma_start3A_891 = arith.constant 5120 : i32
    %dma_start3A_892 = tpu.memref_slice %arg5[%dma_start3A_891] : memref<25600xi32, #tpu.memory_space<vmem>> -> memref<512xi32, #tpu.memory_space<vmem>>
    %dma_start3A_893 = arith.constant 0 : i32
    %dma_start3A_894 = arith.constant 0 : i32
    %dma_start3A_895 = tpu.memref_slice %arg3[%dma_start3A_893, %dma_start3A_894] : memref<1000000x32xf32, #tpu.memory_space<hbm>> -> memref<1000000x32xf32, #tpu.memory_space<hbm>>
    tpu.enqueue_indirect_dma source(%dma_start3A_895 : memref<1000000x32xf32, #tpu.memory_space<hbm>>) target(%arg6 : memref<512x32xf32, #tpu.memory_space<vmem>>) offsets(%dma_start3A_892 : memref<512xi32, #tpu.memory_space<vmem>>) semaphore(%arg9 : memref<!tpu.dma_semaphore, #tpu.memory_space<semaphore_mem>>)
    %add3A_896 = arith.constant 147456 : i32
    %add3A_897 = arith.addi %add3A_896, %mul3A_2 : i32
    %dma_start3A_898 = arith.constant 0 : i32
    %dma_start3A_899 = tpu.memref_slice %arg4[%add3A_897, %dma_start3A_898] : memref<819200x32xf32, #tpu.memory_space<hbm>> -> memref<512x32xf32, #tpu.memory_space<hbm>>
    %dma_start3A_900 = arith.constant 0 : i32
    %dma_start3A_901 = tpu.memref_slice %arg4[%add3A_897, %dma_start3A_900] : memref<819200x32xf32, #tpu.memory_space<hbm>> -> memref<512x32xf32, #tpu.memory_space<hbm>>
    tpu.enqueue_dma source(%arg7 : memref<512x32xf32, #tpu.memory_space<vmem>>) target(%dma_start3A_901 : memref<512x32xf32, #tpu.memory_space<hbm>>) target_semaphore(%arg12 : memref<!tpu.dma_semaphore, #tpu.memory_space<semaphore_mem>>)
    %dma_wait3A_902 = arith.constant 5120 : i32
    %dma_wait3A_903 = tpu.memref_slice %arg5[%dma_wait3A_902] : memref<25600xi32, #tpu.memory_space<vmem>> -> memref<512xi32, #tpu.memory_space<vmem>>
    %dma_wait3A_904 = arith.constant 0 : i32
    %dma_wait3A_905 = arith.constant 0 : i32
    %dma_wait3A_906 = tpu.memref_slice %arg3[%dma_wait3A_904, %dma_wait3A_905] : memref<1000000x32xf32, #tpu.memory_space<hbm>> -> memref<1000000x32xf32, #tpu.memory_space<hbm>>
    tpu.wait_indirect_dma semaphore(%arg9 : memref<!tpu.dma_semaphore, #tpu.memory_space<semaphore_mem>>) src(%dma_wait3A_906 : memref<1000000x32xf32, #tpu.memory_space<hbm>>) dst(%arg6 : memref<512x32xf32, #tpu.memory_space<vmem>>)
    %dma_wait3A_907 = arith.constant 0 : i32
    %dma_wait3A_908 = tpu.memref_slice %arg4[%add3A_897, %dma_wait3A_907] : memref<819200x32xf32, #tpu.memory_space<hbm>> -> memref<512x32xf32, #tpu.memory_space<hbm>>
    %dma_wait3A_909 = arith.constant 0 : i32
    %dma_wait3A_910 = tpu.memref_slice %arg4[%add3A_897, %dma_wait3A_909] : memref<819200x32xf32, #tpu.memory_space<hbm>> -> memref<512x32xf32, #tpu.memory_space<hbm>>
    tpu.wait_dma2 semaphore(%arg12 : memref<!tpu.dma_semaphore, #tpu.memory_space<semaphore_mem>>) src(%arg7 : memref<512x32xf32, #tpu.memory_space<vmem>>) dst(%dma_wait3A_910 : memref<512x32xf32, #tpu.memory_space<hbm>>)
    %dma_start3A_911 = arith.constant 5632 : i32
    %dma_start3A_912 = tpu.memref_slice %arg5[%dma_start3A_911] : memref<25600xi32, #tpu.memory_space<vmem>> -> memref<512xi32, #tpu.memory_space<vmem>>
    %dma_start3A_913 = arith.constant 0 : i32
    %dma_start3A_914 = arith.constant 0 : i32
    %dma_start3A_915 = tpu.memref_slice %arg3[%dma_start3A_913, %dma_start3A_914] : memref<1000000x32xf32, #tpu.memory_space<hbm>> -> memref<1000000x32xf32, #tpu.memory_space<hbm>>
    tpu.enqueue_indirect_dma source(%dma_start3A_915 : memref<1000000x32xf32, #tpu.memory_space<hbm>>) target(%arg7 : memref<512x32xf32, #tpu.memory_space<vmem>>) offsets(%dma_start3A_912 : memref<512xi32, #tpu.memory_space<vmem>>) semaphore(%arg10 : memref<!tpu.dma_semaphore, #tpu.memory_space<semaphore_mem>>)
    %add3A_916 = arith.constant 163840 : i32
    %add3A_917 = arith.addi %add3A_916, %mul3A_2 : i32
    %dma_start3A_918 = arith.constant 0 : i32
    %dma_start3A_919 = tpu.memref_slice %arg4[%add3A_917, %dma_start3A_918] : memref<819200x32xf32, #tpu.memory_space<hbm>> -> memref<512x32xf32, #tpu.memory_space<hbm>>
    %dma_start3A_920 = arith.constant 0 : i32
    %dma_start3A_921 = tpu.memref_slice %arg4[%add3A_917, %dma_start3A_920] : memref<819200x32xf32, #tpu.memory_space<hbm>> -> memref<512x32xf32, #tpu.memory_space<hbm>>
    tpu.enqueue_dma source(%arg6 : memref<512x32xf32, #tpu.memory_space<vmem>>) target(%dma_start3A_921 : memref<512x32xf32, #tpu.memory_space<hbm>>) target_semaphore(%arg11 : memref<!tpu.dma_semaphore, #tpu.memory_space<semaphore_mem>>)
    %dma_wait3A_922 = arith.constant 5632 : i32
    %dma_wait3A_923 = tpu.memref_slice %arg5[%dma_wait3A_922] : memref<25600xi32, #tpu.memory_space<vmem>> -> memref<512xi32, #tpu.memory_space<vmem>>
    %dma_wait3A_924 = arith.constant 0 : i32
    %dma_wait3A_925 = arith.constant 0 : i32
    %dma_wait3A_926 = tpu.memref_slice %arg3[%dma_wait3A_924, %dma_wait3A_925] : memref<1000000x32xf32, #tpu.memory_space<hbm>> -> memref<1000000x32xf32, #tpu.memory_space<hbm>>
    tpu.wait_indirect_dma semaphore(%arg10 : memref<!tpu.dma_semaphore, #tpu.memory_space<semaphore_mem>>) src(%dma_wait3A_926 : memref<1000000x32xf32, #tpu.memory_space<hbm>>) dst(%arg7 : memref<512x32xf32, #tpu.memory_space<vmem>>)
    %dma_wait3A_927 = arith.constant 0 : i32
    %dma_wait3A_928 = tpu.memref_slice %arg4[%add3A_917, %dma_wait3A_927] : memref<819200x32xf32, #tpu.memory_space<hbm>> -> memref<512x32xf32, #tpu.memory_space<hbm>>
    %dma_wait3A_929 = arith.constant 0 : i32
    %dma_wait3A_930 = tpu.memref_slice %arg4[%add3A_917, %dma_wait3A_929] : memref<819200x32xf32, #tpu.memory_space<hbm>> -> memref<512x32xf32, #tpu.memory_space<hbm>>
    tpu.wait_dma2 semaphore(%arg11 : memref<!tpu.dma_semaphore, #tpu.memory_space<semaphore_mem>>) src(%arg6 : memref<512x32xf32, #tpu.memory_space<vmem>>) dst(%dma_wait3A_930 : memref<512x32xf32, #tpu.memory_space<hbm>>)
    %dma_start3A_931 = arith.constant 6144 : i32
    %dma_start3A_932 = tpu.memref_slice %arg5[%dma_start3A_931] : memref<25600xi32, #tpu.memory_space<vmem>> -> memref<512xi32, #tpu.memory_space<vmem>>
    %dma_start3A_933 = arith.constant 0 : i32
    %dma_start3A_934 = arith.constant 0 : i32
    %dma_start3A_935 = tpu.memref_slice %arg3[%dma_start3A_933, %dma_start3A_934] : memref<1000000x32xf32, #tpu.memory_space<hbm>> -> memref<1000000x32xf32, #tpu.memory_space<hbm>>
    tpu.enqueue_indirect_dma source(%dma_start3A_935 : memref<1000000x32xf32, #tpu.memory_space<hbm>>) target(%arg6 : memref<512x32xf32, #tpu.memory_space<vmem>>) offsets(%dma_start3A_932 : memref<512xi32, #tpu.memory_space<vmem>>) semaphore(%arg9 : memref<!tpu.dma_semaphore, #tpu.memory_space<semaphore_mem>>)
    %add3A_936 = arith.constant 180224 : i32
    %add3A_937 = arith.addi %add3A_936, %mul3A_2 : i32
    %dma_start3A_938 = arith.constant 0 : i32
    %dma_start3A_939 = tpu.memref_slice %arg4[%add3A_937, %dma_start3A_938] : memref<819200x32xf32, #tpu.memory_space<hbm>> -> memref<512x32xf32, #tpu.memory_space<hbm>>
    %dma_start3A_940 = arith.constant 0 : i32
    %dma_start3A_941 = tpu.memref_slice %arg4[%add3A_937, %dma_start3A_940] : memref<819200x32xf32, #tpu.memory_space<hbm>> -> memref<512x32xf32, #tpu.memory_space<hbm>>
    tpu.enqueue_dma source(%arg7 : memref<512x32xf32, #tpu.memory_space<vmem>>) target(%dma_start3A_941 : memref<512x32xf32, #tpu.memory_space<hbm>>) target_semaphore(%arg12 : memref<!tpu.dma_semaphore, #tpu.memory_space<semaphore_mem>>)
    %dma_wait3A_942 = arith.constant 6144 : i32
    %dma_wait3A_943 = tpu.memref_slice %arg5[%dma_wait3A_942] : memref<25600xi32, #tpu.memory_space<vmem>> -> memref<512xi32, #tpu.memory_space<vmem>>
    %dma_wait3A_944 = arith.constant 0 : i32
    %dma_wait3A_945 = arith.constant 0 : i32
    %dma_wait3A_946 = tpu.memref_slice %arg3[%dma_wait3A_944, %dma_wait3A_945] : memref<1000000x32xf32, #tpu.memory_space<hbm>> -> memref<1000000x32xf32, #tpu.memory_space<hbm>>
    tpu.wait_indirect_dma semaphore(%arg9 : memref<!tpu.dma_semaphore, #tpu.memory_space<semaphore_mem>>) src(%dma_wait3A_946 : memref<1000000x32xf32, #tpu.memory_space<hbm>>) dst(%arg6 : memref<512x32xf32, #tpu.memory_space<vmem>>)
    %dma_wait3A_947 = arith.constant 0 : i32
    %dma_wait3A_948 = tpu.memref_slice %arg4[%add3A_937, %dma_wait3A_947] : memref<819200x32xf32, #tpu.memory_space<hbm>> -> memref<512x32xf32, #tpu.memory_space<hbm>>
    %dma_wait3A_949 = arith.constant 0 : i32
    %dma_wait3A_950 = tpu.memref_slice %arg4[%add3A_937, %dma_wait3A_949] : memref<819200x32xf32, #tpu.memory_space<hbm>> -> memref<512x32xf32, #tpu.memory_space<hbm>>
    tpu.wait_dma2 semaphore(%arg12 : memref<!tpu.dma_semaphore, #tpu.memory_space<semaphore_mem>>) src(%arg7 : memref<512x32xf32, #tpu.memory_space<vmem>>) dst(%dma_wait3A_950 : memref<512x32xf32, #tpu.memory_space<hbm>>)
    %dma_start3A_951 = arith.constant 6656 : i32
    %dma_start3A_952 = tpu.memref_slice %arg5[%dma_start3A_951] : memref<25600xi32, #tpu.memory_space<vmem>> -> memref<512xi32, #tpu.memory_space<vmem>>
    %dma_start3A_953 = arith.constant 0 : i32
    %dma_start3A_954 = arith.constant 0 : i32
    %dma_start3A_955 = tpu.memref_slice %arg3[%dma_start3A_953, %dma_start3A_954] : memref<1000000x32xf32, #tpu.memory_space<hbm>> -> memref<1000000x32xf32, #tpu.memory_space<hbm>>
    tpu.enqueue_indirect_dma source(%dma_start3A_955 : memref<1000000x32xf32, #tpu.memory_space<hbm>>) target(%arg7 : memref<512x32xf32, #tpu.memory_space<vmem>>) offsets(%dma_start3A_952 : memref<512xi32, #tpu.memory_space<vmem>>) semaphore(%arg10 : memref<!tpu.dma_semaphore, #tpu.memory_space<semaphore_mem>>)
    %add3A_956 = arith.constant 196608 : i32
    %add3A_957 = arith.addi %add3A_956, %mul3A_2 : i32
    %dma_start3A_958 = arith.constant 0 : i32
    %dma_start3A_959 = tpu.memref_slice %arg4[%add3A_957, %dma_start3A_958] : memref<819200x32xf32, #tpu.memory_space<hbm>> -> memref<512x32xf32, #tpu.memory_space<hbm>>
    %dma_start3A_960 = arith.constant 0 : i32
    %dma_start3A_961 = tpu.memref_slice %arg4[%add3A_957, %dma_start3A_960] : memref<819200x32xf32, #tpu.memory_space<hbm>> -> memref<512x32xf32, #tpu.memory_space<hbm>>
    tpu.enqueue_dma source(%arg6 : memref<512x32xf32, #tpu.memory_space<vmem>>) target(%dma_start3A_961 : memref<512x32xf32, #tpu.memory_space<hbm>>) target_semaphore(%arg11 : memref<!tpu.dma_semaphore, #tpu.memory_space<semaphore_mem>>)
    %dma_wait3A_962 = arith.constant 6656 : i32
    %dma_wait3A_963 = tpu.memref_slice %arg5[%dma_wait3A_962] : memref<25600xi32, #tpu.memory_space<vmem>> -> memref<512xi32, #tpu.memory_space<vmem>>
    %dma_wait3A_964 = arith.constant 0 : i32
    %dma_wait3A_965 = arith.constant 0 : i32
    %dma_wait3A_966 = tpu.memref_slice %arg3[%dma_wait3A_964, %dma_wait3A_965] : memref<1000000x32xf32, #tpu.memory_space<hbm>> -> memref<1000000x32xf32, #tpu.memory_space<hbm>>
    tpu.wait_indirect_dma semaphore(%arg10 : memref<!tpu.dma_semaphore, #tpu.memory_space<semaphore_mem>>) src(%dma_wait3A_966 : memref<1000000x32xf32, #tpu.memory_space<hbm>>) dst(%arg7 : memref<512x32xf32, #tpu.memory_space<vmem>>)
    %dma_wait3A_967 = arith.constant 0 : i32
    %dma_wait3A_968 = tpu.memref_slice %arg4[%add3A_957, %dma_wait3A_967] : memref<819200x32xf32, #tpu.memory_space<hbm>> -> memref<512x32xf32, #tpu.memory_space<hbm>>
    %dma_wait3A_969 = arith.constant 0 : i32
    %dma_wait3A_970 = tpu.memref_slice %arg4[%add3A_957, %dma_wait3A_969] : memref<819200x32xf32, #tpu.memory_space<hbm>> -> memref<512x32xf32, #tpu.memory_space<hbm>>
    tpu.wait_dma2 semaphore(%arg11 : memref<!tpu.dma_semaphore, #tpu.memory_space<semaphore_mem>>) src(%arg6 : memref<512x32xf32, #tpu.memory_space<vmem>>) dst(%dma_wait3A_970 : memref<512x32xf32, #tpu.memory_space<hbm>>)
    %dma_start3A_971 = arith.constant 7168 : i32
    %dma_start3A_972 = tpu.memref_slice %arg5[%dma_start3A_971] : memref<25600xi32, #tpu.memory_space<vmem>> -> memref<512xi32, #tpu.memory_space<vmem>>
    %dma_start3A_973 = arith.constant 0 : i32
    %dma_start3A_974 = arith.constant 0 : i32
    %dma_start3A_975 = tpu.memref_slice %arg3[%dma_start3A_973, %dma_start3A_974] : memref<1000000x32xf32, #tpu.memory_space<hbm>> -> memref<1000000x32xf32, #tpu.memory_space<hbm>>
    tpu.enqueue_indirect_dma source(%dma_start3A_975 : memref<1000000x32xf32, #tpu.memory_space<hbm>>) target(%arg6 : memref<512x32xf32, #tpu.memory_space<vmem>>) offsets(%dma_start3A_972 : memref<512xi32, #tpu.memory_space<vmem>>) semaphore(%arg9 : memref<!tpu.dma_semaphore, #tpu.memory_space<semaphore_mem>>)
    %add3A_976 = arith.constant 212992 : i32
    %add3A_977 = arith.addi %add3A_976, %mul3A_2 : i32
    %dma_start3A_978 = arith.constant 0 : i32
    %dma_start3A_979 = tpu.memref_slice %arg4[%add3A_977, %dma_start3A_978] : memref<819200x32xf32, #tpu.memory_space<hbm>> -> memref<512x32xf32, #tpu.memory_space<hbm>>
    %dma_start3A_980 = arith.constant 0 : i32
    %dma_start3A_981 = tpu.memref_slice %arg4[%add3A_977, %dma_start3A_980] : memref<819200x32xf32, #tpu.memory_space<hbm>> -> memref<512x32xf32, #tpu.memory_space<hbm>>
    tpu.enqueue_dma source(%arg7 : memref<512x32xf32, #tpu.memory_space<vmem>>) target(%dma_start3A_981 : memref<512x32xf32, #tpu.memory_space<hbm>>) target_semaphore(%arg12 : memref<!tpu.dma_semaphore, #tpu.memory_space<semaphore_mem>>)
    %dma_wait3A_982 = arith.constant 7168 : i32
    %dma_wait3A_983 = tpu.memref_slice %arg5[%dma_wait3A_982] : memref<25600xi32, #tpu.memory_space<vmem>> -> memref<512xi32, #tpu.memory_space<vmem>>
    %dma_wait3A_984 = arith.constant 0 : i32
    %dma_wait3A_985 = arith.constant 0 : i32
    %dma_wait3A_986 = tpu.memref_slice %arg3[%dma_wait3A_984, %dma_wait3A_985] : memref<1000000x32xf32, #tpu.memory_space<hbm>> -> memref<1000000x32xf32, #tpu.memory_space<hbm>>
    tpu.wait_indirect_dma semaphore(%arg9 : memref<!tpu.dma_semaphore, #tpu.memory_space<semaphore_mem>>) src(%dma_wait3A_986 : memref<1000000x32xf32, #tpu.memory_space<hbm>>) dst(%arg6 : memref<512x32xf32, #tpu.memory_space<vmem>>)
    %dma_wait3A_987 = arith.constant 0 : i32
    %dma_wait3A_988 = tpu.memref_slice %arg4[%add3A_977, %dma_wait3A_987] : memref<819200x32xf32, #tpu.memory_space<hbm>> -> memref<512x32xf32, #tpu.memory_space<hbm>>
    %dma_wait3A_989 = arith.constant 0 : i32
    %dma_wait3A_990 = tpu.memref_slice %arg4[%add3A_977, %dma_wait3A_989] : memref<819200x32xf32, #tpu.memory_space<hbm>> -> memref<512x32xf32, #tpu.memory_space<hbm>>
    tpu.wait_dma2 semaphore(%arg12 : memref<!tpu.dma_semaphore, #tpu.memory_space<semaphore_mem>>) src(%arg7 : memref<512x32xf32, #tpu.memory_space<vmem>>) dst(%dma_wait3A_990 : memref<512x32xf32, #tpu.memory_space<hbm>>)
    %dma_start3A_991 = arith.constant 7680 : i32
    %dma_start3A_992 = tpu.memref_slice %arg5[%dma_start3A_991] : memref<25600xi32, #tpu.memory_space<vmem>> -> memref<512xi32, #tpu.memory_space<vmem>>
    %dma_start3A_993 = arith.constant 0 : i32
    %dma_start3A_994 = arith.constant 0 : i32
    %dma_start3A_995 = tpu.memref_slice %arg3[%dma_start3A_993, %dma_start3A_994] : memref<1000000x32xf32, #tpu.memory_space<hbm>> -> memref<1000000x32xf32, #tpu.memory_space<hbm>>
    tpu.enqueue_indirect_dma source(%dma_start3A_995 : memref<1000000x32xf32, #tpu.memory_space<hbm>>) target(%arg7 : memref<512x32xf32, #tpu.memory_space<vmem>>) offsets(%dma_start3A_992 : memref<512xi32, #tpu.memory_space<vmem>>) semaphore(%arg10 : memref<!tpu.dma_semaphore, #tpu.memory_space<semaphore_mem>>)
    %add3A_996 = arith.constant 229376 : i32
    %add3A_997 = arith.addi %add3A_996, %mul3A_2 : i32
    %dma_start3A_998 = arith.constant 0 : i32
    %dma_start3A_999 = tpu.memref_slice %arg4[%add3A_997, %dma_start3A_998] : memref<819200x32xf32, #tpu.memory_space<hbm>> -> memref<512x32xf32, #tpu.memory_space<hbm>>
    %dma_start3A_1000 = arith.constant 0 : i32
    %dma_start3A_1001 = tpu.memref_slice %arg4[%add3A_997, %dma_start3A_1000] : memref<819200x32xf32, #tpu.memory_space<hbm>> -> memref<512x32xf32, #tpu.memory_space<hbm>>
    tpu.enqueue_dma source(%arg6 : memref<512x32xf32, #tpu.memory_space<vmem>>) target(%dma_start3A_1001 : memref<512x32xf32, #tpu.memory_space<hbm>>) target_semaphore(%arg11 : memref<!tpu.dma_semaphore, #tpu.memory_space<semaphore_mem>>)
    %dma_wait3A_1002 = arith.constant 7680 : i32
    %dma_wait3A_1003 = tpu.memref_slice %arg5[%dma_wait3A_1002] : memref<25600xi32, #tpu.memory_space<vmem>> -> memref<512xi32, #tpu.memory_space<vmem>>
    %dma_wait3A_1004 = arith.constant 0 : i32
    %dma_wait3A_1005 = arith.constant 0 : i32
    %dma_wait3A_1006 = tpu.memref_slice %arg3[%dma_wait3A_1004, %dma_wait3A_1005] : memref<1000000x32xf32, #tpu.memory_space<hbm>> -> memref<1000000x32xf32, #tpu.memory_space<hbm>>
    tpu.wait_indirect_dma semaphore(%arg10 : memref<!tpu.dma_semaphore, #tpu.memory_space<semaphore_mem>>) src(%dma_wait3A_1006 : memref<1000000x32xf32, #tpu.memory_space<hbm>>) dst(%arg7 : memref<512x32xf32, #tpu.memory_space<vmem>>)
    %dma_wait3A_1007 = arith.constant 0 : i32
    %dma_wait3A_1008 = tpu.memref_slice %arg4[%add3A_997, %dma_wait3A_1007] : memref<819200x32xf32, #tpu.memory_space<hbm>> -> memref<512x32xf32, #tpu.memory_space<hbm>>
    %dma_wait3A_1009 = arith.constant 0 : i32
    %dma_wait3A_1010 = tpu.memref_slice %arg4[%add3A_997, %dma_wait3A_1009] : memref<819200x32xf32, #tpu.memory_space<hbm>> -> memref<512x32xf32, #tpu.memory_space<hbm>>
    tpu.wait_dma2 semaphore(%arg11 : memref<!tpu.dma_semaphore, #tpu.memory_space<semaphore_mem>>) src(%arg6 : memref<512x32xf32, #tpu.memory_space<vmem>>) dst(%dma_wait3A_1010 : memref<512x32xf32, #tpu.memory_space<hbm>>)
    %dma_start3A_1011 = arith.constant 8192 : i32
    %dma_start3A_1012 = tpu.memref_slice %arg5[%dma_start3A_1011] : memref<25600xi32, #tpu.memory_space<vmem>> -> memref<512xi32, #tpu.memory_space<vmem>>
    %dma_start3A_1013 = arith.constant 0 : i32
    %dma_start3A_1014 = arith.constant 0 : i32
    %dma_start3A_1015 = tpu.memref_slice %arg3[%dma_start3A_1013, %dma_start3A_1014] : memref<1000000x32xf32, #tpu.memory_space<hbm>> -> memref<1000000x32xf32, #tpu.memory_space<hbm>>
    tpu.enqueue_indirect_dma source(%dma_start3A_1015 : memref<1000000x32xf32, #tpu.memory_space<hbm>>) target(%arg6 : memref<512x32xf32, #tpu.memory_space<vmem>>) offsets(%dma_start3A_1012 : memref<512xi32, #tpu.memory_space<vmem>>) semaphore(%arg9 : memref<!tpu.dma_semaphore, #tpu.memory_space<semaphore_mem>>)
    %add3A_1016 = arith.constant 245760 : i32
    %add3A_1017 = arith.addi %add3A_1016, %mul3A_2 : i32
    %dma_start3A_1018 = arith.constant 0 : i32
    %dma_start3A_1019 = tpu.memref_slice %arg4[%add3A_1017, %dma_start3A_1018] : memref<819200x32xf32, #tpu.memory_space<hbm>> -> memref<512x32xf32, #tpu.memory_space<hbm>>
    %dma_start3A_1020 = arith.constant 0 : i32
    %dma_start3A_1021 = tpu.memref_slice %arg4[%add3A_1017, %dma_start3A_1020] : memref<819200x32xf32, #tpu.memory_space<hbm>> -> memref<512x32xf32, #tpu.memory_space<hbm>>
    tpu.enqueue_dma source(%arg7 : memref<512x32xf32, #tpu.memory_space<vmem>>) target(%dma_start3A_1021 : memref<512x32xf32, #tpu.memory_space<hbm>>) target_semaphore(%arg12 : memref<!tpu.dma_semaphore, #tpu.memory_space<semaphore_mem>>)
    %dma_wait3A_1022 = arith.constant 8192 : i32
    %dma_wait3A_1023 = tpu.memref_slice %arg5[%dma_wait3A_1022] : memref<25600xi32, #tpu.memory_space<vmem>> -> memref<512xi32, #tpu.memory_space<vmem>>
    %dma_wait3A_1024 = arith.constant 0 : i32
    %dma_wait3A_1025 = arith.constant 0 : i32
    %dma_wait3A_1026 = tpu.memref_slice %arg3[%dma_wait3A_1024, %dma_wait3A_1025] : memref<1000000x32xf32, #tpu.memory_space<hbm>> -> memref<1000000x32xf32, #tpu.memory_space<hbm>>
    tpu.wait_indirect_dma semaphore(%arg9 : memref<!tpu.dma_semaphore, #tpu.memory_space<semaphore_mem>>) src(%dma_wait3A_1026 : memref<1000000x32xf32, #tpu.memory_space<hbm>>) dst(%arg6 : memref<512x32xf32, #tpu.memory_space<vmem>>)
    %dma_wait3A_1027 = arith.constant 0 : i32
    %dma_wait3A_1028 = tpu.memref_slice %arg4[%add3A_1017, %dma_wait3A_1027] : memref<819200x32xf32, #tpu.memory_space<hbm>> -> memref<512x32xf32, #tpu.memory_space<hbm>>
    %dma_wait3A_1029 = arith.constant 0 : i32
    %dma_wait3A_1030 = tpu.memref_slice %arg4[%add3A_1017, %dma_wait3A_1029] : memref<819200x32xf32, #tpu.memory_space<hbm>> -> memref<512x32xf32, #tpu.memory_space<hbm>>
    tpu.wait_dma2 semaphore(%arg12 : memref<!tpu.dma_semaphore, #tpu.memory_space<semaphore_mem>>) src(%arg7 : memref<512x32xf32, #tpu.memory_space<vmem>>) dst(%dma_wait3A_1030 : memref<512x32xf32, #tpu.memory_space<hbm>>)
    %dma_start3A_1031 = arith.constant 8704 : i32
    %dma_start3A_1032 = tpu.memref_slice %arg5[%dma_start3A_1031] : memref<25600xi32, #tpu.memory_space<vmem>> -> memref<512xi32, #tpu.memory_space<vmem>>
    %dma_start3A_1033 = arith.constant 0 : i32
    %dma_start3A_1034 = arith.constant 0 : i32
    %dma_start3A_1035 = tpu.memref_slice %arg3[%dma_start3A_1033, %dma_start3A_1034] : memref<1000000x32xf32, #tpu.memory_space<hbm>> -> memref<1000000x32xf32, #tpu.memory_space<hbm>>
    tpu.enqueue_indirect_dma source(%dma_start3A_1035 : memref<1000000x32xf32, #tpu.memory_space<hbm>>) target(%arg7 : memref<512x32xf32, #tpu.memory_space<vmem>>) offsets(%dma_start3A_1032 : memref<512xi32, #tpu.memory_space<vmem>>) semaphore(%arg10 : memref<!tpu.dma_semaphore, #tpu.memory_space<semaphore_mem>>)
    %add3A_1036 = arith.constant 262144 : i32
    %add3A_1037 = arith.addi %add3A_1036, %mul3A_2 : i32
    %dma_start3A_1038 = arith.constant 0 : i32
    %dma_start3A_1039 = tpu.memref_slice %arg4[%add3A_1037, %dma_start3A_1038] : memref<819200x32xf32, #tpu.memory_space<hbm>> -> memref<512x32xf32, #tpu.memory_space<hbm>>
    %dma_start3A_1040 = arith.constant 0 : i32
    %dma_start3A_1041 = tpu.memref_slice %arg4[%add3A_1037, %dma_start3A_1040] : memref<819200x32xf32, #tpu.memory_space<hbm>> -> memref<512x32xf32, #tpu.memory_space<hbm>>
    tpu.enqueue_dma source(%arg6 : memref<512x32xf32, #tpu.memory_space<vmem>>) target(%dma_start3A_1041 : memref<512x32xf32, #tpu.memory_space<hbm>>) target_semaphore(%arg11 : memref<!tpu.dma_semaphore, #tpu.memory_space<semaphore_mem>>)
    %dma_wait3A_1042 = arith.constant 8704 : i32
    %dma_wait3A_1043 = tpu.memref_slice %arg5[%dma_wait3A_1042] : memref<25600xi32, #tpu.memory_space<vmem>> -> memref<512xi32, #tpu.memory_space<vmem>>
    %dma_wait3A_1044 = arith.constant 0 : i32
    %dma_wait3A_1045 = arith.constant 0 : i32
    %dma_wait3A_1046 = tpu.memref_slice %arg3[%dma_wait3A_1044, %dma_wait3A_1045] : memref<1000000x32xf32, #tpu.memory_space<hbm>> -> memref<1000000x32xf32, #tpu.memory_space<hbm>>
    tpu.wait_indirect_dma semaphore(%arg10 : memref<!tpu.dma_semaphore, #tpu.memory_space<semaphore_mem>>) src(%dma_wait3A_1046 : memref<1000000x32xf32, #tpu.memory_space<hbm>>) dst(%arg7 : memref<512x32xf32, #tpu.memory_space<vmem>>)
    %dma_wait3A_1047 = arith.constant 0 : i32
    %dma_wait3A_1048 = tpu.memref_slice %arg4[%add3A_1037, %dma_wait3A_1047] : memref<819200x32xf32, #tpu.memory_space<hbm>> -> memref<512x32xf32, #tpu.memory_space<hbm>>
    %dma_wait3A_1049 = arith.constant 0 : i32
    %dma_wait3A_1050 = tpu.memref_slice %arg4[%add3A_1037, %dma_wait3A_1049] : memref<819200x32xf32, #tpu.memory_space<hbm>> -> memref<512x32xf32, #tpu.memory_space<hbm>>
    tpu.wait_dma2 semaphore(%arg11 : memref<!tpu.dma_semaphore, #tpu.memory_space<semaphore_mem>>) src(%arg6 : memref<512x32xf32, #tpu.memory_space<vmem>>) dst(%dma_wait3A_1050 : memref<512x32xf32, #tpu.memory_space<hbm>>)
    %dma_start3A_1051 = arith.constant 9216 : i32
    %dma_start3A_1052 = tpu.memref_slice %arg5[%dma_start3A_1051] : memref<25600xi32, #tpu.memory_space<vmem>> -> memref<512xi32, #tpu.memory_space<vmem>>
    %dma_start3A_1053 = arith.constant 0 : i32
    %dma_start3A_1054 = arith.constant 0 : i32
    %dma_start3A_1055 = tpu.memref_slice %arg3[%dma_start3A_1053, %dma_start3A_1054] : memref<1000000x32xf32, #tpu.memory_space<hbm>> -> memref<1000000x32xf32, #tpu.memory_space<hbm>>
    tpu.enqueue_indirect_dma source(%dma_start3A_1055 : memref<1000000x32xf32, #tpu.memory_space<hbm>>) target(%arg6 : memref<512x32xf32, #tpu.memory_space<vmem>>) offsets(%dma_start3A_1052 : memref<512xi32, #tpu.memory_space<vmem>>) semaphore(%arg9 : memref<!tpu.dma_semaphore, #tpu.memory_space<semaphore_mem>>)
    %add3A_1056 = arith.constant 278528 : i32
    %add3A_1057 = arith.addi %add3A_1056, %mul3A_2 : i32
    %dma_start3A_1058 = arith.constant 0 : i32
    %dma_start3A_1059 = tpu.memref_slice %arg4[%add3A_1057, %dma_start3A_1058] : memref<819200x32xf32, #tpu.memory_space<hbm>> -> memref<512x32xf32, #tpu.memory_space<hbm>>
    %dma_start3A_1060 = arith.constant 0 : i32
    %dma_start3A_1061 = tpu.memref_slice %arg4[%add3A_1057, %dma_start3A_1060] : memref<819200x32xf32, #tpu.memory_space<hbm>> -> memref<512x32xf32, #tpu.memory_space<hbm>>
    tpu.enqueue_dma source(%arg7 : memref<512x32xf32, #tpu.memory_space<vmem>>) target(%dma_start3A_1061 : memref<512x32xf32, #tpu.memory_space<hbm>>) target_semaphore(%arg12 : memref<!tpu.dma_semaphore, #tpu.memory_space<semaphore_mem>>)
    %dma_wait3A_1062 = arith.constant 9216 : i32
    %dma_wait3A_1063 = tpu.memref_slice %arg5[%dma_wait3A_1062] : memref<25600xi32, #tpu.memory_space<vmem>> -> memref<512xi32, #tpu.memory_space<vmem>>
    %dma_wait3A_1064 = arith.constant 0 : i32
    %dma_wait3A_1065 = arith.constant 0 : i32
    %dma_wait3A_1066 = tpu.memref_slice %arg3[%dma_wait3A_1064, %dma_wait3A_1065] : memref<1000000x32xf32, #tpu.memory_space<hbm>> -> memref<1000000x32xf32, #tpu.memory_space<hbm>>
    tpu.wait_indirect_dma semaphore(%arg9 : memref<!tpu.dma_semaphore, #tpu.memory_space<semaphore_mem>>) src(%dma_wait3A_1066 : memref<1000000x32xf32, #tpu.memory_space<hbm>>) dst(%arg6 : memref<512x32xf32, #tpu.memory_space<vmem>>)
    %dma_wait3A_1067 = arith.constant 0 : i32
    %dma_wait3A_1068 = tpu.memref_slice %arg4[%add3A_1057, %dma_wait3A_1067] : memref<819200x32xf32, #tpu.memory_space<hbm>> -> memref<512x32xf32, #tpu.memory_space<hbm>>
    %dma_wait3A_1069 = arith.constant 0 : i32
    %dma_wait3A_1070 = tpu.memref_slice %arg4[%add3A_1057, %dma_wait3A_1069] : memref<819200x32xf32, #tpu.memory_space<hbm>> -> memref<512x32xf32, #tpu.memory_space<hbm>>
    tpu.wait_dma2 semaphore(%arg12 : memref<!tpu.dma_semaphore, #tpu.memory_space<semaphore_mem>>) src(%arg7 : memref<512x32xf32, #tpu.memory_space<vmem>>) dst(%dma_wait3A_1070 : memref<512x32xf32, #tpu.memory_space<hbm>>)
    %dma_start3A_1071 = arith.constant 9728 : i32
    %dma_start3A_1072 = tpu.memref_slice %arg5[%dma_start3A_1071] : memref<25600xi32, #tpu.memory_space<vmem>> -> memref<512xi32, #tpu.memory_space<vmem>>
    %dma_start3A_1073 = arith.constant 0 : i32
    %dma_start3A_1074 = arith.constant 0 : i32
    %dma_start3A_1075 = tpu.memref_slice %arg3[%dma_start3A_1073, %dma_start3A_1074] : memref<1000000x32xf32, #tpu.memory_space<hbm>> -> memref<1000000x32xf32, #tpu.memory_space<hbm>>
    tpu.enqueue_indirect_dma source(%dma_start3A_1075 : memref<1000000x32xf32, #tpu.memory_space<hbm>>) target(%arg7 : memref<512x32xf32, #tpu.memory_space<vmem>>) offsets(%dma_start3A_1072 : memref<512xi32, #tpu.memory_space<vmem>>) semaphore(%arg10 : memref<!tpu.dma_semaphore, #tpu.memory_space<semaphore_mem>>)
    %add3A_1076 = arith.constant 294912 : i32
    %add3A_1077 = arith.addi %add3A_1076, %mul3A_2 : i32
    %dma_start3A_1078 = arith.constant 0 : i32
    %dma_start3A_1079 = tpu.memref_slice %arg4[%add3A_1077, %dma_start3A_1078] : memref<819200x32xf32, #tpu.memory_space<hbm>> -> memref<512x32xf32, #tpu.memory_space<hbm>>
    %dma_start3A_1080 = arith.constant 0 : i32
    %dma_start3A_1081 = tpu.memref_slice %arg4[%add3A_1077, %dma_start3A_1080] : memref<819200x32xf32, #tpu.memory_space<hbm>> -> memref<512x32xf32, #tpu.memory_space<hbm>>
    tpu.enqueue_dma source(%arg6 : memref<512x32xf32, #tpu.memory_space<vmem>>) target(%dma_start3A_1081 : memref<512x32xf32, #tpu.memory_space<hbm>>) target_semaphore(%arg11 : memref<!tpu.dma_semaphore, #tpu.memory_space<semaphore_mem>>)
    %dma_wait3A_1082 = arith.constant 9728 : i32
    %dma_wait3A_1083 = tpu.memref_slice %arg5[%dma_wait3A_1082] : memref<25600xi32, #tpu.memory_space<vmem>> -> memref<512xi32, #tpu.memory_space<vmem>>
    %dma_wait3A_1084 = arith.constant 0 : i32
    %dma_wait3A_1085 = arith.constant 0 : i32
    %dma_wait3A_1086 = tpu.memref_slice %arg3[%dma_wait3A_1084, %dma_wait3A_1085] : memref<1000000x32xf32, #tpu.memory_space<hbm>> -> memref<1000000x32xf32, #tpu.memory_space<hbm>>
    tpu.wait_indirect_dma semaphore(%arg10 : memref<!tpu.dma_semaphore, #tpu.memory_space<semaphore_mem>>) src(%dma_wait3A_1086 : memref<1000000x32xf32, #tpu.memory_space<hbm>>) dst(%arg7 : memref<512x32xf32, #tpu.memory_space<vmem>>)
    %dma_wait3A_1087 = arith.constant 0 : i32
    %dma_wait3A_1088 = tpu.memref_slice %arg4[%add3A_1077, %dma_wait3A_1087] : memref<819200x32xf32, #tpu.memory_space<hbm>> -> memref<512x32xf32, #tpu.memory_space<hbm>>
    %dma_wait3A_1089 = arith.constant 0 : i32
    %dma_wait3A_1090 = tpu.memref_slice %arg4[%add3A_1077, %dma_wait3A_1089] : memref<819200x32xf32, #tpu.memory_space<hbm>> -> memref<512x32xf32, #tpu.memory_space<hbm>>
    tpu.wait_dma2 semaphore(%arg11 : memref<!tpu.dma_semaphore, #tpu.memory_space<semaphore_mem>>) src(%arg6 : memref<512x32xf32, #tpu.memory_space<vmem>>) dst(%dma_wait3A_1090 : memref<512x32xf32, #tpu.memory_space<hbm>>)
    %dma_start3A_1091 = arith.constant 10240 : i32
    %dma_start3A_1092 = tpu.memref_slice %arg5[%dma_start3A_1091] : memref<25600xi32, #tpu.memory_space<vmem>> -> memref<512xi32, #tpu.memory_space<vmem>>
    %dma_start3A_1093 = arith.constant 0 : i32
    %dma_start3A_1094 = arith.constant 0 : i32
    %dma_start3A_1095 = tpu.memref_slice %arg3[%dma_start3A_1093, %dma_start3A_1094] : memref<1000000x32xf32, #tpu.memory_space<hbm>> -> memref<1000000x32xf32, #tpu.memory_space<hbm>>
    tpu.enqueue_indirect_dma source(%dma_start3A_1095 : memref<1000000x32xf32, #tpu.memory_space<hbm>>) target(%arg6 : memref<512x32xf32, #tpu.memory_space<vmem>>) offsets(%dma_start3A_1092 : memref<512xi32, #tpu.memory_space<vmem>>) semaphore(%arg9 : memref<!tpu.dma_semaphore, #tpu.memory_space<semaphore_mem>>)
    %add3A_1096 = arith.constant 311296 : i32
    %add3A_1097 = arith.addi %add3A_1096, %mul3A_2 : i32
    %dma_start3A_1098 = arith.constant 0 : i32
    %dma_start3A_1099 = tpu.memref_slice %arg4[%add3A_1097, %dma_start3A_1098] : memref<819200x32xf32, #tpu.memory_space<hbm>> -> memref<512x32xf32, #tpu.memory_space<hbm>>
    %dma_start3A_1100 = arith.constant 0 : i32
    %dma_start3A_1101 = tpu.memref_slice %arg4[%add3A_1097, %dma_start3A_1100] : memref<819200x32xf32, #tpu.memory_space<hbm>> -> memref<512x32xf32, #tpu.memory_space<hbm>>
    tpu.enqueue_dma source(%arg7 : memref<512x32xf32, #tpu.memory_space<vmem>>) target(%dma_start3A_1101 : memref<512x32xf32, #tpu.memory_space<hbm>>) target_semaphore(%arg12 : memref<!tpu.dma_semaphore, #tpu.memory_space<semaphore_mem>>)
    %dma_wait3A_1102 = arith.constant 10240 : i32
    %dma_wait3A_1103 = tpu.memref_slice %arg5[%dma_wait3A_1102] : memref<25600xi32, #tpu.memory_space<vmem>> -> memref<512xi32, #tpu.memory_space<vmem>>
    %dma_wait3A_1104 = arith.constant 0 : i32
    %dma_wait3A_1105 = arith.constant 0 : i32
    %dma_wait3A_1106 = tpu.memref_slice %arg3[%dma_wait3A_1104, %dma_wait3A_1105] : memref<1000000x32xf32, #tpu.memory_space<hbm>> -> memref<1000000x32xf32, #tpu.memory_space<hbm>>
    tpu.wait_indirect_dma semaphore(%arg9 : memref<!tpu.dma_semaphore, #tpu.memory_space<semaphore_mem>>) src(%dma_wait3A_1106 : memref<1000000x32xf32, #tpu.memory_space<hbm>>) dst(%arg6 : memref<512x32xf32, #tpu.memory_space<vmem>>)
    %dma_wait3A_1107 = arith.constant 0 : i32
    %dma_wait3A_1108 = tpu.memref_slice %arg4[%add3A_1097, %dma_wait3A_1107] : memref<819200x32xf32, #tpu.memory_space<hbm>> -> memref<512x32xf32, #tpu.memory_space<hbm>>
    %dma_wait3A_1109 = arith.constant 0 : i32
    %dma_wait3A_1110 = tpu.memref_slice %arg4[%add3A_1097, %dma_wait3A_1109] : memref<819200x32xf32, #tpu.memory_space<hbm>> -> memref<512x32xf32, #tpu.memory_space<hbm>>
    tpu.wait_dma2 semaphore(%arg12 : memref<!tpu.dma_semaphore, #tpu.memory_space<semaphore_mem>>) src(%arg7 : memref<512x32xf32, #tpu.memory_space<vmem>>) dst(%dma_wait3A_1110 : memref<512x32xf32, #tpu.memory_space<hbm>>)
    %dma_start3A_1111 = arith.constant 10752 : i32
    %dma_start3A_1112 = tpu.memref_slice %arg5[%dma_start3A_1111] : memref<25600xi32, #tpu.memory_space<vmem>> -> memref<512xi32, #tpu.memory_space<vmem>>
    %dma_start3A_1113 = arith.constant 0 : i32
    %dma_start3A_1114 = arith.constant 0 : i32
    %dma_start3A_1115 = tpu.memref_slice %arg3[%dma_start3A_1113, %dma_start3A_1114] : memref<1000000x32xf32, #tpu.memory_space<hbm>> -> memref<1000000x32xf32, #tpu.memory_space<hbm>>
    tpu.enqueue_indirect_dma source(%dma_start3A_1115 : memref<1000000x32xf32, #tpu.memory_space<hbm>>) target(%arg7 : memref<512x32xf32, #tpu.memory_space<vmem>>) offsets(%dma_start3A_1112 : memref<512xi32, #tpu.memory_space<vmem>>) semaphore(%arg10 : memref<!tpu.dma_semaphore, #tpu.memory_space<semaphore_mem>>)
    %add3A_1116 = arith.constant 327680 : i32
    %add3A_1117 = arith.addi %add3A_1116, %mul3A_2 : i32
    %dma_start3A_1118 = arith.constant 0 : i32
    %dma_start3A_1119 = tpu.memref_slice %arg4[%add3A_1117, %dma_start3A_1118] : memref<819200x32xf32, #tpu.memory_space<hbm>> -> memref<512x32xf32, #tpu.memory_space<hbm>>
    %dma_start3A_1120 = arith.constant 0 : i32
    %dma_start3A_1121 = tpu.memref_slice %arg4[%add3A_1117, %dma_start3A_1120] : memref<819200x32xf32, #tpu.memory_space<hbm>> -> memref<512x32xf32, #tpu.memory_space<hbm>>
    tpu.enqueue_dma source(%arg6 : memref<512x32xf32, #tpu.memory_space<vmem>>) target(%dma_start3A_1121 : memref<512x32xf32, #tpu.memory_space<hbm>>) target_semaphore(%arg11 : memref<!tpu.dma_semaphore, #tpu.memory_space<semaphore_mem>>)
    %dma_wait3A_1122 = arith.constant 10752 : i32
    %dma_wait3A_1123 = tpu.memref_slice %arg5[%dma_wait3A_1122] : memref<25600xi32, #tpu.memory_space<vmem>> -> memref<512xi32, #tpu.memory_space<vmem>>
    %dma_wait3A_1124 = arith.constant 0 : i32
    %dma_wait3A_1125 = arith.constant 0 : i32
    %dma_wait3A_1126 = tpu.memref_slice %arg3[%dma_wait3A_1124, %dma_wait3A_1125] : memref<1000000x32xf32, #tpu.memory_space<hbm>> -> memref<1000000x32xf32, #tpu.memory_space<hbm>>
    tpu.wait_indirect_dma semaphore(%arg10 : memref<!tpu.dma_semaphore, #tpu.memory_space<semaphore_mem>>) src(%dma_wait3A_1126 : memref<1000000x32xf32, #tpu.memory_space<hbm>>) dst(%arg7 : memref<512x32xf32, #tpu.memory_space<vmem>>)
    %dma_wait3A_1127 = arith.constant 0 : i32
    %dma_wait3A_1128 = tpu.memref_slice %arg4[%add3A_1117, %dma_wait3A_1127] : memref<819200x32xf32, #tpu.memory_space<hbm>> -> memref<512x32xf32, #tpu.memory_space<hbm>>
    %dma_wait3A_1129 = arith.constant 0 : i32
    %dma_wait3A_1130 = tpu.memref_slice %arg4[%add3A_1117, %dma_wait3A_1129] : memref<819200x32xf32, #tpu.memory_space<hbm>> -> memref<512x32xf32, #tpu.memory_space<hbm>>
    tpu.wait_dma2 semaphore(%arg11 : memref<!tpu.dma_semaphore, #tpu.memory_space<semaphore_mem>>) src(%arg6 : memref<512x32xf32, #tpu.memory_space<vmem>>) dst(%dma_wait3A_1130 : memref<512x32xf32, #tpu.memory_space<hbm>>)
    %dma_start3A_1131 = arith.constant 11264 : i32
    %dma_start3A_1132 = tpu.memref_slice %arg5[%dma_start3A_1131] : memref<25600xi32, #tpu.memory_space<vmem>> -> memref<512xi32, #tpu.memory_space<vmem>>
    %dma_start3A_1133 = arith.constant 0 : i32
    %dma_start3A_1134 = arith.constant 0 : i32
    %dma_start3A_1135 = tpu.memref_slice %arg3[%dma_start3A_1133, %dma_start3A_1134] : memref<1000000x32xf32, #tpu.memory_space<hbm>> -> memref<1000000x32xf32, #tpu.memory_space<hbm>>
    tpu.enqueue_indirect_dma source(%dma_start3A_1135 : memref<1000000x32xf32, #tpu.memory_space<hbm>>) target(%arg6 : memref<512x32xf32, #tpu.memory_space<vmem>>) offsets(%dma_start3A_1132 : memref<512xi32, #tpu.memory_space<vmem>>) semaphore(%arg9 : memref<!tpu.dma_semaphore, #tpu.memory_space<semaphore_mem>>)
    %add3A_1136 = arith.constant 344064 : i32
    %add3A_1137 = arith.addi %add3A_1136, %mul3A_2 : i32
    %dma_start3A_1138 = arith.constant 0 : i32
    %dma_start3A_1139 = tpu.memref_slice %arg4[%add3A_1137, %dma_start3A_1138] : memref<819200x32xf32, #tpu.memory_space<hbm>> -> memref<512x32xf32, #tpu.memory_space<hbm>>
    %dma_start3A_1140 = arith.constant 0 : i32
    %dma_start3A_1141 = tpu.memref_slice %arg4[%add3A_1137, %dma_start3A_1140] : memref<819200x32xf32, #tpu.memory_space<hbm>> -> memref<512x32xf32, #tpu.memory_space<hbm>>
    tpu.enqueue_dma source(%arg7 : memref<512x32xf32, #tpu.memory_space<vmem>>) target(%dma_start3A_1141 : memref<512x32xf32, #tpu.memory_space<hbm>>) target_semaphore(%arg12 : memref<!tpu.dma_semaphore, #tpu.memory_space<semaphore_mem>>)
    %dma_wait3A_1142 = arith.constant 11264 : i32
    %dma_wait3A_1143 = tpu.memref_slice %arg5[%dma_wait3A_1142] : memref<25600xi32, #tpu.memory_space<vmem>> -> memref<512xi32, #tpu.memory_space<vmem>>
    %dma_wait3A_1144 = arith.constant 0 : i32
    %dma_wait3A_1145 = arith.constant 0 : i32
    %dma_wait3A_1146 = tpu.memref_slice %arg3[%dma_wait3A_1144, %dma_wait3A_1145] : memref<1000000x32xf32, #tpu.memory_space<hbm>> -> memref<1000000x32xf32, #tpu.memory_space<hbm>>
    tpu.wait_indirect_dma semaphore(%arg9 : memref<!tpu.dma_semaphore, #tpu.memory_space<semaphore_mem>>) src(%dma_wait3A_1146 : memref<1000000x32xf32, #tpu.memory_space<hbm>>) dst(%arg6 : memref<512x32xf32, #tpu.memory_space<vmem>>)
    %dma_wait3A_1147 = arith.constant 0 : i32
    %dma_wait3A_1148 = tpu.memref_slice %arg4[%add3A_1137, %dma_wait3A_1147] : memref<819200x32xf32, #tpu.memory_space<hbm>> -> memref<512x32xf32, #tpu.memory_space<hbm>>
    %dma_wait3A_1149 = arith.constant 0 : i32
    %dma_wait3A_1150 = tpu.memref_slice %arg4[%add3A_1137, %dma_wait3A_1149] : memref<819200x32xf32, #tpu.memory_space<hbm>> -> memref<512x32xf32, #tpu.memory_space<hbm>>
    tpu.wait_dma2 semaphore(%arg12 : memref<!tpu.dma_semaphore, #tpu.memory_space<semaphore_mem>>) src(%arg7 : memref<512x32xf32, #tpu.memory_space<vmem>>) dst(%dma_wait3A_1150 : memref<512x32xf32, #tpu.memory_space<hbm>>)
    %dma_start3A_1151 = arith.constant 11776 : i32
    %dma_start3A_1152 = tpu.memref_slice %arg5[%dma_start3A_1151] : memref<25600xi32, #tpu.memory_space<vmem>> -> memref<512xi32, #tpu.memory_space<vmem>>
    %dma_start3A_1153 = arith.constant 0 : i32
    %dma_start3A_1154 = arith.constant 0 : i32
    %dma_start3A_1155 = tpu.memref_slice %arg3[%dma_start3A_1153, %dma_start3A_1154] : memref<1000000x32xf32, #tpu.memory_space<hbm>> -> memref<1000000x32xf32, #tpu.memory_space<hbm>>
    tpu.enqueue_indirect_dma source(%dma_start3A_1155 : memref<1000000x32xf32, #tpu.memory_space<hbm>>) target(%arg7 : memref<512x32xf32, #tpu.memory_space<vmem>>) offsets(%dma_start3A_1152 : memref<512xi32, #tpu.memory_space<vmem>>) semaphore(%arg10 : memref<!tpu.dma_semaphore, #tpu.memory_space<semaphore_mem>>)
    %add3A_1156 = arith.constant 360448 : i32
    %add3A_1157 = arith.addi %add3A_1156, %mul3A_2 : i32
    %dma_start3A_1158 = arith.constant 0 : i32
    %dma_start3A_1159 = tpu.memref_slice %arg4[%add3A_1157, %dma_start3A_1158] : memref<819200x32xf32, #tpu.memory_space<hbm>> -> memref<512x32xf32, #tpu.memory_space<hbm>>
    %dma_start3A_1160 = arith.constant 0 : i32
    %dma_start3A_1161 = tpu.memref_slice %arg4[%add3A_1157, %dma_start3A_1160] : memref<819200x32xf32, #tpu.memory_space<hbm>> -> memref<512x32xf32, #tpu.memory_space<hbm>>
    tpu.enqueue_dma source(%arg6 : memref<512x32xf32, #tpu.memory_space<vmem>>) target(%dma_start3A_1161 : memref<512x32xf32, #tpu.memory_space<hbm>>) target_semaphore(%arg11 : memref<!tpu.dma_semaphore, #tpu.memory_space<semaphore_mem>>)
    %dma_wait3A_1162 = arith.constant 11776 : i32
    %dma_wait3A_1163 = tpu.memref_slice %arg5[%dma_wait3A_1162] : memref<25600xi32, #tpu.memory_space<vmem>> -> memref<512xi32, #tpu.memory_space<vmem>>
    %dma_wait3A_1164 = arith.constant 0 : i32
    %dma_wait3A_1165 = arith.constant 0 : i32
    %dma_wait3A_1166 = tpu.memref_slice %arg3[%dma_wait3A_1164, %dma_wait3A_1165] : memref<1000000x32xf32, #tpu.memory_space<hbm>> -> memref<1000000x32xf32, #tpu.memory_space<hbm>>
    tpu.wait_indirect_dma semaphore(%arg10 : memref<!tpu.dma_semaphore, #tpu.memory_space<semaphore_mem>>) src(%dma_wait3A_1166 : memref<1000000x32xf32, #tpu.memory_space<hbm>>) dst(%arg7 : memref<512x32xf32, #tpu.memory_space<vmem>>)
    %dma_wait3A_1167 = arith.constant 0 : i32
    %dma_wait3A_1168 = tpu.memref_slice %arg4[%add3A_1157, %dma_wait3A_1167] : memref<819200x32xf32, #tpu.memory_space<hbm>> -> memref<512x32xf32, #tpu.memory_space<hbm>>
    %dma_wait3A_1169 = arith.constant 0 : i32
    %dma_wait3A_1170 = tpu.memref_slice %arg4[%add3A_1157, %dma_wait3A_1169] : memref<819200x32xf32, #tpu.memory_space<hbm>> -> memref<512x32xf32, #tpu.memory_space<hbm>>
    tpu.wait_dma2 semaphore(%arg11 : memref<!tpu.dma_semaphore, #tpu.memory_space<semaphore_mem>>) src(%arg6 : memref<512x32xf32, #tpu.memory_space<vmem>>) dst(%dma_wait3A_1170 : memref<512x32xf32, #tpu.memory_space<hbm>>)
    %dma_start3A_1171 = arith.constant 12288 : i32
    %dma_start3A_1172 = tpu.memref_slice %arg5[%dma_start3A_1171] : memref<25600xi32, #tpu.memory_space<vmem>> -> memref<512xi32, #tpu.memory_space<vmem>>
    %dma_start3A_1173 = arith.constant 0 : i32
    %dma_start3A_1174 = arith.constant 0 : i32
    %dma_start3A_1175 = tpu.memref_slice %arg3[%dma_start3A_1173, %dma_start3A_1174] : memref<1000000x32xf32, #tpu.memory_space<hbm>> -> memref<1000000x32xf32, #tpu.memory_space<hbm>>
    tpu.enqueue_indirect_dma source(%dma_start3A_1175 : memref<1000000x32xf32, #tpu.memory_space<hbm>>) target(%arg6 : memref<512x32xf32, #tpu.memory_space<vmem>>) offsets(%dma_start3A_1172 : memref<512xi32, #tpu.memory_space<vmem>>) semaphore(%arg9 : memref<!tpu.dma_semaphore, #tpu.memory_space<semaphore_mem>>)
    %add3A_1176 = arith.constant 376832 : i32
    %add3A_1177 = arith.addi %add3A_1176, %mul3A_2 : i32
    %dma_start3A_1178 = arith.constant 0 : i32
    %dma_start3A_1179 = tpu.memref_slice %arg4[%add3A_1177, %dma_start3A_1178] : memref<819200x32xf32, #tpu.memory_space<hbm>> -> memref<512x32xf32, #tpu.memory_space<hbm>>
    %dma_start3A_1180 = arith.constant 0 : i32
    %dma_start3A_1181 = tpu.memref_slice %arg4[%add3A_1177, %dma_start3A_1180] : memref<819200x32xf32, #tpu.memory_space<hbm>> -> memref<512x32xf32, #tpu.memory_space<hbm>>
    tpu.enqueue_dma source(%arg7 : memref<512x32xf32, #tpu.memory_space<vmem>>) target(%dma_start3A_1181 : memref<512x32xf32, #tpu.memory_space<hbm>>) target_semaphore(%arg12 : memref<!tpu.dma_semaphore, #tpu.memory_space<semaphore_mem>>)
    %dma_wait3A_1182 = arith.constant 12288 : i32
    %dma_wait3A_1183 = tpu.memref_slice %arg5[%dma_wait3A_1182] : memref<25600xi32, #tpu.memory_space<vmem>> -> memref<512xi32, #tpu.memory_space<vmem>>
    %dma_wait3A_1184 = arith.constant 0 : i32
    %dma_wait3A_1185 = arith.constant 0 : i32
    %dma_wait3A_1186 = tpu.memref_slice %arg3[%dma_wait3A_1184, %dma_wait3A_1185] : memref<1000000x32xf32, #tpu.memory_space<hbm>> -> memref<1000000x32xf32, #tpu.memory_space<hbm>>
    tpu.wait_indirect_dma semaphore(%arg9 : memref<!tpu.dma_semaphore, #tpu.memory_space<semaphore_mem>>) src(%dma_wait3A_1186 : memref<1000000x32xf32, #tpu.memory_space<hbm>>) dst(%arg6 : memref<512x32xf32, #tpu.memory_space<vmem>>)
    %dma_wait3A_1187 = arith.constant 0 : i32
    %dma_wait3A_1188 = tpu.memref_slice %arg4[%add3A_1177, %dma_wait3A_1187] : memref<819200x32xf32, #tpu.memory_space<hbm>> -> memref<512x32xf32, #tpu.memory_space<hbm>>
    %dma_wait3A_1189 = arith.constant 0 : i32
    %dma_wait3A_1190 = tpu.memref_slice %arg4[%add3A_1177, %dma_wait3A_1189] : memref<819200x32xf32, #tpu.memory_space<hbm>> -> memref<512x32xf32, #tpu.memory_space<hbm>>
    tpu.wait_dma2 semaphore(%arg12 : memref<!tpu.dma_semaphore, #tpu.memory_space<semaphore_mem>>) src(%arg7 : memref<512x32xf32, #tpu.memory_space<vmem>>) dst(%dma_wait3A_1190 : memref<512x32xf32, #tpu.memory_space<hbm>>)
    %dma_start3A_1191 = arith.constant 12800 : i32
    %dma_start3A_1192 = tpu.memref_slice %arg5[%dma_start3A_1191] : memref<25600xi32, #tpu.memory_space<vmem>> -> memref<512xi32, #tpu.memory_space<vmem>>
    %dma_start3A_1193 = arith.constant 0 : i32
    %dma_start3A_1194 = arith.constant 0 : i32
    %dma_start3A_1195 = tpu.memref_slice %arg3[%dma_start3A_1193, %dma_start3A_1194] : memref<1000000x32xf32, #tpu.memory_space<hbm>> -> memref<1000000x32xf32, #tpu.memory_space<hbm>>
    tpu.enqueue_indirect_dma source(%dma_start3A_1195 : memref<1000000x32xf32, #tpu.memory_space<hbm>>) target(%arg7 : memref<512x32xf32, #tpu.memory_space<vmem>>) offsets(%dma_start3A_1192 : memref<512xi32, #tpu.memory_space<vmem>>) semaphore(%arg10 : memref<!tpu.dma_semaphore, #tpu.memory_space<semaphore_mem>>)
    %add3A_1196 = arith.constant 393216 : i32
    %add3A_1197 = arith.addi %add3A_1196, %mul3A_2 : i32
    %dma_start3A_1198 = arith.constant 0 : i32
    %dma_start3A_1199 = tpu.memref_slice %arg4[%add3A_1197, %dma_start3A_1198] : memref<819200x32xf32, #tpu.memory_space<hbm>> -> memref<512x32xf32, #tpu.memory_space<hbm>>
    %dma_start3A_1200 = arith.constant 0 : i32
    %dma_start3A_1201 = tpu.memref_slice %arg4[%add3A_1197, %dma_start3A_1200] : memref<819200x32xf32, #tpu.memory_space<hbm>> -> memref<512x32xf32, #tpu.memory_space<hbm>>
    tpu.enqueue_dma source(%arg6 : memref<512x32xf32, #tpu.memory_space<vmem>>) target(%dma_start3A_1201 : memref<512x32xf32, #tpu.memory_space<hbm>>) target_semaphore(%arg11 : memref<!tpu.dma_semaphore, #tpu.memory_space<semaphore_mem>>)
    %dma_wait3A_1202 = arith.constant 12800 : i32
    %dma_wait3A_1203 = tpu.memref_slice %arg5[%dma_wait3A_1202] : memref<25600xi32, #tpu.memory_space<vmem>> -> memref<512xi32, #tpu.memory_space<vmem>>
    %dma_wait3A_1204 = arith.constant 0 : i32
    %dma_wait3A_1205 = arith.constant 0 : i32
    %dma_wait3A_1206 = tpu.memref_slice %arg3[%dma_wait3A_1204, %dma_wait3A_1205] : memref<1000000x32xf32, #tpu.memory_space<hbm>> -> memref<1000000x32xf32, #tpu.memory_space<hbm>>
    tpu.wait_indirect_dma semaphore(%arg10 : memref<!tpu.dma_semaphore, #tpu.memory_space<semaphore_mem>>) src(%dma_wait3A_1206 : memref<1000000x32xf32, #tpu.memory_space<hbm>>) dst(%arg7 : memref<512x32xf32, #tpu.memory_space<vmem>>)
    %dma_wait3A_1207 = arith.constant 0 : i32
    %dma_wait3A_1208 = tpu.memref_slice %arg4[%add3A_1197, %dma_wait3A_1207] : memref<819200x32xf32, #tpu.memory_space<hbm>> -> memref<512x32xf32, #tpu.memory_space<hbm>>
    %dma_wait3A_1209 = arith.constant 0 : i32
    %dma_wait3A_1210 = tpu.memref_slice %arg4[%add3A_1197, %dma_wait3A_1209] : memref<819200x32xf32, #tpu.memory_space<hbm>> -> memref<512x32xf32, #tpu.memory_space<hbm>>
    tpu.wait_dma2 semaphore(%arg11 : memref<!tpu.dma_semaphore, #tpu.memory_space<semaphore_mem>>) src(%arg6 : memref<512x32xf32, #tpu.memory_space<vmem>>) dst(%dma_wait3A_1210 : memref<512x32xf32, #tpu.memory_space<hbm>>)
    %dma_start3A_1211 = arith.constant 13312 : i32
    %dma_start3A_1212 = tpu.memref_slice %arg5[%dma_start3A_1211] : memref<25600xi32, #tpu.memory_space<vmem>> -> memref<512xi32, #tpu.memory_space<vmem>>
    %dma_start3A_1213 = arith.constant 0 : i32
    %dma_start3A_1214 = arith.constant 0 : i32
    %dma_start3A_1215 = tpu.memref_slice %arg3[%dma_start3A_1213, %dma_start3A_1214] : memref<1000000x32xf32, #tpu.memory_space<hbm>> -> memref<1000000x32xf32, #tpu.memory_space<hbm>>
    tpu.enqueue_indirect_dma source(%dma_start3A_1215 : memref<1000000x32xf32, #tpu.memory_space<hbm>>) target(%arg6 : memref<512x32xf32, #tpu.memory_space<vmem>>) offsets(%dma_start3A_1212 : memref<512xi32, #tpu.memory_space<vmem>>) semaphore(%arg9 : memref<!tpu.dma_semaphore, #tpu.memory_space<semaphore_mem>>)
    %add3A_1216 = arith.constant 409600 : i32
    %add3A_1217 = arith.addi %add3A_1216, %mul3A_2 : i32
    %dma_start3A_1218 = arith.constant 0 : i32
    %dma_start3A_1219 = tpu.memref_slice %arg4[%add3A_1217, %dma_start3A_1218] : memref<819200x32xf32, #tpu.memory_space<hbm>> -> memref<512x32xf32, #tpu.memory_space<hbm>>
    %dma_start3A_1220 = arith.constant 0 : i32
    %dma_start3A_1221 = tpu.memref_slice %arg4[%add3A_1217, %dma_start3A_1220] : memref<819200x32xf32, #tpu.memory_space<hbm>> -> memref<512x32xf32, #tpu.memory_space<hbm>>
    tpu.enqueue_dma source(%arg7 : memref<512x32xf32, #tpu.memory_space<vmem>>) target(%dma_start3A_1221 : memref<512x32xf32, #tpu.memory_space<hbm>>) target_semaphore(%arg12 : memref<!tpu.dma_semaphore, #tpu.memory_space<semaphore_mem>>)
    %dma_wait3A_1222 = arith.constant 13312 : i32
    %dma_wait3A_1223 = tpu.memref_slice %arg5[%dma_wait3A_1222] : memref<25600xi32, #tpu.memory_space<vmem>> -> memref<512xi32, #tpu.memory_space<vmem>>
    %dma_wait3A_1224 = arith.constant 0 : i32
    %dma_wait3A_1225 = arith.constant 0 : i32
    %dma_wait3A_1226 = tpu.memref_slice %arg3[%dma_wait3A_1224, %dma_wait3A_1225] : memref<1000000x32xf32, #tpu.memory_space<hbm>> -> memref<1000000x32xf32, #tpu.memory_space<hbm>>
    tpu.wait_indirect_dma semaphore(%arg9 : memref<!tpu.dma_semaphore, #tpu.memory_space<semaphore_mem>>) src(%dma_wait3A_1226 : memref<1000000x32xf32, #tpu.memory_space<hbm>>) dst(%arg6 : memref<512x32xf32, #tpu.memory_space<vmem>>)
    %dma_wait3A_1227 = arith.constant 0 : i32
    %dma_wait3A_1228 = tpu.memref_slice %arg4[%add3A_1217, %dma_wait3A_1227] : memref<819200x32xf32, #tpu.memory_space<hbm>> -> memref<512x32xf32, #tpu.memory_space<hbm>>
    %dma_wait3A_1229 = arith.constant 0 : i32
    %dma_wait3A_1230 = tpu.memref_slice %arg4[%add3A_1217, %dma_wait3A_1229] : memref<819200x32xf32, #tpu.memory_space<hbm>> -> memref<512x32xf32, #tpu.memory_space<hbm>>
    tpu.wait_dma2 semaphore(%arg12 : memref<!tpu.dma_semaphore, #tpu.memory_space<semaphore_mem>>) src(%arg7 : memref<512x32xf32, #tpu.memory_space<vmem>>) dst(%dma_wait3A_1230 : memref<512x32xf32, #tpu.memory_space<hbm>>)
    %dma_start3A_1231 = arith.constant 13824 : i32
    %dma_start3A_1232 = tpu.memref_slice %arg5[%dma_start3A_1231] : memref<25600xi32, #tpu.memory_space<vmem>> -> memref<512xi32, #tpu.memory_space<vmem>>
    %dma_start3A_1233 = arith.constant 0 : i32
    %dma_start3A_1234 = arith.constant 0 : i32
    %dma_start3A_1235 = tpu.memref_slice %arg3[%dma_start3A_1233, %dma_start3A_1234] : memref<1000000x32xf32, #tpu.memory_space<hbm>> -> memref<1000000x32xf32, #tpu.memory_space<hbm>>
    tpu.enqueue_indirect_dma source(%dma_start3A_1235 : memref<1000000x32xf32, #tpu.memory_space<hbm>>) target(%arg7 : memref<512x32xf32, #tpu.memory_space<vmem>>) offsets(%dma_start3A_1232 : memref<512xi32, #tpu.memory_space<vmem>>) semaphore(%arg10 : memref<!tpu.dma_semaphore, #tpu.memory_space<semaphore_mem>>)
    %add3A_1236 = arith.constant 425984 : i32
    %add3A_1237 = arith.addi %add3A_1236, %mul3A_2 : i32
    %dma_start3A_1238 = arith.constant 0 : i32
    %dma_start3A_1239 = tpu.memref_slice %arg4[%add3A_1237, %dma_start3A_1238] : memref<819200x32xf32, #tpu.memory_space<hbm>> -> memref<512x32xf32, #tpu.memory_space<hbm>>
    %dma_start3A_1240 = arith.constant 0 : i32
    %dma_start3A_1241 = tpu.memref_slice %arg4[%add3A_1237, %dma_start3A_1240] : memref<819200x32xf32, #tpu.memory_space<hbm>> -> memref<512x32xf32, #tpu.memory_space<hbm>>
    tpu.enqueue_dma source(%arg6 : memref<512x32xf32, #tpu.memory_space<vmem>>) target(%dma_start3A_1241 : memref<512x32xf32, #tpu.memory_space<hbm>>) target_semaphore(%arg11 : memref<!tpu.dma_semaphore, #tpu.memory_space<semaphore_mem>>)
    %dma_wait3A_1242 = arith.constant 13824 : i32
    %dma_wait3A_1243 = tpu.memref_slice %arg5[%dma_wait3A_1242] : memref<25600xi32, #tpu.memory_space<vmem>> -> memref<512xi32, #tpu.memory_space<vmem>>
    %dma_wait3A_1244 = arith.constant 0 : i32
    %dma_wait3A_1245 = arith.constant 0 : i32
    %dma_wait3A_1246 = tpu.memref_slice %arg3[%dma_wait3A_1244, %dma_wait3A_1245] : memref<1000000x32xf32, #tpu.memory_space<hbm>> -> memref<1000000x32xf32, #tpu.memory_space<hbm>>
    tpu.wait_indirect_dma semaphore(%arg10 : memref<!tpu.dma_semaphore, #tpu.memory_space<semaphore_mem>>) src(%dma_wait3A_1246 : memref<1000000x32xf32, #tpu.memory_space<hbm>>) dst(%arg7 : memref<512x32xf32, #tpu.memory_space<vmem>>)
    %dma_wait3A_1247 = arith.constant 0 : i32
    %dma_wait3A_1248 = tpu.memref_slice %arg4[%add3A_1237, %dma_wait3A_1247] : memref<819200x32xf32, #tpu.memory_space<hbm>> -> memref<512x32xf32, #tpu.memory_space<hbm>>
    %dma_wait3A_1249 = arith.constant 0 : i32
    %dma_wait3A_1250 = tpu.memref_slice %arg4[%add3A_1237, %dma_wait3A_1249] : memref<819200x32xf32, #tpu.memory_space<hbm>> -> memref<512x32xf32, #tpu.memory_space<hbm>>
    tpu.wait_dma2 semaphore(%arg11 : memref<!tpu.dma_semaphore, #tpu.memory_space<semaphore_mem>>) src(%arg6 : memref<512x32xf32, #tpu.memory_space<vmem>>) dst(%dma_wait3A_1250 : memref<512x32xf32, #tpu.memory_space<hbm>>)
    %dma_start3A_1251 = arith.constant 14336 : i32
    %dma_start3A_1252 = tpu.memref_slice %arg5[%dma_start3A_1251] : memref<25600xi32, #tpu.memory_space<vmem>> -> memref<512xi32, #tpu.memory_space<vmem>>
    %dma_start3A_1253 = arith.constant 0 : i32
    %dma_start3A_1254 = arith.constant 0 : i32
    %dma_start3A_1255 = tpu.memref_slice %arg3[%dma_start3A_1253, %dma_start3A_1254] : memref<1000000x32xf32, #tpu.memory_space<hbm>> -> memref<1000000x32xf32, #tpu.memory_space<hbm>>
    tpu.enqueue_indirect_dma source(%dma_start3A_1255 : memref<1000000x32xf32, #tpu.memory_space<hbm>>) target(%arg6 : memref<512x32xf32, #tpu.memory_space<vmem>>) offsets(%dma_start3A_1252 : memref<512xi32, #tpu.memory_space<vmem>>) semaphore(%arg9 : memref<!tpu.dma_semaphore, #tpu.memory_space<semaphore_mem>>)
    %add3A_1256 = arith.constant 442368 : i32
    %add3A_1257 = arith.addi %add3A_1256, %mul3A_2 : i32
    %dma_start3A_1258 = arith.constant 0 : i32
    %dma_start3A_1259 = tpu.memref_slice %arg4[%add3A_1257, %dma_start3A_1258] : memref<819200x32xf32, #tpu.memory_space<hbm>> -> memref<512x32xf32, #tpu.memory_space<hbm>>
    %dma_start3A_1260 = arith.constant 0 : i32
    %dma_start3A_1261 = tpu.memref_slice %arg4[%add3A_1257, %dma_start3A_1260] : memref<819200x32xf32, #tpu.memory_space<hbm>> -> memref<512x32xf32, #tpu.memory_space<hbm>>
    tpu.enqueue_dma source(%arg7 : memref<512x32xf32, #tpu.memory_space<vmem>>) target(%dma_start3A_1261 : memref<512x32xf32, #tpu.memory_space<hbm>>) target_semaphore(%arg12 : memref<!tpu.dma_semaphore, #tpu.memory_space<semaphore_mem>>)
    %dma_wait3A_1262 = arith.constant 14336 : i32
    %dma_wait3A_1263 = tpu.memref_slice %arg5[%dma_wait3A_1262] : memref<25600xi32, #tpu.memory_space<vmem>> -> memref<512xi32, #tpu.memory_space<vmem>>
    %dma_wait3A_1264 = arith.constant 0 : i32
    %dma_wait3A_1265 = arith.constant 0 : i32
    %dma_wait3A_1266 = tpu.memref_slice %arg3[%dma_wait3A_1264, %dma_wait3A_1265] : memref<1000000x32xf32, #tpu.memory_space<hbm>> -> memref<1000000x32xf32, #tpu.memory_space<hbm>>
    tpu.wait_indirect_dma semaphore(%arg9 : memref<!tpu.dma_semaphore, #tpu.memory_space<semaphore_mem>>) src(%dma_wait3A_1266 : memref<1000000x32xf32, #tpu.memory_space<hbm>>) dst(%arg6 : memref<512x32xf32, #tpu.memory_space<vmem>>)
    %dma_wait3A_1267 = arith.constant 0 : i32
    %dma_wait3A_1268 = tpu.memref_slice %arg4[%add3A_1257, %dma_wait3A_1267] : memref<819200x32xf32, #tpu.memory_space<hbm>> -> memref<512x32xf32, #tpu.memory_space<hbm>>
    %dma_wait3A_1269 = arith.constant 0 : i32
    %dma_wait3A_1270 = tpu.memref_slice %arg4[%add3A_1257, %dma_wait3A_1269] : memref<819200x32xf32, #tpu.memory_space<hbm>> -> memref<512x32xf32, #tpu.memory_space<hbm>>
    tpu.wait_dma2 semaphore(%arg12 : memref<!tpu.dma_semaphore, #tpu.memory_space<semaphore_mem>>) src(%arg7 : memref<512x32xf32, #tpu.memory_space<vmem>>) dst(%dma_wait3A_1270 : memref<512x32xf32, #tpu.memory_space<hbm>>)
    %dma_start3A_1271 = arith.constant 14848 : i32
    %dma_start3A_1272 = tpu.memref_slice %arg5[%dma_start3A_1271] : memref<25600xi32, #tpu.memory_space<vmem>> -> memref<512xi32, #tpu.memory_space<vmem>>
    %dma_start3A_1273 = arith.constant 0 : i32
    %dma_start3A_1274 = arith.constant 0 : i32
    %dma_start3A_1275 = tpu.memref_slice %arg3[%dma_start3A_1273, %dma_start3A_1274] : memref<1000000x32xf32, #tpu.memory_space<hbm>> -> memref<1000000x32xf32, #tpu.memory_space<hbm>>
    tpu.enqueue_indirect_dma source(%dma_start3A_1275 : memref<1000000x32xf32, #tpu.memory_space<hbm>>) target(%arg7 : memref<512x32xf32, #tpu.memory_space<vmem>>) offsets(%dma_start3A_1272 : memref<512xi32, #tpu.memory_space<vmem>>) semaphore(%arg10 : memref<!tpu.dma_semaphore, #tpu.memory_space<semaphore_mem>>)
    %add3A_1276 = arith.constant 458752 : i32
    %add3A_1277 = arith.addi %add3A_1276, %mul3A_2 : i32
    %dma_start3A_1278 = arith.constant 0 : i32
    %dma_start3A_1279 = tpu.memref_slice %arg4[%add3A_1277, %dma_start3A_1278] : memref<819200x32xf32, #tpu.memory_space<hbm>> -> memref<512x32xf32, #tpu.memory_space<hbm>>
    %dma_start3A_1280 = arith.constant 0 : i32
    %dma_start3A_1281 = tpu.memref_slice %arg4[%add3A_1277, %dma_start3A_1280] : memref<819200x32xf32, #tpu.memory_space<hbm>> -> memref<512x32xf32, #tpu.memory_space<hbm>>
    tpu.enqueue_dma source(%arg6 : memref<512x32xf32, #tpu.memory_space<vmem>>) target(%dma_start3A_1281 : memref<512x32xf32, #tpu.memory_space<hbm>>) target_semaphore(%arg11 : memref<!tpu.dma_semaphore, #tpu.memory_space<semaphore_mem>>)
    %dma_wait3A_1282 = arith.constant 14848 : i32
    %dma_wait3A_1283 = tpu.memref_slice %arg5[%dma_wait3A_1282] : memref<25600xi32, #tpu.memory_space<vmem>> -> memref<512xi32, #tpu.memory_space<vmem>>
    %dma_wait3A_1284 = arith.constant 0 : i32
    %dma_wait3A_1285 = arith.constant 0 : i32
    %dma_wait3A_1286 = tpu.memref_slice %arg3[%dma_wait3A_1284, %dma_wait3A_1285] : memref<1000000x32xf32, #tpu.memory_space<hbm>> -> memref<1000000x32xf32, #tpu.memory_space<hbm>>
    tpu.wait_indirect_dma semaphore(%arg10 : memref<!tpu.dma_semaphore, #tpu.memory_space<semaphore_mem>>) src(%dma_wait3A_1286 : memref<1000000x32xf32, #tpu.memory_space<hbm>>) dst(%arg7 : memref<512x32xf32, #tpu.memory_space<vmem>>)
    %dma_wait3A_1287 = arith.constant 0 : i32
    %dma_wait3A_1288 = tpu.memref_slice %arg4[%add3A_1277, %dma_wait3A_1287] : memref<819200x32xf32, #tpu.memory_space<hbm>> -> memref<512x32xf32, #tpu.memory_space<hbm>>
    %dma_wait3A_1289 = arith.constant 0 : i32
    %dma_wait3A_1290 = tpu.memref_slice %arg4[%add3A_1277, %dma_wait3A_1289] : memref<819200x32xf32, #tpu.memory_space<hbm>> -> memref<512x32xf32, #tpu.memory_space<hbm>>
    tpu.wait_dma2 semaphore(%arg11 : memref<!tpu.dma_semaphore, #tpu.memory_space<semaphore_mem>>) src(%arg6 : memref<512x32xf32, #tpu.memory_space<vmem>>) dst(%dma_wait3A_1290 : memref<512x32xf32, #tpu.memory_space<hbm>>)
    %dma_start3A_1291 = arith.constant 15360 : i32
    %dma_start3A_1292 = tpu.memref_slice %arg5[%dma_start3A_1291] : memref<25600xi32, #tpu.memory_space<vmem>> -> memref<512xi32, #tpu.memory_space<vmem>>
    %dma_start3A_1293 = arith.constant 0 : i32
    %dma_start3A_1294 = arith.constant 0 : i32
    %dma_start3A_1295 = tpu.memref_slice %arg3[%dma_start3A_1293, %dma_start3A_1294] : memref<1000000x32xf32, #tpu.memory_space<hbm>> -> memref<1000000x32xf32, #tpu.memory_space<hbm>>
    tpu.enqueue_indirect_dma source(%dma_start3A_1295 : memref<1000000x32xf32, #tpu.memory_space<hbm>>) target(%arg6 : memref<512x32xf32, #tpu.memory_space<vmem>>) offsets(%dma_start3A_1292 : memref<512xi32, #tpu.memory_space<vmem>>) semaphore(%arg9 : memref<!tpu.dma_semaphore, #tpu.memory_space<semaphore_mem>>)
    %add3A_1296 = arith.constant 475136 : i32
    %add3A_1297 = arith.addi %add3A_1296, %mul3A_2 : i32
    %dma_start3A_1298 = arith.constant 0 : i32
    %dma_start3A_1299 = tpu.memref_slice %arg4[%add3A_1297, %dma_start3A_1298] : memref<819200x32xf32, #tpu.memory_space<hbm>> -> memref<512x32xf32, #tpu.memory_space<hbm>>
    %dma_start3A_1300 = arith.constant 0 : i32
    %dma_start3A_1301 = tpu.memref_slice %arg4[%add3A_1297, %dma_start3A_1300] : memref<819200x32xf32, #tpu.memory_space<hbm>> -> memref<512x32xf32, #tpu.memory_space<hbm>>
    tpu.enqueue_dma source(%arg7 : memref<512x32xf32, #tpu.memory_space<vmem>>) target(%dma_start3A_1301 : memref<512x32xf32, #tpu.memory_space<hbm>>) target_semaphore(%arg12 : memref<!tpu.dma_semaphore, #tpu.memory_space<semaphore_mem>>)
    %dma_wait3A_1302 = arith.constant 15360 : i32
    %dma_wait3A_1303 = tpu.memref_slice %arg5[%dma_wait3A_1302] : memref<25600xi32, #tpu.memory_space<vmem>> -> memref<512xi32, #tpu.memory_space<vmem>>
    %dma_wait3A_1304 = arith.constant 0 : i32
    %dma_wait3A_1305 = arith.constant 0 : i32
    %dma_wait3A_1306 = tpu.memref_slice %arg3[%dma_wait3A_1304, %dma_wait3A_1305] : memref<1000000x32xf32, #tpu.memory_space<hbm>> -> memref<1000000x32xf32, #tpu.memory_space<hbm>>
    tpu.wait_indirect_dma semaphore(%arg9 : memref<!tpu.dma_semaphore, #tpu.memory_space<semaphore_mem>>) src(%dma_wait3A_1306 : memref<1000000x32xf32, #tpu.memory_space<hbm>>) dst(%arg6 : memref<512x32xf32, #tpu.memory_space<vmem>>)
    %dma_wait3A_1307 = arith.constant 0 : i32
    %dma_wait3A_1308 = tpu.memref_slice %arg4[%add3A_1297, %dma_wait3A_1307] : memref<819200x32xf32, #tpu.memory_space<hbm>> -> memref<512x32xf32, #tpu.memory_space<hbm>>
    %dma_wait3A_1309 = arith.constant 0 : i32
    %dma_wait3A_1310 = tpu.memref_slice %arg4[%add3A_1297, %dma_wait3A_1309] : memref<819200x32xf32, #tpu.memory_space<hbm>> -> memref<512x32xf32, #tpu.memory_space<hbm>>
    tpu.wait_dma2 semaphore(%arg12 : memref<!tpu.dma_semaphore, #tpu.memory_space<semaphore_mem>>) src(%arg7 : memref<512x32xf32, #tpu.memory_space<vmem>>) dst(%dma_wait3A_1310 : memref<512x32xf32, #tpu.memory_space<hbm>>)
    %dma_start3A_1311 = arith.constant 15872 : i32
    %dma_start3A_1312 = tpu.memref_slice %arg5[%dma_start3A_1311] : memref<25600xi32, #tpu.memory_space<vmem>> -> memref<512xi32, #tpu.memory_space<vmem>>
    %dma_start3A_1313 = arith.constant 0 : i32
    %dma_start3A_1314 = arith.constant 0 : i32
    %dma_start3A_1315 = tpu.memref_slice %arg3[%dma_start3A_1313, %dma_start3A_1314] : memref<1000000x32xf32, #tpu.memory_space<hbm>> -> memref<1000000x32xf32, #tpu.memory_space<hbm>>
    tpu.enqueue_indirect_dma source(%dma_start3A_1315 : memref<1000000x32xf32, #tpu.memory_space<hbm>>) target(%arg7 : memref<512x32xf32, #tpu.memory_space<vmem>>) offsets(%dma_start3A_1312 : memref<512xi32, #tpu.memory_space<vmem>>) semaphore(%arg10 : memref<!tpu.dma_semaphore, #tpu.memory_space<semaphore_mem>>)
    %add3A_1316 = arith.constant 491520 : i32
    %add3A_1317 = arith.addi %add3A_1316, %mul3A_2 : i32
    %dma_start3A_1318 = arith.constant 0 : i32
    %dma_start3A_1319 = tpu.memref_slice %arg4[%add3A_1317, %dma_start3A_1318] : memref<819200x32xf32, #tpu.memory_space<hbm>> -> memref<512x32xf32, #tpu.memory_space<hbm>>
    %dma_start3A_1320 = arith.constant 0 : i32
    %dma_start3A_1321 = tpu.memref_slice %arg4[%add3A_1317, %dma_start3A_1320] : memref<819200x32xf32, #tpu.memory_space<hbm>> -> memref<512x32xf32, #tpu.memory_space<hbm>>
    tpu.enqueue_dma source(%arg6 : memref<512x32xf32, #tpu.memory_space<vmem>>) target(%dma_start3A_1321 : memref<512x32xf32, #tpu.memory_space<hbm>>) target_semaphore(%arg11 : memref<!tpu.dma_semaphore, #tpu.memory_space<semaphore_mem>>)
    %dma_wait3A_1322 = arith.constant 15872 : i32
    %dma_wait3A_1323 = tpu.memref_slice %arg5[%dma_wait3A_1322] : memref<25600xi32, #tpu.memory_space<vmem>> -> memref<512xi32, #tpu.memory_space<vmem>>
    %dma_wait3A_1324 = arith.constant 0 : i32
    %dma_wait3A_1325 = arith.constant 0 : i32
    %dma_wait3A_1326 = tpu.memref_slice %arg3[%dma_wait3A_1324, %dma_wait3A_1325] : memref<1000000x32xf32, #tpu.memory_space<hbm>> -> memref<1000000x32xf32, #tpu.memory_space<hbm>>
    tpu.wait_indirect_dma semaphore(%arg10 : memref<!tpu.dma_semaphore, #tpu.memory_space<semaphore_mem>>) src(%dma_wait3A_1326 : memref<1000000x32xf32, #tpu.memory_space<hbm>>) dst(%arg7 : memref<512x32xf32, #tpu.memory_space<vmem>>)
    %dma_wait3A_1327 = arith.constant 0 : i32
    %dma_wait3A_1328 = tpu.memref_slice %arg4[%add3A_1317, %dma_wait3A_1327] : memref<819200x32xf32, #tpu.memory_space<hbm>> -> memref<512x32xf32, #tpu.memory_space<hbm>>
    %dma_wait3A_1329 = arith.constant 0 : i32
    %dma_wait3A_1330 = tpu.memref_slice %arg4[%add3A_1317, %dma_wait3A_1329] : memref<819200x32xf32, #tpu.memory_space<hbm>> -> memref<512x32xf32, #tpu.memory_space<hbm>>
    tpu.wait_dma2 semaphore(%arg11 : memref<!tpu.dma_semaphore, #tpu.memory_space<semaphore_mem>>) src(%arg6 : memref<512x32xf32, #tpu.memory_space<vmem>>) dst(%dma_wait3A_1330 : memref<512x32xf32, #tpu.memory_space<hbm>>)
    %dma_start3A_1331 = arith.constant 16384 : i32
    %dma_start3A_1332 = tpu.memref_slice %arg5[%dma_start3A_1331] : memref<25600xi32, #tpu.memory_space<vmem>> -> memref<512xi32, #tpu.memory_space<vmem>>
    %dma_start3A_1333 = arith.constant 0 : i32
    %dma_start3A_1334 = arith.constant 0 : i32
    %dma_start3A_1335 = tpu.memref_slice %arg3[%dma_start3A_1333, %dma_start3A_1334] : memref<1000000x32xf32, #tpu.memory_space<hbm>> -> memref<1000000x32xf32, #tpu.memory_space<hbm>>
    tpu.enqueue_indirect_dma source(%dma_start3A_1335 : memref<1000000x32xf32, #tpu.memory_space<hbm>>) target(%arg6 : memref<512x32xf32, #tpu.memory_space<vmem>>) offsets(%dma_start3A_1332 : memref<512xi32, #tpu.memory_space<vmem>>) semaphore(%arg9 : memref<!tpu.dma_semaphore, #tpu.memory_space<semaphore_mem>>)
    %add3A_1336 = arith.constant 507904 : i32
    %add3A_1337 = arith.addi %add3A_1336, %mul3A_2 : i32
    %dma_start3A_1338 = arith.constant 0 : i32
    %dma_start3A_1339 = tpu.memref_slice %arg4[%add3A_1337, %dma_start3A_1338] : memref<819200x32xf32, #tpu.memory_space<hbm>> -> memref<512x32xf32, #tpu.memory_space<hbm>>
    %dma_start3A_1340 = arith.constant 0 : i32
    %dma_start3A_1341 = tpu.memref_slice %arg4[%add3A_1337, %dma_start3A_1340] : memref<819200x32xf32, #tpu.memory_space<hbm>> -> memref<512x32xf32, #tpu.memory_space<hbm>>
    tpu.enqueue_dma source(%arg7 : memref<512x32xf32, #tpu.memory_space<vmem>>) target(%dma_start3A_1341 : memref<512x32xf32, #tpu.memory_space<hbm>>) target_semaphore(%arg12 : memref<!tpu.dma_semaphore, #tpu.memory_space<semaphore_mem>>)
    %dma_wait3A_1342 = arith.constant 16384 : i32
    %dma_wait3A_1343 = tpu.memref_slice %arg5[%dma_wait3A_1342] : memref<25600xi32, #tpu.memory_space<vmem>> -> memref<512xi32, #tpu.memory_space<vmem>>
    %dma_wait3A_1344 = arith.constant 0 : i32
    %dma_wait3A_1345 = arith.constant 0 : i32
    %dma_wait3A_1346 = tpu.memref_slice %arg3[%dma_wait3A_1344, %dma_wait3A_1345] : memref<1000000x32xf32, #tpu.memory_space<hbm>> -> memref<1000000x32xf32, #tpu.memory_space<hbm>>
    tpu.wait_indirect_dma semaphore(%arg9 : memref<!tpu.dma_semaphore, #tpu.memory_space<semaphore_mem>>) src(%dma_wait3A_1346 : memref<1000000x32xf32, #tpu.memory_space<hbm>>) dst(%arg6 : memref<512x32xf32, #tpu.memory_space<vmem>>)
    %dma_wait3A_1347 = arith.constant 0 : i32
    %dma_wait3A_1348 = tpu.memref_slice %arg4[%add3A_1337, %dma_wait3A_1347] : memref<819200x32xf32, #tpu.memory_space<hbm>> -> memref<512x32xf32, #tpu.memory_space<hbm>>
    %dma_wait3A_1349 = arith.constant 0 : i32
    %dma_wait3A_1350 = tpu.memref_slice %arg4[%add3A_1337, %dma_wait3A_1349] : memref<819200x32xf32, #tpu.memory_space<hbm>> -> memref<512x32xf32, #tpu.memory_space<hbm>>
    tpu.wait_dma2 semaphore(%arg12 : memref<!tpu.dma_semaphore, #tpu.memory_space<semaphore_mem>>) src(%arg7 : memref<512x32xf32, #tpu.memory_space<vmem>>) dst(%dma_wait3A_1350 : memref<512x32xf32, #tpu.memory_space<hbm>>)
    %dma_start3A_1351 = arith.constant 16896 : i32
    %dma_start3A_1352 = tpu.memref_slice %arg5[%dma_start3A_1351] : memref<25600xi32, #tpu.memory_space<vmem>> -> memref<512xi32, #tpu.memory_space<vmem>>
    %dma_start3A_1353 = arith.constant 0 : i32
    %dma_start3A_1354 = arith.constant 0 : i32
    %dma_start3A_1355 = tpu.memref_slice %arg3[%dma_start3A_1353, %dma_start3A_1354] : memref<1000000x32xf32, #tpu.memory_space<hbm>> -> memref<1000000x32xf32, #tpu.memory_space<hbm>>
    tpu.enqueue_indirect_dma source(%dma_start3A_1355 : memref<1000000x32xf32, #tpu.memory_space<hbm>>) target(%arg7 : memref<512x32xf32, #tpu.memory_space<vmem>>) offsets(%dma_start3A_1352 : memref<512xi32, #tpu.memory_space<vmem>>) semaphore(%arg10 : memref<!tpu.dma_semaphore, #tpu.memory_space<semaphore_mem>>)
    %add3A_1356 = arith.constant 524288 : i32
    %add3A_1357 = arith.addi %add3A_1356, %mul3A_2 : i32
    %dma_start3A_1358 = arith.constant 0 : i32
    %dma_start3A_1359 = tpu.memref_slice %arg4[%add3A_1357, %dma_start3A_1358] : memref<819200x32xf32, #tpu.memory_space<hbm>> -> memref<512x32xf32, #tpu.memory_space<hbm>>
    %dma_start3A_1360 = arith.constant 0 : i32
    %dma_start3A_1361 = tpu.memref_slice %arg4[%add3A_1357, %dma_start3A_1360] : memref<819200x32xf32, #tpu.memory_space<hbm>> -> memref<512x32xf32, #tpu.memory_space<hbm>>
    tpu.enqueue_dma source(%arg6 : memref<512x32xf32, #tpu.memory_space<vmem>>) target(%dma_start3A_1361 : memref<512x32xf32, #tpu.memory_space<hbm>>) target_semaphore(%arg11 : memref<!tpu.dma_semaphore, #tpu.memory_space<semaphore_mem>>)
    %dma_wait3A_1362 = arith.constant 16896 : i32
    %dma_wait3A_1363 = tpu.memref_slice %arg5[%dma_wait3A_1362] : memref<25600xi32, #tpu.memory_space<vmem>> -> memref<512xi32, #tpu.memory_space<vmem>>
    %dma_wait3A_1364 = arith.constant 0 : i32
    %dma_wait3A_1365 = arith.constant 0 : i32
    %dma_wait3A_1366 = tpu.memref_slice %arg3[%dma_wait3A_1364, %dma_wait3A_1365] : memref<1000000x32xf32, #tpu.memory_space<hbm>> -> memref<1000000x32xf32, #tpu.memory_space<hbm>>
    tpu.wait_indirect_dma semaphore(%arg10 : memref<!tpu.dma_semaphore, #tpu.memory_space<semaphore_mem>>) src(%dma_wait3A_1366 : memref<1000000x32xf32, #tpu.memory_space<hbm>>) dst(%arg7 : memref<512x32xf32, #tpu.memory_space<vmem>>)
    %dma_wait3A_1367 = arith.constant 0 : i32
    %dma_wait3A_1368 = tpu.memref_slice %arg4[%add3A_1357, %dma_wait3A_1367] : memref<819200x32xf32, #tpu.memory_space<hbm>> -> memref<512x32xf32, #tpu.memory_space<hbm>>
    %dma_wait3A_1369 = arith.constant 0 : i32
    %dma_wait3A_1370 = tpu.memref_slice %arg4[%add3A_1357, %dma_wait3A_1369] : memref<819200x32xf32, #tpu.memory_space<hbm>> -> memref<512x32xf32, #tpu.memory_space<hbm>>
    tpu.wait_dma2 semaphore(%arg11 : memref<!tpu.dma_semaphore, #tpu.memory_space<semaphore_mem>>) src(%arg6 : memref<512x32xf32, #tpu.memory_space<vmem>>) dst(%dma_wait3A_1370 : memref<512x32xf32, #tpu.memory_space<hbm>>)
    %dma_start3A_1371 = arith.constant 17408 : i32
    %dma_start3A_1372 = tpu.memref_slice %arg5[%dma_start3A_1371] : memref<25600xi32, #tpu.memory_space<vmem>> -> memref<512xi32, #tpu.memory_space<vmem>>
    %dma_start3A_1373 = arith.constant 0 : i32
    %dma_start3A_1374 = arith.constant 0 : i32
    %dma_start3A_1375 = tpu.memref_slice %arg3[%dma_start3A_1373, %dma_start3A_1374] : memref<1000000x32xf32, #tpu.memory_space<hbm>> -> memref<1000000x32xf32, #tpu.memory_space<hbm>>
    tpu.enqueue_indirect_dma source(%dma_start3A_1375 : memref<1000000x32xf32, #tpu.memory_space<hbm>>) target(%arg6 : memref<512x32xf32, #tpu.memory_space<vmem>>) offsets(%dma_start3A_1372 : memref<512xi32, #tpu.memory_space<vmem>>) semaphore(%arg9 : memref<!tpu.dma_semaphore, #tpu.memory_space<semaphore_mem>>)
    %add3A_1376 = arith.constant 540672 : i32
    %add3A_1377 = arith.addi %add3A_1376, %mul3A_2 : i32
    %dma_start3A_1378 = arith.constant 0 : i32
    %dma_start3A_1379 = tpu.memref_slice %arg4[%add3A_1377, %dma_start3A_1378] : memref<819200x32xf32, #tpu.memory_space<hbm>> -> memref<512x32xf32, #tpu.memory_space<hbm>>
    %dma_start3A_1380 = arith.constant 0 : i32
    %dma_start3A_1381 = tpu.memref_slice %arg4[%add3A_1377, %dma_start3A_1380] : memref<819200x32xf32, #tpu.memory_space<hbm>> -> memref<512x32xf32, #tpu.memory_space<hbm>>
    tpu.enqueue_dma source(%arg7 : memref<512x32xf32, #tpu.memory_space<vmem>>) target(%dma_start3A_1381 : memref<512x32xf32, #tpu.memory_space<hbm>>) target_semaphore(%arg12 : memref<!tpu.dma_semaphore, #tpu.memory_space<semaphore_mem>>)
    %dma_wait3A_1382 = arith.constant 17408 : i32
    %dma_wait3A_1383 = tpu.memref_slice %arg5[%dma_wait3A_1382] : memref<25600xi32, #tpu.memory_space<vmem>> -> memref<512xi32, #tpu.memory_space<vmem>>
    %dma_wait3A_1384 = arith.constant 0 : i32
    %dma_wait3A_1385 = arith.constant 0 : i32
    %dma_wait3A_1386 = tpu.memref_slice %arg3[%dma_wait3A_1384, %dma_wait3A_1385] : memref<1000000x32xf32, #tpu.memory_space<hbm>> -> memref<1000000x32xf32, #tpu.memory_space<hbm>>
    tpu.wait_indirect_dma semaphore(%arg9 : memref<!tpu.dma_semaphore, #tpu.memory_space<semaphore_mem>>) src(%dma_wait3A_1386 : memref<1000000x32xf32, #tpu.memory_space<hbm>>) dst(%arg6 : memref<512x32xf32, #tpu.memory_space<vmem>>)
    %dma_wait3A_1387 = arith.constant 0 : i32
    %dma_wait3A_1388 = tpu.memref_slice %arg4[%add3A_1377, %dma_wait3A_1387] : memref<819200x32xf32, #tpu.memory_space<hbm>> -> memref<512x32xf32, #tpu.memory_space<hbm>>
    %dma_wait3A_1389 = arith.constant 0 : i32
    %dma_wait3A_1390 = tpu.memref_slice %arg4[%add3A_1377, %dma_wait3A_1389] : memref<819200x32xf32, #tpu.memory_space<hbm>> -> memref<512x32xf32, #tpu.memory_space<hbm>>
    tpu.wait_dma2 semaphore(%arg12 : memref<!tpu.dma_semaphore, #tpu.memory_space<semaphore_mem>>) src(%arg7 : memref<512x32xf32, #tpu.memory_space<vmem>>) dst(%dma_wait3A_1390 : memref<512x32xf32, #tpu.memory_space<hbm>>)
    %dma_start3A_1391 = arith.constant 17920 : i32
    %dma_start3A_1392 = tpu.memref_slice %arg5[%dma_start3A_1391] : memref<25600xi32, #tpu.memory_space<vmem>> -> memref<512xi32, #tpu.memory_space<vmem>>
    %dma_start3A_1393 = arith.constant 0 : i32
    %dma_start3A_1394 = arith.constant 0 : i32
    %dma_start3A_1395 = tpu.memref_slice %arg3[%dma_start3A_1393, %dma_start3A_1394] : memref<1000000x32xf32, #tpu.memory_space<hbm>> -> memref<1000000x32xf32, #tpu.memory_space<hbm>>
    tpu.enqueue_indirect_dma source(%dma_start3A_1395 : memref<1000000x32xf32, #tpu.memory_space<hbm>>) target(%arg7 : memref<512x32xf32, #tpu.memory_space<vmem>>) offsets(%dma_start3A_1392 : memref<512xi32, #tpu.memory_space<vmem>>) semaphore(%arg10 : memref<!tpu.dma_semaphore, #tpu.memory_space<semaphore_mem>>)
    %add3A_1396 = arith.constant 557056 : i32
    %add3A_1397 = arith.addi %add3A_1396, %mul3A_2 : i32
    %dma_start3A_1398 = arith.constant 0 : i32
    %dma_start3A_1399 = tpu.memref_slice %arg4[%add3A_1397, %dma_start3A_1398] : memref<819200x32xf32, #tpu.memory_space<hbm>> -> memref<512x32xf32, #tpu.memory_space<hbm>>
    %dma_start3A_1400 = arith.constant 0 : i32
    %dma_start3A_1401 = tpu.memref_slice %arg4[%add3A_1397, %dma_start3A_1400] : memref<819200x32xf32, #tpu.memory_space<hbm>> -> memref<512x32xf32, #tpu.memory_space<hbm>>
    tpu.enqueue_dma source(%arg6 : memref<512x32xf32, #tpu.memory_space<vmem>>) target(%dma_start3A_1401 : memref<512x32xf32, #tpu.memory_space<hbm>>) target_semaphore(%arg11 : memref<!tpu.dma_semaphore, #tpu.memory_space<semaphore_mem>>)
    %dma_wait3A_1402 = arith.constant 17920 : i32
    %dma_wait3A_1403 = tpu.memref_slice %arg5[%dma_wait3A_1402] : memref<25600xi32, #tpu.memory_space<vmem>> -> memref<512xi32, #tpu.memory_space<vmem>>
    %dma_wait3A_1404 = arith.constant 0 : i32
    %dma_wait3A_1405 = arith.constant 0 : i32
    %dma_wait3A_1406 = tpu.memref_slice %arg3[%dma_wait3A_1404, %dma_wait3A_1405] : memref<1000000x32xf32, #tpu.memory_space<hbm>> -> memref<1000000x32xf32, #tpu.memory_space<hbm>>
    tpu.wait_indirect_dma semaphore(%arg10 : memref<!tpu.dma_semaphore, #tpu.memory_space<semaphore_mem>>) src(%dma_wait3A_1406 : memref<1000000x32xf32, #tpu.memory_space<hbm>>) dst(%arg7 : memref<512x32xf32, #tpu.memory_space<vmem>>)
    %dma_wait3A_1407 = arith.constant 0 : i32
    %dma_wait3A_1408 = tpu.memref_slice %arg4[%add3A_1397, %dma_wait3A_1407] : memref<819200x32xf32, #tpu.memory_space<hbm>> -> memref<512x32xf32, #tpu.memory_space<hbm>>
    %dma_wait3A_1409 = arith.constant 0 : i32
    %dma_wait3A_1410 = tpu.memref_slice %arg4[%add3A_1397, %dma_wait3A_1409] : memref<819200x32xf32, #tpu.memory_space<hbm>> -> memref<512x32xf32, #tpu.memory_space<hbm>>
    tpu.wait_dma2 semaphore(%arg11 : memref<!tpu.dma_semaphore, #tpu.memory_space<semaphore_mem>>) src(%arg6 : memref<512x32xf32, #tpu.memory_space<vmem>>) dst(%dma_wait3A_1410 : memref<512x32xf32, #tpu.memory_space<hbm>>)
    %dma_start3A_1411 = arith.constant 18432 : i32
    %dma_start3A_1412 = tpu.memref_slice %arg5[%dma_start3A_1411] : memref<25600xi32, #tpu.memory_space<vmem>> -> memref<512xi32, #tpu.memory_space<vmem>>
    %dma_start3A_1413 = arith.constant 0 : i32
    %dma_start3A_1414 = arith.constant 0 : i32
    %dma_start3A_1415 = tpu.memref_slice %arg3[%dma_start3A_1413, %dma_start3A_1414] : memref<1000000x32xf32, #tpu.memory_space<hbm>> -> memref<1000000x32xf32, #tpu.memory_space<hbm>>
    tpu.enqueue_indirect_dma source(%dma_start3A_1415 : memref<1000000x32xf32, #tpu.memory_space<hbm>>) target(%arg6 : memref<512x32xf32, #tpu.memory_space<vmem>>) offsets(%dma_start3A_1412 : memref<512xi32, #tpu.memory_space<vmem>>) semaphore(%arg9 : memref<!tpu.dma_semaphore, #tpu.memory_space<semaphore_mem>>)
    %add3A_1416 = arith.constant 573440 : i32
    %add3A_1417 = arith.addi %add3A_1416, %mul3A_2 : i32
    %dma_start3A_1418 = arith.constant 0 : i32
    %dma_start3A_1419 = tpu.memref_slice %arg4[%add3A_1417, %dma_start3A_1418] : memref<819200x32xf32, #tpu.memory_space<hbm>> -> memref<512x32xf32, #tpu.memory_space<hbm>>
    %dma_start3A_1420 = arith.constant 0 : i32
    %dma_start3A_1421 = tpu.memref_slice %arg4[%add3A_1417, %dma_start3A_1420] : memref<819200x32xf32, #tpu.memory_space<hbm>> -> memref<512x32xf32, #tpu.memory_space<hbm>>
    tpu.enqueue_dma source(%arg7 : memref<512x32xf32, #tpu.memory_space<vmem>>) target(%dma_start3A_1421 : memref<512x32xf32, #tpu.memory_space<hbm>>) target_semaphore(%arg12 : memref<!tpu.dma_semaphore, #tpu.memory_space<semaphore_mem>>)
    %dma_wait3A_1422 = arith.constant 18432 : i32
    %dma_wait3A_1423 = tpu.memref_slice %arg5[%dma_wait3A_1422] : memref<25600xi32, #tpu.memory_space<vmem>> -> memref<512xi32, #tpu.memory_space<vmem>>
    %dma_wait3A_1424 = arith.constant 0 : i32
    %dma_wait3A_1425 = arith.constant 0 : i32
    %dma_wait3A_1426 = tpu.memref_slice %arg3[%dma_wait3A_1424, %dma_wait3A_1425] : memref<1000000x32xf32, #tpu.memory_space<hbm>> -> memref<1000000x32xf32, #tpu.memory_space<hbm>>
    tpu.wait_indirect_dma semaphore(%arg9 : memref<!tpu.dma_semaphore, #tpu.memory_space<semaphore_mem>>) src(%dma_wait3A_1426 : memref<1000000x32xf32, #tpu.memory_space<hbm>>) dst(%arg6 : memref<512x32xf32, #tpu.memory_space<vmem>>)
    %dma_wait3A_1427 = arith.constant 0 : i32
    %dma_wait3A_1428 = tpu.memref_slice %arg4[%add3A_1417, %dma_wait3A_1427] : memref<819200x32xf32, #tpu.memory_space<hbm>> -> memref<512x32xf32, #tpu.memory_space<hbm>>
    %dma_wait3A_1429 = arith.constant 0 : i32
    %dma_wait3A_1430 = tpu.memref_slice %arg4[%add3A_1417, %dma_wait3A_1429] : memref<819200x32xf32, #tpu.memory_space<hbm>> -> memref<512x32xf32, #tpu.memory_space<hbm>>
    tpu.wait_dma2 semaphore(%arg12 : memref<!tpu.dma_semaphore, #tpu.memory_space<semaphore_mem>>) src(%arg7 : memref<512x32xf32, #tpu.memory_space<vmem>>) dst(%dma_wait3A_1430 : memref<512x32xf32, #tpu.memory_space<hbm>>)
    %dma_start3A_1431 = arith.constant 18944 : i32
    %dma_start3A_1432 = tpu.memref_slice %arg5[%dma_start3A_1431] : memref<25600xi32, #tpu.memory_space<vmem>> -> memref<512xi32, #tpu.memory_space<vmem>>
    %dma_start3A_1433 = arith.constant 0 : i32
    %dma_start3A_1434 = arith.constant 0 : i32
    %dma_start3A_1435 = tpu.memref_slice %arg3[%dma_start3A_1433, %dma_start3A_1434] : memref<1000000x32xf32, #tpu.memory_space<hbm>> -> memref<1000000x32xf32, #tpu.memory_space<hbm>>
    tpu.enqueue_indirect_dma source(%dma_start3A_1435 : memref<1000000x32xf32, #tpu.memory_space<hbm>>) target(%arg7 : memref<512x32xf32, #tpu.memory_space<vmem>>) offsets(%dma_start3A_1432 : memref<512xi32, #tpu.memory_space<vmem>>) semaphore(%arg10 : memref<!tpu.dma_semaphore, #tpu.memory_space<semaphore_mem>>)
    %add3A_1436 = arith.constant 589824 : i32
    %add3A_1437 = arith.addi %add3A_1436, %mul3A_2 : i32
    %dma_start3A_1438 = arith.constant 0 : i32
    %dma_start3A_1439 = tpu.memref_slice %arg4[%add3A_1437, %dma_start3A_1438] : memref<819200x32xf32, #tpu.memory_space<hbm>> -> memref<512x32xf32, #tpu.memory_space<hbm>>
    %dma_start3A_1440 = arith.constant 0 : i32
    %dma_start3A_1441 = tpu.memref_slice %arg4[%add3A_1437, %dma_start3A_1440] : memref<819200x32xf32, #tpu.memory_space<hbm>> -> memref<512x32xf32, #tpu.memory_space<hbm>>
    tpu.enqueue_dma source(%arg6 : memref<512x32xf32, #tpu.memory_space<vmem>>) target(%dma_start3A_1441 : memref<512x32xf32, #tpu.memory_space<hbm>>) target_semaphore(%arg11 : memref<!tpu.dma_semaphore, #tpu.memory_space<semaphore_mem>>)
    %dma_wait3A_1442 = arith.constant 18944 : i32
    %dma_wait3A_1443 = tpu.memref_slice %arg5[%dma_wait3A_1442] : memref<25600xi32, #tpu.memory_space<vmem>> -> memref<512xi32, #tpu.memory_space<vmem>>
    %dma_wait3A_1444 = arith.constant 0 : i32
    %dma_wait3A_1445 = arith.constant 0 : i32
    %dma_wait3A_1446 = tpu.memref_slice %arg3[%dma_wait3A_1444, %dma_wait3A_1445] : memref<1000000x32xf32, #tpu.memory_space<hbm>> -> memref<1000000x32xf32, #tpu.memory_space<hbm>>
    tpu.wait_indirect_dma semaphore(%arg10 : memref<!tpu.dma_semaphore, #tpu.memory_space<semaphore_mem>>) src(%dma_wait3A_1446 : memref<1000000x32xf32, #tpu.memory_space<hbm>>) dst(%arg7 : memref<512x32xf32, #tpu.memory_space<vmem>>)
    %dma_wait3A_1447 = arith.constant 0 : i32
    %dma_wait3A_1448 = tpu.memref_slice %arg4[%add3A_1437, %dma_wait3A_1447] : memref<819200x32xf32, #tpu.memory_space<hbm>> -> memref<512x32xf32, #tpu.memory_space<hbm>>
    %dma_wait3A_1449 = arith.constant 0 : i32
    %dma_wait3A_1450 = tpu.memref_slice %arg4[%add3A_1437, %dma_wait3A_1449] : memref<819200x32xf32, #tpu.memory_space<hbm>> -> memref<512x32xf32, #tpu.memory_space<hbm>>
    tpu.wait_dma2 semaphore(%arg11 : memref<!tpu.dma_semaphore, #tpu.memory_space<semaphore_mem>>) src(%arg6 : memref<512x32xf32, #tpu.memory_space<vmem>>) dst(%dma_wait3A_1450 : memref<512x32xf32, #tpu.memory_space<hbm>>)
    %dma_start3A_1451 = arith.constant 19456 : i32
    %dma_start3A_1452 = tpu.memref_slice %arg5[%dma_start3A_1451] : memref<25600xi32, #tpu.memory_space<vmem>> -> memref<512xi32, #tpu.memory_space<vmem>>
    %dma_start3A_1453 = arith.constant 0 : i32
    %dma_start3A_1454 = arith.constant 0 : i32
    %dma_start3A_1455 = tpu.memref_slice %arg3[%dma_start3A_1453, %dma_start3A_1454] : memref<1000000x32xf32, #tpu.memory_space<hbm>> -> memref<1000000x32xf32, #tpu.memory_space<hbm>>
    tpu.enqueue_indirect_dma source(%dma_start3A_1455 : memref<1000000x32xf32, #tpu.memory_space<hbm>>) target(%arg6 : memref<512x32xf32, #tpu.memory_space<vmem>>) offsets(%dma_start3A_1452 : memref<512xi32, #tpu.memory_space<vmem>>) semaphore(%arg9 : memref<!tpu.dma_semaphore, #tpu.memory_space<semaphore_mem>>)
    %add3A_1456 = arith.constant 606208 : i32
    %add3A_1457 = arith.addi %add3A_1456, %mul3A_2 : i32
    %dma_start3A_1458 = arith.constant 0 : i32
    %dma_start3A_1459 = tpu.memref_slice %arg4[%add3A_1457, %dma_start3A_1458] : memref<819200x32xf32, #tpu.memory_space<hbm>> -> memref<512x32xf32, #tpu.memory_space<hbm>>
    %dma_start3A_1460 = arith.constant 0 : i32
    %dma_start3A_1461 = tpu.memref_slice %arg4[%add3A_1457, %dma_start3A_1460] : memref<819200x32xf32, #tpu.memory_space<hbm>> -> memref<512x32xf32, #tpu.memory_space<hbm>>
    tpu.enqueue_dma source(%arg7 : memref<512x32xf32, #tpu.memory_space<vmem>>) target(%dma_start3A_1461 : memref<512x32xf32, #tpu.memory_space<hbm>>) target_semaphore(%arg12 : memref<!tpu.dma_semaphore, #tpu.memory_space<semaphore_mem>>)
    %dma_wait3A_1462 = arith.constant 19456 : i32
    %dma_wait3A_1463 = tpu.memref_slice %arg5[%dma_wait3A_1462] : memref<25600xi32, #tpu.memory_space<vmem>> -> memref<512xi32, #tpu.memory_space<vmem>>
    %dma_wait3A_1464 = arith.constant 0 : i32
    %dma_wait3A_1465 = arith.constant 0 : i32
    %dma_wait3A_1466 = tpu.memref_slice %arg3[%dma_wait3A_1464, %dma_wait3A_1465] : memref<1000000x32xf32, #tpu.memory_space<hbm>> -> memref<1000000x32xf32, #tpu.memory_space<hbm>>
    tpu.wait_indirect_dma semaphore(%arg9 : memref<!tpu.dma_semaphore, #tpu.memory_space<semaphore_mem>>) src(%dma_wait3A_1466 : memref<1000000x32xf32, #tpu.memory_space<hbm>>) dst(%arg6 : memref<512x32xf32, #tpu.memory_space<vmem>>)
    %dma_wait3A_1467 = arith.constant 0 : i32
    %dma_wait3A_1468 = tpu.memref_slice %arg4[%add3A_1457, %dma_wait3A_1467] : memref<819200x32xf32, #tpu.memory_space<hbm>> -> memref<512x32xf32, #tpu.memory_space<hbm>>
    %dma_wait3A_1469 = arith.constant 0 : i32
    %dma_wait3A_1470 = tpu.memref_slice %arg4[%add3A_1457, %dma_wait3A_1469] : memref<819200x32xf32, #tpu.memory_space<hbm>> -> memref<512x32xf32, #tpu.memory_space<hbm>>
    tpu.wait_dma2 semaphore(%arg12 : memref<!tpu.dma_semaphore, #tpu.memory_space<semaphore_mem>>) src(%arg7 : memref<512x32xf32, #tpu.memory_space<vmem>>) dst(%dma_wait3A_1470 : memref<512x32xf32, #tpu.memory_space<hbm>>)
    %dma_start3A_1471 = arith.constant 19968 : i32
    %dma_start3A_1472 = tpu.memref_slice %arg5[%dma_start3A_1471] : memref<25600xi32, #tpu.memory_space<vmem>> -> memref<512xi32, #tpu.memory_space<vmem>>
    %dma_start3A_1473 = arith.constant 0 : i32
    %dma_start3A_1474 = arith.constant 0 : i32
    %dma_start3A_1475 = tpu.memref_slice %arg3[%dma_start3A_1473, %dma_start3A_1474] : memref<1000000x32xf32, #tpu.memory_space<hbm>> -> memref<1000000x32xf32, #tpu.memory_space<hbm>>
    tpu.enqueue_indirect_dma source(%dma_start3A_1475 : memref<1000000x32xf32, #tpu.memory_space<hbm>>) target(%arg7 : memref<512x32xf32, #tpu.memory_space<vmem>>) offsets(%dma_start3A_1472 : memref<512xi32, #tpu.memory_space<vmem>>) semaphore(%arg10 : memref<!tpu.dma_semaphore, #tpu.memory_space<semaphore_mem>>)
    %add3A_1476 = arith.constant 622592 : i32
    %add3A_1477 = arith.addi %add3A_1476, %mul3A_2 : i32
    %dma_start3A_1478 = arith.constant 0 : i32
    %dma_start3A_1479 = tpu.memref_slice %arg4[%add3A_1477, %dma_start3A_1478] : memref<819200x32xf32, #tpu.memory_space<hbm>> -> memref<512x32xf32, #tpu.memory_space<hbm>>
    %dma_start3A_1480 = arith.constant 0 : i32
    %dma_start3A_1481 = tpu.memref_slice %arg4[%add3A_1477, %dma_start3A_1480] : memref<819200x32xf32, #tpu.memory_space<hbm>> -> memref<512x32xf32, #tpu.memory_space<hbm>>
    tpu.enqueue_dma source(%arg6 : memref<512x32xf32, #tpu.memory_space<vmem>>) target(%dma_start3A_1481 : memref<512x32xf32, #tpu.memory_space<hbm>>) target_semaphore(%arg11 : memref<!tpu.dma_semaphore, #tpu.memory_space<semaphore_mem>>)
    %dma_wait3A_1482 = arith.constant 19968 : i32
    %dma_wait3A_1483 = tpu.memref_slice %arg5[%dma_wait3A_1482] : memref<25600xi32, #tpu.memory_space<vmem>> -> memref<512xi32, #tpu.memory_space<vmem>>
    %dma_wait3A_1484 = arith.constant 0 : i32
    %dma_wait3A_1485 = arith.constant 0 : i32
    %dma_wait3A_1486 = tpu.memref_slice %arg3[%dma_wait3A_1484, %dma_wait3A_1485] : memref<1000000x32xf32, #tpu.memory_space<hbm>> -> memref<1000000x32xf32, #tpu.memory_space<hbm>>
    tpu.wait_indirect_dma semaphore(%arg10 : memref<!tpu.dma_semaphore, #tpu.memory_space<semaphore_mem>>) src(%dma_wait3A_1486 : memref<1000000x32xf32, #tpu.memory_space<hbm>>) dst(%arg7 : memref<512x32xf32, #tpu.memory_space<vmem>>)
    %dma_wait3A_1487 = arith.constant 0 : i32
    %dma_wait3A_1488 = tpu.memref_slice %arg4[%add3A_1477, %dma_wait3A_1487] : memref<819200x32xf32, #tpu.memory_space<hbm>> -> memref<512x32xf32, #tpu.memory_space<hbm>>
    %dma_wait3A_1489 = arith.constant 0 : i32
    %dma_wait3A_1490 = tpu.memref_slice %arg4[%add3A_1477, %dma_wait3A_1489] : memref<819200x32xf32, #tpu.memory_space<hbm>> -> memref<512x32xf32, #tpu.memory_space<hbm>>
    tpu.wait_dma2 semaphore(%arg11 : memref<!tpu.dma_semaphore, #tpu.memory_space<semaphore_mem>>) src(%arg6 : memref<512x32xf32, #tpu.memory_space<vmem>>) dst(%dma_wait3A_1490 : memref<512x32xf32, #tpu.memory_space<hbm>>)
    %dma_start3A_1491 = arith.constant 20480 : i32
    %dma_start3A_1492 = tpu.memref_slice %arg5[%dma_start3A_1491] : memref<25600xi32, #tpu.memory_space<vmem>> -> memref<512xi32, #tpu.memory_space<vmem>>
    %dma_start3A_1493 = arith.constant 0 : i32
    %dma_start3A_1494 = arith.constant 0 : i32
    %dma_start3A_1495 = tpu.memref_slice %arg3[%dma_start3A_1493, %dma_start3A_1494] : memref<1000000x32xf32, #tpu.memory_space<hbm>> -> memref<1000000x32xf32, #tpu.memory_space<hbm>>
    tpu.enqueue_indirect_dma source(%dma_start3A_1495 : memref<1000000x32xf32, #tpu.memory_space<hbm>>) target(%arg6 : memref<512x32xf32, #tpu.memory_space<vmem>>) offsets(%dma_start3A_1492 : memref<512xi32, #tpu.memory_space<vmem>>) semaphore(%arg9 : memref<!tpu.dma_semaphore, #tpu.memory_space<semaphore_mem>>)
    %add3A_1496 = arith.constant 638976 : i32
    %add3A_1497 = arith.addi %add3A_1496, %mul3A_2 : i32
    %dma_start3A_1498 = arith.constant 0 : i32
    %dma_start3A_1499 = tpu.memref_slice %arg4[%add3A_1497, %dma_start3A_1498] : memref<819200x32xf32, #tpu.memory_space<hbm>> -> memref<512x32xf32, #tpu.memory_space<hbm>>
    %dma_start3A_1500 = arith.constant 0 : i32
    %dma_start3A_1501 = tpu.memref_slice %arg4[%add3A_1497, %dma_start3A_1500] : memref<819200x32xf32, #tpu.memory_space<hbm>> -> memref<512x32xf32, #tpu.memory_space<hbm>>
    tpu.enqueue_dma source(%arg7 : memref<512x32xf32, #tpu.memory_space<vmem>>) target(%dma_start3A_1501 : memref<512x32xf32, #tpu.memory_space<hbm>>) target_semaphore(%arg12 : memref<!tpu.dma_semaphore, #tpu.memory_space<semaphore_mem>>)
    %dma_wait3A_1502 = arith.constant 20480 : i32
    %dma_wait3A_1503 = tpu.memref_slice %arg5[%dma_wait3A_1502] : memref<25600xi32, #tpu.memory_space<vmem>> -> memref<512xi32, #tpu.memory_space<vmem>>
    %dma_wait3A_1504 = arith.constant 0 : i32
    %dma_wait3A_1505 = arith.constant 0 : i32
    %dma_wait3A_1506 = tpu.memref_slice %arg3[%dma_wait3A_1504, %dma_wait3A_1505] : memref<1000000x32xf32, #tpu.memory_space<hbm>> -> memref<1000000x32xf32, #tpu.memory_space<hbm>>
    tpu.wait_indirect_dma semaphore(%arg9 : memref<!tpu.dma_semaphore, #tpu.memory_space<semaphore_mem>>) src(%dma_wait3A_1506 : memref<1000000x32xf32, #tpu.memory_space<hbm>>) dst(%arg6 : memref<512x32xf32, #tpu.memory_space<vmem>>)
    %dma_wait3A_1507 = arith.constant 0 : i32
    %dma_wait3A_1508 = tpu.memref_slice %arg4[%add3A_1497, %dma_wait3A_1507] : memref<819200x32xf32, #tpu.memory_space<hbm>> -> memref<512x32xf32, #tpu.memory_space<hbm>>
    %dma_wait3A_1509 = arith.constant 0 : i32
    %dma_wait3A_1510 = tpu.memref_slice %arg4[%add3A_1497, %dma_wait3A_1509] : memref<819200x32xf32, #tpu.memory_space<hbm>> -> memref<512x32xf32, #tpu.memory_space<hbm>>
    tpu.wait_dma2 semaphore(%arg12 : memref<!tpu.dma_semaphore, #tpu.memory_space<semaphore_mem>>) src(%arg7 : memref<512x32xf32, #tpu.memory_space<vmem>>) dst(%dma_wait3A_1510 : memref<512x32xf32, #tpu.memory_space<hbm>>)
    %dma_start3A_1511 = arith.constant 20992 : i32
    %dma_start3A_1512 = tpu.memref_slice %arg5[%dma_start3A_1511] : memref<25600xi32, #tpu.memory_space<vmem>> -> memref<512xi32, #tpu.memory_space<vmem>>
    %dma_start3A_1513 = arith.constant 0 : i32
    %dma_start3A_1514 = arith.constant 0 : i32
    %dma_start3A_1515 = tpu.memref_slice %arg3[%dma_start3A_1513, %dma_start3A_1514] : memref<1000000x32xf32, #tpu.memory_space<hbm>> -> memref<1000000x32xf32, #tpu.memory_space<hbm>>
    tpu.enqueue_indirect_dma source(%dma_start3A_1515 : memref<1000000x32xf32, #tpu.memory_space<hbm>>) target(%arg7 : memref<512x32xf32, #tpu.memory_space<vmem>>) offsets(%dma_start3A_1512 : memref<512xi32, #tpu.memory_space<vmem>>) semaphore(%arg10 : memref<!tpu.dma_semaphore, #tpu.memory_space<semaphore_mem>>)
    %add3A_1516 = arith.constant 655360 : i32
    %add3A_1517 = arith.addi %add3A_1516, %mul3A_2 : i32
    %dma_start3A_1518 = arith.constant 0 : i32
    %dma_start3A_1519 = tpu.memref_slice %arg4[%add3A_1517, %dma_start3A_1518] : memref<819200x32xf32, #tpu.memory_space<hbm>> -> memref<512x32xf32, #tpu.memory_space<hbm>>
    %dma_start3A_1520 = arith.constant 0 : i32
    %dma_start3A_1521 = tpu.memref_slice %arg4[%add3A_1517, %dma_start3A_1520] : memref<819200x32xf32, #tpu.memory_space<hbm>> -> memref<512x32xf32, #tpu.memory_space<hbm>>
    tpu.enqueue_dma source(%arg6 : memref<512x32xf32, #tpu.memory_space<vmem>>) target(%dma_start3A_1521 : memref<512x32xf32, #tpu.memory_space<hbm>>) target_semaphore(%arg11 : memref<!tpu.dma_semaphore, #tpu.memory_space<semaphore_mem>>)
    %dma_wait3A_1522 = arith.constant 20992 : i32
    %dma_wait3A_1523 = tpu.memref_slice %arg5[%dma_wait3A_1522] : memref<25600xi32, #tpu.memory_space<vmem>> -> memref<512xi32, #tpu.memory_space<vmem>>
    %dma_wait3A_1524 = arith.constant 0 : i32
    %dma_wait3A_1525 = arith.constant 0 : i32
    %dma_wait3A_1526 = tpu.memref_slice %arg3[%dma_wait3A_1524, %dma_wait3A_1525] : memref<1000000x32xf32, #tpu.memory_space<hbm>> -> memref<1000000x32xf32, #tpu.memory_space<hbm>>
    tpu.wait_indirect_dma semaphore(%arg10 : memref<!tpu.dma_semaphore, #tpu.memory_space<semaphore_mem>>) src(%dma_wait3A_1526 : memref<1000000x32xf32, #tpu.memory_space<hbm>>) dst(%arg7 : memref<512x32xf32, #tpu.memory_space<vmem>>)
    %dma_wait3A_1527 = arith.constant 0 : i32
    %dma_wait3A_1528 = tpu.memref_slice %arg4[%add3A_1517, %dma_wait3A_1527] : memref<819200x32xf32, #tpu.memory_space<hbm>> -> memref<512x32xf32, #tpu.memory_space<hbm>>
    %dma_wait3A_1529 = arith.constant 0 : i32
    %dma_wait3A_1530 = tpu.memref_slice %arg4[%add3A_1517, %dma_wait3A_1529] : memref<819200x32xf32, #tpu.memory_space<hbm>> -> memref<512x32xf32, #tpu.memory_space<hbm>>
    tpu.wait_dma2 semaphore(%arg11 : memref<!tpu.dma_semaphore, #tpu.memory_space<semaphore_mem>>) src(%arg6 : memref<512x32xf32, #tpu.memory_space<vmem>>) dst(%dma_wait3A_1530 : memref<512x32xf32, #tpu.memory_space<hbm>>)
    %dma_start3A_1531 = arith.constant 21504 : i32
    %dma_start3A_1532 = tpu.memref_slice %arg5[%dma_start3A_1531] : memref<25600xi32, #tpu.memory_space<vmem>> -> memref<512xi32, #tpu.memory_space<vmem>>
    %dma_start3A_1533 = arith.constant 0 : i32
    %dma_start3A_1534 = arith.constant 0 : i32
    %dma_start3A_1535 = tpu.memref_slice %arg3[%dma_start3A_1533, %dma_start3A_1534] : memref<1000000x32xf32, #tpu.memory_space<hbm>> -> memref<1000000x32xf32, #tpu.memory_space<hbm>>
    tpu.enqueue_indirect_dma source(%dma_start3A_1535 : memref<1000000x32xf32, #tpu.memory_space<hbm>>) target(%arg6 : memref<512x32xf32, #tpu.memory_space<vmem>>) offsets(%dma_start3A_1532 : memref<512xi32, #tpu.memory_space<vmem>>) semaphore(%arg9 : memref<!tpu.dma_semaphore, #tpu.memory_space<semaphore_mem>>)
    %add3A_1536 = arith.constant 671744 : i32
    %add3A_1537 = arith.addi %add3A_1536, %mul3A_2 : i32
    %dma_start3A_1538 = arith.constant 0 : i32
    %dma_start3A_1539 = tpu.memref_slice %arg4[%add3A_1537, %dma_start3A_1538] : memref<819200x32xf32, #tpu.memory_space<hbm>> -> memref<512x32xf32, #tpu.memory_space<hbm>>
    %dma_start3A_1540 = arith.constant 0 : i32
    %dma_start3A_1541 = tpu.memref_slice %arg4[%add3A_1537, %dma_start3A_1540] : memref<819200x32xf32, #tpu.memory_space<hbm>> -> memref<512x32xf32, #tpu.memory_space<hbm>>
    tpu.enqueue_dma source(%arg7 : memref<512x32xf32, #tpu.memory_space<vmem>>) target(%dma_start3A_1541 : memref<512x32xf32, #tpu.memory_space<hbm>>) target_semaphore(%arg12 : memref<!tpu.dma_semaphore, #tpu.memory_space<semaphore_mem>>)
    %dma_wait3A_1542 = arith.constant 21504 : i32
    %dma_wait3A_1543 = tpu.memref_slice %arg5[%dma_wait3A_1542] : memref<25600xi32, #tpu.memory_space<vmem>> -> memref<512xi32, #tpu.memory_space<vmem>>
    %dma_wait3A_1544 = arith.constant 0 : i32
    %dma_wait3A_1545 = arith.constant 0 : i32
    %dma_wait3A_1546 = tpu.memref_slice %arg3[%dma_wait3A_1544, %dma_wait3A_1545] : memref<1000000x32xf32, #tpu.memory_space<hbm>> -> memref<1000000x32xf32, #tpu.memory_space<hbm>>
    tpu.wait_indirect_dma semaphore(%arg9 : memref<!tpu.dma_semaphore, #tpu.memory_space<semaphore_mem>>) src(%dma_wait3A_1546 : memref<1000000x32xf32, #tpu.memory_space<hbm>>) dst(%arg6 : memref<512x32xf32, #tpu.memory_space<vmem>>)
    %dma_wait3A_1547 = arith.constant 0 : i32
    %dma_wait3A_1548 = tpu.memref_slice %arg4[%add3A_1537, %dma_wait3A_1547] : memref<819200x32xf32, #tpu.memory_space<hbm>> -> memref<512x32xf32, #tpu.memory_space<hbm>>
    %dma_wait3A_1549 = arith.constant 0 : i32
    %dma_wait3A_1550 = tpu.memref_slice %arg4[%add3A_1537, %dma_wait3A_1549] : memref<819200x32xf32, #tpu.memory_space<hbm>> -> memref<512x32xf32, #tpu.memory_space<hbm>>
    tpu.wait_dma2 semaphore(%arg12 : memref<!tpu.dma_semaphore, #tpu.memory_space<semaphore_mem>>) src(%arg7 : memref<512x32xf32, #tpu.memory_space<vmem>>) dst(%dma_wait3A_1550 : memref<512x32xf32, #tpu.memory_space<hbm>>)
    %dma_start3A_1551 = arith.constant 22016 : i32
    %dma_start3A_1552 = tpu.memref_slice %arg5[%dma_start3A_1551] : memref<25600xi32, #tpu.memory_space<vmem>> -> memref<512xi32, #tpu.memory_space<vmem>>
    %dma_start3A_1553 = arith.constant 0 : i32
    %dma_start3A_1554 = arith.constant 0 : i32
    %dma_start3A_1555 = tpu.memref_slice %arg3[%dma_start3A_1553, %dma_start3A_1554] : memref<1000000x32xf32, #tpu.memory_space<hbm>> -> memref<1000000x32xf32, #tpu.memory_space<hbm>>
    tpu.enqueue_indirect_dma source(%dma_start3A_1555 : memref<1000000x32xf32, #tpu.memory_space<hbm>>) target(%arg7 : memref<512x32xf32, #tpu.memory_space<vmem>>) offsets(%dma_start3A_1552 : memref<512xi32, #tpu.memory_space<vmem>>) semaphore(%arg10 : memref<!tpu.dma_semaphore, #tpu.memory_space<semaphore_mem>>)
    %add3A_1556 = arith.constant 688128 : i32
    %add3A_1557 = arith.addi %add3A_1556, %mul3A_2 : i32
    %dma_start3A_1558 = arith.constant 0 : i32
    %dma_start3A_1559 = tpu.memref_slice %arg4[%add3A_1557, %dma_start3A_1558] : memref<819200x32xf32, #tpu.memory_space<hbm>> -> memref<512x32xf32, #tpu.memory_space<hbm>>
    %dma_start3A_1560 = arith.constant 0 : i32
    %dma_start3A_1561 = tpu.memref_slice %arg4[%add3A_1557, %dma_start3A_1560] : memref<819200x32xf32, #tpu.memory_space<hbm>> -> memref<512x32xf32, #tpu.memory_space<hbm>>
    tpu.enqueue_dma source(%arg6 : memref<512x32xf32, #tpu.memory_space<vmem>>) target(%dma_start3A_1561 : memref<512x32xf32, #tpu.memory_space<hbm>>) target_semaphore(%arg11 : memref<!tpu.dma_semaphore, #tpu.memory_space<semaphore_mem>>)
    %dma_wait3A_1562 = arith.constant 22016 : i32
    %dma_wait3A_1563 = tpu.memref_slice %arg5[%dma_wait3A_1562] : memref<25600xi32, #tpu.memory_space<vmem>> -> memref<512xi32, #tpu.memory_space<vmem>>
    %dma_wait3A_1564 = arith.constant 0 : i32
    %dma_wait3A_1565 = arith.constant 0 : i32
    %dma_wait3A_1566 = tpu.memref_slice %arg3[%dma_wait3A_1564, %dma_wait3A_1565] : memref<1000000x32xf32, #tpu.memory_space<hbm>> -> memref<1000000x32xf32, #tpu.memory_space<hbm>>
    tpu.wait_indirect_dma semaphore(%arg10 : memref<!tpu.dma_semaphore, #tpu.memory_space<semaphore_mem>>) src(%dma_wait3A_1566 : memref<1000000x32xf32, #tpu.memory_space<hbm>>) dst(%arg7 : memref<512x32xf32, #tpu.memory_space<vmem>>)
    %dma_wait3A_1567 = arith.constant 0 : i32
    %dma_wait3A_1568 = tpu.memref_slice %arg4[%add3A_1557, %dma_wait3A_1567] : memref<819200x32xf32, #tpu.memory_space<hbm>> -> memref<512x32xf32, #tpu.memory_space<hbm>>
    %dma_wait3A_1569 = arith.constant 0 : i32
    %dma_wait3A_1570 = tpu.memref_slice %arg4[%add3A_1557, %dma_wait3A_1569] : memref<819200x32xf32, #tpu.memory_space<hbm>> -> memref<512x32xf32, #tpu.memory_space<hbm>>
    tpu.wait_dma2 semaphore(%arg11 : memref<!tpu.dma_semaphore, #tpu.memory_space<semaphore_mem>>) src(%arg6 : memref<512x32xf32, #tpu.memory_space<vmem>>) dst(%dma_wait3A_1570 : memref<512x32xf32, #tpu.memory_space<hbm>>)
    %dma_start3A_1571 = arith.constant 22528 : i32
    %dma_start3A_1572 = tpu.memref_slice %arg5[%dma_start3A_1571] : memref<25600xi32, #tpu.memory_space<vmem>> -> memref<512xi32, #tpu.memory_space<vmem>>
    %dma_start3A_1573 = arith.constant 0 : i32
    %dma_start3A_1574 = arith.constant 0 : i32
    %dma_start3A_1575 = tpu.memref_slice %arg3[%dma_start3A_1573, %dma_start3A_1574] : memref<1000000x32xf32, #tpu.memory_space<hbm>> -> memref<1000000x32xf32, #tpu.memory_space<hbm>>
    tpu.enqueue_indirect_dma source(%dma_start3A_1575 : memref<1000000x32xf32, #tpu.memory_space<hbm>>) target(%arg6 : memref<512x32xf32, #tpu.memory_space<vmem>>) offsets(%dma_start3A_1572 : memref<512xi32, #tpu.memory_space<vmem>>) semaphore(%arg9 : memref<!tpu.dma_semaphore, #tpu.memory_space<semaphore_mem>>)
    %add3A_1576 = arith.constant 704512 : i32
    %add3A_1577 = arith.addi %add3A_1576, %mul3A_2 : i32
    %dma_start3A_1578 = arith.constant 0 : i32
    %dma_start3A_1579 = tpu.memref_slice %arg4[%add3A_1577, %dma_start3A_1578] : memref<819200x32xf32, #tpu.memory_space<hbm>> -> memref<512x32xf32, #tpu.memory_space<hbm>>
    %dma_start3A_1580 = arith.constant 0 : i32
    %dma_start3A_1581 = tpu.memref_slice %arg4[%add3A_1577, %dma_start3A_1580] : memref<819200x32xf32, #tpu.memory_space<hbm>> -> memref<512x32xf32, #tpu.memory_space<hbm>>
    tpu.enqueue_dma source(%arg7 : memref<512x32xf32, #tpu.memory_space<vmem>>) target(%dma_start3A_1581 : memref<512x32xf32, #tpu.memory_space<hbm>>) target_semaphore(%arg12 : memref<!tpu.dma_semaphore, #tpu.memory_space<semaphore_mem>>)
    %dma_wait3A_1582 = arith.constant 22528 : i32
    %dma_wait3A_1583 = tpu.memref_slice %arg5[%dma_wait3A_1582] : memref<25600xi32, #tpu.memory_space<vmem>> -> memref<512xi32, #tpu.memory_space<vmem>>
    %dma_wait3A_1584 = arith.constant 0 : i32
    %dma_wait3A_1585 = arith.constant 0 : i32
    %dma_wait3A_1586 = tpu.memref_slice %arg3[%dma_wait3A_1584, %dma_wait3A_1585] : memref<1000000x32xf32, #tpu.memory_space<hbm>> -> memref<1000000x32xf32, #tpu.memory_space<hbm>>
    tpu.wait_indirect_dma semaphore(%arg9 : memref<!tpu.dma_semaphore, #tpu.memory_space<semaphore_mem>>) src(%dma_wait3A_1586 : memref<1000000x32xf32, #tpu.memory_space<hbm>>) dst(%arg6 : memref<512x32xf32, #tpu.memory_space<vmem>>)
    %dma_wait3A_1587 = arith.constant 0 : i32
    %dma_wait3A_1588 = tpu.memref_slice %arg4[%add3A_1577, %dma_wait3A_1587] : memref<819200x32xf32, #tpu.memory_space<hbm>> -> memref<512x32xf32, #tpu.memory_space<hbm>>
    %dma_wait3A_1589 = arith.constant 0 : i32
    %dma_wait3A_1590 = tpu.memref_slice %arg4[%add3A_1577, %dma_wait3A_1589] : memref<819200x32xf32, #tpu.memory_space<hbm>> -> memref<512x32xf32, #tpu.memory_space<hbm>>
    tpu.wait_dma2 semaphore(%arg12 : memref<!tpu.dma_semaphore, #tpu.memory_space<semaphore_mem>>) src(%arg7 : memref<512x32xf32, #tpu.memory_space<vmem>>) dst(%dma_wait3A_1590 : memref<512x32xf32, #tpu.memory_space<hbm>>)
    %dma_start3A_1591 = arith.constant 23040 : i32
    %dma_start3A_1592 = tpu.memref_slice %arg5[%dma_start3A_1591] : memref<25600xi32, #tpu.memory_space<vmem>> -> memref<512xi32, #tpu.memory_space<vmem>>
    %dma_start3A_1593 = arith.constant 0 : i32
    %dma_start3A_1594 = arith.constant 0 : i32
    %dma_start3A_1595 = tpu.memref_slice %arg3[%dma_start3A_1593, %dma_start3A_1594] : memref<1000000x32xf32, #tpu.memory_space<hbm>> -> memref<1000000x32xf32, #tpu.memory_space<hbm>>
    tpu.enqueue_indirect_dma source(%dma_start3A_1595 : memref<1000000x32xf32, #tpu.memory_space<hbm>>) target(%arg7 : memref<512x32xf32, #tpu.memory_space<vmem>>) offsets(%dma_start3A_1592 : memref<512xi32, #tpu.memory_space<vmem>>) semaphore(%arg10 : memref<!tpu.dma_semaphore, #tpu.memory_space<semaphore_mem>>)
    %add3A_1596 = arith.constant 720896 : i32
    %add3A_1597 = arith.addi %add3A_1596, %mul3A_2 : i32
    %dma_start3A_1598 = arith.constant 0 : i32
    %dma_start3A_1599 = tpu.memref_slice %arg4[%add3A_1597, %dma_start3A_1598] : memref<819200x32xf32, #tpu.memory_space<hbm>> -> memref<512x32xf32, #tpu.memory_space<hbm>>
    %dma_start3A_1600 = arith.constant 0 : i32
    %dma_start3A_1601 = tpu.memref_slice %arg4[%add3A_1597, %dma_start3A_1600] : memref<819200x32xf32, #tpu.memory_space<hbm>> -> memref<512x32xf32, #tpu.memory_space<hbm>>
    tpu.enqueue_dma source(%arg6 : memref<512x32xf32, #tpu.memory_space<vmem>>) target(%dma_start3A_1601 : memref<512x32xf32, #tpu.memory_space<hbm>>) target_semaphore(%arg11 : memref<!tpu.dma_semaphore, #tpu.memory_space<semaphore_mem>>)
    %dma_wait3A_1602 = arith.constant 23040 : i32
    %dma_wait3A_1603 = tpu.memref_slice %arg5[%dma_wait3A_1602] : memref<25600xi32, #tpu.memory_space<vmem>> -> memref<512xi32, #tpu.memory_space<vmem>>
    %dma_wait3A_1604 = arith.constant 0 : i32
    %dma_wait3A_1605 = arith.constant 0 : i32
    %dma_wait3A_1606 = tpu.memref_slice %arg3[%dma_wait3A_1604, %dma_wait3A_1605] : memref<1000000x32xf32, #tpu.memory_space<hbm>> -> memref<1000000x32xf32, #tpu.memory_space<hbm>>
    tpu.wait_indirect_dma semaphore(%arg10 : memref<!tpu.dma_semaphore, #tpu.memory_space<semaphore_mem>>) src(%dma_wait3A_1606 : memref<1000000x32xf32, #tpu.memory_space<hbm>>) dst(%arg7 : memref<512x32xf32, #tpu.memory_space<vmem>>)
    %dma_wait3A_1607 = arith.constant 0 : i32
    %dma_wait3A_1608 = tpu.memref_slice %arg4[%add3A_1597, %dma_wait3A_1607] : memref<819200x32xf32, #tpu.memory_space<hbm>> -> memref<512x32xf32, #tpu.memory_space<hbm>>
    %dma_wait3A_1609 = arith.constant 0 : i32
    %dma_wait3A_1610 = tpu.memref_slice %arg4[%add3A_1597, %dma_wait3A_1609] : memref<819200x32xf32, #tpu.memory_space<hbm>> -> memref<512x32xf32, #tpu.memory_space<hbm>>
    tpu.wait_dma2 semaphore(%arg11 : memref<!tpu.dma_semaphore, #tpu.memory_space<semaphore_mem>>) src(%arg6 : memref<512x32xf32, #tpu.memory_space<vmem>>) dst(%dma_wait3A_1610 : memref<512x32xf32, #tpu.memory_space<hbm>>)
    %dma_start3A_1611 = arith.constant 23552 : i32
    %dma_start3A_1612 = tpu.memref_slice %arg5[%dma_start3A_1611] : memref<25600xi32, #tpu.memory_space<vmem>> -> memref<512xi32, #tpu.memory_space<vmem>>
    %dma_start3A_1613 = arith.constant 0 : i32
    %dma_start3A_1614 = arith.constant 0 : i32
    %dma_start3A_1615 = tpu.memref_slice %arg3[%dma_start3A_1613, %dma_start3A_1614] : memref<1000000x32xf32, #tpu.memory_space<hbm>> -> memref<1000000x32xf32, #tpu.memory_space<hbm>>
    tpu.enqueue_indirect_dma source(%dma_start3A_1615 : memref<1000000x32xf32, #tpu.memory_space<hbm>>) target(%arg6 : memref<512x32xf32, #tpu.memory_space<vmem>>) offsets(%dma_start3A_1612 : memref<512xi32, #tpu.memory_space<vmem>>) semaphore(%arg9 : memref<!tpu.dma_semaphore, #tpu.memory_space<semaphore_mem>>)
    %add3A_1616 = arith.constant 737280 : i32
    %add3A_1617 = arith.addi %add3A_1616, %mul3A_2 : i32
    %dma_start3A_1618 = arith.constant 0 : i32
    %dma_start3A_1619 = tpu.memref_slice %arg4[%add3A_1617, %dma_start3A_1618] : memref<819200x32xf32, #tpu.memory_space<hbm>> -> memref<512x32xf32, #tpu.memory_space<hbm>>
    %dma_start3A_1620 = arith.constant 0 : i32
    %dma_start3A_1621 = tpu.memref_slice %arg4[%add3A_1617, %dma_start3A_1620] : memref<819200x32xf32, #tpu.memory_space<hbm>> -> memref<512x32xf32, #tpu.memory_space<hbm>>
    tpu.enqueue_dma source(%arg7 : memref<512x32xf32, #tpu.memory_space<vmem>>) target(%dma_start3A_1621 : memref<512x32xf32, #tpu.memory_space<hbm>>) target_semaphore(%arg12 : memref<!tpu.dma_semaphore, #tpu.memory_space<semaphore_mem>>)
    %dma_wait3A_1622 = arith.constant 23552 : i32
    %dma_wait3A_1623 = tpu.memref_slice %arg5[%dma_wait3A_1622] : memref<25600xi32, #tpu.memory_space<vmem>> -> memref<512xi32, #tpu.memory_space<vmem>>
    %dma_wait3A_1624 = arith.constant 0 : i32
    %dma_wait3A_1625 = arith.constant 0 : i32
    %dma_wait3A_1626 = tpu.memref_slice %arg3[%dma_wait3A_1624, %dma_wait3A_1625] : memref<1000000x32xf32, #tpu.memory_space<hbm>> -> memref<1000000x32xf32, #tpu.memory_space<hbm>>
    tpu.wait_indirect_dma semaphore(%arg9 : memref<!tpu.dma_semaphore, #tpu.memory_space<semaphore_mem>>) src(%dma_wait3A_1626 : memref<1000000x32xf32, #tpu.memory_space<hbm>>) dst(%arg6 : memref<512x32xf32, #tpu.memory_space<vmem>>)
    %dma_wait3A_1627 = arith.constant 0 : i32
    %dma_wait3A_1628 = tpu.memref_slice %arg4[%add3A_1617, %dma_wait3A_1627] : memref<819200x32xf32, #tpu.memory_space<hbm>> -> memref<512x32xf32, #tpu.memory_space<hbm>>
    %dma_wait3A_1629 = arith.constant 0 : i32
    %dma_wait3A_1630 = tpu.memref_slice %arg4[%add3A_1617, %dma_wait3A_1629] : memref<819200x32xf32, #tpu.memory_space<hbm>> -> memref<512x32xf32, #tpu.memory_space<hbm>>
    tpu.wait_dma2 semaphore(%arg12 : memref<!tpu.dma_semaphore, #tpu.memory_space<semaphore_mem>>) src(%arg7 : memref<512x32xf32, #tpu.memory_space<vmem>>) dst(%dma_wait3A_1630 : memref<512x32xf32, #tpu.memory_space<hbm>>)
    %dma_start3A_1631 = arith.constant 24064 : i32
    %dma_start3A_1632 = tpu.memref_slice %arg5[%dma_start3A_1631] : memref<25600xi32, #tpu.memory_space<vmem>> -> memref<512xi32, #tpu.memory_space<vmem>>
    %dma_start3A_1633 = arith.constant 0 : i32
    %dma_start3A_1634 = arith.constant 0 : i32
    %dma_start3A_1635 = tpu.memref_slice %arg3[%dma_start3A_1633, %dma_start3A_1634] : memref<1000000x32xf32, #tpu.memory_space<hbm>> -> memref<1000000x32xf32, #tpu.memory_space<hbm>>
    tpu.enqueue_indirect_dma source(%dma_start3A_1635 : memref<1000000x32xf32, #tpu.memory_space<hbm>>) target(%arg7 : memref<512x32xf32, #tpu.memory_space<vmem>>) offsets(%dma_start3A_1632 : memref<512xi32, #tpu.memory_space<vmem>>) semaphore(%arg10 : memref<!tpu.dma_semaphore, #tpu.memory_space<semaphore_mem>>)
    %add3A_1636 = arith.constant 753664 : i32
    %add3A_1637 = arith.addi %add3A_1636, %mul3A_2 : i32
    %dma_start3A_1638 = arith.constant 0 : i32
    %dma_start3A_1639 = tpu.memref_slice %arg4[%add3A_1637, %dma_start3A_1638] : memref<819200x32xf32, #tpu.memory_space<hbm>> -> memref<512x32xf32, #tpu.memory_space<hbm>>
    %dma_start3A_1640 = arith.constant 0 : i32
    %dma_start3A_1641 = tpu.memref_slice %arg4[%add3A_1637, %dma_start3A_1640] : memref<819200x32xf32, #tpu.memory_space<hbm>> -> memref<512x32xf32, #tpu.memory_space<hbm>>
    tpu.enqueue_dma source(%arg6 : memref<512x32xf32, #tpu.memory_space<vmem>>) target(%dma_start3A_1641 : memref<512x32xf32, #tpu.memory_space<hbm>>) target_semaphore(%arg11 : memref<!tpu.dma_semaphore, #tpu.memory_space<semaphore_mem>>)
    %dma_wait3A_1642 = arith.constant 24064 : i32
    %dma_wait3A_1643 = tpu.memref_slice %arg5[%dma_wait3A_1642] : memref<25600xi32, #tpu.memory_space<vmem>> -> memref<512xi32, #tpu.memory_space<vmem>>
    %dma_wait3A_1644 = arith.constant 0 : i32
    %dma_wait3A_1645 = arith.constant 0 : i32
    %dma_wait3A_1646 = tpu.memref_slice %arg3[%dma_wait3A_1644, %dma_wait3A_1645] : memref<1000000x32xf32, #tpu.memory_space<hbm>> -> memref<1000000x32xf32, #tpu.memory_space<hbm>>
    tpu.wait_indirect_dma semaphore(%arg10 : memref<!tpu.dma_semaphore, #tpu.memory_space<semaphore_mem>>) src(%dma_wait3A_1646 : memref<1000000x32xf32, #tpu.memory_space<hbm>>) dst(%arg7 : memref<512x32xf32, #tpu.memory_space<vmem>>)
    %dma_wait3A_1647 = arith.constant 0 : i32
    %dma_wait3A_1648 = tpu.memref_slice %arg4[%add3A_1637, %dma_wait3A_1647] : memref<819200x32xf32, #tpu.memory_space<hbm>> -> memref<512x32xf32, #tpu.memory_space<hbm>>
    %dma_wait3A_1649 = arith.constant 0 : i32
    %dma_wait3A_1650 = tpu.memref_slice %arg4[%add3A_1637, %dma_wait3A_1649] : memref<819200x32xf32, #tpu.memory_space<hbm>> -> memref<512x32xf32, #tpu.memory_space<hbm>>
    tpu.wait_dma2 semaphore(%arg11 : memref<!tpu.dma_semaphore, #tpu.memory_space<semaphore_mem>>) src(%arg6 : memref<512x32xf32, #tpu.memory_space<vmem>>) dst(%dma_wait3A_1650 : memref<512x32xf32, #tpu.memory_space<hbm>>)
    %dma_start3A_1651 = arith.constant 24576 : i32
    %dma_start3A_1652 = tpu.memref_slice %arg5[%dma_start3A_1651] : memref<25600xi32, #tpu.memory_space<vmem>> -> memref<512xi32, #tpu.memory_space<vmem>>
    %dma_start3A_1653 = arith.constant 0 : i32
    %dma_start3A_1654 = arith.constant 0 : i32
    %dma_start3A_1655 = tpu.memref_slice %arg3[%dma_start3A_1653, %dma_start3A_1654] : memref<1000000x32xf32, #tpu.memory_space<hbm>> -> memref<1000000x32xf32, #tpu.memory_space<hbm>>
    tpu.enqueue_indirect_dma source(%dma_start3A_1655 : memref<1000000x32xf32, #tpu.memory_space<hbm>>) target(%arg6 : memref<512x32xf32, #tpu.memory_space<vmem>>) offsets(%dma_start3A_1652 : memref<512xi32, #tpu.memory_space<vmem>>) semaphore(%arg9 : memref<!tpu.dma_semaphore, #tpu.memory_space<semaphore_mem>>)
    %add3A_1656 = arith.constant 770048 : i32
    %add3A_1657 = arith.addi %add3A_1656, %mul3A_2 : i32
    %dma_start3A_1658 = arith.constant 0 : i32
    %dma_start3A_1659 = tpu.memref_slice %arg4[%add3A_1657, %dma_start3A_1658] : memref<819200x32xf32, #tpu.memory_space<hbm>> -> memref<512x32xf32, #tpu.memory_space<hbm>>
    %dma_start3A_1660 = arith.constant 0 : i32
    %dma_start3A_1661 = tpu.memref_slice %arg4[%add3A_1657, %dma_start3A_1660] : memref<819200x32xf32, #tpu.memory_space<hbm>> -> memref<512x32xf32, #tpu.memory_space<hbm>>
    tpu.enqueue_dma source(%arg7 : memref<512x32xf32, #tpu.memory_space<vmem>>) target(%dma_start3A_1661 : memref<512x32xf32, #tpu.memory_space<hbm>>) target_semaphore(%arg12 : memref<!tpu.dma_semaphore, #tpu.memory_space<semaphore_mem>>)
    %dma_wait3A_1662 = arith.constant 24576 : i32
    %dma_wait3A_1663 = tpu.memref_slice %arg5[%dma_wait3A_1662] : memref<25600xi32, #tpu.memory_space<vmem>> -> memref<512xi32, #tpu.memory_space<vmem>>
    %dma_wait3A_1664 = arith.constant 0 : i32
    %dma_wait3A_1665 = arith.constant 0 : i32
    %dma_wait3A_1666 = tpu.memref_slice %arg3[%dma_wait3A_1664, %dma_wait3A_1665] : memref<1000000x32xf32, #tpu.memory_space<hbm>> -> memref<1000000x32xf32, #tpu.memory_space<hbm>>
    tpu.wait_indirect_dma semaphore(%arg9 : memref<!tpu.dma_semaphore, #tpu.memory_space<semaphore_mem>>) src(%dma_wait3A_1666 : memref<1000000x32xf32, #tpu.memory_space<hbm>>) dst(%arg6 : memref<512x32xf32, #tpu.memory_space<vmem>>)
    %dma_wait3A_1667 = arith.constant 0 : i32
    %dma_wait3A_1668 = tpu.memref_slice %arg4[%add3A_1657, %dma_wait3A_1667] : memref<819200x32xf32, #tpu.memory_space<hbm>> -> memref<512x32xf32, #tpu.memory_space<hbm>>
    %dma_wait3A_1669 = arith.constant 0 : i32
    %dma_wait3A_1670 = tpu.memref_slice %arg4[%add3A_1657, %dma_wait3A_1669] : memref<819200x32xf32, #tpu.memory_space<hbm>> -> memref<512x32xf32, #tpu.memory_space<hbm>>
    tpu.wait_dma2 semaphore(%arg12 : memref<!tpu.dma_semaphore, #tpu.memory_space<semaphore_mem>>) src(%arg7 : memref<512x32xf32, #tpu.memory_space<vmem>>) dst(%dma_wait3A_1670 : memref<512x32xf32, #tpu.memory_space<hbm>>)
    %dma_start3A_1671 = arith.constant 25088 : i32
    %dma_start3A_1672 = tpu.memref_slice %arg5[%dma_start3A_1671] : memref<25600xi32, #tpu.memory_space<vmem>> -> memref<512xi32, #tpu.memory_space<vmem>>
    %dma_start3A_1673 = arith.constant 0 : i32
    %dma_start3A_1674 = arith.constant 0 : i32
    %dma_start3A_1675 = tpu.memref_slice %arg3[%dma_start3A_1673, %dma_start3A_1674] : memref<1000000x32xf32, #tpu.memory_space<hbm>> -> memref<1000000x32xf32, #tpu.memory_space<hbm>>
    tpu.enqueue_indirect_dma source(%dma_start3A_1675 : memref<1000000x32xf32, #tpu.memory_space<hbm>>) target(%arg7 : memref<512x32xf32, #tpu.memory_space<vmem>>) offsets(%dma_start3A_1672 : memref<512xi32, #tpu.memory_space<vmem>>) semaphore(%arg10 : memref<!tpu.dma_semaphore, #tpu.memory_space<semaphore_mem>>)
    %add3A_1676 = arith.constant 786432 : i32
    %add3A_1677 = arith.addi %add3A_1676, %mul3A_2 : i32
    %dma_start3A_1678 = arith.constant 0 : i32
    %dma_start3A_1679 = tpu.memref_slice %arg4[%add3A_1677, %dma_start3A_1678] : memref<819200x32xf32, #tpu.memory_space<hbm>> -> memref<512x32xf32, #tpu.memory_space<hbm>>
    %dma_start3A_1680 = arith.constant 0 : i32
    %dma_start3A_1681 = tpu.memref_slice %arg4[%add3A_1677, %dma_start3A_1680] : memref<819200x32xf32, #tpu.memory_space<hbm>> -> memref<512x32xf32, #tpu.memory_space<hbm>>
    tpu.enqueue_dma source(%arg6 : memref<512x32xf32, #tpu.memory_space<vmem>>) target(%dma_start3A_1681 : memref<512x32xf32, #tpu.memory_space<hbm>>) target_semaphore(%arg11 : memref<!tpu.dma_semaphore, #tpu.memory_space<semaphore_mem>>)
    %dma_wait3A_1682 = arith.constant 25088 : i32
    %dma_wait3A_1683 = tpu.memref_slice %arg5[%dma_wait3A_1682] : memref<25600xi32, #tpu.memory_space<vmem>> -> memref<512xi32, #tpu.memory_space<vmem>>
    %dma_wait3A_1684 = arith.constant 0 : i32
    %dma_wait3A_1685 = arith.constant 0 : i32
    %dma_wait3A_1686 = tpu.memref_slice %arg3[%dma_wait3A_1684, %dma_wait3A_1685] : memref<1000000x32xf32, #tpu.memory_space<hbm>> -> memref<1000000x32xf32, #tpu.memory_space<hbm>>
    tpu.wait_indirect_dma semaphore(%arg10 : memref<!tpu.dma_semaphore, #tpu.memory_space<semaphore_mem>>) src(%dma_wait3A_1686 : memref<1000000x32xf32, #tpu.memory_space<hbm>>) dst(%arg7 : memref<512x32xf32, #tpu.memory_space<vmem>>)
    %add3A_1687 = arith.constant 802816 : i32
    %add3A_1688 = arith.addi %add3A_1687, %mul3A_2 : i32
    %dma_start3A_1689 = arith.constant 0 : i32
    %dma_start3A_1690 = tpu.memref_slice %arg4[%add3A_1688, %dma_start3A_1689] : memref<819200x32xf32, #tpu.memory_space<hbm>> -> memref<512x32xf32, #tpu.memory_space<hbm>>
    %dma_start3A_1691 = arith.constant 0 : i32
    %dma_start3A_1692 = tpu.memref_slice %arg4[%add3A_1688, %dma_start3A_1691] : memref<819200x32xf32, #tpu.memory_space<hbm>> -> memref<512x32xf32, #tpu.memory_space<hbm>>
    tpu.enqueue_dma source(%arg7 : memref<512x32xf32, #tpu.memory_space<vmem>>) target(%dma_start3A_1692 : memref<512x32xf32, #tpu.memory_space<hbm>>) target_semaphore(%arg12 : memref<!tpu.dma_semaphore, #tpu.memory_space<semaphore_mem>>)
    %dma_wait3A_1693 = arith.constant 0 : i32
    %dma_wait3A_1694 = tpu.memref_slice %arg4[%add3A_1677, %dma_wait3A_1693] : memref<819200x32xf32, #tpu.memory_space<hbm>> -> memref<512x32xf32, #tpu.memory_space<hbm>>
    %dma_wait3A_1695 = arith.constant 0 : i32
    %dma_wait3A_1696 = tpu.memref_slice %arg4[%add3A_1677, %dma_wait3A_1695] : memref<819200x32xf32, #tpu.memory_space<hbm>> -> memref<512x32xf32, #tpu.memory_space<hbm>>
    tpu.wait_dma2 semaphore(%arg11 : memref<!tpu.dma_semaphore, #tpu.memory_space<semaphore_mem>>) src(%arg6 : memref<512x32xf32, #tpu.memory_space<vmem>>) dst(%dma_wait3A_1696 : memref<512x32xf32, #tpu.memory_space<hbm>>)
    %dma_wait3A_1697 = arith.constant 0 : i32
    %dma_wait3A_1698 = tpu.memref_slice %arg4[%add3A_1688, %dma_wait3A_1697] : memref<819200x32xf32, #tpu.memory_space<hbm>> -> memref<512x32xf32, #tpu.memory_space<hbm>>
    %dma_wait3A_1699 = arith.constant 0 : i32
    %dma_wait3A_1700 = tpu.memref_slice %arg4[%add3A_1688, %dma_wait3A_1699] : memref<819200x32xf32, #tpu.memory_space<hbm>> -> memref<512x32xf32, #tpu.memory_space<hbm>>
    tpu.wait_dma2 semaphore(%arg12 : memref<!tpu.dma_semaphore, #tpu.memory_space<semaphore_mem>>) src(%arg7 : memref<512x32xf32, #tpu.memory_space<vmem>>) dst(%dma_wait3A_1700 : memref<512x32xf32, #tpu.memory_space<hbm>>)
    return
  }
}

</mosaic_0001>

<sc_bundles>
// kernel: kernel.3.cloned.1.call-start
scs
__scs_entry_jumppad:
0x0: {  	(pc) =	sbr.rel $0x88, $3  }
0x1: {  	(tag) =	ssettag $0x0;
	lr =	simm.s32 $0x1  }
0x2: {  	[smem:$0x3F9F] =	sst lr;
	_ =	strace $0xD0000000  }
0x3: {  	_ = 	snop  }
0x4: {  	_ = 	snop  }
0x5: {  	_ = 	snop  }
0x6: {  	_ = 	snop  }
0x7: {  	_ = 	snop  }
__scs_overlays_trampoline_lowered:
0x8: {  	[smem:$0x3FAE] =	sst s0  }
0x9: {  	[smem:$0x3FAF] =	sst s1  }
0xa: {  	[smem:$0x3FB0] =	sst s2  }
0xb: {  	[smem:$0x3FB1] =	sst s3  }
0xc: {  	[smem:$0x3FB2] =	sst s4  }
0xd: {  	[smem:$0x3FB3] =	sst s5  }
0xe: {  	[smem:$0x3FB4] =	sst s6  }
0xf: {  	[smem:$0x3FB5] =	sst s7  }
0x10: {  	[smem:$0x3FB6] =	sst s8  }
0x11: {  	[smem:$0x3FB7] =	sst s9;
	s0 =	simm.s32 @!p0 $0x0  }
0x12: {  	s1 =	sld [smem:$0x3F9D];
	s0 =	simm.s32 @p0 $0x1  }
0x13: {  	[smem:$0x3FB8] =	sst s0;
	s0 =	simm.s32 @!p1 $0x0  }
0x14: {  	s2 =	sld [smem:$0x3F9C];
	s0 =	simm.s32 @p1 $0x1  }
0x15: {  	[smem:$0x3FB9] =	sst s0;
	s0 =	simm.s32 @!p2 $0x0  }
0x16: {  	s3 =	sld [smem:$0x3FDB];
	s0 =	simm.s32 @p2 $0x1  }
0x17: {  	s4 =	simm.s32 $0x1BF5;
	[smem:$0x3FBB] =	sst s0  }
0x18: {  	s0 =	sld [smem:$0x3F9E];
	_ =	swait.ge [sflag:s4], $0x0  }
0x19: {  	s7 =	sld [smem:$0x3F9F]  }
0x1a: {  	s8 =	sadd.s32 $0xFFFFE003, lr  }
0x1b: {  	s9 =	sadd.s32 $0xFFFFFEF7, lr;
	s5 =	simm.s32 $0xFFFFFFFF;
	p2 =	slt.u32 s8, $0xFFFFF086  }
0x1c: {  	p1 =	slt.u32 s9, $0xF7A;
	s5 =	simm.s32 @!p2 $0x0  }
0x1d: {  	s5 =	simm.s32 @p1 $0x1;
	p0 =	seq.s32 s7, s2  }
0x1e: {  	s7 =	smul.u32 @!p0 $0xF7A, s2;
	p2 =	seq.s32 @!p0 s5, $0x0  }
0x1f: {  	s9 =	smul.u32 $0xF7A, s1;
	s8 =	simm.s32 @!p0 $0x1BF5;
	p2 =	por !p2, p0  }
0x20: {  	[sflag:s8] =	ssyncset.s32 @!p0 $0xFFFFF086;
	s6 =	sadd.s32 @!p0 s3, s7;
	s7 =	simm.s32 @!p0 $0x108  }
0x21: {  	s3 =	sadd.s32 s3, s9;
	s6 =	sadd.s32 @!p0 $0x88, s6;
	s7 =	simm.s32 @p2 $0x1082  }
0x22: {  	[simem:s7], [sflag:s8] =	dma.local @!p0 [hbm:s6], $0xF7A  }
0x23: {  	s9 =	sor.u32 $0xD0000000, s2;
	s6 =	simm.s32 $0x108;
	_ =	swait.ge @!p0 [sflag:s8], $0x0  }
0x24: {  	s3 =	sadd.s32 $0x88, s3;
	s6 =	simm.s32 @!p1 $0x1082;
	[sflag:s4] =	ssyncset.s32 $0xFFFFF086  }
0x25: {  	[simem:s6], [sflag:s4] =	dma.local [hbm:s3], $0xF7A  }
0x26: {  	[smem:$0x3F9F] =	sst s1;
	(tag) =	ssettag s2;
	_ =	strace s9  }
0x27: {  	s1 =	sld [smem:$0x3FAF]  }
0x28: {  	s2 =	sld [smem:$0x3FB0]  }
0x29: {  	s4 =	sld [smem:$0x3FB2]  }
0x2a: {  	p0 =	seq.s32 s5, $0x0;
	s5 =	sld [smem:$0x3FB3]  }
0x2b: {  	s6 =	sld [smem:$0x3FB4]  }
0x2c: {  	s7 =	sld [smem:$0x3FB5]  }
0x2d: {  	s3 =	simm.s32 $0x108;
	s8 =	sld [smem:$0x3FB6]  }
0x2e: {  	s3 =	simm.s32 @!p0 $0x1082;
	s9 =	sld [smem:$0x3FB7]  }
0x2f: {  	lr =	sadd.s32 s0, s3;
	s0 =	sld [smem:$0x3FAE]  }
0x30: {  	s3 =	sld [smem:$0x3FB1]  }
0x31: {  	[smem:$0x3FBA] =	sst s10  }
0x32: {  	s10 =	sld [smem:$0x3FB8];
	_ =	sdelay $0x3  }
0x33: {  	p0 =	seq.s32 s10, $0x1;
	s10 =	sld [smem:$0x3FBA];
	_ =	sdelay $0x3  }
0x34: {  	[smem:$0x3FBA] =	sst s10  }
0x35: {  	s10 =	sld [smem:$0x3FB9];
	_ =	sdelay $0x3  }
0x36: {  	p1 =	seq.s32 s10, $0x1;
	s10 =	sld [smem:$0x3FBA];
	_ =	sdelay $0x3  }
0x37: {  	[smem:$0x3FBA] =	sst s10  }
0x38: {  	s10 =	sld [smem:$0x3FBB]  }
0x39: {  	_ = 	snop;
	(pc) =	sbr.ind lr, $3  }
0x3a: {  	_ = 	snop  }
0x3b: {  	_ = 	snop  }
0x3c: {  	p2 =	seq.s32 s10, $0x1;
	s10 =	sld [smem:$0x3FBA]  }
0x3d: {  	_ =	shalt  }
0x3e: {  	_ =	shalt  }
0x3f: {  	_ =	shalt  }
0x40: {  	_ =	shalt  }
0x41: {  	_ =	shalt  }
0x42: {  	_ =	shalt  }
0x43: {  	_ =	shalt  }
0x44: {  	_ =	shalt  }
0x45: {  	_ =	shalt  }
0x46: {  	_ =	shalt  }
0x47: {  	_ =	shalt  }
0x48: {  	_ =	shalt  }
0x49: {  	_ =	shalt  }
0x4a: {  	_ =	shalt  }
0x4b: {  	_ =	shalt  }
0x4c: {  	_ =	shalt  }
0x4d: {  	_ =	shalt  }
0x4e: {  	_ =	shalt  }
0x4f: {  	_ =	shalt  }
0x50: {  	_ =	shalt  }
0x51: {  	_ =	shalt  }
0x52: {  	_ =	shalt  }
0x53: {  	_ =	shalt  }
0x54: {  	_ =	shalt  }
0x55: {  	_ =	shalt  }
0x56: {  	_ =	shalt  }
0x57: {  	_ =	shalt  }
0x58: {  	_ =	shalt  }
0x59: {  	_ =	shalt  }
0x5a: {  	_ =	shalt  }
0x5b: {  	_ =	shalt  }
0x5c: {  	_ =	shalt  }
0x5d: {  	_ =	shalt  }
0x5e: {  	_ =	shalt  }
0x5f: {  	_ =	shalt  }
0x60: {  	_ =	shalt  }
0x61: {  	_ =	shalt  }
0x62: {  	_ =	shalt  }
0x63: {  	_ =	shalt  }
0x64: {  	_ =	shalt  }
0x65: {  	_ =	shalt  }
0x66: {  	_ =	shalt  }
0x67: {  	_ =	shalt  }
0x68: {  	_ =	shalt  }
0x69: {  	_ =	shalt  }
0x6a: {  	_ =	shalt  }
0x6b: {  	_ =	shalt  }
0x6c: {  	_ =	shalt  }
0x6d: {  	_ =	shalt  }
0x6e: {  	_ =	shalt  }
0x6f: {  	_ =	shalt  }
0x70: {  	_ =	shalt  }
0x71: {  	_ =	shalt  }
0x72: {  	_ =	shalt  }
0x73: {  	_ =	shalt  }
0x74: {  	_ =	shalt  }
0x75: {  	_ =	shalt  }
0x76: {  	_ =	shalt  }
0x77: {  	_ =	shalt  }
0x78: {  	_ =	shalt  }
0x79: {  	_ =	shalt  }
0x7a: {  	_ =	shalt  }
0x7b: {  	_ =	shalt  }
0x7c: {  	_ =	shalt  }
0x7d: {  	_ =	shalt  }
0x7e: {  	_ =	shalt  }
0x7f: {  	_ =	shalt  }
0x80: {  	_ =	shalt  }
0x81: {  	_ =	shalt  }
0x82: {  	_ =	shalt  }
0x83: {  	_ =	shalt  }
0x84: {  	_ =	shalt  }
0x85: {  	_ =	shalt  }
0x86: {  	_ =	shalt  }
0x87: {  	_ =	shalt  }
.Lfunc_end0:
.L_simem_size_0:
called_computation.1_lowered:
.L_overlay_start_0:
0x88: {  	s2 =	sld [smem:$0x3FD9]  }
0x89: {  	s3 =	sld [smem:$0x3FFE];
	_ =	sdelay $0x1  }
0x8a: {  	s1 =	srdreg.scid  }
0x8b: {  	s0 =	sand.u32 $0x1, s1  }
0x8c: {  	s17 =	sshll.u32 s0, $0xA;
	s2 =	sadd.s32 s3, s2  }
0x8d: {  	s2 =	sadd.s32 s2, s17  }
0x8e: {  	[smem:$0x3FC6] =	sst s2  }
0x8f: {  	_ = 	snop  }
0x90: {  	s2 =	sld [smem:$0x3FD0];
	(tm) =	ssettm $0x1  }
0x91: {  	s18 =	sld [smem:$0x3FFB];
	_ =	sdelay $0x3  }
0x92: {  	_ =	strace s18  }
0x93: {  	s3 =	sld [smem:$0x3FFC];
	_ =	sdelay $0x3  }
0x94: {  	_ =	strace s3  }
0x95: {  	s3 =	sld [smem:$0x3FFD];
	_ =	sdelay $0x3  }
0x96: {  	_ =	strace s3  }
0x97: {  	_ =	strace $0x8FFFFFFF  }
0x98: {  	s19 =	sld [smem:$0x3FDB];
	_ =	sdelay $0x1  }
0x99: {  	s4 =	simm.s32 $_scs_section_size  }
0x9a: {  	s5 =	simm.s32 $_size__tile_overlayer_lowered;
	s6 =	simm.s32 $_tile_overlayer_lowered  }
0x9b: {  	s22 =	simm.s32 $0x1BFF;
	s21 =	sshll.u32 s6, $0x1;
	s3 =	sadd.s32 s4, s19  }
0x9c: {  	s7 =	simm.s32 $0x0;
	s20 =	sshll.u32 s5, $0x1;
	s5 =	sadd.s32 s21, s3  }
0x9d: {  	[timem:s7], [sflag:s22] =	dma.local [hbm:s5], s20  }
0x9e: {  	_ =	swait.ge [sflag:s22], s20  }
0x9f: {  	s4 =	ssub.s32 $0x0, s20;
	[sflag:s22] =	ssyncset.done $0x0  }
0xa0: {  	[sflag:s22] =	ssyncadd.s32 s4;
	_ =	sdelay $0x1  }
0xa1: {  	s23 =	simm.s32 $0x1B8B  }
0xa2: {  	_ =	swait.ge [sflag:s23], $0x1  }
0xa3: {  	[sflag:s23] =	ssyncset.done $0x0  }
0xa4: {  	s25 =	simm.s32 $0x1B8E;
	s24 =	sld [smem:$0x3FFE];
	[sflag:s23] =	ssyncadd.s32 $0xFFFFFFFF  }
0xa5: {  	s26 =	simm.s32 $execute0_lowered;
	[smem:$0x3FD2] =	sst s25  }
0xa6: {  	s5 =	sshll.u32 s26, $0x1;
	_ =	strace $0x80000046;
	[dreg:$0x1] =	wrdreg $0xFFFFFFFF  }
0xa7: {  	s28 =	simm.s32 $_size_execute0_lowered;
	s3 =	sadd.s32 s3, s5;
	[dreg:$0x0] =	wrdreg $0x0  }
0xa8: {  	s5 =	sshll.u32 s28, $0x1;
	[dreg:$0x2] =	wrdreg s3  }
0xa9: {  	[dreg:$0x3] =	wrdreg s5  }
0xaa: {  	[dreg:$0x4] =	wrdreg $0xC0  }
0xab: {  	_ =	task [dreg:s7], $0x5FFFF  }
0xac: {  	[dreg:$0x1] =	wrdreg $0xFFFFFFFF  }
0xad: {  	[dreg:$0x0] =	wrdreg $0x60  }
0xae: {  	[dreg:$0x2] =	wrdreg s24  }
0xaf: {  	[dreg:$0x3] =	wrdreg s2  }
0xb0: {  	[dreg:$0x4] =	wrdreg $0x9  }
0xb1: {  	_ =	task.clear_ibuf [dreg:s7], $0x5FFFF;
	_ =	strace $0x90000046  }
0xb2: {  	s29 =	simm.s32 $0x9;
	_ =	strace $0x80000048  }
0xb3: {  	_ =	swait.ge [sflag:s29], $0x1  }
0xb4: {  	[sflag:s29] =	ssyncadd.s32 $0xFFFFFFFF  }
0xb5: {  	_ =	strace $0x90000048  }
0xb6: {  	_ =	sfence  }
0xb7: {  	s30 =	sld [smem:$0x0];
	_ =	sdelay $0x2  }
0xb8: {  	s31 =	sshll.u32 s1, $0xD;
	s1 =	sshrl.u32 s1, $0x2  }
0xb9: {  	s3 =	sand.u32 $0x4000, s31;
	s1 =	sadd.s32 s1, s30  }
0xba: {  	s0 =	sor.u32 s3, s0;
	s1 =	sshll.u32 s1, $0x11  }
0xbb: {  	s0 =	sor.u32 s1, s0  }
0xbc: {  	s0 =	sadd.s32 $0x8F2B, s0  }
0xbd: {  	[sflag:s0] =	ssyncadd.remote.s32 $0x1  }
0xbe: {  	_ =	sfence.sel $0xFFFF  }
0xbf: {  	[dreg:$0x0] =	wrdreg $0xFFFFFFFF;
	(pc) =	sbr.abs _section_cstart, $3  }
0xc0: {  	[dreg:$0x1] =	wrdreg $0xFFFFFFFF  }
0xc1: {  	_ =	task.clear_ibuf [dreg:s7], $0x2FFFF;
	_ =	strace $0x9FFFFFFF  }
0xc2: {  	(tm) =	ssettm $0x7FFFFFFF  }
0xc3: {  	_ =	shalt  }
tec
execute0_lowered:
.L_overlay_start_1:
0x0: {  	(tag) =	ssettag $0x1  }
0x1: {  	s5 =	rddreg [dreg:$0x0]  }
0x2: {  	s7 =	rddreg [dreg:$0x1];
	s0 =	srdreg.scid  }
0x3: {  	s1 =	stileid.u32;
	s2 =	simm.s32 $0x0;
	s3 =	sand.u32 $0x1, s0  }
0x4: {  	s1 =	sshll.u32 s1, $0xA;
	[smem:$0x7E9] =	sst s3;
	s3 =	sshll.u32 s3, $0x9  }
0x5: {  	[smem:$0x7FF] =	sst s2;
	s4 =	sor.u32 s3, s1  }
0x6: {  	s6 =	sadd.s32 $0xA00, s5;
	s0 =	sshrl.u32 s4, $0x3;
	s3 =	sor.u32 $0x4000, s4  }
0x7: {  	[smem:$0x7B3] =	sst s3;
	s0 =	sadd.s32 s6, s0  }
0x8: {  	s9 =	sor.u32 $0x8000, s4;
	_ =	strace $0x80000047;
	[dreg:$0x3] =	wrdreg s0  }
0x9: {  	s11 =	sor.u32 $0xC000, s4;
	[smem:$0x7B5] =	sst s9  }
0xa: {  	s13 =	sor.u32 $0x10000, s4;
	[smem:$0x7B7] =	sst s11  }
0xb: {  	s17 =	sor.u32 $0x14000, s4;
	[smem:$0x7B9] =	sst s13  }
0xc: {  	s19 =	sor.u32 $0x18000, s4;
	[smem:$0x7BB] =	sst s17  }
0xd: {  	s21 =	sor.u32 $0x1C000, s4;
	[smem:$0x7BD] =	sst s19  }
0xe: {  	s25 =	sor.u32 $0x20000, s4;
	[smem:$0x7BF] =	sst s21  }
0xf: {  	s28 =	sor.u32 $0x24000, s4;
	[smem:$0x7C1] =	sst s25  }
0x10: {  	s30 =	sor.u32 $0x28000, s4;
	[smem:$0x7C3] =	sst s28  }
0x11: {  	s5 =	sshrl.u32 s3, $0x3;
	s3 =	sor.u32 $0x50000, s4;
	[smem:$0x7C5] =	sst s30  }
0x12: {  	s10 =	sshrl.u32 s9, $0x3;
	s8 =	sadd.s32 s6, s5;
	[smem:$0x7D9] =	sst s3  }
0x13: {  	s12 =	sshrl.u32 s11, $0x3;
	s0 =	sadd.s32 s6, s10;
	[dreg:$0x4] =	wrdreg s8  }
0x14: {  	s15 =	sshrl.u32 s13, $0x3;
	s14 =	sadd.s32 s6, s12;
	[dreg:$0x5] =	wrdreg s0  }
0x15: {  	s20 =	sshrl.u32 s19, $0x3;
	s16 =	sadd.s32 s6, s15;
	[dreg:$0x6] =	wrdreg s14  }
0x16: {  	s23 =	sshrl.u32 s21, $0x3;
	s22 =	sadd.s32 s6, s20;
	[dreg:$0x7] =	wrdreg s16  }
0x17: {  	s29 =	sshrl.u32 s28, $0x3;
	s24 =	sadd.s32 s6, s23;
	[dreg:$0x9] =	wrdreg s22  }
0x18: {  	s1 =	sshrl.u32 s30, $0x3;
	s31 =	sadd.s32 s6, s29;
	[dreg:$0xa] =	wrdreg s24  }
0x19: {  	s5 =	sadd.s32 s6, s1;
	[dreg:$0xc] =	wrdreg s31  }
0x1a: {  	s10 =	sor.u32 $0x30000, s4;
	[dreg:$0xd] =	wrdreg s5  }
0x1b: {  	s12 =	sor.u32 $0x34000, s4;
	[smem:$0x7C9] =	sst s10  }
0x1c: {  	s20 =	sor.u32 $0x40000, s4;
	[smem:$0x7CB] =	sst s12  }
0x1d: {  	s18 =	sshrl.u32 s17, $0x3;
	s29 =	sor.u32 $0x4C000, s4;
	[smem:$0x7D1] =	sst s20  }
0x1e: {  	s26 =	sshrl.u32 s25, $0x3;
	s0 =	sadd.s32 s6, s18;
	[smem:$0x7D7] =	sst s29  }
0x1f: {  	s8 =	sor.u32 $0x2C000, s4;
	s11 =	sshrl.u32 s10, $0x3;
	[dreg:$0x8] =	wrdreg s0  }
0x20: {  	s14 =	sshrl.u32 s12, $0x3;
	s16 =	sor.u32 $0x38000, s4;
	[smem:$0x7C7] =	sst s8  }
0x21: {  	s18 =	sor.u32 $0x3C000, s4;
	s22 =	sshrl.u32 s20, $0x3;
	[smem:$0x7CD] =	sst s16  }
0x22: {  	s24 =	sor.u32 $0x44000, s4;
	s31 =	sshrl.u32 s29, $0x3;
	[smem:$0x7CF] =	sst s18  }
0x23: {  	s5 =	sshrl.u32 s3, $0x3;
	s10 =	sor.u32 $0x58000, s4;
	[smem:$0x7D3] =	sst s24  }
0x24: {  	s29 =	sor.u32 $0x68000, s4;
	s0 =	sadd.s32 s6, s26;
	[smem:$0x7DD] =	sst s10  }
0x25: {  	s9 =	sshrl.u32 s8, $0x3;
	s13 =	sadd.s32 s6, s11;
	[dreg:$0xb] =	wrdreg s0  }
0x26: {  	s15 =	sadd.s32 s6, s14;
	s17 =	sshrl.u32 s16, $0x3;
	[dreg:$0xf] =	wrdreg s13  }
0x27: {  	s19 =	sshrl.u32 s18, $0x3;
	s23 =	sadd.s32 s6, s22;
	[dreg:$0x10] =	wrdreg s15  }
0x28: {  	s25 =	sshrl.u32 s24, $0x3;
	s26 =	sor.u32 $0x48000, s4;
	[dreg:$0x13] =	wrdreg s23  }
0x29: {  	s1 =	sadd.s32 s6, s31;
	s8 =	sor.u32 $0x54000, s4;
	[smem:$0x7D5] =	sst s26  }
0x2a: {  	s12 =	sshrl.u32 s10, $0x3;
	s14 =	sor.u32 $0x5C000, s4;
	[dreg:$0x16] =	wrdreg s1  }
0x2b: {  	s16 =	sor.u32 $0x60000, s4;
	s31 =	sor.u32 $0x64000, s4;
	[smem:$0x7DB] =	sst s8  }
0x2c: {  	s0 =	sadd.s32 s6, s9;
	s21 =	sadd.s32 s6, s19;
	[smem:$0x7DF] =	sst s14  }
0x2d: {  	s28 =	sshrl.u32 s26, $0x3;
	s9 =	sshrl.u32 s8, $0x3;
	[smem:$0x7E1] =	sst s16  }
0x2e: {  	s13 =	sadd.s32 s6, s12;
	s15 =	sshrl.u32 s14, $0x3;
	[dreg:$0xe] =	wrdreg s0  }
0x2f: {  	s19 =	sshrl.u32 s31, $0x3;
	s0 =	sadd.s32 s6, s17;
	[dreg:$0x12] =	wrdreg s21  }
0x30: {  	s30 =	sadd.s32 s6, s28;
	s11 =	sadd.s32 s6, s9;
	[dreg:$0x19] =	wrdreg s13  }
0x31: {  	s17 =	sshrl.u32 s16, $0x3;
	s20 =	sadd.s32 s6, s19;
	[dreg:$0x11] =	wrdreg s0  }
0x32: {  	s21 =	sshrl.u32 s29, $0x3;
	s28 =	sor.u32 $0x70000, s4;
	[dreg:$0x15] =	wrdreg s30  }
0x33: {  	s19 =	sor.u32 $0x8C000, s4;
	s0 =	sadd.s32 s6, s25;
	[dreg:$0x18] =	wrdreg s11  }
0x34: {  	s18 =	sadd.s32 s6, s17;
	[dreg:$0x1c] =	wrdreg s20;
	s30 =	sor.u32 $0x6C000, s4  }
0x35: {  	s24 =	sshrl.u32 s28, $0x3;
	s20 =	sor.u32 $0x90000, s4;
	[dreg:$0x14] =	wrdreg s0  }
0x36: {  	s0 =	sadd.s32 s6, s5;
	[dreg:$0x1b] =	wrdreg s18;
	s22 =	sshrl.u32 s30, $0x3  }
0x37: {  	s25 =	sadd.s32 s6, s24;
	s24 =	sor.u32 $0x74000, s4;
	s16 =	sshrl.u32 s20, $0x3  }
0x38: {  	s18 =	sor.u32 $0x94000, s4;
	[dreg:$0x17] =	wrdreg s0;
	s0 =	sadd.s32 s6, s15  }
0x39: {  	s23 =	sadd.s32 s6, s22;
	[dreg:$0x1f] =	wrdreg s25;
	s26 =	sshrl.u32 s24, $0x3  }
0x3a: {  	s25 =	sor.u32 $0x78000, s4;
	s22 =	sor.u32 $0x80000, s4;
	s15 =	sshrl.u32 s19, $0x3  }
0x3b: {  	s17 =	sadd.s32 s6, s16;
	s16 =	sor.u32 $0x98000, s4;
	[dreg:$0x1a] =	wrdreg s0  }
0x3c: {  	s0 =	sadd.s32 s6, s21;
	[dreg:$0x1e] =	wrdreg s23;
	s1 =	sshrl.u32 s25, $0x3  }
0x3d: {  	s10 =	sshrl.u32 s22, $0x3;
	s23 =	sor.u32 $0x84000, s4;
	[smem:$0x7A5] =	sst s17  }
0x3e: {  	s21 =	sor.u32 $0x88000, s4;
	s17 =	sor.u32 $0x9C000, s4;
	[dreg:$0x1d] =	wrdreg s0  }
0x3f: {  	s0 =	sadd.s32 s6, s26;
	s26 =	sor.u32 $0x7C000, s4;
	s5 =	sadd.s32 s6, s1  }
0x40: {  	s11 =	sshrl.u32 s23, $0x3;
	s13 =	sshrl.u32 s21, $0x3;
	[smem:$0x79E] =	sst s0  }
0x41: {  	s1 =	sshrl.u32 s18, $0x3;
	[smem:$0x79F] =	sst s5;
	s0 =	sadd.s32 s6, s10  }
0x42: {  	s8 =	sshrl.u32 s26, $0x3;
	s12 =	sadd.s32 s6, s11;
	[smem:$0x7A1] =	sst s0  }
0x43: {  	s14 =	sadd.s32 s6, s13;
	s3 =	sadd.s32 s6, s1;
	[smem:$0x7A2] =	sst s12  }
0x44: {  	s5 =	sshrl.u32 s16, $0x3;
	s13 =	sor.u32 $0xA4000, s4;
	[smem:$0x7A3] =	sst s14  }
0x45: {  	s9 =	sadd.s32 s6, s8;
	s0 =	sadd.s32 s6, s15;
	[smem:$0x7A6] =	sst s3  }
0x46: {  	s8 =	sshrl.u32 s17, $0x3;
	s15 =	sor.u32 $0xA0000, s4;
	[smem:$0x7A0] =	sst s9  }
0x47: {  	s12 =	sshrl.u32 s13, $0x3;
	[smem:$0x7A4] =	sst s0;
	s0 =	sadd.s32 s6, s5  }
0x48: {  	s9 =	sadd.s32 s6, s8;
	s10 =	sshrl.u32 s15, $0x3;
	[smem:$0x7A7] =	sst s0  }
0x49: {  	s14 =	sor.u32 $0xA8000, s4;
	[smem:$0x7A8] =	sst s9;
	s11 =	sadd.s32 s6, s10  }
0x4a: {  	s1 =	sshrl.u32 s14, $0x3;
	s0 =	sadd.s32 s6, s12;
	[smem:$0x7A9] =	sst s11  }
0x4b: {  	s12 =	sor.u32 $0xAC000, s4;
	s3 =	sadd.s32 s6, s1;
	[smem:$0x7AA] =	sst s0  }
0x4c: {  	s10 =	sor.u32 $0xB0000, s4;
	s5 =	sshrl.u32 s12, $0x3;
	[smem:$0x7AB] =	sst s3  }
0x4d: {  	s9 =	sshrl.u32 s10, $0x3;
	s11 =	sor.u32 $0xB4000, s4;
	s8 =	sadd.s32 s6, s5  }
0x4e: {  	s0 =	sadd.s32 s6, s9;
	s1 =	sshrl.u32 s11, $0x3;
	[smem:$0x7AC] =	sst s8  }
0x4f: {  	s9 =	sor.u32 $0xB8000, s4;
	[smem:$0x7AD] =	sst s0;
	s5 =	sadd.s32 s6, s1  }
0x50: {  	s8 =	sshrl.u32 s9, $0x3;
	[smem:$0x7AE] =	sst s5  }
0x51: {  	s3 =	sadd.s32 s6, s8;
	s8 =	sor.u32 $0xBC000, s4;
	s5 =	sor.u32 $0xC4000, s4  }
0x52: {  	[smem:$0x7AF] =	sst s3;
	s0 =	sshrl.u32 s8, $0x3;
	s3 =	sor.u32 $0xC0000, s4  }
0x53: {  	s4 =	sshll.u32 s4, $0x2;
	s0 =	sadd.s32 s6, s0;
	s1 =	sshrl.u32 s3, $0x3  }
0x54: {  	[smem:$0x7B0] =	sst s0;
	s0 =	sadd.s32 s6, s1;
	s1 =	sshrl.u32 s5, $0x3  }
0x55: {  	s1 =	sadd.s32 s6, s1;
	s6 =	sadd.s32 s7, s4;
	s4 =	sld [smem:$0x7B3]  }
0x56: {  	_ = 	snop  }
0x57: {  	[smem:$0x7B2] =	sst s1  }
0x58: {  	s1 =	sshll.u32 s4, $0x2;
	s4 =	sld [smem:$0x7B5];
	_ =	sdelay $0x1  }
0x59: {  	[smem:$0x7B4] =	sst s6  }
0x5a: {  	s6 =	sadd.s32 s7, s1;
	s1 =	sshll.u32 s4, $0x2;
	s4 =	sld [smem:$0x7B7]  }
0x5b: {  	_ = 	snop  }
0x5c: {  	[smem:$0x7B6] =	sst s6  }
0x5d: {  	s6 =	sadd.s32 s7, s1;
	s1 =	sshll.u32 s4, $0x2;
	s4 =	sld [smem:$0x7B9]  }
0x5e: {  	_ = 	snop  }
0x5f: {  	[smem:$0x7B8] =	sst s6  }
0x60: {  	s6 =	sadd.s32 s7, s1;
	s1 =	sshll.u32 s4, $0x2;
	s4 =	sld [smem:$0x7BB]  }
0x61: {  	_ = 	snop  }
0x62: {  	[smem:$0x7BA] =	sst s6  }
0x63: {  	s6 =	sadd.s32 s7, s1;
	s1 =	sshll.u32 s4, $0x2;
	s4 =	sld [smem:$0x7BD]  }
0x64: {  	_ = 	snop  }
0x65: {  	[smem:$0x7BC] =	sst s6  }
0x66: {  	s6 =	sadd.s32 s7, s1;
	s1 =	sshll.u32 s4, $0x2;
	s4 =	sld [smem:$0x7BF]  }
0x67: {  	_ = 	snop  }
0x68: {  	[smem:$0x7BE] =	sst s6  }
0x69: {  	s6 =	sadd.s32 s7, s1;
	s1 =	sshll.u32 s4, $0x2;
	s4 =	sld [smem:$0x7C1]  }
0x6a: {  	_ = 	snop  }
0x6b: {  	[smem:$0x7C0] =	sst s6  }
0x6c: {  	s6 =	sadd.s32 s7, s1;
	s1 =	sshll.u32 s4, $0x2;
	s4 =	sld [smem:$0x7C3]  }
0x6d: {  	_ = 	snop  }
0x6e: {  	[smem:$0x7C2] =	sst s6  }
0x6f: {  	s6 =	sadd.s32 s7, s1;
	s1 =	sshll.u32 s4, $0x2;
	s4 =	sld [smem:$0x7C5]  }
0x70: {  	_ = 	snop  }
0x71: {  	[smem:$0x7C4] =	sst s6  }
0x72: {  	s6 =	sadd.s32 s7, s1;
	s1 =	sshll.u32 s4, $0x2;
	s4 =	sld [smem:$0x7C7]  }
0x73: {  	_ = 	snop  }
0x74: {  	[smem:$0x7C6] =	sst s6  }
0x75: {  	s6 =	sadd.s32 s7, s1;
	s1 =	sshll.u32 s4, $0x2;
	s4 =	sld [smem:$0x7C9]  }
0x76: {  	_ = 	snop  }
0x77: {  	[smem:$0x7C8] =	sst s6  }
0x78: {  	s6 =	sadd.s32 s7, s1;
	s1 =	sshll.u32 s4, $0x2;
	s4 =	sld [smem:$0x7CB]  }
0x79: {  	_ = 	snop  }
0x7a: {  	[smem:$0x7CA] =	sst s6  }
0x7b: {  	s6 =	sadd.s32 s7, s1;
	s1 =	sshll.u32 s4, $0x2;
	s4 =	sld [smem:$0x7CD]  }
0x7c: {  	_ = 	snop  }
0x7d: {  	[smem:$0x7CC] =	sst s6  }
0x7e: {  	s6 =	sadd.s32 s7, s1;
	s1 =	sshll.u32 s4, $0x2;
	s4 =	sld [smem:$0x7CF]  }
0x7f: {  	_ = 	snop  }
0x80: {  	[smem:$0x7CE] =	sst s6  }
0x81: {  	s6 =	sadd.s32 s7, s1;
	s1 =	sshll.u32 s4, $0x2;
	s4 =	sld [smem:$0x7D1]  }
0x82: {  	_ = 	snop  }
0x83: {  	[smem:$0x7D0] =	sst s6  }
0x84: {  	s6 =	sadd.s32 s7, s1;
	s1 =	sshll.u32 s4, $0x2;
	s4 =	sld [smem:$0x7D3]  }
0x85: {  	_ = 	snop  }
0x86: {  	[smem:$0x7D2] =	sst s6  }
0x87: {  	s6 =	sadd.s32 s7, s1;
	s1 =	sshll.u32 s4, $0x2;
	s4 =	sld [smem:$0x7D5]  }
0x88: {  	_ = 	snop  }
0x89: {  	[smem:$0x7D4] =	sst s6  }
0x8a: {  	s6 =	sadd.s32 s7, s1;
	s1 =	sshll.u32 s4, $0x2;
	s4 =	sld [smem:$0x7D7]  }
0x8b: {  	_ = 	snop  }
0x8c: {  	[smem:$0x7D6] =	sst s6  }
0x8d: {  	s6 =	sadd.s32 s7, s1;
	s1 =	sshll.u32 s4, $0x2;
	s4 =	sld [smem:$0x7D9]  }
0x8e: {  	_ = 	snop  }
0x8f: {  	[smem:$0x7D8] =	sst s6  }
0x90: {  	s6 =	sadd.s32 s7, s1;
	s1 =	sshll.u32 s4, $0x2;
	s4 =	sld [smem:$0x7DB]  }
0x91: {  	_ = 	snop  }
0x92: {  	[smem:$0x7DA] =	sst s6  }
0x93: {  	s6 =	sadd.s32 s7, s1;
	s1 =	sshll.u32 s4, $0x2;
	s4 =	sld [smem:$0x7DD]  }
0x94: {  	_ = 	snop  }
0x95: {  	[smem:$0x7DC] =	sst s6  }
0x96: {  	s6 =	sadd.s32 s7, s1;
	s1 =	sshll.u32 s4, $0x2;
	s4 =	sld [smem:$0x7DF]  }
0x97: {  	_ = 	snop  }
0x98: {  	p0 =	por $0x0, $0x0;
	[smem:$0x7DE] =	sst s6  }
0x99: {  	s6 =	sadd.s32 s7, s1;
	s1 =	sshll.u32 s4, $0x2;
	s4 =	sld [smem:$0x7E1]  }
0x9a: {  	s31 =	sshll.u32 s31, $0x2;
	s20 =	sshll.u32 s20, $0x2;
	[smem:$0x7B1] =	sst s0  }
0x9b: {  	s14 =	sshll.u32 s14, $0x2;
	[smem:$0x7E0] =	sst s6;
	s6 =	sadd.s32 s7, s1  }
0x9c: {  	s3 =	sshll.u32 s3, $0x2;
	[smem:$0x7E2] =	sst s6;
	s1 =	sshll.u32 s4, $0x2  }
0x9d: {  	s4 =	sadd.s32 s7, s31;
	s31 =	sshll.u32 s30, $0x2;
	s30 =	sshll.u32 s25, $0x2  }
0x9e: {  	s6 =	sadd.s32 s7, s1;
	[smem:$0x7E4] =	sst s4;
	s1 =	sadd.s32 s7, s31  }
0x9f: {  	s4 =	sshll.u32 s28, $0x2;
	s28 =	sshll.u32 s24, $0x2;
	s31 =	sadd.s32 s7, s30  }
0xa0: {  	s24 =	sshll.u32 s22, $0x2;
	s22 =	sshll.u32 s18, $0x2;
	[smem:$0x7E3] =	sst s6  }
0xa1: {  	s18 =	sshll.u32 s10, $0x2;
	s10 =	simm.s32 $0x6400;
	[smem:$0x7E6] =	sst s1  }
0xa2: {  	s6 =	sshll.u32 s29, $0x2;
	[smem:$0x7EA] =	sst s31;
	s25 =	sadd.s32 s7, s24  }
0xa3: {  	s29 =	sadd.s32 s7, s6;
	s6 =	sadd.s32 s7, s4;
	s4 =	sld [smem:$0x7E9]  }
0xa4: {  	s31 =	sshll.u32 s19, $0x2;
	s24 =	sshll.u32 s16, $0x2;
	[smem:$0x7EC] =	sst s25  }
0xa5: {  	s16 =	sshll.u32 s12, $0x2;
	s12 =	simm.s32 $0x2;
	[smem:$0x7E5] =	sst s29  }
0xa6: {  	s19 =	sadd.s32 s7, s31;
	s25 =	sadd.s32 s7, s24;
	[smem:$0x7E7] =	sst s6  }
0xa7: {  	s31 =	sshll.u32 s13, $0x2;
	s24 =	sshll.u32 s8, $0x2;
	[smem:$0x7EF] =	sst s19  }
0xa8: {  	s29 =	sadd.s32 s7, s28;
	s6 =	sshll.u32 s26, $0x2;
	[smem:$0x7F2] =	sst s25  }
0xa9: {  	s26 =	sshll.u32 s23, $0x2;
	s23 =	sadd.s32 s7, s22;
	[smem:$0x7E8] =	sst s29  }
0xaa: {  	s13 =	sadd.s32 s7, s31;
	s19 =	sadd.s32 s7, s18;
	[smem:$0x7F1] =	sst s23  }
0xab: {  	s22 =	sshll.u32 s9, $0x2;
	s25 =	sadd.s32 s7, s24;
	[smem:$0x7F5] =	sst s13  }
0xac: {  	s18 =	simm.s32 $0x6200;
	s9 =	simm.s32 $0x3;
	[smem:$0x7F8] =	sst s19  }
0xad: {  	s0 =	sadd.s32 s7, s6;
	s28 =	sadd.s32 s7, s26;
	[smem:$0x7FB] =	sst s25  }
0xae: {  	s29 =	sshll.u32 s21, $0x2;
	s21 =	sadd.s32 s7, s20;
	[smem:$0x7EB] =	sst s0  }
0xaf: {  	s26 =	sshll.u32 s17, $0x2;
	s17 =	sadd.s32 s7, s16;
	[smem:$0x7ED] =	sst s28  }
0xb0: {  	s20 =	sshll.u32 s11, $0x2;
	s23 =	sadd.s32 s7, s22;
	[smem:$0x7F0] =	sst s21  }
0xb1: {  	s6 =	simm.s32 $0x4;
	s1 =	ssub.s32 $0x2, s4;
	[smem:$0x7F7] =	sst s17  }
0xb2: {  	s30 =	sadd.s32 s7, s29;
	s28 =	sadd.s32 s7, s26;
	[smem:$0x7FA] =	sst s23  }
0xb3: {  	s29 =	sshll.u32 s15, $0x2;
	s17 =	rddreg [dreg:$0x3];
	s4 =	sshrl.u32 s1, $0x1  }
0xb4: {  	s15 =	sadd.s32 s7, s14;
	[smem:$0x7EE] =	sst s30;
	s1 =	ssub.s32 s1, s4  }
0xb5: {  	s21 =	sadd.s32 s7, s20;
	[smem:$0x7F3] =	sst s28;
	s31 =	smax.u32 s1, $0x1  }
0xb6: {  	s26 =	sadd.s32 s7, s3;
	[smem:$0x7F6] =	sst s15;
	p1 =	sne.s32 s31, $0x1  }
.Ltmp0:
0xb7: {  	s30 =	sadd.s32 s7, s29;
	[smem:$0x7F9] =	sst s21;
	(pc) =	sbr.rel @!p1 .LBB2_4-.Ltmp0, $4  }
0xb8: {  	s28 =	sshll.u32 s5, $0x2;
	[smem:$0x7FC] =	sst s26;
	s15 =	simm.s32 $0x1  }
0xb9: {  	s5 =	simm.s32 $0x5;
	[smem:$0x7F4] =	sst s30;
	s29 =	sadd.s32 s7, s28  }
0xba: {  	s30 =	rddreg [dreg:$0x0];
	s4 =	simm.s32 $0x200;
	s7 =	simm.s32 $0xA400  }
0xbb: {  	s3 =	sadd.s32 $0xF42E00, s30;
	[smem:$0x7FD] =	sst s29;
	s21 =	sadd.s32 $0xFFFFFFFF, s31  }
0xbc: {  	[tilespmem:s2], [sflag:$0x1] =	stream.linear.gather [hbm4b:s17+s2], $0x200, $0x38;
	[tilespmem:$0xE400] =	vst v63  }
0xbd: {  	s16 =	rddreg [dreg:$0x4]  }
0xbe: {  	[tilespmem:s4], [sflag:$0x1] =	stream.linear.gather [hbm4b:s16+s2], $0x200, $0x38;
	[tilespmem:$0xE400] =	vst v63  }
0xbf: {  	s22 =	rddreg [dreg:$0x5];
	s0 =	simm.s32 $0x400  }
0xc0: {  	[tilespmem:s0], [sflag:$0x1] =	stream.linear.gather [hbm4b:s22+s2], $0x200, $0x38;
	[tilespmem:$0xE400] =	vst v63  }
0xc1: {  	s23 =	rddreg [dreg:$0x6];
	s20 =	simm.s32 $0x600  }
0xc2: {  	[tilespmem:s20], [sflag:$0x1] =	stream.linear.gather [hbm4b:s23+s2], $0x200, $0x38;
	[tilespmem:$0xE400] =	vst v63  }
0xc3: {  	s24 =	rddreg [dreg:$0x7];
	s1 =	simm.s32 $0x800  }
0xc4: {  	[tilespmem:s1], [sflag:$0x1] =	stream.linear.gather [hbm4b:s24+s2], $0x200, $0x38;
	[tilespmem:$0xE400] =	vst v63  }
0xc5: {  	s25 =	rddreg [dreg:$0x8];
	s14 =	simm.s32 $0xA00  }
0xc6: {  	[tilespmem:s14], [sflag:$0x1] =	stream.linear.gather [hbm4b:s25+s2], $0x200, $0x38;
	[tilespmem:$0xE400] =	vst v63  }
0xc7: {  	s26 =	rddreg [dreg:$0x9];
	s19 =	simm.s32 $0xC00  }
0xc8: {  	[tilespmem:s19], [sflag:$0x1] =	stream.linear.gather [hbm4b:s26+s2], $0x200, $0x38;
	[tilespmem:$0xE400] =	vst v63  }
0xc9: {  	s28 =	rddreg [dreg:$0xa];
	s13 =	simm.s32 $0xE00  }
0xca: {  	[tilespmem:s13], [sflag:$0x1] =	stream.linear.gather [hbm4b:s28+s2], $0x200, $0x38;
	[tilespmem:$0xE400] =	vst v63  }
0xcb: {  	s29 =	rddreg [dreg:$0xb];
	s30 =	simm.s32 $0x1000  }
0xcc: {  	[tilespmem:s30], [sflag:$0x1] =	stream.linear.gather [hbm4b:s29+s2], $0x200, $0x38;
	[tilespmem:$0xE400] =	vst v63  }
0xcd: {  	s31 =	rddreg [dreg:$0xc];
	s11 =	simm.s32 $0x1200  }
0xce: {  	[tilespmem:s11], [sflag:$0x1] =	stream.linear.gather [hbm4b:s31+s2], $0x200, $0x38;
	[tilespmem:$0xE400] =	vst v63  }
0xcf: {  	s8 =	rddreg [dreg:$0xd];
	s28 =	simm.s32 $0x1400  }
0xd0: {  	[tilespmem:s28], [sflag:$0x1] =	stream.linear.gather [hbm4b:s8+s2], $0x200, $0x38;
	[tilespmem:$0xE400] =	vst v63  }
0xd1: {  	s22 =	rddreg [dreg:$0xe];
	s8 =	simm.s32 $0x1600  }
0xd2: {  	[tilespmem:s8], [sflag:$0x1] =	stream.linear.gather [hbm4b:s22+s2], $0x200, $0x38;
	[tilespmem:$0xE400] =	vst v63  }
0xd3: {  	s23 =	rddreg [dreg:$0xf];
	s25 =	simm.s32 $0x1800  }
0xd4: {  	[tilespmem:s25], [sflag:$0x1] =	stream.linear.gather [hbm4b:s23+s2], $0x200, $0x38;
	[tilespmem:$0xE400] =	vst v63  }
0xd5: {  	s24 =	rddreg [dreg:$0x10];
	s22 =	simm.s32 $0x1A00  }
0xd6: {  	[tilespmem:s22], [sflag:$0x1] =	stream.linear.gather [hbm4b:s24+s2], $0x200, $0x38;
	[tilespmem:$0xE400] =	vst v63  }
0xd7: {  	s26 =	rddreg [dreg:$0x11];
	s24 =	simm.s32 $0x1C00  }
0xd8: {  	[tilespmem:s24], [sflag:$0x1] =	stream.linear.gather [hbm4b:s26+s2], $0x200, $0x38;
	[tilespmem:$0xE400] =	vst v63  }
0xd9: {  	s29 =	rddreg [dreg:$0x12];
	s23 =	simm.s32 $0x1E00  }
0xda: {  	[tilespmem:s23], [sflag:$0x1] =	stream.linear.gather [hbm4b:s29+s2], $0x200, $0x38;
	[tilespmem:$0xE400] =	vst v63  }
0xdb: {  	s31 =	rddreg [dreg:$0x13];
	s26 =	simm.s32 $0x2000  }
0xdc: {  	[tilespmem:s26], [sflag:$0x1] =	stream.linear.gather [hbm4b:s31+s2], $0x200, $0x38;
	[tilespmem:$0xE400] =	vst v63  }
0xdd: {  	s29 =	rddreg [dreg:$0x14];
	s31 =	simm.s32 $0x2200  }
0xde: {  	[tilespmem:s31], [sflag:$0x1] =	stream.linear.gather [hbm4b:s29+s2], $0x200, $0x38;
	[tilespmem:$0xE400] =	vst v63  }
0xdf: {  	s17 =	rddreg [dreg:$0x15];
	s29 =	simm.s32 $0x2400  }
0xe0: {  	[tilespmem:s29], [sflag:$0x1] =	stream.linear.gather [hbm4b:s17+s2], $0x200, $0x38;
	[tilespmem:$0xE400] =	vst v63  }
0xe1: {  	s16 =	rddreg [dreg:$0x16];
	s29 =	simm.s32 $0x2600  }
0xe2: {  	[tilespmem:s29], [sflag:$0x1] =	stream.linear.gather [hbm4b:s16+s2], $0x200, $0x38;
	[tilespmem:$0xE400] =	vst v63  }
0xe3: {  	s17 =	rddreg [dreg:$0x17];
	s29 =	simm.s32 $0x2800  }
0xe4: {  	[tilespmem:s29], [sflag:$0x1] =	stream.linear.gather [hbm4b:s17+s2], $0x200, $0x38;
	[tilespmem:$0xE400] =	vst v63  }
0xe5: {  	s16 =	rddreg [dreg:$0x18];
	s29 =	simm.s32 $0x2A00  }
0xe6: {  	[tilespmem:s29], [sflag:$0x1] =	stream.linear.gather [hbm4b:s16+s2], $0x200, $0x38;
	[tilespmem:$0xE400] =	vst v63  }
0xe7: {  	s17 =	rddreg [dreg:$0x19];
	s29 =	simm.s32 $0x2C00  }
0xe8: {  	[tilespmem:s29], [sflag:$0x1] =	stream.linear.gather [hbm4b:s17+s2], $0x200, $0x38;
	[tilespmem:$0xE400] =	vst v63  }
0xe9: {  	s16 =	rddreg [dreg:$0x1a];
	s29 =	simm.s32 $0x2E00  }
0xea: {  	[tilespmem:s29], [sflag:$0x1] =	stream.linear.gather [hbm4b:s16+s2], $0x200, $0x38;
	[tilespmem:$0xE400] =	vst v63  }
0xeb: {  	s17 =	rddreg [dreg:$0x1b];
	s29 =	simm.s32 $0x3000  }
0xec: {  	[tilespmem:s29], [sflag:$0x1] =	stream.linear.gather [hbm4b:s17+s2], $0x200, $0x38;
	[tilespmem:$0xE400] =	vst v63  }
0xed: {  	s16 =	rddreg [dreg:$0x1c]  }
0xee: {  	s29 =	simm.s32 $0x3200;
	s17 =	rddreg [dreg:$0x1d]  }
0xef: {  	[tilespmem:s29], [sflag:$0x1] =	stream.linear.gather [hbm4b:s16+s2], $0x200, $0x38;
	[tilespmem:$0xE400] =	vst v63  }
0xf0: {  	s16 =	rddreg [dreg:$0x1e];
	s29 =	simm.s32 $0x3400  }
0xf1: {  	[tilespmem:s29], [sflag:$0x1] =	stream.linear.gather [hbm4b:s17+s2], $0x200, $0x38;
	[tilespmem:$0xE400] =	vst v63  }
0xf2: {  	s17 =	rddreg [dreg:$0x1f];
	s29 =	simm.s32 $0x3600  }
0xf3: {  	[tilespmem:s29], [sflag:$0x1] =	stream.linear.gather [hbm4b:s16+s2], $0x200, $0x38;
	[tilespmem:$0xE400] =	vst v63  }
0xf4: {  	s16 =	sld [smem:$0x79E];
	s29 =	simm.s32 $0x3800  }
0xf5: {  	[tilespmem:s29], [sflag:$0x1] =	stream.linear.gather [hbm4b:s17+s2], $0x200, $0x38;
	[tilespmem:$0xE400] =	vst v63  }
0xf6: {  	s17 =	sld [smem:$0x79F];
	s29 =	simm.s32 $0x3A00  }
0xf7: {  	[tilespmem:s29], [sflag:$0x1] =	stream.linear.gather [hbm4b:s16+s2], $0x200, $0x38;
	[tilespmem:$0xE400] =	vst v63  }
0xf8: {  	s16 =	sld [smem:$0x7A0];
	s29 =	simm.s32 $0x3C00  }
0xf9: {  	[tilespmem:s29], [sflag:$0x1] =	stream.linear.gather [hbm4b:s17+s2], $0x200, $0x38;
	[tilespmem:$0xE400] =	vst v63  }
0xfa: {  	s17 =	sld [smem:$0x7A1];
	s29 =	simm.s32 $0x3E00  }
0xfb: {  	[tilespmem:s29], [sflag:$0x1] =	stream.linear.gather [hbm4b:s16+s2], $0x200, $0x38;
	[tilespmem:$0xE400] =	vst v63  }
0xfc: {  	s16 =	sld [smem:$0x7A2];
	s29 =	simm.s32 $0x4000  }
0xfd: {  	[tilespmem:s29], [sflag:$0x1] =	stream.linear.gather [hbm4b:s17+s2], $0x200, $0x38;
	[tilespmem:$0xE400] =	vst v63  }
0xfe: {  	s17 =	sld [smem:$0x7A3];
	s29 =	simm.s32 $0x4200  }
0xff: {  	[tilespmem:s29], [sflag:$0x1] =	stream.linear.gather [hbm4b:s16+s2], $0x200, $0x38;
	[tilespmem:$0xE400] =	vst v63  }
0x100: {  	s16 =	sld [smem:$0x7A4];
	s29 =	simm.s32 $0x4400  }
0x101: {  	[tilespmem:s29], [sflag:$0x1] =	stream.linear.gather [hbm4b:s17+s2], $0x200, $0x38;
	[tilespmem:$0xE400] =	vst v63  }
0x102: {  	s17 =	sld [smem:$0x7A5];
	s29 =	simm.s32 $0x4600  }
0x103: {  	[tilespmem:s29], [sflag:$0x1] =	stream.linear.gather [hbm4b:s16+s2], $0x200, $0x38;
	[tilespmem:$0xE400] =	vst v63  }
0x104: {  	s16 =	sld [smem:$0x7A6];
	s29 =	simm.s32 $0x4800  }
0x105: {  	[tilespmem:s29], [sflag:$0x1] =	stream.linear.gather [hbm4b:s17+s2], $0x200, $0x38;
	[tilespmem:$0xE400] =	vst v63  }
0x106: {  	s17 =	sld [smem:$0x7A7];
	s29 =	simm.s32 $0x4A00  }
0x107: {  	[tilespmem:s29], [sflag:$0x1] =	stream.linear.gather [hbm4b:s16+s2], $0x200, $0x38;
	[tilespmem:$0xE400] =	vst v63  }
0x108: {  	s16 =	sld [smem:$0x7A8];
	s29 =	simm.s32 $0x4C00  }
0x109: {  	[tilespmem:s29], [sflag:$0x1] =	stream.linear.gather [hbm4b:s17+s2], $0x200, $0x38;
	[tilespmem:$0xE400] =	vst v63  }
0x10a: {  	s17 =	sld [smem:$0x7A9];
	s29 =	simm.s32 $0x4E00  }
0x10b: {  	[tilespmem:s29], [sflag:$0x1] =	stream.linear.gather [hbm4b:s16+s2], $0x200, $0x38;
	[tilespmem:$0xE400] =	vst v63  }
0x10c: {  	s16 =	sld [smem:$0x7AA];
	s29 =	simm.s32 $0x5000  }
0x10d: {  	[tilespmem:s29], [sflag:$0x1] =	stream.linear.gather [hbm4b:s17+s2], $0x200, $0x38;
	[tilespmem:$0xE400] =	vst v63  }
0x10e: {  	s17 =	sld [smem:$0x7AB];
	s29 =	simm.s32 $0x5200  }
0x10f: {  	[tilespmem:s29], [sflag:$0x1] =	stream.linear.gather [hbm4b:s16+s2], $0x200, $0x38;
	[tilespmem:$0xE400] =	vst v63  }
0x110: {  	s16 =	sld [smem:$0x7AC];
	s29 =	simm.s32 $0x5400  }
0x111: {  	[tilespmem:s29], [sflag:$0x1] =	stream.linear.gather [hbm4b:s17+s2], $0x200, $0x38;
	[tilespmem:$0xE400] =	vst v63  }
0x112: {  	s17 =	sld [smem:$0x7AD];
	s29 =	simm.s32 $0x5600  }
0x113: {  	[tilespmem:s29], [sflag:$0x1] =	stream.linear.gather [hbm4b:s16+s2], $0x200, $0x38;
	[tilespmem:$0xE400] =	vst v63  }
0x114: {  	s16 =	sld [smem:$0x7AE];
	s29 =	simm.s32 $0x5800  }
0x115: {  	[tilespmem:s29], [sflag:$0x1] =	stream.linear.gather [hbm4b:s17+s2], $0x200, $0x38;
	[tilespmem:$0xE400] =	vst v63  }
0x116: {  	s17 =	sld [smem:$0x7AF];
	s29 =	simm.s32 $0x5A00  }
0x117: {  	[tilespmem:s29], [sflag:$0x1] =	stream.linear.gather [hbm4b:s16+s2], $0x200, $0x38;
	[tilespmem:$0xE400] =	vst v63  }
0x118: {  	s16 =	sld [smem:$0x7B0];
	s29 =	simm.s32 $0x5C00  }
0x119: {  	[tilespmem:s29], [sflag:$0x1] =	stream.linear.gather [hbm4b:s17+s2], $0x200, $0x38;
	[tilespmem:$0xE400] =	vst v63  }
0x11a: {  	s17 =	sld [smem:$0x7B1];
	s29 =	simm.s32 $0x5E00  }
0x11b: {  	[tilespmem:s29], [sflag:$0x1] =	stream.linear.gather [hbm4b:s16+s2], $0x200, $0x38;
	[tilespmem:$0xE400] =	vst v63  }
0x11c: {  	s16 =	sld [smem:$0x7B2];
	s29 =	simm.s32 $0x6000  }
0x11d: {  	[tilespmem:s29], [sflag:$0x1] =	stream.linear.gather [hbm4b:s17+s2], $0x200, $0x38;
	[tilespmem:$0xE400] =	vst v63  }
0x11e: {  	_ = 	snop  }
0x11f: {  	[tilespmem:s18], [sflag:$0x1] =	stream.linear.gather [hbm4b:s16+s2], $0x200, $0x38;
	[tilespmem:$0xE400] =	vst v63  }
0x120: {  	_ =	swait.ge [sflag:s15], $0x200  }
0x121: {  	[sflag:s15] =	ssyncset.done $0x0  }
0x122: {  	[sflag:s15] =	ssyncadd.s32 $0xFFFFFE00  }
0x123: {  	_ =	swait.ge [sflag:s15], $0x200  }
0x124: {  	[sflag:s15] =	ssyncset.done $0x0  }
0x125: {  	[sflag:s15] =	ssyncadd.s32 $0xFFFFFE00  }
0x126: {  	_ =	swait.ge [sflag:s15], $0x200  }
0x127: {  	[sflag:s15] =	ssyncset.done $0x0  }
0x128: {  	[sflag:s15] =	ssyncadd.s32 $0xFFFFFE00  }
0x129: {  	_ =	swait.ge [sflag:s15], $0x200  }
0x12a: {  	[sflag:s15] =	ssyncset.done $0x0  }
0x12b: {  	[sflag:s15] =	ssyncadd.s32 $0xFFFFFE00  }
0x12c: {  	_ =	swait.ge [sflag:s15], $0x200  }
0x12d: {  	[sflag:s15] =	ssyncset.done $0x0  }
0x12e: {  	[sflag:s15] =	ssyncadd.s32 $0xFFFFFE00  }
0x12f: {  	_ =	swait.ge [sflag:s15], $0x200  }
0x130: {  	[sflag:s15] =	ssyncset.done $0x0  }
0x131: {  	[sflag:s15] =	ssyncadd.s32 $0xFFFFFE00  }
0x132: {  	_ =	swait.ge [sflag:s15], $0x200  }
0x133: {  	[sflag:s15] =	ssyncset.done $0x0  }
0x134: {  	[sflag:s15] =	ssyncadd.s32 $0xFFFFFE00  }
0x135: {  	_ =	swait.ge [sflag:s15], $0x200  }
0x136: {  	[sflag:s15] =	ssyncset.done $0x0  }
0x137: {  	[sflag:s15] =	ssyncadd.s32 $0xFFFFFE00  }
0x138: {  	_ =	swait.ge [sflag:s15], $0x200  }
0x139: {  	[sflag:s15] =	ssyncset.done $0x0  }
0x13a: {  	[sflag:s15] =	ssyncadd.s32 $0xFFFFFE00  }
0x13b: {  	_ =	swait.ge [sflag:s15], $0x200  }
0x13c: {  	[sflag:s15] =	ssyncset.done $0x0  }
0x13d: {  	[sflag:s15] =	ssyncadd.s32 $0xFFFFFE00  }
0x13e: {  	_ =	swait.ge [sflag:s15], $0x200  }
0x13f: {  	[sflag:s15] =	ssyncset.done $0x0  }
0x140: {  	[sflag:s15] =	ssyncadd.s32 $0xFFFFFE00  }
0x141: {  	_ =	swait.ge [sflag:s15], $0x200  }
0x142: {  	[sflag:s15] =	ssyncset.done $0x0  }
0x143: {  	[sflag:s15] =	ssyncadd.s32 $0xFFFFFE00  }
0x144: {  	_ =	swait.ge [sflag:s15], $0x200  }
0x145: {  	[sflag:s15] =	ssyncset.done $0x0  }
0x146: {  	[sflag:s15] =	ssyncadd.s32 $0xFFFFFE00  }
0x147: {  	_ =	swait.ge [sflag:s15], $0x200  }
0x148: {  	[sflag:s15] =	ssyncset.done $0x0  }
0x149: {  	[sflag:s15] =	ssyncadd.s32 $0xFFFFFE00  }
0x14a: {  	_ =	swait.ge [sflag:s15], $0x200  }
0x14b: {  	[sflag:s15] =	ssyncset.done $0x0  }
0x14c: {  	[sflag:s15] =	ssyncadd.s32 $0xFFFFFE00  }
0x14d: {  	_ =	swait.ge [sflag:s15], $0x200  }
0x14e: {  	[sflag:s15] =	ssyncset.done $0x0  }
0x14f: {  	[sflag:s15] =	ssyncadd.s32 $0xFFFFFE00  }
0x150: {  	_ =	swait.ge [sflag:s15], $0x200  }
0x151: {  	[sflag:s15] =	ssyncset.done $0x0  }
0x152: {  	[sflag:s15] =	ssyncadd.s32 $0xFFFFFE00  }
0x153: {  	_ =	swait.ge [sflag:s15], $0x200  }
0x154: {  	[sflag:s15] =	ssyncset.done $0x0  }
0x155: {  	[sflag:s15] =	ssyncadd.s32 $0xFFFFFE00  }
0x156: {  	_ =	swait.ge [sflag:s15], $0x200  }
0x157: {  	[sflag:s15] =	ssyncset.done $0x0  }
0x158: {  	[sflag:s15] =	ssyncadd.s32 $0xFFFFFE00  }
0x159: {  	_ =	swait.ge [sflag:s15], $0x200  }
0x15a: {  	[sflag:s15] =	ssyncset.done $0x0  }
0x15b: {  	[sflag:s15] =	ssyncadd.s32 $0xFFFFFE00  }
0x15c: {  	_ =	swait.ge [sflag:s15], $0x200  }
0x15d: {  	[sflag:s15] =	ssyncset.done $0x0  }
0x15e: {  	[sflag:s15] =	ssyncadd.s32 $0xFFFFFE00  }
0x15f: {  	_ =	swait.ge [sflag:s15], $0x200  }
0x160: {  	[sflag:s15] =	ssyncset.done $0x0  }
0x161: {  	[sflag:s15] =	ssyncadd.s32 $0xFFFFFE00  }
0x162: {  	_ =	swait.ge [sflag:s15], $0x200  }
0x163: {  	[sflag:s15] =	ssyncset.done $0x0  }
0x164: {  	[sflag:s15] =	ssyncadd.s32 $0xFFFFFE00  }
0x165: {  	_ =	swait.ge [sflag:s15], $0x200  }
0x166: {  	[sflag:s15] =	ssyncset.done $0x0  }
0x167: {  	[sflag:s15] =	ssyncadd.s32 $0xFFFFFE00  }
0x168: {  	_ =	swait.ge [sflag:s15], $0x200  }
0x169: {  	[sflag:s15] =	ssyncset.done $0x0  }
0x16a: {  	[sflag:s15] =	ssyncadd.s32 $0xFFFFFE00  }
0x16b: {  	_ =	swait.ge [sflag:s15], $0x200  }
0x16c: {  	[sflag:s15] =	ssyncset.done $0x0  }
0x16d: {  	[sflag:s15] =	ssyncadd.s32 $0xFFFFFE00  }
0x16e: {  	_ =	swait.ge [sflag:s15], $0x200  }
0x16f: {  	[sflag:s15] =	ssyncset.done $0x0  }
0x170: {  	[sflag:s15] =	ssyncadd.s32 $0xFFFFFE00  }
0x171: {  	_ =	swait.ge [sflag:s15], $0x200  }
0x172: {  	[sflag:s15] =	ssyncset.done $0x0  }
0x173: {  	[sflag:s15] =	ssyncadd.s32 $0xFFFFFE00  }
0x174: {  	_ =	swait.ge [sflag:s15], $0x200  }
0x175: {  	[sflag:s15] =	ssyncset.done $0x0  }
0x176: {  	[sflag:s15] =	ssyncadd.s32 $0xFFFFFE00  }
0x177: {  	_ =	swait.ge [sflag:s15], $0x200  }
0x178: {  	[sflag:s15] =	ssyncset.done $0x0  }
0x179: {  	[sflag:s15] =	ssyncadd.s32 $0xFFFFFE00  }
0x17a: {  	_ =	swait.ge [sflag:s15], $0x200  }
0x17b: {  	[sflag:s15] =	ssyncset.done $0x0  }
0x17c: {  	[sflag:s15] =	ssyncadd.s32 $0xFFFFFE00  }
0x17d: {  	_ =	swait.ge [sflag:s15], $0x200  }
0x17e: {  	[sflag:s15] =	ssyncset.done $0x0  }
0x17f: {  	[sflag:s15] =	ssyncadd.s32 $0xFFFFFE00  }
0x180: {  	_ =	swait.ge [sflag:s15], $0x200  }
0x181: {  	[sflag:s15] =	ssyncset.done $0x0  }
0x182: {  	[sflag:s15] =	ssyncadd.s32 $0xFFFFFE00  }
0x183: {  	_ =	swait.ge [sflag:s15], $0x200  }
0x184: {  	[sflag:s15] =	ssyncset.done $0x0  }
0x185: {  	[sflag:s15] =	ssyncadd.s32 $0xFFFFFE00  }
0x186: {  	_ =	swait.ge [sflag:s15], $0x200  }
0x187: {  	[sflag:s15] =	ssyncset.done $0x0  }
0x188: {  	[sflag:s15] =	ssyncadd.s32 $0xFFFFFE00  }
0x189: {  	_ =	swait.ge [sflag:s15], $0x200  }
0x18a: {  	[sflag:s15] =	ssyncset.done $0x0  }
0x18b: {  	[sflag:s15] =	ssyncadd.s32 $0xFFFFFE00  }
0x18c: {  	_ =	swait.ge [sflag:s15], $0x200  }
0x18d: {  	[sflag:s15] =	ssyncset.done $0x0  }
0x18e: {  	[sflag:s15] =	ssyncadd.s32 $0xFFFFFE00  }
0x18f: {  	_ =	swait.ge [sflag:s15], $0x200  }
0x190: {  	[sflag:s15] =	ssyncset.done $0x0  }
0x191: {  	[sflag:s15] =	ssyncadd.s32 $0xFFFFFE00  }
0x192: {  	_ =	swait.ge [sflag:s15], $0x200  }
0x193: {  	[sflag:s15] =	ssyncset.done $0x0  }
0x194: {  	[sflag:s15] =	ssyncadd.s32 $0xFFFFFE00  }
0x195: {  	_ =	swait.ge [sflag:s15], $0x200  }
0x196: {  	[sflag:s15] =	ssyncset.done $0x0  }
0x197: {  	[sflag:s15] =	ssyncadd.s32 $0xFFFFFE00  }
0x198: {  	_ =	swait.ge [sflag:s15], $0x200  }
0x199: {  	[sflag:s15] =	ssyncset.done $0x0  }
0x19a: {  	[sflag:s15] =	ssyncadd.s32 $0xFFFFFE00  }
0x19b: {  	_ =	swait.ge [sflag:s15], $0x200  }
0x19c: {  	[sflag:s15] =	ssyncset.done $0x0  }
0x19d: {  	[sflag:s15] =	ssyncadd.s32 $0xFFFFFE00  }
0x19e: {  	_ =	swait.ge [sflag:s15], $0x200  }
0x19f: {  	[sflag:s15] =	ssyncset.done $0x0  }
0x1a0: {  	[sflag:s15] =	ssyncadd.s32 $0xFFFFFE00  }
0x1a1: {  	_ =	swait.ge [sflag:s15], $0x200  }
0x1a2: {  	[sflag:s15] =	ssyncset.done $0x0  }
0x1a3: {  	[sflag:s15] =	ssyncadd.s32 $0xFFFFFE00  }
0x1a4: {  	_ =	swait.ge [sflag:s15], $0x200  }
0x1a5: {  	[sflag:s15] =	ssyncset.done $0x0  }
0x1a6: {  	[sflag:s15] =	ssyncadd.s32 $0xFFFFFE00  }
0x1a7: {  	_ =	swait.ge [sflag:s15], $0x200  }
0x1a8: {  	[sflag:s15] =	ssyncset.done $0x0  }
0x1a9: {  	[sflag:s15] =	ssyncadd.s32 $0xFFFFFE00  }
0x1aa: {  	_ =	swait.ge [sflag:s15], $0x200  }
0x1ab: {  	[sflag:s15] =	ssyncset.done $0x0  }
0x1ac: {  	[sflag:s15] =	ssyncadd.s32 $0xFFFFFE00  }
0x1ad: {  	_ =	swait.ge [sflag:s15], $0x200  }
0x1ae: {  	[sflag:s15] =	ssyncset.done $0x0  }
0x1af: {  	[sflag:s15] =	ssyncadd.s32 $0xFFFFFE00  }
0x1b0: {  	_ =	swait.ge [sflag:s15], $0x200  }
0x1b1: {  	[sflag:s15] =	ssyncset.done $0x0  }
0x1b2: {  	[sflag:s15] =	ssyncadd.s32 $0xFFFFFE00  }
0x1b3: {  	_ =	swait.ge [sflag:s15], $0x200  }
0x1b4: {  	[sflag:s15] =	ssyncset.done $0x0  }
0x1b5: {  	[sflag:s15] =	ssyncadd.s32 $0xFFFFFE00  }
0x1b6: {  	[tilespmem:s10], [sflag:$0x2] =	stream.indirect.gather [hbm4b:s3+s4], $0x20, s2, s4, $0xb8;
	[tilespmem:$0xE400] =	vst v63  }
0x1b7: {  	_ =	swait.ge [sflag:s12], $0x4000  }
0x1b8: {  	[sflag:s12] =	ssyncset.done $0x0  }
0x1b9: {  	s29 =	sld [smem:$0x7B4];
	[sflag:s12] =	ssyncadd.s32 $0xFFFFC000  }
0x1ba: {  	[tilespmem:s7], [sflag:$0x3] =	stream.indirect.gather [hbm4b:s3+s4], $0x20, s4, s4, $0xb8;
	[tilespmem:$0xE400] =	vst v63  }
0x1bb: {  	_ = 	snop  }
0x1bc: {  	[hbm4b:s29+s2] =	stream.linear.scatter [tilespmem:s10], [sflag:$0x4], $0x4000, $0x38;
	[tilespmem:$0xE400] =	vst v63  }
0x1bd: {  	_ =	swait.ge [sflag:s9], $0x4000  }
0x1be: {  	[sflag:s9] =	ssyncset.done $0x0  }
0x1bf: {  	[sflag:s9] =	ssyncadd.s32 $0xFFFFC000  }
0x1c0: {  	_ =	swait.ge [sflag:s6], $0x4000  }
0x1c1: {  	[sflag:s6] =	ssyncset.done $0x0  }
0x1c2: {  	s29 =	sld [smem:$0x7B6];
	[sflag:s6] =	ssyncadd.s32 $0xFFFFC000  }
0x1c3: {  	[tilespmem:s10], [sflag:$0x2] =	stream.indirect.gather [hbm4b:s3+s4], $0x20, s0, s4, $0xb8;
	[tilespmem:$0xE400] =	vst v63  }
0x1c4: {  	_ = 	snop  }
0x1c5: {  	[hbm4b:s29+s2] =	stream.linear.scatter [tilespmem:s7], [sflag:$0x5], $0x4000, $0x38;
	[tilespmem:$0xE400] =	vst v63  }
0x1c6: {  	_ =	swait.ge [sflag:s12], $0x4000  }
0x1c7: {  	[sflag:s12] =	ssyncset.done $0x0  }
0x1c8: {  	[sflag:s12] =	ssyncadd.s32 $0xFFFFC000  }
0x1c9: {  	_ =	swait.ge [sflag:s5], $0x4000  }
0x1ca: {  	[sflag:s5] =	ssyncset.done $0x0  }
0x1cb: {  	s29 =	sld [smem:$0x7B8];
	[sflag:s5] =	ssyncadd.s32 $0xFFFFC000  }
0x1cc: {  	[tilespmem:s7], [sflag:$0x3] =	stream.indirect.gather [hbm4b:s3+s4], $0x20, s20, s4, $0xb8;
	[tilespmem:$0xE400] =	vst v63  }
0x1cd: {  	_ = 	snop  }
0x1ce: {  	[hbm4b:s29+s2] =	stream.linear.scatter [tilespmem:s10], [sflag:$0x4], $0x4000, $0x38;
	[tilespmem:$0xE400] =	vst v63  }
0x1cf: {  	_ =	swait.ge [sflag:s9], $0x4000  }
0x1d0: {  	[sflag:s9] =	ssyncset.done $0x0  }
0x1d1: {  	[sflag:s9] =	ssyncadd.s32 $0xFFFFC000  }
0x1d2: {  	_ =	swait.ge [sflag:s6], $0x4000  }
0x1d3: {  	[sflag:s6] =	ssyncset.done $0x0  }
0x1d4: {  	s0 =	sld [smem:$0x7BA];
	[sflag:s6] =	ssyncadd.s32 $0xFFFFC000  }
0x1d5: {  	[tilespmem:s10], [sflag:$0x2] =	stream.indirect.gather [hbm4b:s3+s4], $0x20, s1, s4, $0xb8;
	[tilespmem:$0xE400] =	vst v63  }
0x1d6: {  	_ = 	snop  }
0x1d7: {  	[hbm4b:s0+s2] =	stream.linear.scatter [tilespmem:s7], [sflag:$0x5], $0x4000, $0x38;
	[tilespmem:$0xE400] =	vst v63  }
0x1d8: {  	_ =	swait.ge [sflag:s12], $0x4000  }
0x1d9: {  	[sflag:s12] =	ssyncset.done $0x0  }
0x1da: {  	[sflag:s12] =	ssyncadd.s32 $0xFFFFC000  }
0x1db: {  	_ =	swait.ge [sflag:s5], $0x4000  }
0x1dc: {  	[sflag:s5] =	ssyncset.done $0x0  }
0x1dd: {  	s20 =	sld [smem:$0x7BC];
	[sflag:s5] =	ssyncadd.s32 $0xFFFFC000  }
0x1de: {  	[tilespmem:s7], [sflag:$0x3] =	stream.indirect.gather [hbm4b:s3+s4], $0x20, s14, s4, $0xb8;
	[tilespmem:$0xE400] =	vst v63  }
0x1df: {  	_ = 	snop  }
0x1e0: {  	[hbm4b:s20+s2] =	stream.linear.scatter [tilespmem:s10], [sflag:$0x4], $0x4000, $0x38;
	[tilespmem:$0xE400] =	vst v63  }
0x1e1: {  	_ =	swait.ge [sflag:s9], $0x4000  }
0x1e2: {  	[sflag:s9] =	ssyncset.done $0x0  }
0x1e3: {  	[sflag:s9] =	ssyncadd.s32 $0xFFFFC000  }
0x1e4: {  	_ =	swait.ge [sflag:s6], $0x4000  }
0x1e5: {  	[sflag:s6] =	ssyncset.done $0x0  }
0x1e6: {  	s29 =	sld [smem:$0x7BE];
	[sflag:s6] =	ssyncadd.s32 $0xFFFFC000  }
0x1e7: {  	[tilespmem:s10], [sflag:$0x2] =	stream.indirect.gather [hbm4b:s3+s4], $0x20, s19, s4, $0xb8;
	[tilespmem:$0xE400] =	vst v63  }
0x1e8: {  	_ = 	snop  }
0x1e9: {  	[hbm4b:s29+s2] =	stream.linear.scatter [tilespmem:s7], [sflag:$0x5], $0x4000, $0x38;
	[tilespmem:$0xE400] =	vst v63  }
0x1ea: {  	_ =	swait.ge [sflag:s12], $0x4000  }
0x1eb: {  	[sflag:s12] =	ssyncset.done $0x0  }
0x1ec: {  	[sflag:s12] =	ssyncadd.s32 $0xFFFFC000  }
0x1ed: {  	_ =	swait.ge [sflag:s5], $0x4000  }
0x1ee: {  	[sflag:s5] =	ssyncset.done $0x0  }
0x1ef: {  	s0 =	sld [smem:$0x7C0];
	[sflag:s5] =	ssyncadd.s32 $0xFFFFC000  }
0x1f0: {  	[tilespmem:s7], [sflag:$0x3] =	stream.indirect.gather [hbm4b:s3+s4], $0x20, s13, s4, $0xb8;
	[tilespmem:$0xE400] =	vst v63  }
0x1f1: {  	_ = 	snop  }
0x1f2: {  	[hbm4b:s0+s2] =	stream.linear.scatter [tilespmem:s10], [sflag:$0x4], $0x4000, $0x38;
	[tilespmem:$0xE400] =	vst v63  }
0x1f3: {  	_ =	swait.ge [sflag:s9], $0x4000  }
0x1f4: {  	[sflag:s9] =	ssyncset.done $0x0  }
0x1f5: {  	[sflag:s9] =	ssyncadd.s32 $0xFFFFC000  }
0x1f6: {  	_ =	swait.ge [sflag:s6], $0x4000  }
0x1f7: {  	[sflag:s6] =	ssyncset.done $0x0  }
0x1f8: {  	s1 =	sld [smem:$0x7C2];
	[sflag:s6] =	ssyncadd.s32 $0xFFFFC000  }
0x1f9: {  	[tilespmem:s10], [sflag:$0x2] =	stream.indirect.gather [hbm4b:s3+s4], $0x20, s30, s4, $0xb8;
	[tilespmem:$0xE400] =	vst v63  }
0x1fa: {  	_ = 	snop  }
0x1fb: {  	[hbm4b:s1+s2] =	stream.linear.scatter [tilespmem:s7], [sflag:$0x5], $0x4000, $0x38;
	[tilespmem:$0xE400] =	vst v63  }
0x1fc: {  	_ =	swait.ge [sflag:s12], $0x4000  }
0x1fd: {  	[sflag:s12] =	ssyncset.done $0x0  }
0x1fe: {  	[sflag:s12] =	ssyncadd.s32 $0xFFFFC000  }
0x1ff: {  	_ =	swait.ge [sflag:s5], $0x4000  }
0x200: {  	[sflag:s5] =	ssyncset.done $0x0  }
0x201: {  	s13 =	sld [smem:$0x7C4];
	[sflag:s5] =	ssyncadd.s32 $0xFFFFC000  }
0x202: {  	[tilespmem:s7], [sflag:$0x3] =	stream.indirect.gather [hbm4b:s3+s4], $0x20, s11, s4, $0xb8;
	[tilespmem:$0xE400] =	vst v63  }
0x203: {  	_ = 	snop  }
0x204: {  	[hbm4b:s13+s2] =	stream.linear.scatter [tilespmem:s10], [sflag:$0x4], $0x4000, $0x38;
	[tilespmem:$0xE400] =	vst v63  }
0x205: {  	_ =	swait.ge [sflag:s9], $0x4000  }
0x206: {  	[sflag:s9] =	ssyncset.done $0x0  }
0x207: {  	[sflag:s9] =	ssyncadd.s32 $0xFFFFC000  }
0x208: {  	_ =	swait.ge [sflag:s6], $0x4000  }
0x209: {  	[sflag:s6] =	ssyncset.done $0x0  }
0x20a: {  	s14 =	sld [smem:$0x7C6];
	[sflag:s6] =	ssyncadd.s32 $0xFFFFC000  }
0x20b: {  	[tilespmem:s10], [sflag:$0x2] =	stream.indirect.gather [hbm4b:s3+s4], $0x20, s28, s4, $0xb8;
	[tilespmem:$0xE400] =	vst v63  }
0x20c: {  	_ = 	snop  }
0x20d: {  	[hbm4b:s14+s2] =	stream.linear.scatter [tilespmem:s7], [sflag:$0x5], $0x4000, $0x38;
	[tilespmem:$0xE400] =	vst v63  }
0x20e: {  	_ =	swait.ge [sflag:s12], $0x4000  }
0x20f: {  	[sflag:s12] =	ssyncset.done $0x0  }
0x210: {  	[sflag:s12] =	ssyncadd.s32 $0xFFFFC000  }
0x211: {  	_ =	swait.ge [sflag:s5], $0x4000  }
0x212: {  	[sflag:s5] =	ssyncset.done $0x0  }
0x213: {  	s19 =	sld [smem:$0x7C8];
	[sflag:s5] =	ssyncadd.s32 $0xFFFFC000  }
0x214: {  	[tilespmem:s7], [sflag:$0x3] =	stream.indirect.gather [hbm4b:s3+s4], $0x20, s8, s4, $0xb8;
	[tilespmem:$0xE400] =	vst v63  }
0x215: {  	_ = 	snop  }
0x216: {  	[hbm4b:s19+s2] =	stream.linear.scatter [tilespmem:s10], [sflag:$0x4], $0x4000, $0x38;
	[tilespmem:$0xE400] =	vst v63  }
0x217: {  	_ =	swait.ge [sflag:s9], $0x4000  }
0x218: {  	[sflag:s9] =	ssyncset.done $0x0  }
0x219: {  	[sflag:s9] =	ssyncadd.s32 $0xFFFFC000  }
0x21a: {  	_ =	swait.ge [sflag:s6], $0x4000  }
0x21b: {  	[sflag:s6] =	ssyncset.done $0x0  }
0x21c: {  	s20 =	sld [smem:$0x7CA];
	[sflag:s6] =	ssyncadd.s32 $0xFFFFC000  }
0x21d: {  	[tilespmem:s10], [sflag:$0x2] =	stream.indirect.gather [hbm4b:s3+s4], $0x20, s25, s4, $0xb8;
	[tilespmem:$0xE400] =	vst v63  }
0x21e: {  	_ = 	snop  }
0x21f: {  	[hbm4b:s20+s2] =	stream.linear.scatter [tilespmem:s7], [sflag:$0x5], $0x4000, $0x38;
	[tilespmem:$0xE400] =	vst v63  }
0x220: {  	_ =	swait.ge [sflag:s12], $0x4000  }
0x221: {  	[sflag:s12] =	ssyncset.done $0x0  }
0x222: {  	[sflag:s12] =	ssyncadd.s32 $0xFFFFC000  }
0x223: {  	_ =	swait.ge [sflag:s5], $0x4000  }
0x224: {  	[sflag:s5] =	ssyncset.done $0x0  }
0x225: {  	s28 =	sld [smem:$0x7CC];
	[sflag:s5] =	ssyncadd.s32 $0xFFFFC000  }
0x226: {  	[tilespmem:s7], [sflag:$0x3] =	stream.indirect.gather [hbm4b:s3+s4], $0x20, s22, s4, $0xb8;
	[tilespmem:$0xE400] =	vst v63  }
0x227: {  	_ = 	snop  }
0x228: {  	[hbm4b:s28+s2] =	stream.linear.scatter [tilespmem:s10], [sflag:$0x4], $0x4000, $0x38;
	[tilespmem:$0xE400] =	vst v63  }
0x229: {  	_ =	swait.ge [sflag:s9], $0x4000  }
0x22a: {  	[sflag:s9] =	ssyncset.done $0x0  }
0x22b: {  	[sflag:s9] =	ssyncadd.s32 $0xFFFFC000  }
0x22c: {  	_ =	swait.ge [sflag:s6], $0x4000  }
0x22d: {  	[sflag:s6] =	ssyncset.done $0x0  }
0x22e: {  	s29 =	sld [smem:$0x7CE];
	[sflag:s6] =	ssyncadd.s32 $0xFFFFC000  }
0x22f: {  	[tilespmem:s10], [sflag:$0x2] =	stream.indirect.gather [hbm4b:s3+s4], $0x20, s24, s4, $0xb8;
	[tilespmem:$0xE400] =	vst v63  }
0x230: {  	_ = 	snop  }
0x231: {  	[hbm4b:s29+s2] =	stream.linear.scatter [tilespmem:s7], [sflag:$0x5], $0x4000, $0x38;
	[tilespmem:$0xE400] =	vst v63  }
0x232: {  	_ =	swait.ge [sflag:s12], $0x4000  }
0x233: {  	[sflag:s12] =	ssyncset.done $0x0  }
0x234: {  	[sflag:s12] =	ssyncadd.s32 $0xFFFFC000  }
0x235: {  	_ =	swait.ge [sflag:s5], $0x4000  }
0x236: {  	[sflag:s5] =	ssyncset.done $0x0  }
0x237: {  	s30 =	sld [smem:$0x7D0];
	[sflag:s5] =	ssyncadd.s32 $0xFFFFC000  }
0x238: {  	[tilespmem:s7], [sflag:$0x3] =	stream.indirect.gather [hbm4b:s3+s4], $0x20, s23, s4, $0xb8;
	[tilespmem:$0xE400] =	vst v63  }
0x239: {  	_ = 	snop  }
0x23a: {  	[hbm4b:s30+s2] =	stream.linear.scatter [tilespmem:s10], [sflag:$0x4], $0x4000, $0x38;
	[tilespmem:$0xE400] =	vst v63  }
0x23b: {  	_ =	swait.ge [sflag:s9], $0x4000  }
0x23c: {  	[sflag:s9] =	ssyncset.done $0x0  }
0x23d: {  	[sflag:s9] =	ssyncadd.s32 $0xFFFFC000  }
0x23e: {  	_ =	swait.ge [sflag:s6], $0x4000  }
0x23f: {  	[sflag:s6] =	ssyncset.done $0x0  }
0x240: {  	s0 =	sld [smem:$0x7D2];
	[sflag:s6] =	ssyncadd.s32 $0xFFFFC000  }
0x241: {  	[tilespmem:s10], [sflag:$0x2] =	stream.indirect.gather [hbm4b:s3+s4], $0x20, s26, s4, $0xb8;
	[tilespmem:$0xE400] =	vst v63  }
0x242: {  	_ = 	snop  }
0x243: {  	[hbm4b:s0+s2] =	stream.linear.scatter [tilespmem:s7], [sflag:$0x5], $0x4000, $0x38;
	[tilespmem:$0xE400] =	vst v63  }
0x244: {  	_ =	swait.ge [sflag:s12], $0x4000  }
0x245: {  	[sflag:s12] =	ssyncset.done $0x0  }
0x246: {  	[sflag:s12] =	ssyncadd.s32 $0xFFFFC000  }
0x247: {  	_ =	swait.ge [sflag:s5], $0x4000  }
0x248: {  	[sflag:s5] =	ssyncset.done $0x0  }
0x249: {  	s1 =	sld [smem:$0x7D4];
	[sflag:s5] =	ssyncadd.s32 $0xFFFFC000  }
0x24a: {  	[tilespmem:s7], [sflag:$0x3] =	stream.indirect.gather [hbm4b:s3+s4], $0x20, s31, s4, $0xb8;
	[tilespmem:$0xE400] =	vst v63  }
0x24b: {  	_ = 	snop  }
0x24c: {  	[hbm4b:s1+s2] =	stream.linear.scatter [tilespmem:s10], [sflag:$0x4], $0x4000, $0x38;
	[tilespmem:$0xE400] =	vst v63  }
0x24d: {  	_ =	swait.ge [sflag:s9], $0x4000  }
0x24e: {  	[sflag:s9] =	ssyncset.done $0x0  }
0x24f: {  	[sflag:s9] =	ssyncadd.s32 $0xFFFFC000  }
0x250: {  	_ =	swait.ge [sflag:s6], $0x4000  }
0x251: {  	[sflag:s6] =	ssyncset.done $0x0  }
0x252: {  	s11 =	simm.s32 $0x2400;
	s8 =	sld [smem:$0x7D6];
	[sflag:s6] =	ssyncadd.s32 $0xFFFFC000  }
0x253: {  	[tilespmem:s10], [sflag:$0x2] =	stream.indirect.gather [hbm4b:s3+s4], $0x20, s11, s4, $0xb8;
	[tilespmem:$0xE400] =	vst v63  }
0x254: {  	_ = 	snop  }
0x255: {  	[hbm4b:s8+s2] =	stream.linear.scatter [tilespmem:s7], [sflag:$0x5], $0x4000, $0x38;
	[tilespmem:$0xE400] =	vst v63  }
0x256: {  	_ =	swait.ge [sflag:s12], $0x4000  }
0x257: {  	[sflag:s12] =	ssyncset.done $0x0  }
0x258: {  	[sflag:s12] =	ssyncadd.s32 $0xFFFFC000  }
0x259: {  	_ =	swait.ge [sflag:s5], $0x4000  }
0x25a: {  	[sflag:s5] =	ssyncset.done $0x0  }
0x25b: {  	s14 =	simm.s32 $0x2600;
	s13 =	sld [smem:$0x7D8];
	[sflag:s5] =	ssyncadd.s32 $0xFFFFC000  }
0x25c: {  	[tilespmem:s7], [sflag:$0x3] =	stream.indirect.gather [hbm4b:s3+s4], $0x20, s14, s4, $0xb8;
	[tilespmem:$0xE400] =	vst v63  }
0x25d: {  	_ = 	snop  }
0x25e: {  	[hbm4b:s13+s2] =	stream.linear.scatter [tilespmem:s10], [sflag:$0x4], $0x4000, $0x38;
	[tilespmem:$0xE400] =	vst v63  }
0x25f: {  	_ =	swait.ge [sflag:s9], $0x4000  }
0x260: {  	[sflag:s9] =	ssyncset.done $0x0  }
0x261: {  	[sflag:s9] =	ssyncadd.s32 $0xFFFFC000  }
0x262: {  	_ =	swait.ge [sflag:s6], $0x4000  }
0x263: {  	[sflag:s6] =	ssyncset.done $0x0  }
0x264: {  	s20 =	simm.s32 $0x2800;
	s19 =	sld [smem:$0x7DA];
	[sflag:s6] =	ssyncadd.s32 $0xFFFFC000  }
0x265: {  	[tilespmem:s10], [sflag:$0x2] =	stream.indirect.gather [hbm4b:s3+s4], $0x20, s20, s4, $0xb8;
	[tilespmem:$0xE400] =	vst v63  }
0x266: {  	_ = 	snop  }
0x267: {  	[hbm4b:s19+s2] =	stream.linear.scatter [tilespmem:s7], [sflag:$0x5], $0x4000, $0x38;
	[tilespmem:$0xE400] =	vst v63  }
0x268: {  	_ =	swait.ge [sflag:s12], $0x4000  }
0x269: {  	[sflag:s12] =	ssyncset.done $0x0  }
0x26a: {  	[sflag:s12] =	ssyncadd.s32 $0xFFFFC000  }
0x26b: {  	_ =	swait.ge [sflag:s5], $0x4000  }
0x26c: {  	[sflag:s5] =	ssyncset.done $0x0  }
0x26d: {  	s23 =	simm.s32 $0x2A00;
	s22 =	sld [smem:$0x7DC];
	[sflag:s5] =	ssyncadd.s32 $0xFFFFC000  }
0x26e: {  	[tilespmem:s7], [sflag:$0x3] =	stream.indirect.gather [hbm4b:s3+s4], $0x20, s23, s4, $0xb8;
	[tilespmem:$0xE400] =	vst v63  }
0x26f: {  	_ = 	snop  }
0x270: {  	[hbm4b:s22+s2] =	stream.linear.scatter [tilespmem:s10], [sflag:$0x4], $0x4000, $0x38;
	[tilespmem:$0xE400] =	vst v63  }
0x271: {  	_ =	swait.ge [sflag:s9], $0x4000  }
0x272: {  	[sflag:s9] =	ssyncset.done $0x0  }
0x273: {  	[sflag:s9] =	ssyncadd.s32 $0xFFFFC000  }
0x274: {  	_ =	swait.ge [sflag:s6], $0x4000  }
0x275: {  	[sflag:s6] =	ssyncset.done $0x0  }
0x276: {  	s25 =	simm.s32 $0x2C00;
	s24 =	sld [smem:$0x7DE];
	[sflag:s6] =	ssyncadd.s32 $0xFFFFC000  }
0x277: {  	[tilespmem:s10], [sflag:$0x2] =	stream.indirect.gather [hbm4b:s3+s4], $0x20, s25, s4, $0xb8;
	[tilespmem:$0xE400] =	vst v63  }
0x278: {  	_ = 	snop  }
0x279: {  	[hbm4b:s24+s2] =	stream.linear.scatter [tilespmem:s7], [sflag:$0x5], $0x4000, $0x38;
	[tilespmem:$0xE400] =	vst v63  }
0x27a: {  	_ =	swait.ge [sflag:s12], $0x4000  }
0x27b: {  	[sflag:s12] =	ssyncset.done $0x0  }
0x27c: {  	[sflag:s12] =	ssyncadd.s32 $0xFFFFC000  }
0x27d: {  	_ =	swait.ge [sflag:s5], $0x4000  }
0x27e: {  	[sflag:s5] =	ssyncset.done $0x0  }
0x27f: {  	s28 =	simm.s32 $0x2E00;
	s26 =	sld [smem:$0x7E0];
	[sflag:s5] =	ssyncadd.s32 $0xFFFFC000  }
0x280: {  	[tilespmem:s7], [sflag:$0x3] =	stream.indirect.gather [hbm4b:s3+s4], $0x20, s28, s4, $0xb8;
	[tilespmem:$0xE400] =	vst v63  }
0x281: {  	_ = 	snop  }
0x282: {  	[hbm4b:s26+s2] =	stream.linear.scatter [tilespmem:s10], [sflag:$0x4], $0x4000, $0x38;
	[tilespmem:$0xE400] =	vst v63  }
0x283: {  	_ =	swait.ge [sflag:s9], $0x4000  }
0x284: {  	[sflag:s9] =	ssyncset.done $0x0  }
0x285: {  	[sflag:s9] =	ssyncadd.s32 $0xFFFFC000  }
0x286: {  	_ =	swait.ge [sflag:s6], $0x4000  }
0x287: {  	[sflag:s6] =	ssyncset.done $0x0  }
0x288: {  	s30 =	simm.s32 $0x3000;
	s29 =	sld [smem:$0x7E2];
	[sflag:s6] =	ssyncadd.s32 $0xFFFFC000  }
0x289: {  	[tilespmem:s10], [sflag:$0x2] =	stream.indirect.gather [hbm4b:s3+s4], $0x20, s30, s4, $0xb8;
	[tilespmem:$0xE400] =	vst v63  }
0x28a: {  	_ = 	snop  }
0x28b: {  	[hbm4b:s29+s2] =	stream.linear.scatter [tilespmem:s7], [sflag:$0x5], $0x4000, $0x38;
	[tilespmem:$0xE400] =	vst v63  }
0x28c: {  	_ =	swait.ge [sflag:s12], $0x4000  }
0x28d: {  	[sflag:s12] =	ssyncset.done $0x0  }
0x28e: {  	[sflag:s12] =	ssyncadd.s32 $0xFFFFC000  }
0x28f: {  	_ =	swait.ge [sflag:s5], $0x4000  }
0x290: {  	[sflag:s5] =	ssyncset.done $0x0  }
0x291: {  	s1 =	simm.s32 $0x3200;
	s31 =	sld [smem:$0x7E3];
	[sflag:s5] =	ssyncadd.s32 $0xFFFFC000  }
0x292: {  	[tilespmem:s7], [sflag:$0x3] =	stream.indirect.gather [hbm4b:s3+s4], $0x20, s1, s4, $0xb8;
	[tilespmem:$0xE400] =	vst v63  }
0x293: {  	_ = 	snop  }
0x294: {  	[hbm4b:s31+s2] =	stream.linear.scatter [tilespmem:s10], [sflag:$0x4], $0x4000, $0x38;
	[tilespmem:$0xE400] =	vst v63  }
0x295: {  	_ =	swait.ge [sflag:s9], $0x4000  }
0x296: {  	[sflag:s9] =	ssyncset.done $0x0  }
0x297: {  	[sflag:s9] =	ssyncadd.s32 $0xFFFFC000  }
0x298: {  	_ =	swait.ge [sflag:s6], $0x4000  }
0x299: {  	[sflag:s6] =	ssyncset.done $0x0  }
0x29a: {  	s11 =	simm.s32 $0x3400;
	s8 =	sld [smem:$0x7E4];
	[sflag:s6] =	ssyncadd.s32 $0xFFFFC000  }
0x29b: {  	[tilespmem:s10], [sflag:$0x2] =	stream.indirect.gather [hbm4b:s3+s4], $0x20, s11, s4, $0xb8;
	[tilespmem:$0xE400] =	vst v63  }
0x29c: {  	_ = 	snop  }
0x29d: {  	[hbm4b:s8+s2] =	stream.linear.scatter [tilespmem:s7], [sflag:$0x5], $0x4000, $0x38;
	[tilespmem:$0xE400] =	vst v63  }
0x29e: {  	_ =	swait.ge [sflag:s12], $0x4000  }
0x29f: {  	[sflag:s12] =	ssyncset.done $0x0  }
0x2a0: {  	[sflag:s12] =	ssyncadd.s32 $0xFFFFC000  }
0x2a1: {  	_ =	swait.ge [sflag:s5], $0x4000  }
0x2a2: {  	[sflag:s5] =	ssyncset.done $0x0  }
0x2a3: {  	s14 =	simm.s32 $0x3600;
	s13 =	sld [smem:$0x7E5];
	[sflag:s5] =	ssyncadd.s32 $0xFFFFC000  }
0x2a4: {  	[tilespmem:s7], [sflag:$0x3] =	stream.indirect.gather [hbm4b:s3+s4], $0x20, s14, s4, $0xb8;
	[tilespmem:$0xE400] =	vst v63  }
0x2a5: {  	_ = 	snop  }
0x2a6: {  	[hbm4b:s13+s2] =	stream.linear.scatter [tilespmem:s10], [sflag:$0x4], $0x4000, $0x38;
	[tilespmem:$0xE400] =	vst v63  }
0x2a7: {  	_ =	swait.ge [sflag:s9], $0x4000  }
0x2a8: {  	[sflag:s9] =	ssyncset.done $0x0  }
0x2a9: {  	[sflag:s9] =	ssyncadd.s32 $0xFFFFC000  }
0x2aa: {  	_ =	swait.ge [sflag:s6], $0x4000  }
0x2ab: {  	[sflag:s6] =	ssyncset.done $0x0  }
0x2ac: {  	s20 =	simm.s32 $0x3800;
	s19 =	sld [smem:$0x7E6];
	[sflag:s6] =	ssyncadd.s32 $0xFFFFC000  }
0x2ad: {  	[tilespmem:s10], [sflag:$0x2] =	stream.indirect.gather [hbm4b:s3+s4], $0x20, s20, s4, $0xb8;
	[tilespmem:$0xE400] =	vst v63  }
0x2ae: {  	_ = 	snop  }
0x2af: {  	[hbm4b:s19+s2] =	stream.linear.scatter [tilespmem:s7], [sflag:$0x5], $0x4000, $0x38;
	[tilespmem:$0xE400] =	vst v63  }
0x2b0: {  	_ =	swait.ge [sflag:s12], $0x4000  }
0x2b1: {  	[sflag:s12] =	ssyncset.done $0x0  }
0x2b2: {  	[sflag:s12] =	ssyncadd.s32 $0xFFFFC000  }
0x2b3: {  	_ =	swait.ge [sflag:s5], $0x4000  }
0x2b4: {  	[sflag:s5] =	ssyncset.done $0x0  }
0x2b5: {  	s23 =	simm.s32 $0x3A00;
	s22 =	sld [smem:$0x7E7];
	[sflag:s5] =	ssyncadd.s32 $0xFFFFC000  }
0x2b6: {  	[tilespmem:s7], [sflag:$0x3] =	stream.indirect.gather [hbm4b:s3+s4], $0x20, s23, s4, $0xb8;
	[tilespmem:$0xE400] =	vst v63  }
0x2b7: {  	_ = 	snop  }
0x2b8: {  	[hbm4b:s22+s2] =	stream.linear.scatter [tilespmem:s10], [sflag:$0x4], $0x4000, $0x38;
	[tilespmem:$0xE400] =	vst v63  }
0x2b9: {  	_ =	swait.ge [sflag:s9], $0x4000  }
0x2ba: {  	[sflag:s9] =	ssyncset.done $0x0  }
0x2bb: {  	[sflag:s9] =	ssyncadd.s32 $0xFFFFC000  }
0x2bc: {  	_ =	swait.ge [sflag:s6], $0x4000  }
0x2bd: {  	[sflag:s6] =	ssyncset.done $0x0  }
0x2be: {  	s25 =	simm.s32 $0x3C00;
	s24 =	sld [smem:$0x7E8];
	[sflag:s6] =	ssyncadd.s32 $0xFFFFC000  }
0x2bf: {  	[tilespmem:s10], [sflag:$0x2] =	stream.indirect.gather [hbm4b:s3+s4], $0x20, s25, s4, $0xb8;
	[tilespmem:$0xE400] =	vst v63  }
0x2c0: {  	_ = 	snop  }
0x2c1: {  	[hbm4b:s24+s2] =	stream.linear.scatter [tilespmem:s7], [sflag:$0x5], $0x4000, $0x38;
	[tilespmem:$0xE400] =	vst v63  }
0x2c2: {  	_ =	swait.ge [sflag:s12], $0x4000  }
0x2c3: {  	[sflag:s12] =	ssyncset.done $0x0  }
0x2c4: {  	[sflag:s12] =	ssyncadd.s32 $0xFFFFC000  }
0x2c5: {  	_ =	swait.ge [sflag:s5], $0x4000  }
0x2c6: {  	[sflag:s5] =	ssyncset.done $0x0  }
0x2c7: {  	s28 =	simm.s32 $0x3E00;
	s26 =	sld [smem:$0x7EA];
	[sflag:s5] =	ssyncadd.s32 $0xFFFFC000  }
0x2c8: {  	[tilespmem:s7], [sflag:$0x3] =	stream.indirect.gather [hbm4b:s3+s4], $0x20, s28, s4, $0xb8;
	[tilespmem:$0xE400] =	vst v63  }
0x2c9: {  	_ = 	snop  }
0x2ca: {  	[hbm4b:s26+s2] =	stream.linear.scatter [tilespmem:s10], [sflag:$0x4], $0x4000, $0x38;
	[tilespmem:$0xE400] =	vst v63  }
0x2cb: {  	_ =	swait.ge [sflag:s9], $0x4000  }
0x2cc: {  	[sflag:s9] =	ssyncset.done $0x0  }
0x2cd: {  	[sflag:s9] =	ssyncadd.s32 $0xFFFFC000  }
0x2ce: {  	_ =	swait.ge [sflag:s6], $0x4000  }
0x2cf: {  	[sflag:s6] =	ssyncset.done $0x0  }
0x2d0: {  	s30 =	simm.s32 $0x4000;
	s29 =	sld [smem:$0x7EB];
	[sflag:s6] =	ssyncadd.s32 $0xFFFFC000  }
0x2d1: {  	[tilespmem:s10], [sflag:$0x2] =	stream.indirect.gather [hbm4b:s3+s4], $0x20, s30, s4, $0xb8;
	[tilespmem:$0xE400] =	vst v63  }
0x2d2: {  	_ = 	snop  }
0x2d3: {  	[hbm4b:s29+s2] =	stream.linear.scatter [tilespmem:s7], [sflag:$0x5], $0x4000, $0x38;
	[tilespmem:$0xE400] =	vst v63  }
0x2d4: {  	_ =	swait.ge [sflag:s12], $0x4000  }
0x2d5: {  	[sflag:s12] =	ssyncset.done $0x0  }
0x2d6: {  	[sflag:s12] =	ssyncadd.s32 $0xFFFFC000  }
0x2d7: {  	_ =	swait.ge [sflag:s5], $0x4000  }
0x2d8: {  	[sflag:s5] =	ssyncset.done $0x0  }
0x2d9: {  	s1 =	simm.s32 $0x4200;
	s31 =	sld [smem:$0x7EC];
	[sflag:s5] =	ssyncadd.s32 $0xFFFFC000  }
0x2da: {  	[tilespmem:s7], [sflag:$0x3] =	stream.indirect.gather [hbm4b:s3+s4], $0x20, s1, s4, $0xb8;
	[tilespmem:$0xE400] =	vst v63  }
0x2db: {  	_ = 	snop  }
0x2dc: {  	[hbm4b:s31+s2] =	stream.linear.scatter [tilespmem:s10], [sflag:$0x4], $0x4000, $0x38;
	[tilespmem:$0xE400] =	vst v63  }
0x2dd: {  	_ =	swait.ge [sflag:s9], $0x4000  }
0x2de: {  	[sflag:s9] =	ssyncset.done $0x0  }
0x2df: {  	[sflag:s9] =	ssyncadd.s32 $0xFFFFC000  }
0x2e0: {  	_ =	swait.ge [sflag:s6], $0x4000  }
0x2e1: {  	[sflag:s6] =	ssyncset.done $0x0  }
0x2e2: {  	s11 =	simm.s32 $0x4400;
	s8 =	sld [smem:$0x7ED];
	[sflag:s6] =	ssyncadd.s32 $0xFFFFC000  }
0x2e3: {  	[tilespmem:s10], [sflag:$0x2] =	stream.indirect.gather [hbm4b:s3+s4], $0x20, s11, s4, $0xb8;
	[tilespmem:$0xE400] =	vst v63  }
0x2e4: {  	_ = 	snop  }
0x2e5: {  	[hbm4b:s8+s2] =	stream.linear.scatter [tilespmem:s7], [sflag:$0x5], $0x4000, $0x38;
	[tilespmem:$0xE400] =	vst v63  }
0x2e6: {  	_ =	swait.ge [sflag:s12], $0x4000  }
0x2e7: {  	[sflag:s12] =	ssyncset.done $0x0  }
0x2e8: {  	[sflag:s12] =	ssyncadd.s32 $0xFFFFC000  }
0x2e9: {  	_ =	swait.ge [sflag:s5], $0x4000  }
0x2ea: {  	[sflag:s5] =	ssyncset.done $0x0  }
0x2eb: {  	s14 =	simm.s32 $0x4600;
	s13 =	sld [smem:$0x7EE];
	[sflag:s5] =	ssyncadd.s32 $0xFFFFC000  }
0x2ec: {  	[tilespmem:s7], [sflag:$0x3] =	stream.indirect.gather [hbm4b:s3+s4], $0x20, s14, s4, $0xb8;
	[tilespmem:$0xE400] =	vst v63  }
0x2ed: {  	_ = 	snop  }
0x2ee: {  	[hbm4b:s13+s2] =	stream.linear.scatter [tilespmem:s10], [sflag:$0x4], $0x4000, $0x38;
	[tilespmem:$0xE400] =	vst v63  }
0x2ef: {  	_ =	swait.ge [sflag:s9], $0x4000  }
0x2f0: {  	[sflag:s9] =	ssyncset.done $0x0  }
0x2f1: {  	[sflag:s9] =	ssyncadd.s32 $0xFFFFC000  }
0x2f2: {  	_ =	swait.ge [sflag:s6], $0x4000  }
0x2f3: {  	[sflag:s6] =	ssyncset.done $0x0  }
0x2f4: {  	s20 =	simm.s32 $0x4800;
	s19 =	sld [smem:$0x7EF];
	[sflag:s6] =	ssyncadd.s32 $0xFFFFC000  }
0x2f5: {  	[tilespmem:s10], [sflag:$0x2] =	stream.indirect.gather [hbm4b:s3+s4], $0x20, s20, s4, $0xb8;
	[tilespmem:$0xE400] =	vst v63  }
0x2f6: {  	_ = 	snop  }
0x2f7: {  	[hbm4b:s19+s2] =	stream.linear.scatter [tilespmem:s7], [sflag:$0x5], $0x4000, $0x38;
	[tilespmem:$0xE400] =	vst v63  }
0x2f8: {  	_ =	swait.ge [sflag:s12], $0x4000  }
0x2f9: {  	[sflag:s12] =	ssyncset.done $0x0  }
0x2fa: {  	[sflag:s12] =	ssyncadd.s32 $0xFFFFC000  }
0x2fb: {  	_ =	swait.ge [sflag:s5], $0x4000  }
0x2fc: {  	[sflag:s5] =	ssyncset.done $0x0  }
0x2fd: {  	s23 =	simm.s32 $0x4A00;
	s22 =	sld [smem:$0x7F0];
	[sflag:s5] =	ssyncadd.s32 $0xFFFFC000  }
0x2fe: {  	[tilespmem:s7], [sflag:$0x3] =	stream.indirect.gather [hbm4b:s3+s4], $0x20, s23, s4, $0xb8;
	[tilespmem:$0xE400] =	vst v63  }
0x2ff: {  	_ = 	snop  }
0x300: {  	[hbm4b:s22+s2] =	stream.linear.scatter [tilespmem:s10], [sflag:$0x4], $0x4000, $0x38;
	[tilespmem:$0xE400] =	vst v63  }
0x301: {  	_ =	swait.ge [sflag:s9], $0x4000  }
0x302: {  	[sflag:s9] =	ssyncset.done $0x0  }
0x303: {  	[sflag:s9] =	ssyncadd.s32 $0xFFFFC000  }
0x304: {  	_ =	swait.ge [sflag:s6], $0x4000  }
0x305: {  	[sflag:s6] =	ssyncset.done $0x0  }
0x306: {  	s25 =	simm.s32 $0x4C00;
	s24 =	sld [smem:$0x7F1];
	[sflag:s6] =	ssyncadd.s32 $0xFFFFC000  }
0x307: {  	[tilespmem:s10], [sflag:$0x2] =	stream.indirect.gather [hbm4b:s3+s4], $0x20, s25, s4, $0xb8;
	[tilespmem:$0xE400] =	vst v63  }
0x308: {  	_ = 	snop  }
0x309: {  	[hbm4b:s24+s2] =	stream.linear.scatter [tilespmem:s7], [sflag:$0x5], $0x4000, $0x38;
	[tilespmem:$0xE400] =	vst v63  }
0x30a: {  	_ =	swait.ge [sflag:s12], $0x4000  }
0x30b: {  	[sflag:s12] =	ssyncset.done $0x0  }
0x30c: {  	[sflag:s12] =	ssyncadd.s32 $0xFFFFC000  }
0x30d: {  	_ =	swait.ge [sflag:s5], $0x4000  }
0x30e: {  	[sflag:s5] =	ssyncset.done $0x0  }
0x30f: {  	s28 =	simm.s32 $0x4E00;
	s26 =	sld [smem:$0x7F2];
	[sflag:s5] =	ssyncadd.s32 $0xFFFFC000  }
0x310: {  	[tilespmem:s7], [sflag:$0x3] =	stream.indirect.gather [hbm4b:s3+s4], $0x20, s28, s4, $0xb8;
	[tilespmem:$0xE400] =	vst v63  }
0x311: {  	_ = 	snop  }
0x312: {  	[hbm4b:s26+s2] =	stream.linear.scatter [tilespmem:s10], [sflag:$0x4], $0x4000, $0x38;
	[tilespmem:$0xE400] =	vst v63  }
0x313: {  	_ =	swait.ge [sflag:s9], $0x4000  }
0x314: {  	[sflag:s9] =	ssyncset.done $0x0  }
0x315: {  	[sflag:s9] =	ssyncadd.s32 $0xFFFFC000  }
0x316: {  	_ =	swait.ge [sflag:s6], $0x4000  }
0x317: {  	[sflag:s6] =	ssyncset.done $0x0  }
0x318: {  	s30 =	simm.s32 $0x5000;
	s29 =	sld [smem:$0x7F3];
	[sflag:s6] =	ssyncadd.s32 $0xFFFFC000  }
0x319: {  	[tilespmem:s10], [sflag:$0x2] =	stream.indirect.gather [hbm4b:s3+s4], $0x20, s30, s4, $0xb8;
	[tilespmem:$0xE400] =	vst v63  }
0x31a: {  	_ = 	snop  }
0x31b: {  	[hbm4b:s29+s2] =	stream.linear.scatter [tilespmem:s7], [sflag:$0x5], $0x4000, $0x38;
	[tilespmem:$0xE400] =	vst v63  }
0x31c: {  	_ =	swait.ge [sflag:s12], $0x4000  }
0x31d: {  	[sflag:s12] =	ssyncset.done $0x0  }
0x31e: {  	[sflag:s12] =	ssyncadd.s32 $0xFFFFC000  }
0x31f: {  	_ =	swait.ge [sflag:s5], $0x4000  }
0x320: {  	[sflag:s5] =	ssyncset.done $0x0  }
0x321: {  	s1 =	simm.s32 $0x5200;
	s31 =	sld [smem:$0x7F4];
	[sflag:s5] =	ssyncadd.s32 $0xFFFFC000  }
0x322: {  	[tilespmem:s7], [sflag:$0x3] =	stream.indirect.gather [hbm4b:s3+s4], $0x20, s1, s4, $0xb8;
	[tilespmem:$0xE400] =	vst v63  }
0x323: {  	_ = 	snop  }
0x324: {  	[hbm4b:s31+s2] =	stream.linear.scatter [tilespmem:s10], [sflag:$0x4], $0x4000, $0x38;
	[tilespmem:$0xE400] =	vst v63  }
0x325: {  	_ =	swait.ge [sflag:s9], $0x4000  }
0x326: {  	[sflag:s9] =	ssyncset.done $0x0  }
0x327: {  	[sflag:s9] =	ssyncadd.s32 $0xFFFFC000  }
0x328: {  	_ =	swait.ge [sflag:s6], $0x4000  }
0x329: {  	[sflag:s6] =	ssyncset.done $0x0  }
0x32a: {  	s11 =	simm.s32 $0x5400;
	s8 =	sld [smem:$0x7F5];
	[sflag:s6] =	ssyncadd.s32 $0xFFFFC000  }
0x32b: {  	[tilespmem:s10], [sflag:$0x2] =	stream.indirect.gather [hbm4b:s3+s4], $0x20, s11, s4, $0xb8;
	[tilespmem:$0xE400] =	vst v63  }
0x32c: {  	_ = 	snop  }
0x32d: {  	[hbm4b:s8+s2] =	stream.linear.scatter [tilespmem:s7], [sflag:$0x5], $0x4000, $0x38;
	[tilespmem:$0xE400] =	vst v63  }
0x32e: {  	_ =	swait.ge [sflag:s12], $0x4000  }
0x32f: {  	[sflag:s12] =	ssyncset.done $0x0  }
0x330: {  	[sflag:s12] =	ssyncadd.s32 $0xFFFFC000  }
0x331: {  	_ =	swait.ge [sflag:s5], $0x4000  }
0x332: {  	[sflag:s5] =	ssyncset.done $0x0  }
0x333: {  	s14 =	simm.s32 $0x5600;
	s13 =	sld [smem:$0x7F6];
	[sflag:s5] =	ssyncadd.s32 $0xFFFFC000  }
0x334: {  	[tilespmem:s7], [sflag:$0x3] =	stream.indirect.gather [hbm4b:s3+s4], $0x20, s14, s4, $0xb8;
	[tilespmem:$0xE400] =	vst v63  }
0x335: {  	_ = 	snop  }
0x336: {  	[hbm4b:s13+s2] =	stream.linear.scatter [tilespmem:s10], [sflag:$0x4], $0x4000, $0x38;
	[tilespmem:$0xE400] =	vst v63  }
0x337: {  	_ =	swait.ge [sflag:s9], $0x4000  }
0x338: {  	[sflag:s9] =	ssyncset.done $0x0  }
0x339: {  	[sflag:s9] =	ssyncadd.s32 $0xFFFFC000  }
0x33a: {  	_ =	swait.ge [sflag:s6], $0x4000  }
0x33b: {  	[sflag:s6] =	ssyncset.done $0x0  }
0x33c: {  	s20 =	simm.s32 $0x5800;
	s19 =	sld [smem:$0x7F7];
	[sflag:s6] =	ssyncadd.s32 $0xFFFFC000  }
0x33d: {  	[tilespmem:s10], [sflag:$0x2] =	stream.indirect.gather [hbm4b:s3+s4], $0x20, s20, s4, $0xb8;
	[tilespmem:$0xE400] =	vst v63  }
0x33e: {  	_ = 	snop  }
0x33f: {  	[hbm4b:s19+s2] =	stream.linear.scatter [tilespmem:s7], [sflag:$0x5], $0x4000, $0x38;
	[tilespmem:$0xE400] =	vst v63  }
0x340: {  	_ =	swait.ge [sflag:s12], $0x4000  }
0x341: {  	[sflag:s12] =	ssyncset.done $0x0  }
0x342: {  	[sflag:s12] =	ssyncadd.s32 $0xFFFFC000  }
0x343: {  	_ =	swait.ge [sflag:s5], $0x4000  }
0x344: {  	[sflag:s5] =	ssyncset.done $0x0  }
0x345: {  	s23 =	simm.s32 $0x5A00;
	s22 =	sld [smem:$0x7F8];
	[sflag:s5] =	ssyncadd.s32 $0xFFFFC000  }
0x346: {  	[tilespmem:s7], [sflag:$0x3] =	stream.indirect.gather [hbm4b:s3+s4], $0x20, s23, s4, $0xb8;
	[tilespmem:$0xE400] =	vst v63  }
0x347: {  	_ = 	snop  }
0x348: {  	[hbm4b:s22+s2] =	stream.linear.scatter [tilespmem:s10], [sflag:$0x4], $0x4000, $0x38;
	[tilespmem:$0xE400] =	vst v63  }
0x349: {  	_ =	swait.ge [sflag:s9], $0x4000  }
0x34a: {  	[sflag:s9] =	ssyncset.done $0x0  }
0x34b: {  	[sflag:s9] =	ssyncadd.s32 $0xFFFFC000  }
0x34c: {  	_ =	swait.ge [sflag:s6], $0x4000  }
0x34d: {  	[sflag:s6] =	ssyncset.done $0x0  }
0x34e: {  	s25 =	simm.s32 $0x5C00;
	s24 =	sld [smem:$0x7F9];
	[sflag:s6] =	ssyncadd.s32 $0xFFFFC000  }
0x34f: {  	[tilespmem:s10], [sflag:$0x2] =	stream.indirect.gather [hbm4b:s3+s4], $0x20, s25, s4, $0xb8;
	[tilespmem:$0xE400] =	vst v63  }
0x350: {  	_ = 	snop  }
0x351: {  	[hbm4b:s24+s2] =	stream.linear.scatter [tilespmem:s7], [sflag:$0x5], $0x4000, $0x38;
	[tilespmem:$0xE400] =	vst v63  }
0x352: {  	_ =	swait.ge [sflag:s12], $0x4000  }
0x353: {  	[sflag:s12] =	ssyncset.done $0x0  }
0x354: {  	[sflag:s12] =	ssyncadd.s32 $0xFFFFC000  }
0x355: {  	_ =	swait.ge [sflag:s5], $0x4000  }
0x356: {  	[sflag:s5] =	ssyncset.done $0x0  }
0x357: {  	s28 =	simm.s32 $0x5E00;
	s26 =	sld [smem:$0x7FA];
	[sflag:s5] =	ssyncadd.s32 $0xFFFFC000  }
0x358: {  	[tilespmem:s7], [sflag:$0x3] =	stream.indirect.gather [hbm4b:s3+s4], $0x20, s28, s4, $0xb8;
	[tilespmem:$0xE400] =	vst v63  }
0x359: {  	_ = 	snop  }
0x35a: {  	[hbm4b:s26+s2] =	stream.linear.scatter [tilespmem:s10], [sflag:$0x4], $0x4000, $0x38;
	[tilespmem:$0xE400] =	vst v63  }
0x35b: {  	_ =	swait.ge [sflag:s9], $0x4000  }
0x35c: {  	[sflag:s9] =	ssyncset.done $0x0  }
0x35d: {  	[sflag:s9] =	ssyncadd.s32 $0xFFFFC000  }
0x35e: {  	_ =	swait.ge [sflag:s6], $0x4000  }
0x35f: {  	[sflag:s6] =	ssyncset.done $0x0  }
0x360: {  	s17 =	simm.s32 $0x6000;
	s29 =	sld [smem:$0x7FB];
	[sflag:s6] =	ssyncadd.s32 $0xFFFFC000  }
0x361: {  	[tilespmem:s10], [sflag:$0x2] =	stream.indirect.gather [hbm4b:s3+s4], $0x20, s17, s4, $0xb8;
	[tilespmem:$0xE400] =	vst v63  }
0x362: {  	_ = 	snop  }
0x363: {  	[hbm4b:s29+s2] =	stream.linear.scatter [tilespmem:s7], [sflag:$0x5], $0x4000, $0x38;
	[tilespmem:$0xE400] =	vst v63  }
0x364: {  	_ =	swait.ge [sflag:s12], $0x4000  }
0x365: {  	[sflag:s12] =	ssyncset.done $0x0  }
0x366: {  	[sflag:s12] =	ssyncadd.s32 $0xFFFFC000  }
0x367: {  	_ =	swait.ge [sflag:s5], $0x4000  }
0x368: {  	[sflag:s5] =	ssyncset.done $0x0  }
0x369: {  	s30 =	sld [smem:$0x7FC];
	[sflag:s5] =	ssyncadd.s32 $0xFFFFC000  }
0x36a: {  	[tilespmem:s7], [sflag:$0x3] =	stream.indirect.gather [hbm4b:s3+s4], $0x20, s18, s4, $0xb8;
	[tilespmem:$0xE400] =	vst v63  }
0x36b: {  	_ = 	snop  }
0x36c: {  	[hbm4b:s30+s2] =	stream.linear.scatter [tilespmem:s10], [sflag:$0x4], $0x4000, $0x38;
	[tilespmem:$0xE400] =	vst v63  }
0x36d: {  	_ =	swait.ge [sflag:s9], $0x4000  }
0x36e: {  	s31 =	sld [smem:$0x7FD]  }
0x36f: {  	[sflag:s9] =	ssyncset.done $0x0  }
0x370: {  	p1 =	sne.s32 s21, $0x1;
	[sflag:s9] =	ssyncadd.s32 $0xFFFFC000  }
0x371: {  	[hbm4b:s31+s2] =	stream.linear.scatter [tilespmem:s7], [sflag:$0x5], $0x4000, $0x38;
	[tilespmem:$0xE400] =	vst v63  }
.Ltmp1:
0x372: {  	_ =	swait.ge [sflag:s6], $0x4000;
	(pc) =	sbr.rel @!p1 .LBB2_4-.Ltmp1, $4  }
0x373: {  	[sflag:s6] =	ssyncset.done $0x0  }
0x374: {  	[sflag:s6] =	ssyncadd.s32 $0xFFFFC000  }
0x375: {  	p0 =	por $0x1, $0x1;
	_ =	swait.ge [sflag:s5], $0x4000  }
0x376: {  	s16 =	sadd.s32 $0xFFFFFFFF, s21;
	s17 =	rddreg [dreg:$0x3];
	[sflag:s5] =	ssyncset.done $0x0  }
0x377: {  	s20 =	simm.s32 $0x600  }
0x378: {  	s1 =	simm.s32 $0x800;
	s14 =	simm.s32 $0xA00;
	s19 =	simm.s32 $0xC00  }
0x379: {  	s13 =	simm.s32 $0xE00;
	s30 =	simm.s32 $0x1000;
	s11 =	simm.s32 $0x1200  }
0x37a: {  	s28 =	simm.s32 $0x1400;
	s8 =	simm.s32 $0x1600;
	s25 =	simm.s32 $0x1800  }
0x37b: {  	s21 =	simm.s32 $0x1A00;
	s24 =	simm.s32 $0x1C00;
	s22 =	simm.s32 $0x1E00  }
0x37c: {  	s23 =	simm.s32 $0x2000;
	s31 =	simm.s32 $0x2200;
	s26 =	simm.s32 $0x2400  }
.LBB2_3:
0x37d: {  	[sflag:s5] =	ssyncadd.s32 $0xFFFFC000  }
0x37e: {  	[tilespmem:s2], [sflag:$0x1] =	stream.linear.gather [hbm4b:s17+s2], $0x200, $0x38;
	[tilespmem:$0xE400] =	vst v63  }
0x37f: {  	s18 =	rddreg [dreg:$0x4]  }
0x380: {  	[tilespmem:s4], [sflag:$0x1] =	stream.linear.gather [hbm4b:s18+s2], $0x200, $0x38;
	[tilespmem:$0xE400] =	vst v63  }
0x381: {  	s29 =	rddreg [dreg:$0x5];
	s0 =	simm.s32 $0x400  }
0x382: {  	[tilespmem:s0], [sflag:$0x1] =	stream.linear.gather [hbm4b:s29+s2], $0x200, $0x38;
	[tilespmem:$0xE400] =	vst v63  }
0x383: {  	s18 =	rddreg [dreg:$0x6]  }
0x384: {  	[tilespmem:s20], [sflag:$0x1] =	stream.linear.gather [hbm4b:s18+s2], $0x200, $0x38;
	[tilespmem:$0xE400] =	vst v63  }
0x385: {  	s29 =	rddreg [dreg:$0x7]  }
0x386: {  	[tilespmem:s1], [sflag:$0x1] =	stream.linear.gather [hbm4b:s29+s2], $0x200, $0x38;
	[tilespmem:$0xE400] =	vst v63  }
0x387: {  	s18 =	rddreg [dreg:$0x8]  }
0x388: {  	[tilespmem:s14], [sflag:$0x1] =	stream.linear.gather [hbm4b:s18+s2], $0x200, $0x38;
	[tilespmem:$0xE400] =	vst v63  }
0x389: {  	s29 =	rddreg [dreg:$0x9]  }
0x38a: {  	[tilespmem:s19], [sflag:$0x1] =	stream.linear.gather [hbm4b:s29+s2], $0x200, $0x38;
	[tilespmem:$0xE400] =	vst v63  }
0x38b: {  	s18 =	rddreg [dreg:$0xa]  }
0x38c: {  	[tilespmem:s13], [sflag:$0x1] =	stream.linear.gather [hbm4b:s18+s2], $0x200, $0x38;
	[tilespmem:$0xE400] =	vst v63  }
0x38d: {  	s29 =	rddreg [dreg:$0xb]  }
0x38e: {  	[tilespmem:s30], [sflag:$0x1] =	stream.linear.gather [hbm4b:s29+s2], $0x200, $0x38;
	[tilespmem:$0xE400] =	vst v63  }
0x38f: {  	s18 =	rddreg [dreg:$0xc]  }
0x390: {  	[tilespmem:s11], [sflag:$0x1] =	stream.linear.gather [hbm4b:s18+s2], $0x200, $0x38;
	[tilespmem:$0xE400] =	vst v63  }
0x391: {  	s29 =	rddreg [dreg:$0xd]  }
0x392: {  	[tilespmem:s28], [sflag:$0x1] =	stream.linear.gather [hbm4b:s29+s2], $0x200, $0x38;
	[tilespmem:$0xE400] =	vst v63  }
0x393: {  	s18 =	rddreg [dreg:$0xe]  }
0x394: {  	[tilespmem:s8], [sflag:$0x1] =	stream.linear.gather [hbm4b:s18+s2], $0x200, $0x38;
	[tilespmem:$0xE400] =	vst v63  }
0x395: {  	s29 =	rddreg [dreg:$0xf]  }
0x396: {  	[tilespmem:s25], [sflag:$0x1] =	stream.linear.gather [hbm4b:s29+s2], $0x200, $0x38;
	[tilespmem:$0xE400] =	vst v63  }
0x397: {  	s18 =	rddreg [dreg:$0x10]  }
0x398: {  	[tilespmem:s21], [sflag:$0x1] =	stream.linear.gather [hbm4b:s18+s2], $0x200, $0x38;
	[tilespmem:$0xE400] =	vst v63  }
0x399: {  	s29 =	rddreg [dreg:$0x11]  }
0x39a: {  	[tilespmem:s24], [sflag:$0x1] =	stream.linear.gather [hbm4b:s29+s2], $0x200, $0x38;
	[tilespmem:$0xE400] =	vst v63  }
0x39b: {  	s18 =	rddreg [dreg:$0x12]  }
0x39c: {  	[tilespmem:s22], [sflag:$0x1] =	stream.linear.gather [hbm4b:s18+s2], $0x200, $0x38;
	[tilespmem:$0xE400] =	vst v63  }
0x39d: {  	s29 =	rddreg [dreg:$0x13]  }
0x39e: {  	[tilespmem:s23], [sflag:$0x1] =	stream.linear.gather [hbm4b:s29+s2], $0x200, $0x38;
	[tilespmem:$0xE400] =	vst v63  }
0x39f: {  	s18 =	rddreg [dreg:$0x14]  }
0x3a0: {  	[tilespmem:s31], [sflag:$0x1] =	stream.linear.gather [hbm4b:s18+s2], $0x200, $0x38;
	[tilespmem:$0xE400] =	vst v63  }
0x3a1: {  	s29 =	rddreg [dreg:$0x15]  }
0x3a2: {  	[tilespmem:s26], [sflag:$0x1] =	stream.linear.gather [hbm4b:s29+s2], $0x200, $0x38;
	[tilespmem:$0xE400] =	vst v63  }
0x3a3: {  	s18 =	rddreg [dreg:$0x16];
	s29 =	simm.s32 $0x2600  }
0x3a4: {  	[tilespmem:s29], [sflag:$0x1] =	stream.linear.gather [hbm4b:s18+s2], $0x200, $0x38;
	[tilespmem:$0xE400] =	vst v63  }
0x3a5: {  	s17 =	rddreg [dreg:$0x17];
	s29 =	simm.s32 $0x2800  }
0x3a6: {  	[tilespmem:s29], [sflag:$0x1] =	stream.linear.gather [hbm4b:s17+s2], $0x200, $0x38;
	[tilespmem:$0xE400] =	vst v63  }
0x3a7: {  	s18 =	rddreg [dreg:$0x18];
	s29 =	simm.s32 $0x2A00  }
0x3a8: {  	[tilespmem:s29], [sflag:$0x1] =	stream.linear.gather [hbm4b:s18+s2], $0x200, $0x38;
	[tilespmem:$0xE400] =	vst v63  }
0x3a9: {  	s17 =	rddreg [dreg:$0x19];
	s29 =	simm.s32 $0x2C00  }
0x3aa: {  	[tilespmem:s29], [sflag:$0x1] =	stream.linear.gather [hbm4b:s17+s2], $0x200, $0x38;
	[tilespmem:$0xE400] =	vst v63  }
0x3ab: {  	s18 =	rddreg [dreg:$0x1a];
	s29 =	simm.s32 $0x2E00  }
0x3ac: {  	[tilespmem:s29], [sflag:$0x1] =	stream.linear.gather [hbm4b:s18+s2], $0x200, $0x38;
	[tilespmem:$0xE400] =	vst v63  }
0x3ad: {  	s17 =	rddreg [dreg:$0x1b];
	s29 =	simm.s32 $0x3000  }
0x3ae: {  	[tilespmem:s29], [sflag:$0x1] =	stream.linear.gather [hbm4b:s17+s2], $0x200, $0x38;
	[tilespmem:$0xE400] =	vst v63  }
0x3af: {  	s17 =	rddreg [dreg:$0x1c]  }
0x3b0: {  	s29 =	simm.s32 $0x3200;
	s18 =	rddreg [dreg:$0x1d]  }
0x3b1: {  	[tilespmem:s29], [sflag:$0x1] =	stream.linear.gather [hbm4b:s17+s2], $0x200, $0x38;
	[tilespmem:$0xE400] =	vst v63  }
0x3b2: {  	s17 =	rddreg [dreg:$0x1e];
	s29 =	simm.s32 $0x3400  }
0x3b3: {  	[tilespmem:s29], [sflag:$0x1] =	stream.linear.gather [hbm4b:s18+s2], $0x200, $0x38;
	[tilespmem:$0xE400] =	vst v63  }
0x3b4: {  	s18 =	rddreg [dreg:$0x1f];
	s29 =	simm.s32 $0x3600  }
0x3b5: {  	[tilespmem:s29], [sflag:$0x1] =	stream.linear.gather [hbm4b:s17+s2], $0x200, $0x38;
	[tilespmem:$0xE400] =	vst v63  }
0x3b6: {  	s17 =	sld [smem:$0x79E];
	s29 =	simm.s32 $0x3800  }
0x3b7: {  	[tilespmem:s29], [sflag:$0x1] =	stream.linear.gather [hbm4b:s18+s2], $0x200, $0x38;
	[tilespmem:$0xE400] =	vst v63  }
0x3b8: {  	s18 =	sld [smem:$0x79F];
	s29 =	simm.s32 $0x3A00  }
0x3b9: {  	[tilespmem:s29], [sflag:$0x1] =	stream.linear.gather [hbm4b:s17+s2], $0x200, $0x38;
	[tilespmem:$0xE400] =	vst v63  }
0x3ba: {  	s17 =	sld [smem:$0x7A0];
	s29 =	simm.s32 $0x3C00  }
0x3bb: {  	[tilespmem:s29], [sflag:$0x1] =	stream.linear.gather [hbm4b:s18+s2], $0x200, $0x38;
	[tilespmem:$0xE400] =	vst v63  }
0x3bc: {  	s18 =	sld [smem:$0x7A1];
	s29 =	simm.s32 $0x3E00  }
0x3bd: {  	[tilespmem:s29], [sflag:$0x1] =	stream.linear.gather [hbm4b:s17+s2], $0x200, $0x38;
	[tilespmem:$0xE400] =	vst v63  }
0x3be: {  	s17 =	sld [smem:$0x7A2];
	s29 =	simm.s32 $0x4000  }
0x3bf: {  	[tilespmem:s29], [sflag:$0x1] =	stream.linear.gather [hbm4b:s18+s2], $0x200, $0x38;
	[tilespmem:$0xE400] =	vst v63  }
0x3c0: {  	s18 =	sld [smem:$0x7A3];
	s29 =	simm.s32 $0x4200  }
0x3c1: {  	[tilespmem:s29], [sflag:$0x1] =	stream.linear.gather [hbm4b:s17+s2], $0x200, $0x38;
	[tilespmem:$0xE400] =	vst v63  }
0x3c2: {  	s17 =	sld [smem:$0x7A4];
	s29 =	simm.s32 $0x4400  }
0x3c3: {  	[tilespmem:s29], [sflag:$0x1] =	stream.linear.gather [hbm4b:s18+s2], $0x200, $0x38;
	[tilespmem:$0xE400] =	vst v63  }
0x3c4: {  	s18 =	sld [smem:$0x7A5];
	s29 =	simm.s32 $0x4600  }
0x3c5: {  	[tilespmem:s29], [sflag:$0x1] =	stream.linear.gather [hbm4b:s17+s2], $0x200, $0x38;
	[tilespmem:$0xE400] =	vst v63  }
0x3c6: {  	s17 =	sld [smem:$0x7A6];
	s29 =	simm.s32 $0x4800  }
0x3c7: {  	[tilespmem:s29], [sflag:$0x1] =	stream.linear.gather [hbm4b:s18+s2], $0x200, $0x38;
	[tilespmem:$0xE400] =	vst v63  }
0x3c8: {  	s18 =	sld [smem:$0x7A7];
	s29 =	simm.s32 $0x4A00  }
0x3c9: {  	[tilespmem:s29], [sflag:$0x1] =	stream.linear.gather [hbm4b:s17+s2], $0x200, $0x38;
	[tilespmem:$0xE400] =	vst v63  }
0x3ca: {  	s17 =	sld [smem:$0x7A8];
	s29 =	simm.s32 $0x4C00  }
0x3cb: {  	[tilespmem:s29], [sflag:$0x1] =	stream.linear.gather [hbm4b:s18+s2], $0x200, $0x38;
	[tilespmem:$0xE400] =	vst v63  }
0x3cc: {  	s18 =	sld [smem:$0x7A9];
	s29 =	simm.s32 $0x4E00  }
0x3cd: {  	[tilespmem:s29], [sflag:$0x1] =	stream.linear.gather [hbm4b:s17+s2], $0x200, $0x38;
	[tilespmem:$0xE400] =	vst v63  }
0x3ce: {  	s17 =	sld [smem:$0x7AA];
	s29 =	simm.s32 $0x5000  }
0x3cf: {  	[tilespmem:s29], [sflag:$0x1] =	stream.linear.gather [hbm4b:s18+s2], $0x200, $0x38;
	[tilespmem:$0xE400] =	vst v63  }
0x3d0: {  	s18 =	sld [smem:$0x7AB];
	s29 =	simm.s32 $0x5200  }
0x3d1: {  	[tilespmem:s29], [sflag:$0x1] =	stream.linear.gather [hbm4b:s17+s2], $0x200, $0x38;
	[tilespmem:$0xE400] =	vst v63  }
0x3d2: {  	s17 =	sld [smem:$0x7AC];
	s29 =	simm.s32 $0x5400  }
0x3d3: {  	[tilespmem:s29], [sflag:$0x1] =	stream.linear.gather [hbm4b:s18+s2], $0x200, $0x38;
	[tilespmem:$0xE400] =	vst v63  }
0x3d4: {  	s18 =	sld [smem:$0x7AD];
	s29 =	simm.s32 $0x5600  }
0x3d5: {  	[tilespmem:s29], [sflag:$0x1] =	stream.linear.gather [hbm4b:s17+s2], $0x200, $0x38;
	[tilespmem:$0xE400] =	vst v63  }
0x3d6: {  	s17 =	sld [smem:$0x7AE];
	s29 =	simm.s32 $0x5800  }
0x3d7: {  	[tilespmem:s29], [sflag:$0x1] =	stream.linear.gather [hbm4b:s18+s2], $0x200, $0x38;
	[tilespmem:$0xE400] =	vst v63  }
0x3d8: {  	s18 =	sld [smem:$0x7AF];
	s29 =	simm.s32 $0x5A00  }
0x3d9: {  	[tilespmem:s29], [sflag:$0x1] =	stream.linear.gather [hbm4b:s17+s2], $0x200, $0x38;
	[tilespmem:$0xE400] =	vst v63  }
0x3da: {  	s17 =	sld [smem:$0x7B0];
	s29 =	simm.s32 $0x5C00  }
0x3db: {  	[tilespmem:s29], [sflag:$0x1] =	stream.linear.gather [hbm4b:s18+s2], $0x200, $0x38;
	[tilespmem:$0xE400] =	vst v63  }
0x3dc: {  	s18 =	sld [smem:$0x7B1];
	s29 =	simm.s32 $0x5E00  }
0x3dd: {  	[tilespmem:s29], [sflag:$0x1] =	stream.linear.gather [hbm4b:s17+s2], $0x200, $0x38;
	[tilespmem:$0xE400] =	vst v63  }
0x3de: {  	s17 =	sld [smem:$0x7B2];
	s29 =	simm.s32 $0x6000  }
0x3df: {  	[tilespmem:s29], [sflag:$0x1] =	stream.linear.gather [hbm4b:s18+s2], $0x200, $0x38;
	[tilespmem:$0xE400] =	vst v63  }
0x3e0: {  	s18 =	simm.s32 $0x6200  }
0x3e1: {  	[tilespmem:s18], [sflag:$0x1] =	stream.linear.gather [hbm4b:s17+s2], $0x200, $0x38;
	[tilespmem:$0xE400] =	vst v63  }
0x3e2: {  	_ =	swait.ge [sflag:s15], $0x200  }
0x3e3: {  	[sflag:s15] =	ssyncset.done $0x0  }
0x3e4: {  	[sflag:s15] =	ssyncadd.s32 $0xFFFFFE00  }
0x3e5: {  	_ =	swait.ge [sflag:s15], $0x200  }
0x3e6: {  	[sflag:s15] =	ssyncset.done $0x0  }
0x3e7: {  	[sflag:s15] =	ssyncadd.s32 $0xFFFFFE00  }
0x3e8: {  	_ =	swait.ge [sflag:s15], $0x200  }
0x3e9: {  	[sflag:s15] =	ssyncset.done $0x0  }
0x3ea: {  	[sflag:s15] =	ssyncadd.s32 $0xFFFFFE00  }
0x3eb: {  	_ =	swait.ge [sflag:s15], $0x200  }
0x3ec: {  	[sflag:s15] =	ssyncset.done $0x0  }
0x3ed: {  	[sflag:s15] =	ssyncadd.s32 $0xFFFFFE00  }
0x3ee: {  	_ =	swait.ge [sflag:s15], $0x200  }
0x3ef: {  	[sflag:s15] =	ssyncset.done $0x0  }
0x3f0: {  	[sflag:s15] =	ssyncadd.s32 $0xFFFFFE00  }
0x3f1: {  	_ =	swait.ge [sflag:s15], $0x200  }
0x3f2: {  	[sflag:s15] =	ssyncset.done $0x0  }
0x3f3: {  	[sflag:s15] =	ssyncadd.s32 $0xFFFFFE00  }
0x3f4: {  	_ =	swait.ge [sflag:s15], $0x200  }
0x3f5: {  	[sflag:s15] =	ssyncset.done $0x0  }
0x3f6: {  	[sflag:s15] =	ssyncadd.s32 $0xFFFFFE00  }
0x3f7: {  	_ =	swait.ge [sflag:s15], $0x200  }
0x3f8: {  	[sflag:s15] =	ssyncset.done $0x0  }
0x3f9: {  	[sflag:s15] =	ssyncadd.s32 $0xFFFFFE00  }
0x3fa: {  	_ =	swait.ge [sflag:s15], $0x200  }
0x3fb: {  	[sflag:s15] =	ssyncset.done $0x0  }
0x3fc: {  	[sflag:s15] =	ssyncadd.s32 $0xFFFFFE00  }
0x3fd: {  	_ =	swait.ge [sflag:s15], $0x200  }
0x3fe: {  	[sflag:s15] =	ssyncset.done $0x0  }
0x3ff: {  	[sflag:s15] =	ssyncadd.s32 $0xFFFFFE00  }
0x400: {  	_ =	swait.ge [sflag:s15], $0x200  }
0x401: {  	[sflag:s15] =	ssyncset.done $0x0  }
0x402: {  	[sflag:s15] =	ssyncadd.s32 $0xFFFFFE00  }
0x403: {  	_ =	swait.ge [sflag:s15], $0x200  }
0x404: {  	[sflag:s15] =	ssyncset.done $0x0  }
0x405: {  	[sflag:s15] =	ssyncadd.s32 $0xFFFFFE00  }
0x406: {  	_ =	swait.ge [sflag:s15], $0x200  }
0x407: {  	[sflag:s15] =	ssyncset.done $0x0  }
0x408: {  	[sflag:s15] =	ssyncadd.s32 $0xFFFFFE00  }
0x409: {  	_ =	swait.ge [sflag:s15], $0x200  }
0x40a: {  	[sflag:s15] =	ssyncset.done $0x0  }
0x40b: {  	[sflag:s15] =	ssyncadd.s32 $0xFFFFFE00  }
0x40c: {  	_ =	swait.ge [sflag:s15], $0x200  }
0x40d: {  	[sflag:s15] =	ssyncset.done $0x0  }
0x40e: {  	[sflag:s15] =	ssyncadd.s32 $0xFFFFFE00  }
0x40f: {  	_ =	swait.ge [sflag:s15], $0x200  }
0x410: {  	[sflag:s15] =	ssyncset.done $0x0  }
0x411: {  	[sflag:s15] =	ssyncadd.s32 $0xFFFFFE00  }
0x412: {  	_ =	swait.ge [sflag:s15], $0x200  }
0x413: {  	[sflag:s15] =	ssyncset.done $0x0  }
0x414: {  	[sflag:s15] =	ssyncadd.s32 $0xFFFFFE00  }
0x415: {  	_ =	swait.ge [sflag:s15], $0x200  }
0x416: {  	[sflag:s15] =	ssyncset.done $0x0  }
0x417: {  	[sflag:s15] =	ssyncadd.s32 $0xFFFFFE00  }
0x418: {  	_ =	swait.ge [sflag:s15], $0x200  }
0x419: {  	[sflag:s15] =	ssyncset.done $0x0  }
0x41a: {  	[sflag:s15] =	ssyncadd.s32 $0xFFFFFE00  }
0x41b: {  	_ =	swait.ge [sflag:s15], $0x200  }
0x41c: {  	[sflag:s15] =	ssyncset.done $0x0  }
0x41d: {  	[sflag:s15] =	ssyncadd.s32 $0xFFFFFE00  }
0x41e: {  	_ =	swait.ge [sflag:s15], $0x200  }
0x41f: {  	[sflag:s15] =	ssyncset.done $0x0  }
0x420: {  	[sflag:s15] =	ssyncadd.s32 $0xFFFFFE00  }
0x421: {  	_ =	swait.ge [sflag:s15], $0x200  }
0x422: {  	[sflag:s15] =	ssyncset.done $0x0  }
0x423: {  	[sflag:s15] =	ssyncadd.s32 $0xFFFFFE00  }
0x424: {  	_ =	swait.ge [sflag:s15], $0x200  }
0x425: {  	[sflag:s15] =	ssyncset.done $0x0  }
0x426: {  	[sflag:s15] =	ssyncadd.s32 $0xFFFFFE00  }
0x427: {  	_ =	swait.ge [sflag:s15], $0x200  }
0x428: {  	[sflag:s15] =	ssyncset.done $0x0  }
0x429: {  	[sflag:s15] =	ssyncadd.s32 $0xFFFFFE00  }
0x42a: {  	_ =	swait.ge [sflag:s15], $0x200  }
0x42b: {  	[sflag:s15] =	ssyncset.done $0x0  }
0x42c: {  	[sflag:s15] =	ssyncadd.s32 $0xFFFFFE00  }
0x42d: {  	_ =	swait.ge [sflag:s15], $0x200  }
0x42e: {  	[sflag:s15] =	ssyncset.done $0x0  }
0x42f: {  	[sflag:s15] =	ssyncadd.s32 $0xFFFFFE00  }
0x430: {  	_ =	swait.ge [sflag:s15], $0x200  }
0x431: {  	[sflag:s15] =	ssyncset.done $0x0  }
0x432: {  	[sflag:s15] =	ssyncadd.s32 $0xFFFFFE00  }
0x433: {  	_ =	swait.ge [sflag:s15], $0x200  }
0x434: {  	[sflag:s15] =	ssyncset.done $0x0  }
0x435: {  	[sflag:s15] =	ssyncadd.s32 $0xFFFFFE00  }
0x436: {  	_ =	swait.ge [sflag:s15], $0x200  }
0x437: {  	[sflag:s15] =	ssyncset.done $0x0  }
0x438: {  	[sflag:s15] =	ssyncadd.s32 $0xFFFFFE00  }
0x439: {  	_ =	swait.ge [sflag:s15], $0x200  }
0x43a: {  	[sflag:s15] =	ssyncset.done $0x0  }
0x43b: {  	[sflag:s15] =	ssyncadd.s32 $0xFFFFFE00  }
0x43c: {  	_ =	swait.ge [sflag:s15], $0x200  }
0x43d: {  	[sflag:s15] =	ssyncset.done $0x0  }
0x43e: {  	[sflag:s15] =	ssyncadd.s32 $0xFFFFFE00  }
0x43f: {  	_ =	swait.ge [sflag:s15], $0x200  }
0x440: {  	[sflag:s15] =	ssyncset.done $0x0  }
0x441: {  	[sflag:s15] =	ssyncadd.s32 $0xFFFFFE00  }
0x442: {  	_ =	swait.ge [sflag:s15], $0x200  }
0x443: {  	[sflag:s15] =	ssyncset.done $0x0  }
0x444: {  	[sflag:s15] =	ssyncadd.s32 $0xFFFFFE00  }
0x445: {  	_ =	swait.ge [sflag:s15], $0x200  }
0x446: {  	[sflag:s15] =	ssyncset.done $0x0  }
0x447: {  	[sflag:s15] =	ssyncadd.s32 $0xFFFFFE00  }
0x448: {  	_ =	swait.ge [sflag:s15], $0x200  }
0x449: {  	[sflag:s15] =	ssyncset.done $0x0  }
0x44a: {  	[sflag:s15] =	ssyncadd.s32 $0xFFFFFE00  }
0x44b: {  	_ =	swait.ge [sflag:s15], $0x200  }
0x44c: {  	[sflag:s15] =	ssyncset.done $0x0  }
0x44d: {  	[sflag:s15] =	ssyncadd.s32 $0xFFFFFE00  }
0x44e: {  	_ =	swait.ge [sflag:s15], $0x200  }
0x44f: {  	[sflag:s15] =	ssyncset.done $0x0  }
0x450: {  	[sflag:s15] =	ssyncadd.s32 $0xFFFFFE00  }
0x451: {  	_ =	swait.ge [sflag:s15], $0x200  }
0x452: {  	[sflag:s15] =	ssyncset.done $0x0  }
0x453: {  	[sflag:s15] =	ssyncadd.s32 $0xFFFFFE00  }
0x454: {  	_ =	swait.ge [sflag:s15], $0x200  }
0x455: {  	[sflag:s15] =	ssyncset.done $0x0  }
0x456: {  	[sflag:s15] =	ssyncadd.s32 $0xFFFFFE00  }
0x457: {  	_ =	swait.ge [sflag:s15], $0x200  }
0x458: {  	[sflag:s15] =	ssyncset.done $0x0  }
0x459: {  	[sflag:s15] =	ssyncadd.s32 $0xFFFFFE00  }
0x45a: {  	_ =	swait.ge [sflag:s15], $0x200  }
0x45b: {  	[sflag:s15] =	ssyncset.done $0x0  }
0x45c: {  	[sflag:s15] =	ssyncadd.s32 $0xFFFFFE00  }
0x45d: {  	_ =	swait.ge [sflag:s15], $0x200  }
0x45e: {  	[sflag:s15] =	ssyncset.done $0x0  }
0x45f: {  	[sflag:s15] =	ssyncadd.s32 $0xFFFFFE00  }
0x460: {  	_ =	swait.ge [sflag:s15], $0x200  }
0x461: {  	[sflag:s15] =	ssyncset.done $0x0  }
0x462: {  	[sflag:s15] =	ssyncadd.s32 $0xFFFFFE00  }
0x463: {  	_ =	swait.ge [sflag:s15], $0x200  }
0x464: {  	[sflag:s15] =	ssyncset.done $0x0  }
0x465: {  	[sflag:s15] =	ssyncadd.s32 $0xFFFFFE00  }
0x466: {  	_ =	swait.ge [sflag:s15], $0x200  }
0x467: {  	[sflag:s15] =	ssyncset.done $0x0  }
0x468: {  	[sflag:s15] =	ssyncadd.s32 $0xFFFFFE00  }
0x469: {  	_ =	swait.ge [sflag:s15], $0x200  }
0x46a: {  	[sflag:s15] =	ssyncset.done $0x0  }
0x46b: {  	[sflag:s15] =	ssyncadd.s32 $0xFFFFFE00  }
0x46c: {  	_ =	swait.ge [sflag:s15], $0x200  }
0x46d: {  	[sflag:s15] =	ssyncset.done $0x0  }
0x46e: {  	[sflag:s15] =	ssyncadd.s32 $0xFFFFFE00  }
0x46f: {  	_ =	swait.ge [sflag:s15], $0x200  }
0x470: {  	[sflag:s15] =	ssyncset.done $0x0  }
0x471: {  	[sflag:s15] =	ssyncadd.s32 $0xFFFFFE00  }
0x472: {  	_ =	swait.ge [sflag:s15], $0x200  }
0x473: {  	[sflag:s15] =	ssyncset.done $0x0  }
0x474: {  	[sflag:s15] =	ssyncadd.s32 $0xFFFFFE00  }
0x475: {  	_ =	swait.ge [sflag:s15], $0x200  }
0x476: {  	[sflag:s15] =	ssyncset.done $0x0  }
0x477: {  	[sflag:s15] =	ssyncadd.s32 $0xFFFFFE00  }
0x478: {  	[tilespmem:s10], [sflag:$0x2] =	stream.indirect.gather [hbm4b:s3+s4], $0x20, s2, s4, $0xb8;
	[tilespmem:$0xE400] =	vst v63  }
0x479: {  	_ =	swait.ge [sflag:s12], $0x4000  }
0x47a: {  	[sflag:s12] =	ssyncset.done $0x0  }
0x47b: {  	s17 =	sld [smem:$0x7B4];
	[sflag:s12] =	ssyncadd.s32 $0xFFFFC000  }
0x47c: {  	[tilespmem:s7], [sflag:$0x3] =	stream.indirect.gather [hbm4b:s3+s4], $0x20, s4, s4, $0xb8;
	[tilespmem:$0xE400] =	vst v63  }
0x47d: {  	_ = 	snop  }
0x47e: {  	[hbm4b:s17+s2] =	stream.linear.scatter [tilespmem:s10], [sflag:$0x4], $0x4000, $0x38;
	[tilespmem:$0xE400] =	vst v63  }
0x47f: {  	_ =	swait.ge [sflag:s9], $0x4000  }
0x480: {  	[sflag:s9] =	ssyncset.done $0x0  }
0x481: {  	[sflag:s9] =	ssyncadd.s32 $0xFFFFC000  }
0x482: {  	_ =	swait.ge [sflag:s6], $0x4000  }
0x483: {  	[sflag:s6] =	ssyncset.done $0x0  }
0x484: {  	s17 =	sld [smem:$0x7B6];
	[sflag:s6] =	ssyncadd.s32 $0xFFFFC000  }
0x485: {  	[tilespmem:s10], [sflag:$0x2] =	stream.indirect.gather [hbm4b:s3+s4], $0x20, s0, s4, $0xb8;
	[tilespmem:$0xE400] =	vst v63  }
0x486: {  	_ = 	snop  }
0x487: {  	[hbm4b:s17+s2] =	stream.linear.scatter [tilespmem:s7], [sflag:$0x5], $0x4000, $0x38;
	[tilespmem:$0xE400] =	vst v63  }
0x488: {  	_ =	swait.ge [sflag:s12], $0x4000  }
0x489: {  	[sflag:s12] =	ssyncset.done $0x0  }
0x48a: {  	[sflag:s12] =	ssyncadd.s32 $0xFFFFC000  }
0x48b: {  	_ =	swait.ge [sflag:s5], $0x4000  }
0x48c: {  	[sflag:s5] =	ssyncset.done $0x0  }
0x48d: {  	s0 =	sld [smem:$0x7B8];
	[sflag:s5] =	ssyncadd.s32 $0xFFFFC000  }
0x48e: {  	[tilespmem:s7], [sflag:$0x3] =	stream.indirect.gather [hbm4b:s3+s4], $0x20, s20, s4, $0xb8;
	[tilespmem:$0xE400] =	vst v63  }
0x48f: {  	_ = 	snop  }
0x490: {  	[hbm4b:s0+s2] =	stream.linear.scatter [tilespmem:s10], [sflag:$0x4], $0x4000, $0x38;
	[tilespmem:$0xE400] =	vst v63  }
0x491: {  	_ =	swait.ge [sflag:s9], $0x4000  }
0x492: {  	[sflag:s9] =	ssyncset.done $0x0  }
0x493: {  	[sflag:s9] =	ssyncadd.s32 $0xFFFFC000  }
0x494: {  	_ =	swait.ge [sflag:s6], $0x4000  }
0x495: {  	[sflag:s6] =	ssyncset.done $0x0  }
0x496: {  	s0 =	sld [smem:$0x7BA];
	[sflag:s6] =	ssyncadd.s32 $0xFFFFC000  }
0x497: {  	[tilespmem:s10], [sflag:$0x2] =	stream.indirect.gather [hbm4b:s3+s4], $0x20, s1, s4, $0xb8;
	[tilespmem:$0xE400] =	vst v63  }
0x498: {  	_ = 	snop  }
0x499: {  	[hbm4b:s0+s2] =	stream.linear.scatter [tilespmem:s7], [sflag:$0x5], $0x4000, $0x38;
	[tilespmem:$0xE400] =	vst v63  }
0x49a: {  	_ =	swait.ge [sflag:s12], $0x4000  }
0x49b: {  	[sflag:s12] =	ssyncset.done $0x0  }
0x49c: {  	[sflag:s12] =	ssyncadd.s32 $0xFFFFC000  }
0x49d: {  	_ =	swait.ge [sflag:s5], $0x4000  }
0x49e: {  	[sflag:s5] =	ssyncset.done $0x0  }
0x49f: {  	s0 =	sld [smem:$0x7BC];
	[sflag:s5] =	ssyncadd.s32 $0xFFFFC000  }
0x4a0: {  	[tilespmem:s7], [sflag:$0x3] =	stream.indirect.gather [hbm4b:s3+s4], $0x20, s14, s4, $0xb8;
	[tilespmem:$0xE400] =	vst v63  }
0x4a1: {  	_ = 	snop  }
0x4a2: {  	[hbm4b:s0+s2] =	stream.linear.scatter [tilespmem:s10], [sflag:$0x4], $0x4000, $0x38;
	[tilespmem:$0xE400] =	vst v63  }
0x4a3: {  	_ =	swait.ge [sflag:s9], $0x4000  }
0x4a4: {  	[sflag:s9] =	ssyncset.done $0x0  }
0x4a5: {  	[sflag:s9] =	ssyncadd.s32 $0xFFFFC000  }
0x4a6: {  	_ =	swait.ge [sflag:s6], $0x4000  }
0x4a7: {  	[sflag:s6] =	ssyncset.done $0x0  }
0x4a8: {  	s0 =	sld [smem:$0x7BE];
	[sflag:s6] =	ssyncadd.s32 $0xFFFFC000  }
0x4a9: {  	[tilespmem:s10], [sflag:$0x2] =	stream.indirect.gather [hbm4b:s3+s4], $0x20, s19, s4, $0xb8;
	[tilespmem:$0xE400] =	vst v63  }
0x4aa: {  	_ = 	snop  }
0x4ab: {  	[hbm4b:s0+s2] =	stream.linear.scatter [tilespmem:s7], [sflag:$0x5], $0x4000, $0x38;
	[tilespmem:$0xE400] =	vst v63  }
0x4ac: {  	_ =	swait.ge [sflag:s12], $0x4000  }
0x4ad: {  	[sflag:s12] =	ssyncset.done $0x0  }
0x4ae: {  	[sflag:s12] =	ssyncadd.s32 $0xFFFFC000  }
0x4af: {  	_ =	swait.ge [sflag:s5], $0x4000  }
0x4b0: {  	[sflag:s5] =	ssyncset.done $0x0  }
0x4b1: {  	s0 =	sld [smem:$0x7C0];
	[sflag:s5] =	ssyncadd.s32 $0xFFFFC000  }
0x4b2: {  	[tilespmem:s7], [sflag:$0x3] =	stream.indirect.gather [hbm4b:s3+s4], $0x20, s13, s4, $0xb8;
	[tilespmem:$0xE400] =	vst v63  }
0x4b3: {  	_ = 	snop  }
0x4b4: {  	[hbm4b:s0+s2] =	stream.linear.scatter [tilespmem:s10], [sflag:$0x4], $0x4000, $0x38;
	[tilespmem:$0xE400] =	vst v63  }
0x4b5: {  	_ =	swait.ge [sflag:s9], $0x4000  }
0x4b6: {  	[sflag:s9] =	ssyncset.done $0x0  }
0x4b7: {  	[sflag:s9] =	ssyncadd.s32 $0xFFFFC000  }
0x4b8: {  	_ =	swait.ge [sflag:s6], $0x4000  }
0x4b9: {  	[sflag:s6] =	ssyncset.done $0x0  }
0x4ba: {  	s0 =	sld [smem:$0x7C2];
	[sflag:s6] =	ssyncadd.s32 $0xFFFFC000  }
0x4bb: {  	[tilespmem:s10], [sflag:$0x2] =	stream.indirect.gather [hbm4b:s3+s4], $0x20, s30, s4, $0xb8;
	[tilespmem:$0xE400] =	vst v63  }
0x4bc: {  	_ = 	snop  }
0x4bd: {  	[hbm4b:s0+s2] =	stream.linear.scatter [tilespmem:s7], [sflag:$0x5], $0x4000, $0x38;
	[tilespmem:$0xE400] =	vst v63  }
0x4be: {  	_ =	swait.ge [sflag:s12], $0x4000  }
0x4bf: {  	[sflag:s12] =	ssyncset.done $0x0  }
0x4c0: {  	[sflag:s12] =	ssyncadd.s32 $0xFFFFC000  }
0x4c1: {  	_ =	swait.ge [sflag:s5], $0x4000  }
0x4c2: {  	[sflag:s5] =	ssyncset.done $0x0  }
0x4c3: {  	s0 =	sld [smem:$0x7C4];
	[sflag:s5] =	ssyncadd.s32 $0xFFFFC000  }
0x4c4: {  	[tilespmem:s7], [sflag:$0x3] =	stream.indirect.gather [hbm4b:s3+s4], $0x20, s11, s4, $0xb8;
	[tilespmem:$0xE400] =	vst v63  }
0x4c5: {  	_ = 	snop  }
0x4c6: {  	[hbm4b:s0+s2] =	stream.linear.scatter [tilespmem:s10], [sflag:$0x4], $0x4000, $0x38;
	[tilespmem:$0xE400] =	vst v63  }
0x4c7: {  	_ =	swait.ge [sflag:s9], $0x4000  }
0x4c8: {  	[sflag:s9] =	ssyncset.done $0x0  }
0x4c9: {  	[sflag:s9] =	ssyncadd.s32 $0xFFFFC000  }
0x4ca: {  	_ =	swait.ge [sflag:s6], $0x4000  }
0x4cb: {  	[sflag:s6] =	ssyncset.done $0x0  }
0x4cc: {  	s0 =	sld [smem:$0x7C6];
	[sflag:s6] =	ssyncadd.s32 $0xFFFFC000  }
0x4cd: {  	[tilespmem:s10], [sflag:$0x2] =	stream.indirect.gather [hbm4b:s3+s4], $0x20, s28, s4, $0xb8;
	[tilespmem:$0xE400] =	vst v63  }
0x4ce: {  	_ = 	snop  }
0x4cf: {  	[hbm4b:s0+s2] =	stream.linear.scatter [tilespmem:s7], [sflag:$0x5], $0x4000, $0x38;
	[tilespmem:$0xE400] =	vst v63  }
0x4d0: {  	_ =	swait.ge [sflag:s12], $0x4000  }
0x4d1: {  	[sflag:s12] =	ssyncset.done $0x0  }
0x4d2: {  	[sflag:s12] =	ssyncadd.s32 $0xFFFFC000  }
0x4d3: {  	_ =	swait.ge [sflag:s5], $0x4000  }
0x4d4: {  	[sflag:s5] =	ssyncset.done $0x0  }
0x4d5: {  	s0 =	sld [smem:$0x7C8];
	[sflag:s5] =	ssyncadd.s32 $0xFFFFC000  }
0x4d6: {  	[tilespmem:s7], [sflag:$0x3] =	stream.indirect.gather [hbm4b:s3+s4], $0x20, s8, s4, $0xb8;
	[tilespmem:$0xE400] =	vst v63  }
0x4d7: {  	_ = 	snop  }
0x4d8: {  	[hbm4b:s0+s2] =	stream.linear.scatter [tilespmem:s10], [sflag:$0x4], $0x4000, $0x38;
	[tilespmem:$0xE400] =	vst v63  }
0x4d9: {  	_ =	swait.ge [sflag:s9], $0x4000  }
0x4da: {  	[sflag:s9] =	ssyncset.done $0x0  }
0x4db: {  	[sflag:s9] =	ssyncadd.s32 $0xFFFFC000  }
0x4dc: {  	_ =	swait.ge [sflag:s6], $0x4000  }
0x4dd: {  	[sflag:s6] =	ssyncset.done $0x0  }
0x4de: {  	s0 =	sld [smem:$0x7CA];
	[sflag:s6] =	ssyncadd.s32 $0xFFFFC000  }
0x4df: {  	[tilespmem:s10], [sflag:$0x2] =	stream.indirect.gather [hbm4b:s3+s4], $0x20, s25, s4, $0xb8;
	[tilespmem:$0xE400] =	vst v63  }
0x4e0: {  	_ = 	snop  }
0x4e1: {  	[hbm4b:s0+s2] =	stream.linear.scatter [tilespmem:s7], [sflag:$0x5], $0x4000, $0x38;
	[tilespmem:$0xE400] =	vst v63  }
0x4e2: {  	_ =	swait.ge [sflag:s12], $0x4000  }
0x4e3: {  	[sflag:s12] =	ssyncset.done $0x0  }
0x4e4: {  	[sflag:s12] =	ssyncadd.s32 $0xFFFFC000  }
0x4e5: {  	_ =	swait.ge [sflag:s5], $0x4000  }
0x4e6: {  	[sflag:s5] =	ssyncset.done $0x0  }
0x4e7: {  	s0 =	sld [smem:$0x7CC];
	[sflag:s5] =	ssyncadd.s32 $0xFFFFC000  }
0x4e8: {  	[tilespmem:s7], [sflag:$0x3] =	stream.indirect.gather [hbm4b:s3+s4], $0x20, s21, s4, $0xb8;
	[tilespmem:$0xE400] =	vst v63  }
0x4e9: {  	_ = 	snop  }
0x4ea: {  	[hbm4b:s0+s2] =	stream.linear.scatter [tilespmem:s10], [sflag:$0x4], $0x4000, $0x38;
	[tilespmem:$0xE400] =	vst v63  }
0x4eb: {  	_ =	swait.ge [sflag:s9], $0x4000  }
0x4ec: {  	[sflag:s9] =	ssyncset.done $0x0  }
0x4ed: {  	[sflag:s9] =	ssyncadd.s32 $0xFFFFC000  }
0x4ee: {  	_ =	swait.ge [sflag:s6], $0x4000  }
0x4ef: {  	[sflag:s6] =	ssyncset.done $0x0  }
0x4f0: {  	s0 =	sld [smem:$0x7CE];
	[sflag:s6] =	ssyncadd.s32 $0xFFFFC000  }
0x4f1: {  	[tilespmem:s10], [sflag:$0x2] =	stream.indirect.gather [hbm4b:s3+s4], $0x20, s24, s4, $0xb8;
	[tilespmem:$0xE400] =	vst v63  }
0x4f2: {  	_ = 	snop  }
0x4f3: {  	[hbm4b:s0+s2] =	stream.linear.scatter [tilespmem:s7], [sflag:$0x5], $0x4000, $0x38;
	[tilespmem:$0xE400] =	vst v63  }
0x4f4: {  	_ =	swait.ge [sflag:s12], $0x4000  }
0x4f5: {  	[sflag:s12] =	ssyncset.done $0x0  }
0x4f6: {  	[sflag:s12] =	ssyncadd.s32 $0xFFFFC000  }
0x4f7: {  	_ =	swait.ge [sflag:s5], $0x4000  }
0x4f8: {  	[sflag:s5] =	ssyncset.done $0x0  }
0x4f9: {  	s0 =	sld [smem:$0x7D0];
	[sflag:s5] =	ssyncadd.s32 $0xFFFFC000  }
0x4fa: {  	[tilespmem:s7], [sflag:$0x3] =	stream.indirect.gather [hbm4b:s3+s4], $0x20, s22, s4, $0xb8;
	[tilespmem:$0xE400] =	vst v63  }
0x4fb: {  	_ = 	snop  }
0x4fc: {  	[hbm4b:s0+s2] =	stream.linear.scatter [tilespmem:s10], [sflag:$0x4], $0x4000, $0x38;
	[tilespmem:$0xE400] =	vst v63  }
0x4fd: {  	_ =	swait.ge [sflag:s9], $0x4000  }
0x4fe: {  	[sflag:s9] =	ssyncset.done $0x0  }
0x4ff: {  	[sflag:s9] =	ssyncadd.s32 $0xFFFFC000  }
0x500: {  	_ =	swait.ge [sflag:s6], $0x4000  }
0x501: {  	[sflag:s6] =	ssyncset.done $0x0  }
0x502: {  	s0 =	sld [smem:$0x7D2];
	[sflag:s6] =	ssyncadd.s32 $0xFFFFC000  }
0x503: {  	[tilespmem:s10], [sflag:$0x2] =	stream.indirect.gather [hbm4b:s3+s4], $0x20, s23, s4, $0xb8;
	[tilespmem:$0xE400] =	vst v63  }
0x504: {  	_ = 	snop  }
0x505: {  	[hbm4b:s0+s2] =	stream.linear.scatter [tilespmem:s7], [sflag:$0x5], $0x4000, $0x38;
	[tilespmem:$0xE400] =	vst v63  }
0x506: {  	_ =	swait.ge [sflag:s12], $0x4000  }
0x507: {  	[sflag:s12] =	ssyncset.done $0x0  }
0x508: {  	[sflag:s12] =	ssyncadd.s32 $0xFFFFC000  }
0x509: {  	_ =	swait.ge [sflag:s5], $0x4000  }
0x50a: {  	[sflag:s5] =	ssyncset.done $0x0  }
0x50b: {  	s0 =	sld [smem:$0x7D4];
	[sflag:s5] =	ssyncadd.s32 $0xFFFFC000  }
0x50c: {  	[tilespmem:s7], [sflag:$0x3] =	stream.indirect.gather [hbm4b:s3+s4], $0x20, s31, s4, $0xb8;
	[tilespmem:$0xE400] =	vst v63  }
0x50d: {  	_ = 	snop  }
0x50e: {  	[hbm4b:s0+s2] =	stream.linear.scatter [tilespmem:s10], [sflag:$0x4], $0x4000, $0x38;
	[tilespmem:$0xE400] =	vst v63  }
0x50f: {  	_ =	swait.ge [sflag:s9], $0x4000  }
0x510: {  	[sflag:s9] =	ssyncset.done $0x0  }
0x511: {  	[sflag:s9] =	ssyncadd.s32 $0xFFFFC000  }
0x512: {  	_ =	swait.ge [sflag:s6], $0x4000  }
0x513: {  	[sflag:s6] =	ssyncset.done $0x0  }
0x514: {  	s0 =	sld [smem:$0x7D6];
	[sflag:s6] =	ssyncadd.s32 $0xFFFFC000  }
0x515: {  	[tilespmem:s10], [sflag:$0x2] =	stream.indirect.gather [hbm4b:s3+s4], $0x20, s26, s4, $0xb8;
	[tilespmem:$0xE400] =	vst v63  }
0x516: {  	_ = 	snop  }
0x517: {  	[hbm4b:s0+s2] =	stream.linear.scatter [tilespmem:s7], [sflag:$0x5], $0x4000, $0x38;
	[tilespmem:$0xE400] =	vst v63  }
0x518: {  	_ =	swait.ge [sflag:s12], $0x4000  }
0x519: {  	[sflag:s12] =	ssyncset.done $0x0  }
0x51a: {  	[sflag:s12] =	ssyncadd.s32 $0xFFFFC000  }
0x51b: {  	_ =	swait.ge [sflag:s5], $0x4000  }
0x51c: {  	[sflag:s5] =	ssyncset.done $0x0  }
0x51d: {  	s0 =	simm.s32 $0x2600;
	s17 =	sld [smem:$0x7D8];
	[sflag:s5] =	ssyncadd.s32 $0xFFFFC000  }
0x51e: {  	[tilespmem:s7], [sflag:$0x3] =	stream.indirect.gather [hbm4b:s3+s4], $0x20, s0, s4, $0xb8;
	[tilespmem:$0xE400] =	vst v63  }
0x51f: {  	_ = 	snop  }
0x520: {  	[hbm4b:s17+s2] =	stream.linear.scatter [tilespmem:s10], [sflag:$0x4], $0x4000, $0x38;
	[tilespmem:$0xE400] =	vst v63  }
0x521: {  	_ =	swait.ge [sflag:s9], $0x4000  }
0x522: {  	[sflag:s9] =	ssyncset.done $0x0  }
0x523: {  	[sflag:s9] =	ssyncadd.s32 $0xFFFFC000  }
0x524: {  	_ =	swait.ge [sflag:s6], $0x4000  }
0x525: {  	[sflag:s6] =	ssyncset.done $0x0  }
0x526: {  	s0 =	simm.s32 $0x2800;
	s17 =	sld [smem:$0x7DA];
	[sflag:s6] =	ssyncadd.s32 $0xFFFFC000  }
0x527: {  	[tilespmem:s10], [sflag:$0x2] =	stream.indirect.gather [hbm4b:s3+s4], $0x20, s0, s4, $0xb8;
	[tilespmem:$0xE400] =	vst v63  }
0x528: {  	_ = 	snop  }
0x529: {  	[hbm4b:s17+s2] =	stream.linear.scatter [tilespmem:s7], [sflag:$0x5], $0x4000, $0x38;
	[tilespmem:$0xE400] =	vst v63  }
0x52a: {  	_ =	swait.ge [sflag:s12], $0x4000  }
0x52b: {  	[sflag:s12] =	ssyncset.done $0x0  }
0x52c: {  	[sflag:s12] =	ssyncadd.s32 $0xFFFFC000  }
0x52d: {  	_ =	swait.ge [sflag:s5], $0x4000  }
0x52e: {  	[sflag:s5] =	ssyncset.done $0x0  }
0x52f: {  	s0 =	simm.s32 $0x2A00;
	s17 =	sld [smem:$0x7DC];
	[sflag:s5] =	ssyncadd.s32 $0xFFFFC000  }
0x530: {  	[tilespmem:s7], [sflag:$0x3] =	stream.indirect.gather [hbm4b:s3+s4], $0x20, s0, s4, $0xb8;
	[tilespmem:$0xE400] =	vst v63  }
0x531: {  	_ = 	snop  }
0x532: {  	[hbm4b:s17+s2] =	stream.linear.scatter [tilespmem:s10], [sflag:$0x4], $0x4000, $0x38;
	[tilespmem:$0xE400] =	vst v63  }
0x533: {  	_ =	swait.ge [sflag:s9], $0x4000  }
0x534: {  	[sflag:s9] =	ssyncset.done $0x0  }
0x535: {  	[sflag:s9] =	ssyncadd.s32 $0xFFFFC000  }
0x536: {  	_ =	swait.ge [sflag:s6], $0x4000  }
0x537: {  	[sflag:s6] =	ssyncset.done $0x0  }
0x538: {  	s0 =	simm.s32 $0x2C00;
	s17 =	sld [smem:$0x7DE];
	[sflag:s6] =	ssyncadd.s32 $0xFFFFC000  }
0x539: {  	[tilespmem:s10], [sflag:$0x2] =	stream.indirect.gather [hbm4b:s3+s4], $0x20, s0, s4, $0xb8;
	[tilespmem:$0xE400] =	vst v63  }
0x53a: {  	_ = 	snop  }
0x53b: {  	[hbm4b:s17+s2] =	stream.linear.scatter [tilespmem:s7], [sflag:$0x5], $0x4000, $0x38;
	[tilespmem:$0xE400] =	vst v63  }
0x53c: {  	_ =	swait.ge [sflag:s12], $0x4000  }
0x53d: {  	[sflag:s12] =	ssyncset.done $0x0  }
0x53e: {  	[sflag:s12] =	ssyncadd.s32 $0xFFFFC000  }
0x53f: {  	_ =	swait.ge [sflag:s5], $0x4000  }
0x540: {  	[sflag:s5] =	ssyncset.done $0x0  }
0x541: {  	s0 =	simm.s32 $0x2E00;
	s17 =	sld [smem:$0x7E0];
	[sflag:s5] =	ssyncadd.s32 $0xFFFFC000  }
0x542: {  	[tilespmem:s7], [sflag:$0x3] =	stream.indirect.gather [hbm4b:s3+s4], $0x20, s0, s4, $0xb8;
	[tilespmem:$0xE400] =	vst v63  }
0x543: {  	_ = 	snop  }
0x544: {  	[hbm4b:s17+s2] =	stream.linear.scatter [tilespmem:s10], [sflag:$0x4], $0x4000, $0x38;
	[tilespmem:$0xE400] =	vst v63  }
0x545: {  	_ =	swait.ge [sflag:s9], $0x4000  }
0x546: {  	[sflag:s9] =	ssyncset.done $0x0  }
0x547: {  	[sflag:s9] =	ssyncadd.s32 $0xFFFFC000  }
0x548: {  	_ =	swait.ge [sflag:s6], $0x4000  }
0x549: {  	[sflag:s6] =	ssyncset.done $0x0  }
0x54a: {  	s0 =	simm.s32 $0x3000;
	s17 =	sld [smem:$0x7E2];
	[sflag:s6] =	ssyncadd.s32 $0xFFFFC000  }
0x54b: {  	[tilespmem:s10], [sflag:$0x2] =	stream.indirect.gather [hbm4b:s3+s4], $0x20, s0, s4, $0xb8;
	[tilespmem:$0xE400] =	vst v63  }
0x54c: {  	_ = 	snop  }
0x54d: {  	[hbm4b:s17+s2] =	stream.linear.scatter [tilespmem:s7], [sflag:$0x5], $0x4000, $0x38;
	[tilespmem:$0xE400] =	vst v63  }
0x54e: {  	_ =	swait.ge [sflag:s12], $0x4000  }
0x54f: {  	[sflag:s12] =	ssyncset.done $0x0  }
0x550: {  	[sflag:s12] =	ssyncadd.s32 $0xFFFFC000  }
0x551: {  	_ =	swait.ge [sflag:s5], $0x4000  }
0x552: {  	[sflag:s5] =	ssyncset.done $0x0  }
0x553: {  	s0 =	simm.s32 $0x3200;
	s17 =	sld [smem:$0x7E3];
	[sflag:s5] =	ssyncadd.s32 $0xFFFFC000  }
0x554: {  	[tilespmem:s7], [sflag:$0x3] =	stream.indirect.gather [hbm4b:s3+s4], $0x20, s0, s4, $0xb8;
	[tilespmem:$0xE400] =	vst v63  }
0x555: {  	_ = 	snop  }
0x556: {  	[hbm4b:s17+s2] =	stream.linear.scatter [tilespmem:s10], [sflag:$0x4], $0x4000, $0x38;
	[tilespmem:$0xE400] =	vst v63  }
0x557: {  	_ =	swait.ge [sflag:s9], $0x4000  }
0x558: {  	[sflag:s9] =	ssyncset.done $0x0  }
0x559: {  	[sflag:s9] =	ssyncadd.s32 $0xFFFFC000  }
0x55a: {  	_ =	swait.ge [sflag:s6], $0x4000  }
0x55b: {  	[sflag:s6] =	ssyncset.done $0x0  }
0x55c: {  	s0 =	simm.s32 $0x3400;
	s17 =	sld [smem:$0x7E4];
	[sflag:s6] =	ssyncadd.s32 $0xFFFFC000  }
0x55d: {  	[tilespmem:s10], [sflag:$0x2] =	stream.indirect.gather [hbm4b:s3+s4], $0x20, s0, s4, $0xb8;
	[tilespmem:$0xE400] =	vst v63  }
0x55e: {  	_ = 	snop  }
0x55f: {  	[hbm4b:s17+s2] =	stream.linear.scatter [tilespmem:s7], [sflag:$0x5], $0x4000, $0x38;
	[tilespmem:$0xE400] =	vst v63  }
0x560: {  	_ =	swait.ge [sflag:s12], $0x4000  }
0x561: {  	[sflag:s12] =	ssyncset.done $0x0  }
0x562: {  	[sflag:s12] =	ssyncadd.s32 $0xFFFFC000  }
0x563: {  	_ =	swait.ge [sflag:s5], $0x4000  }
0x564: {  	[sflag:s5] =	ssyncset.done $0x0  }
0x565: {  	s0 =	simm.s32 $0x3600;
	s17 =	sld [smem:$0x7E5];
	[sflag:s5] =	ssyncadd.s32 $0xFFFFC000  }
0x566: {  	[tilespmem:s7], [sflag:$0x3] =	stream.indirect.gather [hbm4b:s3+s4], $0x20, s0, s4, $0xb8;
	[tilespmem:$0xE400] =	vst v63  }
0x567: {  	_ = 	snop  }
0x568: {  	[hbm4b:s17+s2] =	stream.linear.scatter [tilespmem:s10], [sflag:$0x4], $0x4000, $0x38;
	[tilespmem:$0xE400] =	vst v63  }
0x569: {  	_ =	swait.ge [sflag:s9], $0x4000  }
0x56a: {  	[sflag:s9] =	ssyncset.done $0x0  }
0x56b: {  	[sflag:s9] =	ssyncadd.s32 $0xFFFFC000  }
0x56c: {  	_ =	swait.ge [sflag:s6], $0x4000  }
0x56d: {  	[sflag:s6] =	ssyncset.done $0x0  }
0x56e: {  	s0 =	simm.s32 $0x3800;
	s17 =	sld [smem:$0x7E6];
	[sflag:s6] =	ssyncadd.s32 $0xFFFFC000  }
0x56f: {  	[tilespmem:s10], [sflag:$0x2] =	stream.indirect.gather [hbm4b:s3+s4], $0x20, s0, s4, $0xb8;
	[tilespmem:$0xE400] =	vst v63  }
0x570: {  	_ = 	snop  }
0x571: {  	[hbm4b:s17+s2] =	stream.linear.scatter [tilespmem:s7], [sflag:$0x5], $0x4000, $0x38;
	[tilespmem:$0xE400] =	vst v63  }
0x572: {  	_ =	swait.ge [sflag:s12], $0x4000  }
0x573: {  	[sflag:s12] =	ssyncset.done $0x0  }
0x574: {  	[sflag:s12] =	ssyncadd.s32 $0xFFFFC000  }
0x575: {  	_ =	swait.ge [sflag:s5], $0x4000  }
0x576: {  	[sflag:s5] =	ssyncset.done $0x0  }
0x577: {  	s0 =	simm.s32 $0x3A00;
	s17 =	sld [smem:$0x7E7];
	[sflag:s5] =	ssyncadd.s32 $0xFFFFC000  }
0x578: {  	[tilespmem:s7], [sflag:$0x3] =	stream.indirect.gather [hbm4b:s3+s4], $0x20, s0, s4, $0xb8;
	[tilespmem:$0xE400] =	vst v63  }
0x579: {  	_ = 	snop  }
0x57a: {  	[hbm4b:s17+s2] =	stream.linear.scatter [tilespmem:s10], [sflag:$0x4], $0x4000, $0x38;
	[tilespmem:$0xE400] =	vst v63  }
0x57b: {  	_ =	swait.ge [sflag:s9], $0x4000  }
0x57c: {  	[sflag:s9] =	ssyncset.done $0x0  }
0x57d: {  	[sflag:s9] =	ssyncadd.s32 $0xFFFFC000  }
0x57e: {  	_ =	swait.ge [sflag:s6], $0x4000  }
0x57f: {  	[sflag:s6] =	ssyncset.done $0x0  }
0x580: {  	s0 =	simm.s32 $0x3C00;
	s17 =	sld [smem:$0x7E8];
	[sflag:s6] =	ssyncadd.s32 $0xFFFFC000  }
0x581: {  	[tilespmem:s10], [sflag:$0x2] =	stream.indirect.gather [hbm4b:s3+s4], $0x20, s0, s4, $0xb8;
	[tilespmem:$0xE400] =	vst v63  }
0x582: {  	_ = 	snop  }
0x583: {  	[hbm4b:s17+s2] =	stream.linear.scatter [tilespmem:s7], [sflag:$0x5], $0x4000, $0x38;
	[tilespmem:$0xE400] =	vst v63  }
0x584: {  	_ =	swait.ge [sflag:s12], $0x4000  }
0x585: {  	[sflag:s12] =	ssyncset.done $0x0  }
0x586: {  	[sflag:s12] =	ssyncadd.s32 $0xFFFFC000  }
0x587: {  	_ =	swait.ge [sflag:s5], $0x4000  }
0x588: {  	[sflag:s5] =	ssyncset.done $0x0  }
0x589: {  	s0 =	simm.s32 $0x3E00;
	s17 =	sld [smem:$0x7EA];
	[sflag:s5] =	ssyncadd.s32 $0xFFFFC000  }
0x58a: {  	[tilespmem:s7], [sflag:$0x3] =	stream.indirect.gather [hbm4b:s3+s4], $0x20, s0, s4, $0xb8;
	[tilespmem:$0xE400] =	vst v63  }
0x58b: {  	_ = 	snop  }
0x58c: {  	[hbm4b:s17+s2] =	stream.linear.scatter [tilespmem:s10], [sflag:$0x4], $0x4000, $0x38;
	[tilespmem:$0xE400] =	vst v63  }
0x58d: {  	_ =	swait.ge [sflag:s9], $0x4000  }
0x58e: {  	[sflag:s9] =	ssyncset.done $0x0  }
0x58f: {  	[sflag:s9] =	ssyncadd.s32 $0xFFFFC000  }
0x590: {  	_ =	swait.ge [sflag:s6], $0x4000  }
0x591: {  	[sflag:s6] =	ssyncset.done $0x0  }
0x592: {  	s0 =	simm.s32 $0x4000;
	s17 =	sld [smem:$0x7EB];
	[sflag:s6] =	ssyncadd.s32 $0xFFFFC000  }
0x593: {  	[tilespmem:s10], [sflag:$0x2] =	stream.indirect.gather [hbm4b:s3+s4], $0x20, s0, s4, $0xb8;
	[tilespmem:$0xE400] =	vst v63  }
0x594: {  	_ = 	snop  }
0x595: {  	[hbm4b:s17+s2] =	stream.linear.scatter [tilespmem:s7], [sflag:$0x5], $0x4000, $0x38;
	[tilespmem:$0xE400] =	vst v63  }
0x596: {  	_ =	swait.ge [sflag:s12], $0x4000  }
0x597: {  	[sflag:s12] =	ssyncset.done $0x0  }
0x598: {  	[sflag:s12] =	ssyncadd.s32 $0xFFFFC000  }
0x599: {  	_ =	swait.ge [sflag:s5], $0x4000  }
0x59a: {  	[sflag:s5] =	ssyncset.done $0x0  }
0x59b: {  	s0 =	simm.s32 $0x4200;
	s17 =	sld [smem:$0x7EC];
	[sflag:s5] =	ssyncadd.s32 $0xFFFFC000  }
0x59c: {  	[tilespmem:s7], [sflag:$0x3] =	stream.indirect.gather [hbm4b:s3+s4], $0x20, s0, s4, $0xb8;
	[tilespmem:$0xE400] =	vst v63  }
0x59d: {  	_ = 	snop  }
0x59e: {  	[hbm4b:s17+s2] =	stream.linear.scatter [tilespmem:s10], [sflag:$0x4], $0x4000, $0x38;
	[tilespmem:$0xE400] =	vst v63  }
0x59f: {  	_ =	swait.ge [sflag:s9], $0x4000  }
0x5a0: {  	[sflag:s9] =	ssyncset.done $0x0  }
0x5a1: {  	[sflag:s9] =	ssyncadd.s32 $0xFFFFC000  }
0x5a2: {  	_ =	swait.ge [sflag:s6], $0x4000  }
0x5a3: {  	[sflag:s6] =	ssyncset.done $0x0  }
0x5a4: {  	s0 =	simm.s32 $0x4400;
	s17 =	sld [smem:$0x7ED];
	[sflag:s6] =	ssyncadd.s32 $0xFFFFC000  }
0x5a5: {  	[tilespmem:s10], [sflag:$0x2] =	stream.indirect.gather [hbm4b:s3+s4], $0x20, s0, s4, $0xb8;
	[tilespmem:$0xE400] =	vst v63  }
0x5a6: {  	_ = 	snop  }
0x5a7: {  	[hbm4b:s17+s2] =	stream.linear.scatter [tilespmem:s7], [sflag:$0x5], $0x4000, $0x38;
	[tilespmem:$0xE400] =	vst v63  }
0x5a8: {  	_ =	swait.ge [sflag:s12], $0x4000  }
0x5a9: {  	[sflag:s12] =	ssyncset.done $0x0  }
0x5aa: {  	[sflag:s12] =	ssyncadd.s32 $0xFFFFC000  }
0x5ab: {  	_ =	swait.ge [sflag:s5], $0x4000  }
0x5ac: {  	[sflag:s5] =	ssyncset.done $0x0  }
0x5ad: {  	s0 =	simm.s32 $0x4600;
	s17 =	sld [smem:$0x7EE];
	[sflag:s5] =	ssyncadd.s32 $0xFFFFC000  }
0x5ae: {  	[tilespmem:s7], [sflag:$0x3] =	stream.indirect.gather [hbm4b:s3+s4], $0x20, s0, s4, $0xb8;
	[tilespmem:$0xE400] =	vst v63  }
0x5af: {  	_ = 	snop  }
0x5b0: {  	[hbm4b:s17+s2] =	stream.linear.scatter [tilespmem:s10], [sflag:$0x4], $0x4000, $0x38;
	[tilespmem:$0xE400] =	vst v63  }
0x5b1: {  	_ =	swait.ge [sflag:s9], $0x4000  }
0x5b2: {  	[sflag:s9] =	ssyncset.done $0x0  }
0x5b3: {  	[sflag:s9] =	ssyncadd.s32 $0xFFFFC000  }
0x5b4: {  	_ =	swait.ge [sflag:s6], $0x4000  }
0x5b5: {  	[sflag:s6] =	ssyncset.done $0x0  }
0x5b6: {  	s0 =	simm.s32 $0x4800;
	s17 =	sld [smem:$0x7EF];
	[sflag:s6] =	ssyncadd.s32 $0xFFFFC000  }
0x5b7: {  	[tilespmem:s10], [sflag:$0x2] =	stream.indirect.gather [hbm4b:s3+s4], $0x20, s0, s4, $0xb8;
	[tilespmem:$0xE400] =	vst v63  }
0x5b8: {  	_ = 	snop  }
0x5b9: {  	[hbm4b:s17+s2] =	stream.linear.scatter [tilespmem:s7], [sflag:$0x5], $0x4000, $0x38;
	[tilespmem:$0xE400] =	vst v63  }
0x5ba: {  	_ =	swait.ge [sflag:s12], $0x4000  }
0x5bb: {  	[sflag:s12] =	ssyncset.done $0x0  }
0x5bc: {  	[sflag:s12] =	ssyncadd.s32 $0xFFFFC000  }
0x5bd: {  	_ =	swait.ge [sflag:s5], $0x4000  }
0x5be: {  	[sflag:s5] =	ssyncset.done $0x0  }
0x5bf: {  	s0 =	simm.s32 $0x4A00;
	s17 =	sld [smem:$0x7F0];
	[sflag:s5] =	ssyncadd.s32 $0xFFFFC000  }
0x5c0: {  	[tilespmem:s7], [sflag:$0x3] =	stream.indirect.gather [hbm4b:s3+s4], $0x20, s0, s4, $0xb8;
	[tilespmem:$0xE400] =	vst v63  }
0x5c1: {  	_ = 	snop  }
0x5c2: {  	[hbm4b:s17+s2] =	stream.linear.scatter [tilespmem:s10], [sflag:$0x4], $0x4000, $0x38;
	[tilespmem:$0xE400] =	vst v63  }
0x5c3: {  	_ =	swait.ge [sflag:s9], $0x4000  }
0x5c4: {  	[sflag:s9] =	ssyncset.done $0x0  }
0x5c5: {  	[sflag:s9] =	ssyncadd.s32 $0xFFFFC000  }
0x5c6: {  	_ =	swait.ge [sflag:s6], $0x4000  }
0x5c7: {  	[sflag:s6] =	ssyncset.done $0x0  }
0x5c8: {  	s0 =	simm.s32 $0x4C00;
	s17 =	sld [smem:$0x7F1];
	[sflag:s6] =	ssyncadd.s32 $0xFFFFC000  }
0x5c9: {  	[tilespmem:s10], [sflag:$0x2] =	stream.indirect.gather [hbm4b:s3+s4], $0x20, s0, s4, $0xb8;
	[tilespmem:$0xE400] =	vst v63  }
0x5ca: {  	_ = 	snop  }
0x5cb: {  	[hbm4b:s17+s2] =	stream.linear.scatter [tilespmem:s7], [sflag:$0x5], $0x4000, $0x38;
	[tilespmem:$0xE400] =	vst v63  }
0x5cc: {  	_ =	swait.ge [sflag:s12], $0x4000  }
0x5cd: {  	[sflag:s12] =	ssyncset.done $0x0  }
0x5ce: {  	[sflag:s12] =	ssyncadd.s32 $0xFFFFC000  }
0x5cf: {  	_ =	swait.ge [sflag:s5], $0x4000  }
0x5d0: {  	[sflag:s5] =	ssyncset.done $0x0  }
0x5d1: {  	s0 =	simm.s32 $0x4E00;
	s17 =	sld [smem:$0x7F2];
	[sflag:s5] =	ssyncadd.s32 $0xFFFFC000  }
0x5d2: {  	[tilespmem:s7], [sflag:$0x3] =	stream.indirect.gather [hbm4b:s3+s4], $0x20, s0, s4, $0xb8;
	[tilespmem:$0xE400] =	vst v63  }
0x5d3: {  	_ = 	snop  }
0x5d4: {  	[hbm4b:s17+s2] =	stream.linear.scatter [tilespmem:s10], [sflag:$0x4], $0x4000, $0x38;
	[tilespmem:$0xE400] =	vst v63  }
0x5d5: {  	_ =	swait.ge [sflag:s9], $0x4000  }
0x5d6: {  	[sflag:s9] =	ssyncset.done $0x0  }
0x5d7: {  	[sflag:s9] =	ssyncadd.s32 $0xFFFFC000  }
0x5d8: {  	_ =	swait.ge [sflag:s6], $0x4000  }
0x5d9: {  	[sflag:s6] =	ssyncset.done $0x0  }
0x5da: {  	s0 =	simm.s32 $0x5000;
	s17 =	sld [smem:$0x7F3];
	[sflag:s6] =	ssyncadd.s32 $0xFFFFC000  }
0x5db: {  	[tilespmem:s10], [sflag:$0x2] =	stream.indirect.gather [hbm4b:s3+s4], $0x20, s0, s4, $0xb8;
	[tilespmem:$0xE400] =	vst v63  }
0x5dc: {  	_ = 	snop  }
0x5dd: {  	[hbm4b:s17+s2] =	stream.linear.scatter [tilespmem:s7], [sflag:$0x5], $0x4000, $0x38;
	[tilespmem:$0xE400] =	vst v63  }
0x5de: {  	_ =	swait.ge [sflag:s12], $0x4000  }
0x5df: {  	[sflag:s12] =	ssyncset.done $0x0  }
0x5e0: {  	[sflag:s12] =	ssyncadd.s32 $0xFFFFC000  }
0x5e1: {  	_ =	swait.ge [sflag:s5], $0x4000  }
0x5e2: {  	[sflag:s5] =	ssyncset.done $0x0  }
0x5e3: {  	s0 =	simm.s32 $0x5200;
	s17 =	sld [smem:$0x7F4];
	[sflag:s5] =	ssyncadd.s32 $0xFFFFC000  }
0x5e4: {  	[tilespmem:s7], [sflag:$0x3] =	stream.indirect.gather [hbm4b:s3+s4], $0x20, s0, s4, $0xb8;
	[tilespmem:$0xE400] =	vst v63  }
0x5e5: {  	_ = 	snop  }
0x5e6: {  	[hbm4b:s17+s2] =	stream.linear.scatter [tilespmem:s10], [sflag:$0x4], $0x4000, $0x38;
	[tilespmem:$0xE400] =	vst v63  }
0x5e7: {  	_ =	swait.ge [sflag:s9], $0x4000  }
0x5e8: {  	[sflag:s9] =	ssyncset.done $0x0  }
0x5e9: {  	[sflag:s9] =	ssyncadd.s32 $0xFFFFC000  }
0x5ea: {  	_ =	swait.ge [sflag:s6], $0x4000  }
0x5eb: {  	[sflag:s6] =	ssyncset.done $0x0  }
0x5ec: {  	s0 =	simm.s32 $0x5400;
	s17 =	sld [smem:$0x7F5];
	[sflag:s6] =	ssyncadd.s32 $0xFFFFC000  }
0x5ed: {  	[tilespmem:s10], [sflag:$0x2] =	stream.indirect.gather [hbm4b:s3+s4], $0x20, s0, s4, $0xb8;
	[tilespmem:$0xE400] =	vst v63  }
0x5ee: {  	_ = 	snop  }
0x5ef: {  	[hbm4b:s17+s2] =	stream.linear.scatter [tilespmem:s7], [sflag:$0x5], $0x4000, $0x38;
	[tilespmem:$0xE400] =	vst v63  }
0x5f0: {  	_ =	swait.ge [sflag:s12], $0x4000  }
0x5f1: {  	[sflag:s12] =	ssyncset.done $0x0  }
0x5f2: {  	[sflag:s12] =	ssyncadd.s32 $0xFFFFC000  }
0x5f3: {  	_ =	swait.ge [sflag:s5], $0x4000  }
0x5f4: {  	[sflag:s5] =	ssyncset.done $0x0  }
0x5f5: {  	s0 =	simm.s32 $0x5600;
	s17 =	sld [smem:$0x7F6];
	[sflag:s5] =	ssyncadd.s32 $0xFFFFC000  }
0x5f6: {  	[tilespmem:s7], [sflag:$0x3] =	stream.indirect.gather [hbm4b:s3+s4], $0x20, s0, s4, $0xb8;
	[tilespmem:$0xE400] =	vst v63  }
0x5f7: {  	_ = 	snop  }
0x5f8: {  	[hbm4b:s17+s2] =	stream.linear.scatter [tilespmem:s10], [sflag:$0x4], $0x4000, $0x38;
	[tilespmem:$0xE400] =	vst v63  }
0x5f9: {  	_ =	swait.ge [sflag:s9], $0x4000  }
0x5fa: {  	[sflag:s9] =	ssyncset.done $0x0  }
0x5fb: {  	[sflag:s9] =	ssyncadd.s32 $0xFFFFC000  }
0x5fc: {  	_ =	swait.ge [sflag:s6], $0x4000  }
0x5fd: {  	[sflag:s6] =	ssyncset.done $0x0  }
0x5fe: {  	s0 =	simm.s32 $0x5800;
	s17 =	sld [smem:$0x7F7];
	[sflag:s6] =	ssyncadd.s32 $0xFFFFC000  }
0x5ff: {  	[tilespmem:s10], [sflag:$0x2] =	stream.indirect.gather [hbm4b:s3+s4], $0x20, s0, s4, $0xb8;
	[tilespmem:$0xE400] =	vst v63  }
0x600: {  	_ = 	snop  }
0x601: {  	[hbm4b:s17+s2] =	stream.linear.scatter [tilespmem:s7], [sflag:$0x5], $0x4000, $0x38;
	[tilespmem:$0xE400] =	vst v63  }
0x602: {  	_ =	swait.ge [sflag:s12], $0x4000  }
0x603: {  	[sflag:s12] =	ssyncset.done $0x0  }
0x604: {  	[sflag:s12] =	ssyncadd.s32 $0xFFFFC000  }
0x605: {  	_ =	swait.ge [sflag:s5], $0x4000  }
0x606: {  	[sflag:s5] =	ssyncset.done $0x0  }
0x607: {  	s0 =	simm.s32 $0x5A00;
	s17 =	sld [smem:$0x7F8];
	[sflag:s5] =	ssyncadd.s32 $0xFFFFC000  }
0x608: {  	[tilespmem:s7], [sflag:$0x3] =	stream.indirect.gather [hbm4b:s3+s4], $0x20, s0, s4, $0xb8;
	[tilespmem:$0xE400] =	vst v63  }
0x609: {  	_ = 	snop  }
0x60a: {  	[hbm4b:s17+s2] =	stream.linear.scatter [tilespmem:s10], [sflag:$0x4], $0x4000, $0x38;
	[tilespmem:$0xE400] =	vst v63  }
0x60b: {  	_ =	swait.ge [sflag:s9], $0x4000  }
0x60c: {  	[sflag:s9] =	ssyncset.done $0x0  }
0x60d: {  	[sflag:s9] =	ssyncadd.s32 $0xFFFFC000  }
0x60e: {  	_ =	swait.ge [sflag:s6], $0x4000  }
0x60f: {  	[sflag:s6] =	ssyncset.done $0x0  }
0x610: {  	s0 =	simm.s32 $0x5C00;
	s17 =	sld [smem:$0x7F9];
	[sflag:s6] =	ssyncadd.s32 $0xFFFFC000  }
0x611: {  	[tilespmem:s10], [sflag:$0x2] =	stream.indirect.gather [hbm4b:s3+s4], $0x20, s0, s4, $0xb8;
	[tilespmem:$0xE400] =	vst v63  }
0x612: {  	_ = 	snop  }
0x613: {  	[hbm4b:s17+s2] =	stream.linear.scatter [tilespmem:s7], [sflag:$0x5], $0x4000, $0x38;
	[tilespmem:$0xE400] =	vst v63  }
0x614: {  	_ =	swait.ge [sflag:s12], $0x4000  }
0x615: {  	[sflag:s12] =	ssyncset.done $0x0  }
0x616: {  	[sflag:s12] =	ssyncadd.s32 $0xFFFFC000  }
0x617: {  	_ =	swait.ge [sflag:s5], $0x4000  }
0x618: {  	[sflag:s5] =	ssyncset.done $0x0  }
0x619: {  	s0 =	simm.s32 $0x5E00;
	s17 =	sld [smem:$0x7FA];
	[sflag:s5] =	ssyncadd.s32 $0xFFFFC000  }
0x61a: {  	[tilespmem:s7], [sflag:$0x3] =	stream.indirect.gather [hbm4b:s3+s4], $0x20, s0, s4, $0xb8;
	[tilespmem:$0xE400] =	vst v63  }
0x61b: {  	_ = 	snop  }
0x61c: {  	[hbm4b:s17+s2] =	stream.linear.scatter [tilespmem:s10], [sflag:$0x4], $0x4000, $0x38;
	[tilespmem:$0xE400] =	vst v63  }
0x61d: {  	_ =	swait.ge [sflag:s9], $0x4000  }
0x61e: {  	[sflag:s9] =	ssyncset.done $0x0  }
0x61f: {  	[sflag:s9] =	ssyncadd.s32 $0xFFFFC000  }
0x620: {  	_ =	swait.ge [sflag:s6], $0x4000  }
0x621: {  	[sflag:s6] =	ssyncset.done $0x0  }
0x622: {  	s29 =	simm.s32 $0x6000;
	s0 =	sld [smem:$0x7FB];
	[sflag:s6] =	ssyncadd.s32 $0xFFFFC000  }
0x623: {  	[tilespmem:s10], [sflag:$0x2] =	stream.indirect.gather [hbm4b:s3+s4], $0x20, s29, s4, $0xb8;
	[tilespmem:$0xE400] =	vst v63  }
0x624: {  	_ = 	snop  }
0x625: {  	[hbm4b:s0+s2] =	stream.linear.scatter [tilespmem:s7], [sflag:$0x5], $0x4000, $0x38;
	[tilespmem:$0xE400] =	vst v63  }
0x626: {  	_ =	swait.ge [sflag:s12], $0x4000  }
0x627: {  	[sflag:s12] =	ssyncset.done $0x0  }
0x628: {  	[sflag:s12] =	ssyncadd.s32 $0xFFFFC000  }
0x629: {  	_ =	swait.ge [sflag:s5], $0x4000  }
0x62a: {  	[sflag:s5] =	ssyncset.done $0x0  }
0x62b: {  	s0 =	sld [smem:$0x7FC];
	[sflag:s5] =	ssyncadd.s32 $0xFFFFC000  }
0x62c: {  	[tilespmem:s7], [sflag:$0x3] =	stream.indirect.gather [hbm4b:s3+s4], $0x20, s18, s4, $0xb8;
	[tilespmem:$0xE400] =	vst v63  }
0x62d: {  	_ = 	snop  }
0x62e: {  	[hbm4b:s0+s2] =	stream.linear.scatter [tilespmem:s10], [sflag:$0x4], $0x4000, $0x38;
	[tilespmem:$0xE400] =	vst v63  }
0x62f: {  	_ =	swait.ge [sflag:s9], $0x4000  }
0x630: {  	s29 =	sld [smem:$0x7FD]  }
0x631: {  	[sflag:s9] =	ssyncset.done $0x0  }
0x632: {  	p1 =	sne.s32 s16, $0x1;
	[sflag:s9] =	ssyncadd.s32 $0xFFFFC000  }
0x633: {  	[hbm4b:s29+s2] =	stream.linear.scatter [tilespmem:s7], [sflag:$0x5], $0x4000, $0x38;
	[tilespmem:$0xE400] =	vst v63  }
.Ltmp2:
0x634: {  	_ =	swait.ge [sflag:s6], $0x4000;
	(pc) =	sbr.rel @p1 .LBB2_3-.Ltmp2, $4  }
0x635: {  	[sflag:s6] =	ssyncset.done $0x0  }
0x636: {  	[sflag:s6] =	ssyncadd.s32 $0xFFFFC000  }
0x637: {  	_ =	swait.ge [sflag:s5], $0x4000  }
0x638: {  	s16 =	sadd.s32 $0xFFFFFFFF, s16;
	s17 =	rddreg [dreg:$0x3];
	[sflag:s5] =	ssyncset.done $0x0  }
.LBB2_4:
0x639: {  	[sflag:s5] =	ssyncadd.s32 @p0 $0xFFFFC000;
	s16 =	rddreg [dreg:$0x4]  }
0x63a: {  	[tilespmem:s2], [sflag:$0x1] =	stream.linear.gather [hbm4b:s17+s2], $0x200, $0x38;
	[tilespmem:$0xE400] =	vst v63  }
0x63b: {  	s28 =	rddreg [dreg:$0x5]  }
0x63c: {  	[tilespmem:s4], [sflag:$0x1] =	stream.linear.gather [hbm4b:s16+s2], $0x200, $0x38;
	[tilespmem:$0xE400] =	vst v63  }
0x63d: {  	s29 =	rddreg [dreg:$0x6];
	s14 =	simm.s32 $0x400  }
0x63e: {  	[tilespmem:s14], [sflag:$0x1] =	stream.linear.gather [hbm4b:s28+s2], $0x200, $0x38;
	[tilespmem:$0xE400] =	vst v63  }
0x63f: {  	s30 =	rddreg [dreg:$0x7];
	s13 =	simm.s32 $0x600  }
0x640: {  	[tilespmem:s13], [sflag:$0x1] =	stream.linear.gather [hbm4b:s29+s2], $0x200, $0x38;
	[tilespmem:$0xE400] =	vst v63  }
0x641: {  	s31 =	rddreg [dreg:$0x8];
	s11 =	simm.s32 $0x800  }
0x642: {  	[tilespmem:s11], [sflag:$0x1] =	stream.linear.gather [hbm4b:s30+s2], $0x200, $0x38;
	[tilespmem:$0xE400] =	vst v63  }
0x643: {  	s0 =	rddreg [dreg:$0x9];
	s8 =	simm.s32 $0xA00  }
0x644: {  	[tilespmem:s8], [sflag:$0x1] =	stream.linear.gather [hbm4b:s31+s2], $0x200, $0x38;
	[tilespmem:$0xE400] =	vst v63  }
0x645: {  	s19 =	rddreg [dreg:$0xa];
	s1 =	simm.s32 $0xC00  }
0x646: {  	[tilespmem:s1], [sflag:$0x1] =	stream.linear.gather [hbm4b:s0+s2], $0x200, $0x38;
	[tilespmem:$0xE400] =	vst v63  }
0x647: {  	s20 =	rddreg [dreg:$0xb];
	s0 =	simm.s32 $0xE00  }
0x648: {  	[tilespmem:s0], [sflag:$0x1] =	stream.linear.gather [hbm4b:s19+s2], $0x200, $0x38;
	[tilespmem:$0xE400] =	vst v63  }
0x649: {  	s21 =	rddreg [dreg:$0xc];
	s19 =	simm.s32 $0x1000  }
0x64a: {  	[tilespmem:s19], [sflag:$0x1] =	stream.linear.gather [hbm4b:s20+s2], $0x200, $0x38;
	[tilespmem:$0xE400] =	vst v63  }
0x64b: {  	s22 =	rddreg [dreg:$0xd];
	s20 =	simm.s32 $0x1200  }
0x64c: {  	[tilespmem:s20], [sflag:$0x1] =	stream.linear.gather [hbm4b:s21+s2], $0x200, $0x38;
	[tilespmem:$0xE400] =	vst v63  }
0x64d: {  	s23 =	rddreg [dreg:$0xe];
	s21 =	simm.s32 $0x1400  }
0x64e: {  	[tilespmem:s21], [sflag:$0x1] =	stream.linear.gather [hbm4b:s22+s2], $0x200, $0x38;
	[tilespmem:$0xE400] =	vst v63  }
0x64f: {  	s24 =	rddreg [dreg:$0xf];
	s22 =	simm.s32 $0x1600  }
0x650: {  	[tilespmem:s22], [sflag:$0x1] =	stream.linear.gather [hbm4b:s23+s2], $0x200, $0x38;
	[tilespmem:$0xE400] =	vst v63  }
0x651: {  	s25 =	rddreg [dreg:$0x10];
	s23 =	simm.s32 $0x1800  }
0x652: {  	[tilespmem:s23], [sflag:$0x1] =	stream.linear.gather [hbm4b:s24+s2], $0x200, $0x38;
	[tilespmem:$0xE400] =	vst v63  }
0x653: {  	s26 =	rddreg [dreg:$0x11];
	s24 =	simm.s32 $0x1A00  }
0x654: {  	[tilespmem:s24], [sflag:$0x1] =	stream.linear.gather [hbm4b:s25+s2], $0x200, $0x38;
	[tilespmem:$0xE400] =	vst v63  }
0x655: {  	s17 =	rddreg [dreg:$0x17];
	s25 =	simm.s32 $0x1C00  }
0x656: {  	[tilespmem:s25], [sflag:$0x1] =	stream.linear.gather [hbm4b:s26+s2], $0x200, $0x38;
	[tilespmem:$0xE400] =	vst v63  }
0x657: {  	s28 =	rddreg [dreg:$0x12];
	s26 =	simm.s32 $0x1E00  }
0x658: {  	[tilespmem:s26], [sflag:$0x1] =	stream.linear.gather [hbm4b:s28+s2], $0x200, $0x38;
	[tilespmem:$0xE400] =	vst v63  }
0x659: {  	s29 =	rddreg [dreg:$0x13];
	s28 =	simm.s32 $0x2000  }
0x65a: {  	[tilespmem:s28], [sflag:$0x1] =	stream.linear.gather [hbm4b:s29+s2], $0x200, $0x38;
	[tilespmem:$0xE400] =	vst v63  }
0x65b: {  	s30 =	rddreg [dreg:$0x14];
	s29 =	simm.s32 $0x2200  }
0x65c: {  	[tilespmem:s29], [sflag:$0x1] =	stream.linear.gather [hbm4b:s30+s2], $0x200, $0x38;
	[tilespmem:$0xE400] =	vst v63  }
0x65d: {  	s31 =	rddreg [dreg:$0x15];
	s30 =	simm.s32 $0x2400  }
0x65e: {  	[tilespmem:s30], [sflag:$0x1] =	stream.linear.gather [hbm4b:s31+s2], $0x200, $0x38;
	[tilespmem:$0xE400] =	vst v63  }
0x65f: {  	s16 =	rddreg [dreg:$0x16];
	s31 =	simm.s32 $0x2600  }
0x660: {  	[tilespmem:s31], [sflag:$0x1] =	stream.linear.gather [hbm4b:s16+s2], $0x200, $0x38;
	[tilespmem:$0xE400] =	vst v63  }
0x661: {  	s16 =	rddreg [dreg:$0x18];
	s31 =	simm.s32 $0x2800  }
0x662: {  	[tilespmem:s31], [sflag:$0x1] =	stream.linear.gather [hbm4b:s17+s2], $0x200, $0x38;
	[tilespmem:$0xE400] =	vst v63  }
0x663: {  	s17 =	rddreg [dreg:$0x19];
	s31 =	simm.s32 $0x2A00  }
0x664: {  	[tilespmem:s31], [sflag:$0x1] =	stream.linear.gather [hbm4b:s16+s2], $0x200, $0x38;
	[tilespmem:$0xE400] =	vst v63  }
0x665: {  	s16 =	rddreg [dreg:$0x1a];
	s31 =	simm.s32 $0x2C00  }
0x666: {  	[tilespmem:s31], [sflag:$0x1] =	stream.linear.gather [hbm4b:s17+s2], $0x200, $0x38;
	[tilespmem:$0xE400] =	vst v63  }
0x667: {  	s17 =	rddreg [dreg:$0x1b];
	s31 =	simm.s32 $0x2E00  }
0x668: {  	[tilespmem:s31], [sflag:$0x1] =	stream.linear.gather [hbm4b:s16+s2], $0x200, $0x38;
	[tilespmem:$0xE400] =	vst v63  }
0x669: {  	s16 =	rddreg [dreg:$0x1c];
	s31 =	simm.s32 $0x3000  }
0x66a: {  	[tilespmem:s31], [sflag:$0x1] =	stream.linear.gather [hbm4b:s17+s2], $0x200, $0x38;
	[tilespmem:$0xE400] =	vst v63  }
0x66b: {  	s17 =	rddreg [dreg:$0x1d];
	s31 =	simm.s32 $0x3200  }
0x66c: {  	[tilespmem:s31], [sflag:$0x1] =	stream.linear.gather [hbm4b:s16+s2], $0x200, $0x38;
	[tilespmem:$0xE400] =	vst v63  }
0x66d: {  	s31 =	simm.s32 $0x3400;
	s16 =	rddreg [dreg:$0x1e]  }
0x66e: {  	[tilespmem:s31], [sflag:$0x1] =	stream.linear.gather [hbm4b:s17+s2], $0x200, $0x38;
	[tilespmem:$0xE400] =	vst v63  }
0x66f: {  	s17 =	rddreg [dreg:$0x1f];
	s31 =	simm.s32 $0x3600  }
0x670: {  	[tilespmem:s31], [sflag:$0x1] =	stream.linear.gather [hbm4b:s16+s2], $0x200, $0x38;
	[tilespmem:$0xE400] =	vst v63  }
0x671: {  	s16 =	sld [smem:$0x79E];
	s31 =	simm.s32 $0x3800  }
0x672: {  	[tilespmem:s31], [sflag:$0x1] =	stream.linear.gather [hbm4b:s17+s2], $0x200, $0x38;
	[tilespmem:$0xE400] =	vst v63  }
0x673: {  	s17 =	sld [smem:$0x79F];
	s31 =	simm.s32 $0x3A00  }
0x674: {  	[tilespmem:s31], [sflag:$0x1] =	stream.linear.gather [hbm4b:s16+s2], $0x200, $0x38;
	[tilespmem:$0xE400] =	vst v63  }
0x675: {  	s16 =	sld [smem:$0x7A0];
	s31 =	simm.s32 $0x3C00  }
0x676: {  	[tilespmem:s31], [sflag:$0x1] =	stream.linear.gather [hbm4b:s17+s2], $0x200, $0x38;
	[tilespmem:$0xE400] =	vst v63  }
0x677: {  	s17 =	sld [smem:$0x7A1];
	s31 =	simm.s32 $0x3E00  }
0x678: {  	[tilespmem:s31], [sflag:$0x1] =	stream.linear.gather [hbm4b:s16+s2], $0x200, $0x38;
	[tilespmem:$0xE400] =	vst v63  }
0x679: {  	s16 =	sld [smem:$0x7A2];
	s31 =	simm.s32 $0x4000  }
0x67a: {  	[tilespmem:s31], [sflag:$0x1] =	stream.linear.gather [hbm4b:s17+s2], $0x200, $0x38;
	[tilespmem:$0xE400] =	vst v63  }
0x67b: {  	s17 =	sld [smem:$0x7A3];
	s31 =	simm.s32 $0x4200  }
0x67c: {  	[tilespmem:s31], [sflag:$0x1] =	stream.linear.gather [hbm4b:s16+s2], $0x200, $0x38;
	[tilespmem:$0xE400] =	vst v63  }
0x67d: {  	s16 =	sld [smem:$0x7A4];
	s31 =	simm.s32 $0x4400  }
0x67e: {  	[tilespmem:s31], [sflag:$0x1] =	stream.linear.gather [hbm4b:s17+s2], $0x200, $0x38;
	[tilespmem:$0xE400] =	vst v63  }
0x67f: {  	s17 =	sld [smem:$0x7A5];
	s31 =	simm.s32 $0x4600  }
0x680: {  	[tilespmem:s31], [sflag:$0x1] =	stream.linear.gather [hbm4b:s16+s2], $0x200, $0x38;
	[tilespmem:$0xE400] =	vst v63  }
0x681: {  	s16 =	sld [smem:$0x7A6];
	s31 =	simm.s32 $0x4800  }
0x682: {  	[tilespmem:s31], [sflag:$0x1] =	stream.linear.gather [hbm4b:s17+s2], $0x200, $0x38;
	[tilespmem:$0xE400] =	vst v63  }
0x683: {  	s17 =	sld [smem:$0x7A7];
	s31 =	simm.s32 $0x4A00  }
0x684: {  	[tilespmem:s31], [sflag:$0x1] =	stream.linear.gather [hbm4b:s16+s2], $0x200, $0x38;
	[tilespmem:$0xE400] =	vst v63  }
0x685: {  	s16 =	sld [smem:$0x7A8];
	s31 =	simm.s32 $0x4C00  }
0x686: {  	[tilespmem:s31], [sflag:$0x1] =	stream.linear.gather [hbm4b:s17+s2], $0x200, $0x38;
	[tilespmem:$0xE400] =	vst v63  }
0x687: {  	s17 =	sld [smem:$0x7A9];
	s31 =	simm.s32 $0x4E00  }
0x688: {  	[tilespmem:s31], [sflag:$0x1] =	stream.linear.gather [hbm4b:s16+s2], $0x200, $0x38;
	[tilespmem:$0xE400] =	vst v63  }
0x689: {  	s16 =	sld [smem:$0x7AA];
	s31 =	simm.s32 $0x5000  }
0x68a: {  	[tilespmem:s31], [sflag:$0x1] =	stream.linear.gather [hbm4b:s17+s2], $0x200, $0x38;
	[tilespmem:$0xE400] =	vst v63  }
0x68b: {  	s17 =	sld [smem:$0x7AB];
	s31 =	simm.s32 $0x5200  }
0x68c: {  	[tilespmem:s31], [sflag:$0x1] =	stream.linear.gather [hbm4b:s16+s2], $0x200, $0x38;
	[tilespmem:$0xE400] =	vst v63  }
0x68d: {  	s16 =	sld [smem:$0x7AC];
	s31 =	simm.s32 $0x5400  }
0x68e: {  	[tilespmem:s31], [sflag:$0x1] =	stream.linear.gather [hbm4b:s17+s2], $0x200, $0x38;
	[tilespmem:$0xE400] =	vst v63  }
0x68f: {  	s17 =	sld [smem:$0x7AD];
	s31 =	simm.s32 $0x5600  }
0x690: {  	[tilespmem:s31], [sflag:$0x1] =	stream.linear.gather [hbm4b:s16+s2], $0x200, $0x38;
	[tilespmem:$0xE400] =	vst v63  }
0x691: {  	s16 =	sld [smem:$0x7AE];
	s31 =	simm.s32 $0x5800  }
0x692: {  	[tilespmem:s31], [sflag:$0x1] =	stream.linear.gather [hbm4b:s17+s2], $0x200, $0x38;
	[tilespmem:$0xE400] =	vst v63  }
0x693: {  	s17 =	sld [smem:$0x7AF];
	s31 =	simm.s32 $0x5A00  }
0x694: {  	[tilespmem:s31], [sflag:$0x1] =	stream.linear.gather [hbm4b:s16+s2], $0x200, $0x38;
	[tilespmem:$0xE400] =	vst v63  }
0x695: {  	s16 =	sld [smem:$0x7B0];
	s31 =	simm.s32 $0x5C00  }
0x696: {  	[tilespmem:s31], [sflag:$0x1] =	stream.linear.gather [hbm4b:s17+s2], $0x200, $0x38;
	[tilespmem:$0xE400] =	vst v63  }
0x697: {  	s17 =	sld [smem:$0x7B1];
	s31 =	simm.s32 $0x5E00  }
0x698: {  	[tilespmem:s31], [sflag:$0x1] =	stream.linear.gather [hbm4b:s16+s2], $0x200, $0x38;
	[tilespmem:$0xE400] =	vst v63  }
0x699: {  	s16 =	sld [smem:$0x7B2];
	s31 =	simm.s32 $0x6000  }
0x69a: {  	[tilespmem:s31], [sflag:$0x1] =	stream.linear.gather [hbm4b:s17+s2], $0x200, $0x38;
	[tilespmem:$0xE400] =	vst v63  }
0x69b: {  	_ = 	snop  }
0x69c: {  	[tilespmem:s18], [sflag:$0x1] =	stream.linear.gather [hbm4b:s16+s2], $0x200, $0x38;
	[tilespmem:$0xE400] =	vst v63  }
0x69d: {  	_ =	swait.ge [sflag:s15], $0x200  }
0x69e: {  	[sflag:s15] =	ssyncset.done $0x0  }
0x69f: {  	[sflag:s15] =	ssyncadd.s32 $0xFFFFFE00  }
0x6a0: {  	_ =	swait.ge [sflag:s15], $0x200  }
0x6a1: {  	[sflag:s15] =	ssyncset.done $0x0  }
0x6a2: {  	[sflag:s15] =	ssyncadd.s32 $0xFFFFFE00  }
0x6a3: {  	_ =	swait.ge [sflag:s15], $0x200  }
0x6a4: {  	[sflag:s15] =	ssyncset.done $0x0  }
0x6a5: {  	[sflag:s15] =	ssyncadd.s32 $0xFFFFFE00  }
0x6a6: {  	_ =	swait.ge [sflag:s15], $0x200  }
0x6a7: {  	[sflag:s15] =	ssyncset.done $0x0  }
0x6a8: {  	[sflag:s15] =	ssyncadd.s32 $0xFFFFFE00  }
0x6a9: {  	_ =	swait.ge [sflag:s15], $0x200  }
0x6aa: {  	[sflag:s15] =	ssyncset.done $0x0  }
0x6ab: {  	[sflag:s15] =	ssyncadd.s32 $0xFFFFFE00  }
0x6ac: {  	_ =	swait.ge [sflag:s15], $0x200  }
0x6ad: {  	[sflag:s15] =	ssyncset.done $0x0  }
0x6ae: {  	[sflag:s15] =	ssyncadd.s32 $0xFFFFFE00  }
0x6af: {  	_ =	swait.ge [sflag:s15], $0x200  }
0x6b0: {  	[sflag:s15] =	ssyncset.done $0x0  }
0x6b1: {  	[sflag:s15] =	ssyncadd.s32 $0xFFFFFE00  }
0x6b2: {  	_ =	swait.ge [sflag:s15], $0x200  }
0x6b3: {  	[sflag:s15] =	ssyncset.done $0x0  }
0x6b4: {  	[sflag:s15] =	ssyncadd.s32 $0xFFFFFE00  }
0x6b5: {  	_ =	swait.ge [sflag:s15], $0x200  }
0x6b6: {  	[sflag:s15] =	ssyncset.done $0x0  }
0x6b7: {  	[sflag:s15] =	ssyncadd.s32 $0xFFFFFE00  }
0x6b8: {  	_ =	swait.ge [sflag:s15], $0x200  }
0x6b9: {  	[sflag:s15] =	ssyncset.done $0x0  }
0x6ba: {  	[sflag:s15] =	ssyncadd.s32 $0xFFFFFE00  }
0x6bb: {  	_ =	swait.ge [sflag:s15], $0x200  }
0x6bc: {  	[sflag:s15] =	ssyncset.done $0x0  }
0x6bd: {  	[sflag:s15] =	ssyncadd.s32 $0xFFFFFE00  }
0x6be: {  	_ =	swait.ge [sflag:s15], $0x200  }
0x6bf: {  	[sflag:s15] =	ssyncset.done $0x0  }
0x6c0: {  	[sflag:s15] =	ssyncadd.s32 $0xFFFFFE00  }
0x6c1: {  	_ =	swait.ge [sflag:s15], $0x200  }
0x6c2: {  	[sflag:s15] =	ssyncset.done $0x0  }
0x6c3: {  	[sflag:s15] =	ssyncadd.s32 $0xFFFFFE00  }
0x6c4: {  	_ =	swait.ge [sflag:s15], $0x200  }
0x6c5: {  	[sflag:s15] =	ssyncset.done $0x0  }
0x6c6: {  	[sflag:s15] =	ssyncadd.s32 $0xFFFFFE00  }
0x6c7: {  	_ =	swait.ge [sflag:s15], $0x200  }
0x6c8: {  	[sflag:s15] =	ssyncset.done $0x0  }
0x6c9: {  	[sflag:s15] =	ssyncadd.s32 $0xFFFFFE00  }
0x6ca: {  	_ =	swait.ge [sflag:s15], $0x200  }
0x6cb: {  	[sflag:s15] =	ssyncset.done $0x0  }
0x6cc: {  	[sflag:s15] =	ssyncadd.s32 $0xFFFFFE00  }
0x6cd: {  	_ =	swait.ge [sflag:s15], $0x200  }
0x6ce: {  	[sflag:s15] =	ssyncset.done $0x0  }
0x6cf: {  	[sflag:s15] =	ssyncadd.s32 $0xFFFFFE00  }
0x6d0: {  	_ =	swait.ge [sflag:s15], $0x200  }
0x6d1: {  	[sflag:s15] =	ssyncset.done $0x0  }
0x6d2: {  	[sflag:s15] =	ssyncadd.s32 $0xFFFFFE00  }
0x6d3: {  	_ =	swait.ge [sflag:s15], $0x200  }
0x6d4: {  	[sflag:s15] =	ssyncset.done $0x0  }
0x6d5: {  	[sflag:s15] =	ssyncadd.s32 $0xFFFFFE00  }
0x6d6: {  	_ =	swait.ge [sflag:s15], $0x200  }
0x6d7: {  	[sflag:s15] =	ssyncset.done $0x0  }
0x6d8: {  	[sflag:s15] =	ssyncadd.s32 $0xFFFFFE00  }
0x6d9: {  	_ =	swait.ge [sflag:s15], $0x200  }
0x6da: {  	[sflag:s15] =	ssyncset.done $0x0  }
0x6db: {  	[sflag:s15] =	ssyncadd.s32 $0xFFFFFE00  }
0x6dc: {  	_ =	swait.ge [sflag:s15], $0x200  }
0x6dd: {  	[sflag:s15] =	ssyncset.done $0x0  }
0x6de: {  	[sflag:s15] =	ssyncadd.s32 $0xFFFFFE00  }
0x6df: {  	_ =	swait.ge [sflag:s15], $0x200  }
0x6e0: {  	[sflag:s15] =	ssyncset.done $0x0  }
0x6e1: {  	[sflag:s15] =	ssyncadd.s32 $0xFFFFFE00  }
0x6e2: {  	_ =	swait.ge [sflag:s15], $0x200  }
0x6e3: {  	[sflag:s15] =	ssyncset.done $0x0  }
0x6e4: {  	[sflag:s15] =	ssyncadd.s32 $0xFFFFFE00  }
0x6e5: {  	_ =	swait.ge [sflag:s15], $0x200  }
0x6e6: {  	[sflag:s15] =	ssyncset.done $0x0  }
0x6e7: {  	[sflag:s15] =	ssyncadd.s32 $0xFFFFFE00  }
0x6e8: {  	_ =	swait.ge [sflag:s15], $0x200  }
0x6e9: {  	[sflag:s15] =	ssyncset.done $0x0  }
0x6ea: {  	[sflag:s15] =	ssyncadd.s32 $0xFFFFFE00  }
0x6eb: {  	_ =	swait.ge [sflag:s15], $0x200  }
0x6ec: {  	[sflag:s15] =	ssyncset.done $0x0  }
0x6ed: {  	[sflag:s15] =	ssyncadd.s32 $0xFFFFFE00  }
0x6ee: {  	_ =	swait.ge [sflag:s15], $0x200  }
0x6ef: {  	[sflag:s15] =	ssyncset.done $0x0  }
0x6f0: {  	[sflag:s15] =	ssyncadd.s32 $0xFFFFFE00  }
0x6f1: {  	_ =	swait.ge [sflag:s15], $0x200  }
0x6f2: {  	[sflag:s15] =	ssyncset.done $0x0  }
0x6f3: {  	[sflag:s15] =	ssyncadd.s32 $0xFFFFFE00  }
0x6f4: {  	_ =	swait.ge [sflag:s15], $0x200  }
0x6f5: {  	[sflag:s15] =	ssyncset.done $0x0  }
0x6f6: {  	[sflag:s15] =	ssyncadd.s32 $0xFFFFFE00  }
0x6f7: {  	_ =	swait.ge [sflag:s15], $0x200  }
0x6f8: {  	[sflag:s15] =	ssyncset.done $0x0  }
0x6f9: {  	[sflag:s15] =	ssyncadd.s32 $0xFFFFFE00  }
0x6fa: {  	_ =	swait.ge [sflag:s15], $0x200  }
0x6fb: {  	[sflag:s15] =	ssyncset.done $0x0  }
0x6fc: {  	[sflag:s15] =	ssyncadd.s32 $0xFFFFFE00  }
0x6fd: {  	_ =	swait.ge [sflag:s15], $0x200  }
0x6fe: {  	[sflag:s15] =	ssyncset.done $0x0  }
0x6ff: {  	[sflag:s15] =	ssyncadd.s32 $0xFFFFFE00  }
0x700: {  	_ =	swait.ge [sflag:s15], $0x200  }
0x701: {  	[sflag:s15] =	ssyncset.done $0x0  }
0x702: {  	[sflag:s15] =	ssyncadd.s32 $0xFFFFFE00  }
0x703: {  	_ =	swait.ge [sflag:s15], $0x200  }
0x704: {  	[sflag:s15] =	ssyncset.done $0x0  }
0x705: {  	[sflag:s15] =	ssyncadd.s32 $0xFFFFFE00  }
0x706: {  	_ =	swait.ge [sflag:s15], $0x200  }
0x707: {  	[sflag:s15] =	ssyncset.done $0x0  }
0x708: {  	[sflag:s15] =	ssyncadd.s32 $0xFFFFFE00  }
0x709: {  	_ =	swait.ge [sflag:s15], $0x200  }
0x70a: {  	[sflag:s15] =	ssyncset.done $0x0  }
0x70b: {  	[sflag:s15] =	ssyncadd.s32 $0xFFFFFE00  }
0x70c: {  	_ =	swait.ge [sflag:s15], $0x200  }
0x70d: {  	[sflag:s15] =	ssyncset.done $0x0  }
0x70e: {  	[sflag:s15] =	ssyncadd.s32 $0xFFFFFE00  }
0x70f: {  	_ =	swait.ge [sflag:s15], $0x200  }
0x710: {  	[sflag:s15] =	ssyncset.done $0x0  }
0x711: {  	[sflag:s15] =	ssyncadd.s32 $0xFFFFFE00  }
0x712: {  	_ =	swait.ge [sflag:s15], $0x200  }
0x713: {  	[sflag:s15] =	ssyncset.done $0x0  }
0x714: {  	[sflag:s15] =	ssyncadd.s32 $0xFFFFFE00  }
0x715: {  	_ =	swait.ge [sflag:s15], $0x200  }
0x716: {  	[sflag:s15] =	ssyncset.done $0x0  }
0x717: {  	[sflag:s15] =	ssyncadd.s32 $0xFFFFFE00  }
0x718: {  	_ =	swait.ge [sflag:s15], $0x200  }
0x719: {  	[sflag:s15] =	ssyncset.done $0x0  }
0x71a: {  	[sflag:s15] =	ssyncadd.s32 $0xFFFFFE00  }
0x71b: {  	_ =	swait.ge [sflag:s15], $0x200  }
0x71c: {  	[sflag:s15] =	ssyncset.done $0x0  }
0x71d: {  	[sflag:s15] =	ssyncadd.s32 $0xFFFFFE00  }
0x71e: {  	_ =	swait.ge [sflag:s15], $0x200  }
0x71f: {  	[sflag:s15] =	ssyncset.done $0x0  }
0x720: {  	[sflag:s15] =	ssyncadd.s32 $0xFFFFFE00  }
0x721: {  	_ =	swait.ge [sflag:s15], $0x200  }
0x722: {  	[sflag:s15] =	ssyncset.done $0x0  }
0x723: {  	[sflag:s15] =	ssyncadd.s32 $0xFFFFFE00  }
0x724: {  	_ =	swait.ge [sflag:s15], $0x200  }
0x725: {  	[sflag:s15] =	ssyncset.done $0x0  }
0x726: {  	[sflag:s15] =	ssyncadd.s32 $0xFFFFFE00  }
0x727: {  	_ =	swait.ge [sflag:s15], $0x200  }
0x728: {  	[sflag:s15] =	ssyncset.done $0x0  }
0x729: {  	[sflag:s15] =	ssyncadd.s32 $0xFFFFFE00  }
0x72a: {  	_ =	swait.ge [sflag:s15], $0x200  }
0x72b: {  	[sflag:s15] =	ssyncset.done $0x0  }
0x72c: {  	[sflag:s15] =	ssyncadd.s32 $0xFFFFFE00  }
0x72d: {  	_ =	swait.ge [sflag:s15], $0x200  }
0x72e: {  	[sflag:s15] =	ssyncset.done $0x0  }
0x72f: {  	[sflag:s15] =	ssyncadd.s32 $0xFFFFFE00  }
0x730: {  	_ =	swait.ge [sflag:s15], $0x200  }
0x731: {  	[sflag:s15] =	ssyncset.done $0x0  }
0x732: {  	[sflag:s15] =	ssyncadd.s32 $0xFFFFFE00  }
0x733: {  	[tilespmem:s10], [sflag:$0x2] =	stream.indirect.gather [hbm4b:s3+s4], $0x20, s2, s4, $0xb8;
	[tilespmem:$0xE400] =	vst v63  }
0x734: {  	_ =	swait.ge [sflag:s12], $0x4000  }
0x735: {  	[sflag:s12] =	ssyncset.done $0x0  }
0x736: {  	s31 =	sld [smem:$0x7B4];
	[sflag:s12] =	ssyncadd.s32 $0xFFFFC000  }
0x737: {  	[tilespmem:s7], [sflag:$0x3] =	stream.indirect.gather [hbm4b:s3+s4], $0x20, s4, s4, $0xb8;
	[tilespmem:$0xE400] =	vst v63  }
0x738: {  	_ = 	snop  }
0x739: {  	[hbm4b:s31+s2] =	stream.linear.scatter [tilespmem:s10], [sflag:$0x4], $0x4000, $0x38;
	[tilespmem:$0xE400] =	vst v63  }
0x73a: {  	_ =	swait.ge [sflag:s9], $0x4000  }
0x73b: {  	[sflag:s9] =	ssyncset.done $0x0  }
0x73c: {  	[sflag:s9] =	ssyncadd.s32 $0xFFFFC000  }
0x73d: {  	_ =	swait.ge [sflag:s6], $0x4000  }
0x73e: {  	[sflag:s6] =	ssyncset.done $0x0  }
0x73f: {  	s16 =	sld [smem:$0x7B6];
	[sflag:s6] =	ssyncadd.s32 $0xFFFFC000  }
0x740: {  	[tilespmem:s10], [sflag:$0x2] =	stream.indirect.gather [hbm4b:s3+s4], $0x20, s14, s4, $0xb8;
	[tilespmem:$0xE400] =	vst v63  }
0x741: {  	_ = 	snop  }
0x742: {  	[hbm4b:s16+s2] =	stream.linear.scatter [tilespmem:s7], [sflag:$0x5], $0x4000, $0x38;
	[tilespmem:$0xE400] =	vst v63  }
0x743: {  	_ =	swait.ge [sflag:s12], $0x4000  }
0x744: {  	[sflag:s12] =	ssyncset.done $0x0  }
0x745: {  	[sflag:s12] =	ssyncadd.s32 $0xFFFFC000  }
0x746: {  	_ =	swait.ge [sflag:s5], $0x4000  }
0x747: {  	[sflag:s5] =	ssyncset.done $0x0  }
0x748: {  	s31 =	sld [smem:$0x7B8];
	[sflag:s5] =	ssyncadd.s32 $0xFFFFC000  }
0x749: {  	[tilespmem:s7], [sflag:$0x3] =	stream.indirect.gather [hbm4b:s3+s4], $0x20, s13, s4, $0xb8;
	[tilespmem:$0xE400] =	vst v63  }
0x74a: {  	_ = 	snop  }
0x74b: {  	[hbm4b:s31+s2] =	stream.linear.scatter [tilespmem:s10], [sflag:$0x4], $0x4000, $0x38;
	[tilespmem:$0xE400] =	vst v63  }
0x74c: {  	_ =	swait.ge [sflag:s9], $0x4000  }
0x74d: {  	[sflag:s9] =	ssyncset.done $0x0  }
0x74e: {  	[sflag:s9] =	ssyncadd.s32 $0xFFFFC000  }
0x74f: {  	_ =	swait.ge [sflag:s6], $0x4000  }
0x750: {  	[sflag:s6] =	ssyncset.done $0x0  }
0x751: {  	s14 =	sld [smem:$0x7BA];
	[sflag:s6] =	ssyncadd.s32 $0xFFFFC000  }
0x752: {  	[tilespmem:s10], [sflag:$0x2] =	stream.indirect.gather [hbm4b:s3+s4], $0x20, s11, s4, $0xb8;
	[tilespmem:$0xE400] =	vst v63  }
0x753: {  	_ = 	snop  }
0x754: {  	[hbm4b:s14+s2] =	stream.linear.scatter [tilespmem:s7], [sflag:$0x5], $0x4000, $0x38;
	[tilespmem:$0xE400] =	vst v63  }
0x755: {  	_ =	swait.ge [sflag:s12], $0x4000  }
0x756: {  	[sflag:s12] =	ssyncset.done $0x0  }
0x757: {  	[sflag:s12] =	ssyncadd.s32 $0xFFFFC000  }
0x758: {  	_ =	swait.ge [sflag:s5], $0x4000  }
0x759: {  	[sflag:s5] =	ssyncset.done $0x0  }
0x75a: {  	s15 =	sld [smem:$0x7BC];
	[sflag:s5] =	ssyncadd.s32 $0xFFFFC000  }
0x75b: {  	[tilespmem:s7], [sflag:$0x3] =	stream.indirect.gather [hbm4b:s3+s4], $0x20, s8, s4, $0xb8;
	[tilespmem:$0xE400] =	vst v63  }
0x75c: {  	_ = 	snop  }
0x75d: {  	[hbm4b:s15+s2] =	stream.linear.scatter [tilespmem:s10], [sflag:$0x4], $0x4000, $0x38;
	[tilespmem:$0xE400] =	vst v63  }
0x75e: {  	_ =	swait.ge [sflag:s9], $0x4000  }
0x75f: {  	[sflag:s9] =	ssyncset.done $0x0  }
0x760: {  	[sflag:s9] =	ssyncadd.s32 $0xFFFFC000  }
0x761: {  	_ =	swait.ge [sflag:s6], $0x4000  }
0x762: {  	[sflag:s6] =	ssyncset.done $0x0  }
0x763: {  	s16 =	sld [smem:$0x7BE];
	[sflag:s6] =	ssyncadd.s32 $0xFFFFC000  }
0x764: {  	[tilespmem:s10], [sflag:$0x2] =	stream.indirect.gather [hbm4b:s3+s4], $0x20, s1, s4, $0xb8;
	[tilespmem:$0xE400] =	vst v63  }
0x765: {  	_ = 	snop  }
0x766: {  	[hbm4b:s16+s2] =	stream.linear.scatter [tilespmem:s7], [sflag:$0x5], $0x4000, $0x38;
	[tilespmem:$0xE400] =	vst v63  }
0x767: {  	_ =	swait.ge [sflag:s12], $0x4000  }
0x768: {  	[sflag:s12] =	ssyncset.done $0x0  }
0x769: {  	[sflag:s12] =	ssyncadd.s32 $0xFFFFC000  }
0x76a: {  	_ =	swait.ge [sflag:s5], $0x4000  }
0x76b: {  	[sflag:s5] =	ssyncset.done $0x0  }
0x76c: {  	s31 =	sld [smem:$0x7C0];
	[sflag:s5] =	ssyncadd.s32 $0xFFFFC000  }
0x76d: {  	[tilespmem:s7], [sflag:$0x3] =	stream.indirect.gather [hbm4b:s3+s4], $0x20, s0, s4, $0xb8;
	[tilespmem:$0xE400] =	vst v63  }
0x76e: {  	_ = 	snop  }
0x76f: {  	[hbm4b:s31+s2] =	stream.linear.scatter [tilespmem:s10], [sflag:$0x4], $0x4000, $0x38;
	[tilespmem:$0xE400] =	vst v63  }
0x770: {  	_ =	swait.ge [sflag:s9], $0x4000  }
0x771: {  	[sflag:s9] =	ssyncset.done $0x0  }
0x772: {  	[sflag:s9] =	ssyncadd.s32 $0xFFFFC000  }
0x773: {  	_ =	swait.ge [sflag:s6], $0x4000  }
0x774: {  	[sflag:s6] =	ssyncset.done $0x0  }
0x775: {  	s1 =	sld [smem:$0x7C2];
	[sflag:s6] =	ssyncadd.s32 $0xFFFFC000  }
0x776: {  	[tilespmem:s10], [sflag:$0x2] =	stream.indirect.gather [hbm4b:s3+s4], $0x20, s19, s4, $0xb8;
	[tilespmem:$0xE400] =	vst v63  }
0x777: {  	_ = 	snop  }
0x778: {  	[hbm4b:s1+s2] =	stream.linear.scatter [tilespmem:s7], [sflag:$0x5], $0x4000, $0x38;
	[tilespmem:$0xE400] =	vst v63  }
0x779: {  	_ =	swait.ge [sflag:s12], $0x4000  }
0x77a: {  	[sflag:s12] =	ssyncset.done $0x0  }
0x77b: {  	[sflag:s12] =	ssyncadd.s32 $0xFFFFC000  }
0x77c: {  	_ =	swait.ge [sflag:s5], $0x4000  }
0x77d: {  	[sflag:s5] =	ssyncset.done $0x0  }
0x77e: {  	s8 =	sld [smem:$0x7C4];
	[sflag:s5] =	ssyncadd.s32 $0xFFFFC000  }
0x77f: {  	[tilespmem:s7], [sflag:$0x3] =	stream.indirect.gather [hbm4b:s3+s4], $0x20, s20, s4, $0xb8;
	[tilespmem:$0xE400] =	vst v63  }
0x780: {  	_ = 	snop  }
0x781: {  	[hbm4b:s8+s2] =	stream.linear.scatter [tilespmem:s10], [sflag:$0x4], $0x4000, $0x38;
	[tilespmem:$0xE400] =	vst v63  }
0x782: {  	_ =	swait.ge [sflag:s9], $0x4000  }
0x783: {  	[sflag:s9] =	ssyncset.done $0x0  }
0x784: {  	[sflag:s9] =	ssyncadd.s32 $0xFFFFC000  }
0x785: {  	_ =	swait.ge [sflag:s6], $0x4000  }
0x786: {  	[sflag:s6] =	ssyncset.done $0x0  }
0x787: {  	s11 =	sld [smem:$0x7C6];
	[sflag:s6] =	ssyncadd.s32 $0xFFFFC000  }
0x788: {  	[tilespmem:s10], [sflag:$0x2] =	stream.indirect.gather [hbm4b:s3+s4], $0x20, s21, s4, $0xb8;
	[tilespmem:$0xE400] =	vst v63  }
0x789: {  	_ = 	snop  }
0x78a: {  	[hbm4b:s11+s2] =	stream.linear.scatter [tilespmem:s7], [sflag:$0x5], $0x4000, $0x38;
	[tilespmem:$0xE400] =	vst v63  }
0x78b: {  	_ =	swait.ge [sflag:s12], $0x4000  }
0x78c: {  	[sflag:s12] =	ssyncset.done $0x0  }
0x78d: {  	[sflag:s12] =	ssyncadd.s32 $0xFFFFC000  }
0x78e: {  	_ =	swait.ge [sflag:s5], $0x4000  }
0x78f: {  	[sflag:s5] =	ssyncset.done $0x0  }
0x790: {  	s13 =	sld [smem:$0x7C8];
	[sflag:s5] =	ssyncadd.s32 $0xFFFFC000  }
0x791: {  	[tilespmem:s7], [sflag:$0x3] =	stream.indirect.gather [hbm4b:s3+s4], $0x20, s22, s4, $0xb8;
	[tilespmem:$0xE400] =	vst v63  }
0x792: {  	_ = 	snop  }
0x793: {  	[hbm4b:s13+s2] =	stream.linear.scatter [tilespmem:s10], [sflag:$0x4], $0x4000, $0x38;
	[tilespmem:$0xE400] =	vst v63  }
0x794: {  	_ =	swait.ge [sflag:s9], $0x4000  }
0x795: {  	[sflag:s9] =	ssyncset.done $0x0  }
0x796: {  	[sflag:s9] =	ssyncadd.s32 $0xFFFFC000  }
0x797: {  	_ =	swait.ge [sflag:s6], $0x4000  }
0x798: {  	[sflag:s6] =	ssyncset.done $0x0  }
0x799: {  	s14 =	sld [smem:$0x7CA];
	[sflag:s6] =	ssyncadd.s32 $0xFFFFC000  }
0x79a: {  	[tilespmem:s10], [sflag:$0x2] =	stream.indirect.gather [hbm4b:s3+s4], $0x20, s23, s4, $0xb8;
	[tilespmem:$0xE400] =	vst v63  }
0x79b: {  	_ = 	snop  }
0x79c: {  	[hbm4b:s14+s2] =	stream.linear.scatter [tilespmem:s7], [sflag:$0x5], $0x4000, $0x38;
	[tilespmem:$0xE400] =	vst v63  }
0x79d: {  	_ =	swait.ge [sflag:s12], $0x4000  }
0x79e: {  	[sflag:s12] =	ssyncset.done $0x0  }
0x79f: {  	[sflag:s12] =	ssyncadd.s32 $0xFFFFC000  }
0x7a0: {  	_ =	swait.ge [sflag:s5], $0x4000  }
0x7a1: {  	[sflag:s5] =	ssyncset.done $0x0  }
0x7a2: {  	s15 =	sld [smem:$0x7CC];
	[sflag:s5] =	ssyncadd.s32 $0xFFFFC000  }
0x7a3: {  	[tilespmem:s7], [sflag:$0x3] =	stream.indirect.gather [hbm4b:s3+s4], $0x20, s24, s4, $0xb8;
	[tilespmem:$0xE400] =	vst v63  }
0x7a4: {  	_ = 	snop  }
0x7a5: {  	[hbm4b:s15+s2] =	stream.linear.scatter [tilespmem:s10], [sflag:$0x4], $0x4000, $0x38;
	[tilespmem:$0xE400] =	vst v63  }
0x7a6: {  	_ =	swait.ge [sflag:s9], $0x4000  }
0x7a7: {  	[sflag:s9] =	ssyncset.done $0x0  }
0x7a8: {  	[sflag:s9] =	ssyncadd.s32 $0xFFFFC000  }
0x7a9: {  	_ =	swait.ge [sflag:s6], $0x4000  }
0x7aa: {  	[sflag:s6] =	ssyncset.done $0x0  }
0x7ab: {  	s16 =	sld [smem:$0x7CE];
	[sflag:s6] =	ssyncadd.s32 $0xFFFFC000  }
0x7ac: {  	[tilespmem:s10], [sflag:$0x2] =	stream.indirect.gather [hbm4b:s3+s4], $0x20, s25, s4, $0xb8;
	[tilespmem:$0xE400] =	vst v63  }
0x7ad: {  	_ = 	snop  }
0x7ae: {  	[hbm4b:s16+s2] =	stream.linear.scatter [tilespmem:s7], [sflag:$0x5], $0x4000, $0x38;
	[tilespmem:$0xE400] =	vst v63  }
0x7af: {  	_ =	swait.ge [sflag:s12], $0x4000  }
0x7b0: {  	[sflag:s12] =	ssyncset.done $0x0  }
0x7b1: {  	[sflag:s12] =	ssyncadd.s32 $0xFFFFC000  }
0x7b2: {  	_ =	swait.ge [sflag:s5], $0x4000  }
0x7b3: {  	[sflag:s5] =	ssyncset.done $0x0  }
0x7b4: {  	s19 =	sld [smem:$0x7D0];
	[sflag:s5] =	ssyncadd.s32 $0xFFFFC000  }
0x7b5: {  	[tilespmem:s7], [sflag:$0x3] =	stream.indirect.gather [hbm4b:s3+s4], $0x20, s26, s4, $0xb8;
	[tilespmem:$0xE400] =	vst v63  }
0x7b6: {  	_ = 	snop  }
0x7b7: {  	[hbm4b:s19+s2] =	stream.linear.scatter [tilespmem:s10], [sflag:$0x4], $0x4000, $0x38;
	[tilespmem:$0xE400] =	vst v63  }
0x7b8: {  	_ =	swait.ge [sflag:s9], $0x4000  }
0x7b9: {  	[sflag:s9] =	ssyncset.done $0x0  }
0x7ba: {  	[sflag:s9] =	ssyncadd.s32 $0xFFFFC000  }
0x7bb: {  	_ =	swait.ge [sflag:s6], $0x4000  }
0x7bc: {  	[sflag:s6] =	ssyncset.done $0x0  }
0x7bd: {  	s20 =	sld [smem:$0x7D2];
	[sflag:s6] =	ssyncadd.s32 $0xFFFFC000  }
0x7be: {  	[tilespmem:s10], [sflag:$0x2] =	stream.indirect.gather [hbm4b:s3+s4], $0x20, s28, s4, $0xb8;
	[tilespmem:$0xE400] =	vst v63  }
0x7bf: {  	_ = 	snop  }
0x7c0: {  	[hbm4b:s20+s2] =	stream.linear.scatter [tilespmem:s7], [sflag:$0x5], $0x4000, $0x38;
	[tilespmem:$0xE400] =	vst v63  }
0x7c1: {  	_ =	swait.ge [sflag:s12], $0x4000  }
0x7c2: {  	[sflag:s12] =	ssyncset.done $0x0  }
0x7c3: {  	[sflag:s12] =	ssyncadd.s32 $0xFFFFC000  }
0x7c4: {  	_ =	swait.ge [sflag:s5], $0x4000  }
0x7c5: {  	[sflag:s5] =	ssyncset.done $0x0  }
0x7c6: {  	s21 =	sld [smem:$0x7D4];
	[sflag:s5] =	ssyncadd.s32 $0xFFFFC000  }
0x7c7: {  	[tilespmem:s7], [sflag:$0x3] =	stream.indirect.gather [hbm4b:s3+s4], $0x20, s29, s4, $0xb8;
	[tilespmem:$0xE400] =	vst v63  }
0x7c8: {  	_ = 	snop  }
0x7c9: {  	[hbm4b:s21+s2] =	stream.linear.scatter [tilespmem:s10], [sflag:$0x4], $0x4000, $0x38;
	[tilespmem:$0xE400] =	vst v63  }
0x7ca: {  	_ =	swait.ge [sflag:s9], $0x4000  }
0x7cb: {  	[sflag:s9] =	ssyncset.done $0x0  }
0x7cc: {  	[sflag:s9] =	ssyncadd.s32 $0xFFFFC000  }
0x7cd: {  	_ =	swait.ge [sflag:s6], $0x4000  }
0x7ce: {  	[sflag:s6] =	ssyncset.done $0x0  }
0x7cf: {  	s22 =	sld [smem:$0x7D6];
	[sflag:s6] =	ssyncadd.s32 $0xFFFFC000  }
0x7d0: {  	[tilespmem:s10], [sflag:$0x2] =	stream.indirect.gather [hbm4b:s3+s4], $0x20, s30, s4, $0xb8;
	[tilespmem:$0xE400] =	vst v63  }
0x7d1: {  	_ = 	snop  }
0x7d2: {  	[hbm4b:s22+s2] =	stream.linear.scatter [tilespmem:s7], [sflag:$0x5], $0x4000, $0x38;
	[tilespmem:$0xE400] =	vst v63  }
0x7d3: {  	_ =	swait.ge [sflag:s12], $0x4000  }
0x7d4: {  	[sflag:s12] =	ssyncset.done $0x0  }
0x7d5: {  	[sflag:s12] =	ssyncadd.s32 $0xFFFFC000  }
0x7d6: {  	_ =	swait.ge [sflag:s5], $0x4000  }
0x7d7: {  	[sflag:s5] =	ssyncset.done $0x0  }
0x7d8: {  	s24 =	simm.s32 $0x2600;
	s23 =	sld [smem:$0x7D8];
	[sflag:s5] =	ssyncadd.s32 $0xFFFFC000  }
0x7d9: {  	[tilespmem:s7], [sflag:$0x3] =	stream.indirect.gather [hbm4b:s3+s4], $0x20, s24, s4, $0xb8;
	[tilespmem:$0xE400] =	vst v63  }
0x7da: {  	_ = 	snop  }
0x7db: {  	[hbm4b:s23+s2] =	stream.linear.scatter [tilespmem:s10], [sflag:$0x4], $0x4000, $0x38;
	[tilespmem:$0xE400] =	vst v63  }
0x7dc: {  	_ =	swait.ge [sflag:s9], $0x4000  }
0x7dd: {  	[sflag:s9] =	ssyncset.done $0x0  }
0x7de: {  	[sflag:s9] =	ssyncadd.s32 $0xFFFFC000  }
0x7df: {  	_ =	swait.ge [sflag:s6], $0x4000  }
0x7e0: {  	[sflag:s6] =	ssyncset.done $0x0  }
0x7e1: {  	s26 =	simm.s32 $0x2800;
	s25 =	sld [smem:$0x7DA];
	[sflag:s6] =	ssyncadd.s32 $0xFFFFC000  }
0x7e2: {  	[tilespmem:s10], [sflag:$0x2] =	stream.indirect.gather [hbm4b:s3+s4], $0x20, s26, s4, $0xb8;
	[tilespmem:$0xE400] =	vst v63  }
0x7e3: {  	_ = 	snop  }
0x7e4: {  	[hbm4b:s25+s2] =	stream.linear.scatter [tilespmem:s7], [sflag:$0x5], $0x4000, $0x38;
	[tilespmem:$0xE400] =	vst v63  }
0x7e5: {  	_ =	swait.ge [sflag:s12], $0x4000  }
0x7e6: {  	[sflag:s12] =	ssyncset.done $0x0  }
0x7e7: {  	[sflag:s12] =	ssyncadd.s32 $0xFFFFC000  }
0x7e8: {  	_ =	swait.ge [sflag:s5], $0x4000  }
0x7e9: {  	[sflag:s5] =	ssyncset.done $0x0  }
0x7ea: {  	s29 =	simm.s32 $0x2A00;
	s28 =	sld [smem:$0x7DC];
	[sflag:s5] =	ssyncadd.s32 $0xFFFFC000  }
0x7eb: {  	[tilespmem:s7], [sflag:$0x3] =	stream.indirect.gather [hbm4b:s3+s4], $0x20, s29, s4, $0xb8;
	[tilespmem:$0xE400] =	vst v63  }
0x7ec: {  	_ = 	snop  }
0x7ed: {  	[hbm4b:s28+s2] =	stream.linear.scatter [tilespmem:s10], [sflag:$0x4], $0x4000, $0x38;
	[tilespmem:$0xE400] =	vst v63  }
0x7ee: {  	_ =	swait.ge [sflag:s9], $0x4000  }
0x7ef: {  	[sflag:s9] =	ssyncset.done $0x0  }
0x7f0: {  	[sflag:s9] =	ssyncadd.s32 $0xFFFFC000  }
0x7f1: {  	_ =	swait.ge [sflag:s6], $0x4000  }
0x7f2: {  	[sflag:s6] =	ssyncset.done $0x0  }
0x7f3: {  	s31 =	simm.s32 $0x2C00;
	s30 =	sld [smem:$0x7DE];
	[sflag:s6] =	ssyncadd.s32 $0xFFFFC000  }
0x7f4: {  	[tilespmem:s10], [sflag:$0x2] =	stream.indirect.gather [hbm4b:s3+s4], $0x20, s31, s4, $0xb8;
	[tilespmem:$0xE400] =	vst v63  }
0x7f5: {  	_ = 	snop  }
0x7f6: {  	[hbm4b:s30+s2] =	stream.linear.scatter [tilespmem:s7], [sflag:$0x5], $0x4000, $0x38;
	[tilespmem:$0xE400] =	vst v63  }
0x7f7: {  	_ =	swait.ge [sflag:s12], $0x4000  }
0x7f8: {  	[sflag:s12] =	ssyncset.done $0x0  }
0x7f9: {  	[sflag:s12] =	ssyncadd.s32 $0xFFFFC000  }
0x7fa: {  	_ =	swait.ge [sflag:s5], $0x4000  }
0x7fb: {  	[sflag:s5] =	ssyncset.done $0x0  }
0x7fc: {  	s11 =	simm.s32 $0x2E00;
	s8 =	sld [smem:$0x7E0];
	[sflag:s5] =	ssyncadd.s32 $0xFFFFC000  }
0x7fd: {  	[tilespmem:s7], [sflag:$0x3] =	stream.indirect.gather [hbm4b:s3+s4], $0x20, s11, s4, $0xb8;
	[tilespmem:$0xE400] =	vst v63  }
0x7fe: {  	_ = 	snop  }
0x7ff: {  	[hbm4b:s8+s2] =	stream.linear.scatter [tilespmem:s10], [sflag:$0x4], $0x4000, $0x38;
	[tilespmem:$0xE400] =	vst v63  }
0x800: {  	_ =	swait.ge [sflag:s9], $0x4000  }
0x801: {  	[sflag:s9] =	ssyncset.done $0x0  }
0x802: {  	[sflag:s9] =	ssyncadd.s32 $0xFFFFC000  }
0x803: {  	_ =	swait.ge [sflag:s6], $0x4000  }
0x804: {  	[sflag:s6] =	ssyncset.done $0x0  }
0x805: {  	s14 =	simm.s32 $0x3000;
	s13 =	sld [smem:$0x7E2];
	[sflag:s6] =	ssyncadd.s32 $0xFFFFC000  }
0x806: {  	[tilespmem:s10], [sflag:$0x2] =	stream.indirect.gather [hbm4b:s3+s4], $0x20, s14, s4, $0xb8;
	[tilespmem:$0xE400] =	vst v63  }
0x807: {  	_ = 	snop  }
0x808: {  	[hbm4b:s13+s2] =	stream.linear.scatter [tilespmem:s7], [sflag:$0x5], $0x4000, $0x38;
	[tilespmem:$0xE400] =	vst v63  }
0x809: {  	_ =	swait.ge [sflag:s12], $0x4000  }
0x80a: {  	[sflag:s12] =	ssyncset.done $0x0  }
0x80b: {  	[sflag:s12] =	ssyncadd.s32 $0xFFFFC000  }
0x80c: {  	_ =	swait.ge [sflag:s5], $0x4000  }
0x80d: {  	[sflag:s5] =	ssyncset.done $0x0  }
0x80e: {  	s16 =	simm.s32 $0x3200;
	s15 =	sld [smem:$0x7E3];
	[sflag:s5] =	ssyncadd.s32 $0xFFFFC000  }
0x80f: {  	[tilespmem:s7], [sflag:$0x3] =	stream.indirect.gather [hbm4b:s3+s4], $0x20, s16, s4, $0xb8;
	[tilespmem:$0xE400] =	vst v63  }
0x810: {  	_ = 	snop  }
0x811: {  	[hbm4b:s15+s2] =	stream.linear.scatter [tilespmem:s10], [sflag:$0x4], $0x4000, $0x38;
	[tilespmem:$0xE400] =	vst v63  }
0x812: {  	_ =	swait.ge [sflag:s9], $0x4000  }
0x813: {  	[sflag:s9] =	ssyncset.done $0x0  }
0x814: {  	[sflag:s9] =	ssyncadd.s32 $0xFFFFC000  }
0x815: {  	_ =	swait.ge [sflag:s6], $0x4000  }
0x816: {  	[sflag:s6] =	ssyncset.done $0x0  }
0x817: {  	s20 =	simm.s32 $0x3400;
	s19 =	sld [smem:$0x7E4];
	[sflag:s6] =	ssyncadd.s32 $0xFFFFC000  }
0x818: {  	[tilespmem:s10], [sflag:$0x2] =	stream.indirect.gather [hbm4b:s3+s4], $0x20, s20, s4, $0xb8;
	[tilespmem:$0xE400] =	vst v63  }
0x819: {  	_ = 	snop  }
0x81a: {  	[hbm4b:s19+s2] =	stream.linear.scatter [tilespmem:s7], [sflag:$0x5], $0x4000, $0x38;
	[tilespmem:$0xE400] =	vst v63  }
0x81b: {  	_ =	swait.ge [sflag:s12], $0x4000  }
0x81c: {  	[sflag:s12] =	ssyncset.done $0x0  }
0x81d: {  	[sflag:s12] =	ssyncadd.s32 $0xFFFFC000  }
0x81e: {  	_ =	swait.ge [sflag:s5], $0x4000  }
0x81f: {  	[sflag:s5] =	ssyncset.done $0x0  }
0x820: {  	s22 =	simm.s32 $0x3600;
	s21 =	sld [smem:$0x7E5];
	[sflag:s5] =	ssyncadd.s32 $0xFFFFC000  }
0x821: {  	[tilespmem:s7], [sflag:$0x3] =	stream.indirect.gather [hbm4b:s3+s4], $0x20, s22, s4, $0xb8;
	[tilespmem:$0xE400] =	vst v63  }
0x822: {  	_ = 	snop  }
0x823: {  	[hbm4b:s21+s2] =	stream.linear.scatter [tilespmem:s10], [sflag:$0x4], $0x4000, $0x38;
	[tilespmem:$0xE400] =	vst v63  }
0x824: {  	_ =	swait.ge [sflag:s9], $0x4000  }
0x825: {  	[sflag:s9] =	ssyncset.done $0x0  }
0x826: {  	[sflag:s9] =	ssyncadd.s32 $0xFFFFC000  }
0x827: {  	_ =	swait.ge [sflag:s6], $0x4000  }
0x828: {  	[sflag:s6] =	ssyncset.done $0x0  }
0x829: {  	s24 =	simm.s32 $0x3800;
	s23 =	sld [smem:$0x7E6];
	[sflag:s6] =	ssyncadd.s32 $0xFFFFC000  }
0x82a: {  	[tilespmem:s10], [sflag:$0x2] =	stream.indirect.gather [hbm4b:s3+s4], $0x20, s24, s4, $0xb8;
	[tilespmem:$0xE400] =	vst v63  }
0x82b: {  	_ = 	snop  }
0x82c: {  	[hbm4b:s23+s2] =	stream.linear.scatter [tilespmem:s7], [sflag:$0x5], $0x4000, $0x38;
	[tilespmem:$0xE400] =	vst v63  }
0x82d: {  	_ =	swait.ge [sflag:s12], $0x4000  }
0x82e: {  	[sflag:s12] =	ssyncset.done $0x0  }
0x82f: {  	[sflag:s12] =	ssyncadd.s32 $0xFFFFC000  }
0x830: {  	_ =	swait.ge [sflag:s5], $0x4000  }
0x831: {  	[sflag:s5] =	ssyncset.done $0x0  }
0x832: {  	s26 =	simm.s32 $0x3A00;
	s25 =	sld [smem:$0x7E7];
	[sflag:s5] =	ssyncadd.s32 $0xFFFFC000  }
0x833: {  	[tilespmem:s7], [sflag:$0x3] =	stream.indirect.gather [hbm4b:s3+s4], $0x20, s26, s4, $0xb8;
	[tilespmem:$0xE400] =	vst v63  }
0x834: {  	_ = 	snop  }
0x835: {  	[hbm4b:s25+s2] =	stream.linear.scatter [tilespmem:s10], [sflag:$0x4], $0x4000, $0x38;
	[tilespmem:$0xE400] =	vst v63  }
0x836: {  	_ =	swait.ge [sflag:s9], $0x4000  }
0x837: {  	[sflag:s9] =	ssyncset.done $0x0  }
0x838: {  	[sflag:s9] =	ssyncadd.s32 $0xFFFFC000  }
0x839: {  	_ =	swait.ge [sflag:s6], $0x4000  }
0x83a: {  	[sflag:s6] =	ssyncset.done $0x0  }
0x83b: {  	s29 =	simm.s32 $0x3C00;
	s28 =	sld [smem:$0x7E8];
	[sflag:s6] =	ssyncadd.s32 $0xFFFFC000  }
0x83c: {  	[tilespmem:s10], [sflag:$0x2] =	stream.indirect.gather [hbm4b:s3+s4], $0x20, s29, s4, $0xb8;
	[tilespmem:$0xE400] =	vst v63  }
0x83d: {  	_ = 	snop  }
0x83e: {  	[hbm4b:s28+s2] =	stream.linear.scatter [tilespmem:s7], [sflag:$0x5], $0x4000, $0x38;
	[tilespmem:$0xE400] =	vst v63  }
0x83f: {  	_ =	swait.ge [sflag:s12], $0x4000  }
0x840: {  	[sflag:s12] =	ssyncset.done $0x0  }
0x841: {  	[sflag:s12] =	ssyncadd.s32 $0xFFFFC000  }
0x842: {  	_ =	swait.ge [sflag:s5], $0x4000  }
0x843: {  	[sflag:s5] =	ssyncset.done $0x0  }
0x844: {  	s31 =	simm.s32 $0x3E00;
	s30 =	sld [smem:$0x7EA];
	[sflag:s5] =	ssyncadd.s32 $0xFFFFC000  }
0x845: {  	[tilespmem:s7], [sflag:$0x3] =	stream.indirect.gather [hbm4b:s3+s4], $0x20, s31, s4, $0xb8;
	[tilespmem:$0xE400] =	vst v63  }
0x846: {  	_ = 	snop  }
0x847: {  	[hbm4b:s30+s2] =	stream.linear.scatter [tilespmem:s10], [sflag:$0x4], $0x4000, $0x38;
	[tilespmem:$0xE400] =	vst v63  }
0x848: {  	_ =	swait.ge [sflag:s9], $0x4000  }
0x849: {  	[sflag:s9] =	ssyncset.done $0x0  }
0x84a: {  	[sflag:s9] =	ssyncadd.s32 $0xFFFFC000  }
0x84b: {  	_ =	swait.ge [sflag:s6], $0x4000  }
0x84c: {  	[sflag:s6] =	ssyncset.done $0x0  }
0x84d: {  	s11 =	simm.s32 $0x4000;
	s8 =	sld [smem:$0x7EB];
	[sflag:s6] =	ssyncadd.s32 $0xFFFFC000  }
0x84e: {  	[tilespmem:s10], [sflag:$0x2] =	stream.indirect.gather [hbm4b:s3+s4], $0x20, s11, s4, $0xb8;
	[tilespmem:$0xE400] =	vst v63  }
0x84f: {  	_ = 	snop  }
0x850: {  	[hbm4b:s8+s2] =	stream.linear.scatter [tilespmem:s7], [sflag:$0x5], $0x4000, $0x38;
	[tilespmem:$0xE400] =	vst v63  }
0x851: {  	_ =	swait.ge [sflag:s12], $0x4000  }
0x852: {  	[sflag:s12] =	ssyncset.done $0x0  }
0x853: {  	[sflag:s12] =	ssyncadd.s32 $0xFFFFC000  }
0x854: {  	_ =	swait.ge [sflag:s5], $0x4000  }
0x855: {  	[sflag:s5] =	ssyncset.done $0x0  }
0x856: {  	s14 =	simm.s32 $0x4200;
	s13 =	sld [smem:$0x7EC];
	[sflag:s5] =	ssyncadd.s32 $0xFFFFC000  }
0x857: {  	[tilespmem:s7], [sflag:$0x3] =	stream.indirect.gather [hbm4b:s3+s4], $0x20, s14, s4, $0xb8;
	[tilespmem:$0xE400] =	vst v63  }
0x858: {  	_ = 	snop  }
0x859: {  	[hbm4b:s13+s2] =	stream.linear.scatter [tilespmem:s10], [sflag:$0x4], $0x4000, $0x38;
	[tilespmem:$0xE400] =	vst v63  }
0x85a: {  	_ =	swait.ge [sflag:s9], $0x4000  }
0x85b: {  	[sflag:s9] =	ssyncset.done $0x0  }
0x85c: {  	[sflag:s9] =	ssyncadd.s32 $0xFFFFC000  }
0x85d: {  	_ =	swait.ge [sflag:s6], $0x4000  }
0x85e: {  	[sflag:s6] =	ssyncset.done $0x0  }
0x85f: {  	s16 =	simm.s32 $0x4400;
	s15 =	sld [smem:$0x7ED];
	[sflag:s6] =	ssyncadd.s32 $0xFFFFC000  }
0x860: {  	[tilespmem:s10], [sflag:$0x2] =	stream.indirect.gather [hbm4b:s3+s4], $0x20, s16, s4, $0xb8;
	[tilespmem:$0xE400] =	vst v63  }
0x861: {  	_ = 	snop  }
0x862: {  	[hbm4b:s15+s2] =	stream.linear.scatter [tilespmem:s7], [sflag:$0x5], $0x4000, $0x38;
	[tilespmem:$0xE400] =	vst v63  }
0x863: {  	_ =	swait.ge [sflag:s12], $0x4000  }
0x864: {  	[sflag:s12] =	ssyncset.done $0x0  }
0x865: {  	[sflag:s12] =	ssyncadd.s32 $0xFFFFC000  }
0x866: {  	_ =	swait.ge [sflag:s5], $0x4000  }
0x867: {  	[sflag:s5] =	ssyncset.done $0x0  }
0x868: {  	s20 =	simm.s32 $0x4600;
	s19 =	sld [smem:$0x7EE];
	[sflag:s5] =	ssyncadd.s32 $0xFFFFC000  }
0x869: {  	[tilespmem:s7], [sflag:$0x3] =	stream.indirect.gather [hbm4b:s3+s4], $0x20, s20, s4, $0xb8;
	[tilespmem:$0xE400] =	vst v63  }
0x86a: {  	_ = 	snop  }
0x86b: {  	[hbm4b:s19+s2] =	stream.linear.scatter [tilespmem:s10], [sflag:$0x4], $0x4000, $0x38;
	[tilespmem:$0xE400] =	vst v63  }
0x86c: {  	_ =	swait.ge [sflag:s9], $0x4000  }
0x86d: {  	[sflag:s9] =	ssyncset.done $0x0  }
0x86e: {  	[sflag:s9] =	ssyncadd.s32 $0xFFFFC000  }
0x86f: {  	_ =	swait.ge [sflag:s6], $0x4000  }
0x870: {  	[sflag:s6] =	ssyncset.done $0x0  }
0x871: {  	s22 =	simm.s32 $0x4800;
	s21 =	sld [smem:$0x7EF];
	[sflag:s6] =	ssyncadd.s32 $0xFFFFC000  }
0x872: {  	[tilespmem:s10], [sflag:$0x2] =	stream.indirect.gather [hbm4b:s3+s4], $0x20, s22, s4, $0xb8;
	[tilespmem:$0xE400] =	vst v63  }
0x873: {  	_ = 	snop  }
0x874: {  	[hbm4b:s21+s2] =	stream.linear.scatter [tilespmem:s7], [sflag:$0x5], $0x4000, $0x38;
	[tilespmem:$0xE400] =	vst v63  }
0x875: {  	_ =	swait.ge [sflag:s12], $0x4000  }
0x876: {  	[sflag:s12] =	ssyncset.done $0x0  }
0x877: {  	[sflag:s12] =	ssyncadd.s32 $0xFFFFC000  }
0x878: {  	_ =	swait.ge [sflag:s5], $0x4000  }
0x879: {  	[sflag:s5] =	ssyncset.done $0x0  }
0x87a: {  	s24 =	simm.s32 $0x4A00;
	s23 =	sld [smem:$0x7F0];
	[sflag:s5] =	ssyncadd.s32 $0xFFFFC000  }
0x87b: {  	[tilespmem:s7], [sflag:$0x3] =	stream.indirect.gather [hbm4b:s3+s4], $0x20, s24, s4, $0xb8;
	[tilespmem:$0xE400] =	vst v63  }
0x87c: {  	_ = 	snop  }
0x87d: {  	[hbm4b:s23+s2] =	stream.linear.scatter [tilespmem:s10], [sflag:$0x4], $0x4000, $0x38;
	[tilespmem:$0xE400] =	vst v63  }
0x87e: {  	_ =	swait.ge [sflag:s9], $0x4000  }
0x87f: {  	[sflag:s9] =	ssyncset.done $0x0  }
0x880: {  	[sflag:s9] =	ssyncadd.s32 $0xFFFFC000  }
0x881: {  	_ =	swait.ge [sflag:s6], $0x4000  }
0x882: {  	[sflag:s6] =	ssyncset.done $0x0  }
0x883: {  	s26 =	simm.s32 $0x4C00;
	s25 =	sld [smem:$0x7F1];
	[sflag:s6] =	ssyncadd.s32 $0xFFFFC000  }
0x884: {  	[tilespmem:s10], [sflag:$0x2] =	stream.indirect.gather [hbm4b:s3+s4], $0x20, s26, s4, $0xb8;
	[tilespmem:$0xE400] =	vst v63  }
0x885: {  	_ = 	snop  }
0x886: {  	[hbm4b:s25+s2] =	stream.linear.scatter [tilespmem:s7], [sflag:$0x5], $0x4000, $0x38;
	[tilespmem:$0xE400] =	vst v63  }
0x887: {  	_ =	swait.ge [sflag:s12], $0x4000  }
0x888: {  	[sflag:s12] =	ssyncset.done $0x0  }
0x889: {  	[sflag:s12] =	ssyncadd.s32 $0xFFFFC000  }
0x88a: {  	_ =	swait.ge [sflag:s5], $0x4000  }
0x88b: {  	[sflag:s5] =	ssyncset.done $0x0  }
0x88c: {  	s29 =	simm.s32 $0x4E00;
	s28 =	sld [smem:$0x7F2];
	[sflag:s5] =	ssyncadd.s32 $0xFFFFC000  }
0x88d: {  	[tilespmem:s7], [sflag:$0x3] =	stream.indirect.gather [hbm4b:s3+s4], $0x20, s29, s4, $0xb8;
	[tilespmem:$0xE400] =	vst v63  }
0x88e: {  	_ = 	snop  }
0x88f: {  	[hbm4b:s28+s2] =	stream.linear.scatter [tilespmem:s10], [sflag:$0x4], $0x4000, $0x38;
	[tilespmem:$0xE400] =	vst v63  }
0x890: {  	_ =	swait.ge [sflag:s9], $0x4000  }
0x891: {  	[sflag:s9] =	ssyncset.done $0x0  }
0x892: {  	[sflag:s9] =	ssyncadd.s32 $0xFFFFC000  }
0x893: {  	_ =	swait.ge [sflag:s6], $0x4000  }
0x894: {  	[sflag:s6] =	ssyncset.done $0x0  }
0x895: {  	s31 =	simm.s32 $0x5000;
	s30 =	sld [smem:$0x7F3];
	[sflag:s6] =	ssyncadd.s32 $0xFFFFC000  }
0x896: {  	[tilespmem:s10], [sflag:$0x2] =	stream.indirect.gather [hbm4b:s3+s4], $0x20, s31, s4, $0xb8;
	[tilespmem:$0xE400] =	vst v63  }
0x897: {  	_ = 	snop  }
0x898: {  	[hbm4b:s30+s2] =	stream.linear.scatter [tilespmem:s7], [sflag:$0x5], $0x4000, $0x38;
	[tilespmem:$0xE400] =	vst v63  }
0x899: {  	_ =	swait.ge [sflag:s12], $0x4000  }
0x89a: {  	[sflag:s12] =	ssyncset.done $0x0  }
0x89b: {  	[sflag:s12] =	ssyncadd.s32 $0xFFFFC000  }
0x89c: {  	_ =	swait.ge [sflag:s5], $0x4000  }
0x89d: {  	[sflag:s5] =	ssyncset.done $0x0  }
0x89e: {  	s11 =	simm.s32 $0x5200;
	s8 =	sld [smem:$0x7F4];
	[sflag:s5] =	ssyncadd.s32 $0xFFFFC000  }
0x89f: {  	[tilespmem:s7], [sflag:$0x3] =	stream.indirect.gather [hbm4b:s3+s4], $0x20, s11, s4, $0xb8;
	[tilespmem:$0xE400] =	vst v63  }
0x8a0: {  	_ = 	snop  }
0x8a1: {  	[hbm4b:s8+s2] =	stream.linear.scatter [tilespmem:s10], [sflag:$0x4], $0x4000, $0x38;
	[tilespmem:$0xE400] =	vst v63  }
0x8a2: {  	_ =	swait.ge [sflag:s9], $0x4000  }
0x8a3: {  	[sflag:s9] =	ssyncset.done $0x0  }
0x8a4: {  	[sflag:s9] =	ssyncadd.s32 $0xFFFFC000  }
0x8a5: {  	_ =	swait.ge [sflag:s6], $0x4000  }
0x8a6: {  	[sflag:s6] =	ssyncset.done $0x0  }
0x8a7: {  	s14 =	simm.s32 $0x5400;
	s13 =	sld [smem:$0x7F5];
	[sflag:s6] =	ssyncadd.s32 $0xFFFFC000  }
0x8a8: {  	[tilespmem:s10], [sflag:$0x2] =	stream.indirect.gather [hbm4b:s3+s4], $0x20, s14, s4, $0xb8;
	[tilespmem:$0xE400] =	vst v63  }
0x8a9: {  	_ = 	snop  }
0x8aa: {  	[hbm4b:s13+s2] =	stream.linear.scatter [tilespmem:s7], [sflag:$0x5], $0x4000, $0x38;
	[tilespmem:$0xE400] =	vst v63  }
0x8ab: {  	_ =	swait.ge [sflag:s12], $0x4000  }
0x8ac: {  	[sflag:s12] =	ssyncset.done $0x0  }
0x8ad: {  	[sflag:s12] =	ssyncadd.s32 $0xFFFFC000  }
0x8ae: {  	_ =	swait.ge [sflag:s5], $0x4000  }
0x8af: {  	[sflag:s5] =	ssyncset.done $0x0  }
0x8b0: {  	s16 =	simm.s32 $0x5600;
	s15 =	sld [smem:$0x7F6];
	[sflag:s5] =	ssyncadd.s32 $0xFFFFC000  }
0x8b1: {  	[tilespmem:s7], [sflag:$0x3] =	stream.indirect.gather [hbm4b:s3+s4], $0x20, s16, s4, $0xb8;
	[tilespmem:$0xE400] =	vst v63  }
0x8b2: {  	_ = 	snop  }
0x8b3: {  	[hbm4b:s15+s2] =	stream.linear.scatter [tilespmem:s10], [sflag:$0x4], $0x4000, $0x38;
	[tilespmem:$0xE400] =	vst v63  }
0x8b4: {  	_ =	swait.ge [sflag:s9], $0x4000  }
0x8b5: {  	[sflag:s9] =	ssyncset.done $0x0  }
0x8b6: {  	[sflag:s9] =	ssyncadd.s32 $0xFFFFC000  }
0x8b7: {  	_ =	swait.ge [sflag:s6], $0x4000  }
0x8b8: {  	[sflag:s6] =	ssyncset.done $0x0  }
0x8b9: {  	s20 =	simm.s32 $0x5800;
	s19 =	sld [smem:$0x7F7];
	[sflag:s6] =	ssyncadd.s32 $0xFFFFC000  }
0x8ba: {  	[tilespmem:s10], [sflag:$0x2] =	stream.indirect.gather [hbm4b:s3+s4], $0x20, s20, s4, $0xb8;
	[tilespmem:$0xE400] =	vst v63  }
0x8bb: {  	_ = 	snop  }
0x8bc: {  	[hbm4b:s19+s2] =	stream.linear.scatter [tilespmem:s7], [sflag:$0x5], $0x4000, $0x38;
	[tilespmem:$0xE400] =	vst v63  }
0x8bd: {  	_ =	swait.ge [sflag:s12], $0x4000  }
0x8be: {  	[sflag:s12] =	ssyncset.done $0x0  }
0x8bf: {  	[sflag:s12] =	ssyncadd.s32 $0xFFFFC000  }
0x8c0: {  	_ =	swait.ge [sflag:s5], $0x4000  }
0x8c1: {  	[sflag:s5] =	ssyncset.done $0x0  }
0x8c2: {  	s22 =	simm.s32 $0x5A00;
	s21 =	sld [smem:$0x7F8];
	[sflag:s5] =	ssyncadd.s32 $0xFFFFC000  }
0x8c3: {  	[tilespmem:s7], [sflag:$0x3] =	stream.indirect.gather [hbm4b:s3+s4], $0x20, s22, s4, $0xb8;
	[tilespmem:$0xE400] =	vst v63  }
0x8c4: {  	_ = 	snop  }
0x8c5: {  	[hbm4b:s21+s2] =	stream.linear.scatter [tilespmem:s10], [sflag:$0x4], $0x4000, $0x38;
	[tilespmem:$0xE400] =	vst v63  }
0x8c6: {  	_ =	swait.ge [sflag:s9], $0x4000  }
0x8c7: {  	[sflag:s9] =	ssyncset.done $0x0  }
0x8c8: {  	[sflag:s9] =	ssyncadd.s32 $0xFFFFC000  }
0x8c9: {  	_ =	swait.ge [sflag:s6], $0x4000  }
0x8ca: {  	[sflag:s6] =	ssyncset.done $0x0  }
0x8cb: {  	s24 =	simm.s32 $0x5C00;
	s23 =	sld [smem:$0x7F9];
	[sflag:s6] =	ssyncadd.s32 $0xFFFFC000  }
0x8cc: {  	[tilespmem:s10], [sflag:$0x2] =	stream.indirect.gather [hbm4b:s3+s4], $0x20, s24, s4, $0xb8;
	[tilespmem:$0xE400] =	vst v63  }
0x8cd: {  	_ = 	snop  }
0x8ce: {  	[hbm4b:s23+s2] =	stream.linear.scatter [tilespmem:s7], [sflag:$0x5], $0x4000, $0x38;
	[tilespmem:$0xE400] =	vst v63  }
0x8cf: {  	_ =	swait.ge [sflag:s12], $0x4000  }
0x8d0: {  	[sflag:s12] =	ssyncset.done $0x0  }
0x8d1: {  	[sflag:s12] =	ssyncadd.s32 $0xFFFFC000  }
0x8d2: {  	_ =	swait.ge [sflag:s5], $0x4000  }
0x8d3: {  	[sflag:s5] =	ssyncset.done $0x0  }
0x8d4: {  	s26 =	simm.s32 $0x5E00;
	s25 =	sld [smem:$0x7FA];
	[sflag:s5] =	ssyncadd.s32 $0xFFFFC000  }
0x8d5: {  	[tilespmem:s7], [sflag:$0x3] =	stream.indirect.gather [hbm4b:s3+s4], $0x20, s26, s4, $0xb8;
	[tilespmem:$0xE400] =	vst v63  }
0x8d6: {  	_ = 	snop  }
0x8d7: {  	[hbm4b:s25+s2] =	stream.linear.scatter [tilespmem:s10], [sflag:$0x4], $0x4000, $0x38;
	[tilespmem:$0xE400] =	vst v63  }
0x8d8: {  	_ =	swait.ge [sflag:s9], $0x4000  }
0x8d9: {  	[sflag:s9] =	ssyncset.done $0x0  }
0x8da: {  	[sflag:s9] =	ssyncadd.s32 $0xFFFFC000  }
0x8db: {  	_ =	swait.ge [sflag:s6], $0x4000  }
0x8dc: {  	[sflag:s6] =	ssyncset.done $0x0  }
0x8dd: {  	s17 =	simm.s32 $0x6000;
	s28 =	sld [smem:$0x7FB];
	[sflag:s6] =	ssyncadd.s32 $0xFFFFC000  }
0x8de: {  	[tilespmem:s10], [sflag:$0x2] =	stream.indirect.gather [hbm4b:s3+s4], $0x20, s17, s4, $0xb8;
	[tilespmem:$0xE400] =	vst v63  }
0x8df: {  	_ = 	snop  }
0x8e0: {  	[hbm4b:s28+s2] =	stream.linear.scatter [tilespmem:s7], [sflag:$0x5], $0x4000, $0x38;
	[tilespmem:$0xE400] =	vst v63  }
0x8e1: {  	_ =	swait.ge [sflag:s12], $0x4000  }
0x8e2: {  	[sflag:s12] =	ssyncset.done $0x0  }
0x8e3: {  	[sflag:s12] =	ssyncadd.s32 $0xFFFFC000  }
0x8e4: {  	_ =	swait.ge [sflag:s5], $0x4000  }
0x8e5: {  	[sflag:s5] =	ssyncset.done $0x0  }
0x8e6: {  	s29 =	sld [smem:$0x7FC];
	[sflag:s5] =	ssyncadd.s32 $0xFFFFC000  }
0x8e7: {  	[tilespmem:s7], [sflag:$0x3] =	stream.indirect.gather [hbm4b:s3+s4], $0x20, s18, s4, $0xb8;
	[tilespmem:$0xE400] =	vst v63  }
0x8e8: {  	_ = 	snop  }
0x8e9: {  	[hbm4b:s29+s2] =	stream.linear.scatter [tilespmem:s10], [sflag:$0x4], $0x4000, $0x38;
	[tilespmem:$0xE400] =	vst v63  }
0x8ea: {  	_ =	swait.ge [sflag:s9], $0x4000  }
0x8eb: {  	s30 =	sld [smem:$0x7FD]  }
0x8ec: {  	[sflag:s9] =	ssyncset.done $0x0  }
0x8ed: {  	[sflag:s9] =	ssyncadd.s32 $0xFFFFC000  }
0x8ee: {  	[hbm4b:s30+s2] =	stream.linear.scatter [tilespmem:s7], [sflag:$0x5], $0x4000, $0x38;
	[tilespmem:$0xE400] =	vst v63  }
0x8ef: {  	_ =	swait.ge [sflag:s6], $0x4000  }
0x8f0: {  	[sflag:s6] =	ssyncset.done $0x0  }
0x8f1: {  	[sflag:s6] =	ssyncadd.s32 $0xFFFFC000  }
0x8f2: {  	_ =	swait.ge [sflag:s5], $0x4000  }
0x8f3: {  	[sflag:s5] =	ssyncset.done $0x0  }
0x8f4: {  	[sflag:s5] =	ssyncadd.s32 $0xFFFFC000  }
0x8f5: {  	_ =	sfence.sel $0x180000  }
0x8f6: {  	[bflag:$0x0] =	sbarrier.arrive $0xFFFF  }
0x8f7: {  	_ =	strace $0x90000047  }
0x8f8: {  	s31 =	stileid.u32;
	[bflag:$0x2] =	sbarrier.arrive $0xFFFF  }
0x8f9: {  	p0 =	sne.s32 s31, $0x0;
	s0 =	rddreg [dreg:$0x2]  }
0x8fa: {  	s0 =	sadd.s32 @!p0 $0x100000, s0  }
0x8fb: {  	[sflag:s0] =	ssyncadd.tile.s32 @!p0 $0x1;
	_ =	shalt  }
.Lfunc_end2:
_tile_overlayer_lowered:
.L_overlay_start_2:
0x8fc: {  	(tag) =	ssettag $0x2  }
0x8fd: {  	s0 =	rddreg [dreg:$0x0];
	s2 =	stileid.u32  }
0x8fe: {  	s1 =	rddreg [dreg:$0x1];
	p0 =	sne.s32 s2, $0x0  }
0x8ff: {  	s3 =	rddreg [dreg:$0x2];
	[bflag:$0x3] =	sbarrier.arrive $0xFFFF;
	s2 =	simm.s32 @!p0 $0x1C06  }
0x900: {  	[timem:s3], [sflag:s2] =	dma.local @!p0 [hbm:s0], s1  }
0x901: {  	s0 =	simm.s32 @!p0 $0x6  }
0x902: {  	_ =	swait.ge @!p0 [sflag:s0], s1  }
0x903: {  	s1 =	ssub.s32 @!p0 $0x0, s1;
	[sflag:s0] =	ssyncset.done @!p0 $0x0  }
0x904: {  	[sflag:s0] =	ssyncadd.s32 @!p0 s1  }
0x905: {  	[bflag:$0x3] =	sbarrier.arrive $0xFFFF  }
0x906: {  	_ =	shalt  }

// kernel: sparse-core-data-format-call.cloned.1.call-start
scs
called_computation_lowered:
.L_overlay_start_0:
0x0: {  	s2 =	sld [smem:$0x3FD9]  }
0x1: {  	s3 =	sld [smem:$0x3FFE];
	_ =	sdelay $0x1  }
0x2: {  	s1 =	srdreg.scid  }
0x3: {  	s0 =	sand.u32 $0x1, s1  }
0x4: {  	s18 =	sshll.u32 s0, $0xA;
	s2 =	sadd.s32 s3, s2  }
0x5: {  	s2 =	sadd.s32 s2, s18  }
0x6: {  	[smem:$0x3FC6] =	sst s2  }
0x7: {  	_ = 	snop  }
0x8: {  	s2 =	sld [smem:$0x3FD0];
	(tm) =	ssettm $0x1  }
0x9: {  	s19 =	sld [smem:$0x3FFB];
	_ =	sdelay $0x3  }
0xa: {  	_ =	strace s19  }
0xb: {  	s3 =	sld [smem:$0x3FFC];
	_ =	sdelay $0x3  }
0xc: {  	_ =	strace s3  }
0xd: {  	s3 =	sld [smem:$0x3FFD];
	_ =	sdelay $0x3  }
0xe: {  	_ =	strace s3  }
0xf: {  	_ =	strace $0x8FFFFFFF  }
0x10: {  	s20 =	sld [smem:$0x3FDB];
	_ =	sdelay $0x1  }
0x11: {  	s4 =	simm.s32 $_scs_section_size  }
0x12: {  	s5 =	simm.s32 $_size__tile_overlayer_lowered;
	s6 =	simm.s32 $_tile_overlayer_lowered  }
0x13: {  	s23 =	simm.s32 $0x1BFF;
	s22 =	sshll.u32 s6, $0x1;
	s3 =	sadd.s32 s4, s20  }
0x14: {  	s7 =	simm.s32 $0x0;
	s21 =	sshll.u32 s5, $0x1;
	s5 =	sadd.s32 s22, s3  }
0x15: {  	[timem:s7], [sflag:s23] =	dma.local [hbm:s5], s21  }
0x16: {  	_ =	swait.ge [sflag:s23], s21  }
0x17: {  	s4 =	ssub.s32 $0x0, s21;
	[sflag:s23] =	ssyncset.done $0x0  }
0x18: {  	[sflag:s23] =	ssyncadd.s32 s4;
	_ =	sdelay $0x1  }
0x19: {  	s24 =	simm.s32 $0x1B8B  }
0x1a: {  	_ =	swait.ge [sflag:s24], $0x1  }
0x1b: {  	[sflag:s24] =	ssyncset.done $0x0  }
0x1c: {  	s26 =	simm.s32 $0x1B8E;
	s25 =	sld [smem:$0x3FFE];
	[sflag:s24] =	ssyncadd.s32 $0xFFFFFFFF  }
0x1d: {  	s27 =	simm.s32 $execute0_lowered;
	[smem:$0x3FD2] =	sst s26  }
0x1e: {  	s5 =	sshll.u32 s27, $0x1;
	_ =	strace $0x80000049;
	[dreg:$0x1] =	wrdreg $0xFFFFFFFF  }
0x1f: {  	s28 =	simm.s32 $_size_execute0_lowered;
	s3 =	sadd.s32 s3, s5;
	[dreg:$0x0] =	wrdreg $0x0  }
0x20: {  	s5 =	sshll.u32 s28, $0x1;
	[dreg:$0x2] =	wrdreg s3  }
0x21: {  	[dreg:$0x3] =	wrdreg s5  }
0x22: {  	[dreg:$0x4] =	wrdreg $0xC0  }
0x23: {  	_ =	task [dreg:s7], $0x5FFFF  }
0x24: {  	[dreg:$0x1] =	wrdreg $0xFFFFFFFF  }
0x25: {  	[dreg:$0x0] =	wrdreg $0x60  }
0x26: {  	[dreg:$0x2] =	wrdreg s25  }
0x27: {  	[dreg:$0x3] =	wrdreg s2  }
0x28: {  	[dreg:$0x4] =	wrdreg $0x9  }
0x29: {  	_ =	task.clear_ibuf [dreg:s7], $0x5FFFF;
	_ =	strace $0x90000049  }
0x2a: {  	s29 =	simm.s32 $0x9;
	_ =	strace $0x8000004B  }
0x2b: {  	_ =	swait.ge [sflag:s29], $0x1  }
0x2c: {  	[sflag:s29] =	ssyncadd.s32 $0xFFFFFFFF  }
0x2d: {  	_ =	strace $0x9000004B  }
0x2e: {  	_ =	sfence  }
0x2f: {  	s30 =	sld [smem:$0x0];
	_ =	sdelay $0x2  }
0x30: {  	s31 =	sshll.u32 s1, $0xD;
	s1 =	sshrl.u32 s1, $0x2  }
0x31: {  	s3 =	sand.u32 $0x4000, s31;
	s1 =	sadd.s32 s1, s30  }
0x32: {  	s0 =	sor.u32 s3, s0;
	s1 =	sshll.u32 s1, $0x11  }
0x33: {  	s0 =	sor.u32 s1, s0  }
0x34: {  	s0 =	sadd.s32 $0x8F2B, s0  }
0x35: {  	[sflag:s0] =	ssyncadd.remote.s32 $0x1  }
0x36: {  	_ =	sfence.sel $0xFFFF  }
0x37: {  	[dreg:$0x0] =	wrdreg $0xFFFFFFFF;
	(pc) =	sbr.abs _section_cstart, $3  }
0x38: {  	[dreg:$0x1] =	wrdreg $0xFFFFFFFF  }
0x39: {  	_ =	task.clear_ibuf [dreg:s7], $0x2FFFF;
	_ =	strace $0x9FFFFFFF  }
0x3a: {  	(tm) =	ssettm $0x7FFFFFFF  }
0x3b: {  	_ =	shalt  }
tec
execute0_lowered:
.L_overlay_start_1:
0x0: {  	(tag) =	ssettag $0x1  }
0x1: {  	s0 =	srdreg.scid  }
0x2: {  	s1 =	sshll.u32 s0, $0x4  }
0x3: {  	s0 =	stileid.u32;
	s1 =	sand.u32 $0x10, s1  }
0x4: {  	s7 =	rddreg [dreg:$0x0];
	s1 =	sor.u32 s0, s1  }
0x5: {  	s4 =	simm.s32 $0x1;
	s8 =	simm.s32 $0x2;
	s2 =	sshll.u32 s1, $0x7  }
0x6: {  	s13 =	simm.s32 $0x0;
	s9 =	simm.s32 $0x20000;
	s1 =	ssub.s32 $0x4000, s2  }
0x7: {  	s14 =	simm.s32 $0x0;
	s11 =	simm.s32 $0x0;
	s3 =	sand.u32 $0xF80, s1  }
0x8: {  	s12 =	simm.s32 $0x0;
	s5 =	sshrl.u32 s1, $0xC;
	p0 =	sne.s32 s3, $0x0  }
.Ltmp0:
0x9: {  	s1 =	rddreg [dreg:$0x2];
	s4 =	simm.s32 @!p0 $0x0;
	(pc) =	sbr.rel .LBB1_1-.Ltmp0, $4  }
0xa: {  	s6 =	sadd.s32 $0xA00, s7;
	s3 =	rddreg [dreg:$0x1];
	s5 =	sadd.s32 s4, s5  }
0xb: {  	_ =	strace $0x8000004A;
	s4 =	simm.s32 $0x1;
	s5 =	smul.u32 $0x19, s5  }
0xc: {  	s7 =	sadd.s32 $0x40A00, s7;
	s10 =	smov.u32 s2;
	[sflag:s4] =	ssyncpa.u1 $0x0  }
0xd: {  	p0 =	por $0x0, $0x0;
	[sflag:s8] =	ssyncpa.u1 $0x0;
	s8 =	sadd.s32 $0x1, s5  }
.LBB1_7:
0xe: {  	s15 =	sadd.s32 $0x1000, s10  }
0xf: {  	s13 =	sadd.s32 $0x2, s11;
	s17 =	smov.u32 s11;
	p2 =	sgt.s32 s15, $0x3FFF  }
0x10: {  	s17 =	smov.u32 @p2 s13  }
0x11: {  	s15 =	smov.u32 @p2 s2;
	p2 =	sgt.s32 s17, $0x31  }
0x12: {  	s17 =	simm.s32 @p2 $0x0;
	p2 =	sne.s32 s12, s8  }
.Ltmp1:
0x13: {  	p1 =	slt.u32 s12, $0x2;
	(pc) =	sbr.rel @!p2 .LBB1_8-.Ltmp1, $4  }
0x14: {  	s16 =	simm.s32 @!p1 $0x2  }
0x15: {  	s14 =	smov.u32 s11;
	p0 =	por !p0, !p0;
	_ =	swait.ge @!p1 [sflag:s16], $0x2000  }
0x16: {  	s13 =	smov.u32 s10;
	[sflag:s16] =	ssyncset.done @!p1 $0x0;
	s10 =	smov.u32 s15  }
0x17: {  	s12 =	sadd.s32 $0x1, s12;
	[sflag:s16] =	ssyncadd.s32 @!p1 $0xFFFFE000;
	s11 =	smov.u32 s17  }
.LBB1_1:
0x18: {  	p1 =	sge.u32 s12, s5  }
0x19: {  	s15 =	sxor.u32 @!p1 $0xFFFFFFFF, s12;
	s16 =	sshll.u32 @!p1 s11, $0x12  }
0x1a: {  	s17 =	sshll.u32 @!p1 s10, $0x4;
	s19 =	simm.s32 @!p1 $0x20;
	s20 =	simm.s32 @!p1 $0x80  }
0x1b: {  	s15 =	sshll.u32 @!p1 s15, $0xD;
	s17 =	sand.u32 @!p1 $0x3FFF0, s17;
	s18 =	sadd.s32 @!p1 s6, s16  }
0x1c: {  	s16 =	sadd.s32 @!p1 s16, s7;
	s15 =	sand.u32 @!p1 $0x2000, s15;
	s18 =	sadd.s32 @!p1 s17, s18  }
0x1d: {  	[tilespmem:s15], [sflag:$0x1] =	stream.strided.gather @!p1 [hbm4b:s18+s19], $0x1000, s20, s19, $0x38;
	[tilespmem:$0x8080] =	vst v63  }
0x1e: {  	s31 =	sadd.s32 $0xFFFFFFFF, s12;
	s16 =	sadd.s32 @!p1 s17, s16;
	s15 =	sor.u32 @!p1 $0x1000, s15  }
0x1f: {  	[tilespmem:s15], [sflag:$0x1] =	stream.strided.gather @!p1 [hbm4b:s16+s19], $0x1000, s20, s19, $0x38;
	[tilespmem:$0x8080] =	vst v63  }
0x20: {  	p1 =	sge.u32 s31, s5  }
.Ltmp2:
0x21: {  	_ = 	snop;
	(pc) =	sbr.rel @p1 .LBB1_7-.Ltmp2, $1  }
0x22: {  	_ =	sdelay $0x3  }
0x23: {  	s15 =	simm.s32 $0x1;
	s17 =	sand.u32 $0x1, s12  }
0x24: {  	_ =	swait.ge [sflag:s4], $0x2000;
	s15 =	simm.s32 @!p0 $0x0;
	s17 =	smul.u32 $0x8100, s17  }
0x25: {  	p2 =	por $0x1, $0x1;
	[sflag:s4] =	ssyncset.done $0x0;
	s16 =	smul.u32 $0x8100, s15  }
0x26: {  	s18 =	sshll.u32 s15, $0xF;
	[sflag:s4] =	ssyncadd.s32 $0xFFFFE000;
	s30 =	sshrl.u32 s17, $0x2  }
0x27: {  	s31 =	sshrl.u32 s18, $0x2;
	s18 =	simm.s32 $0x0;
	s16 =	sshrl.u32 s16, $0x2  }
0x28: {  	s15 =	sor.u32 $0x4000, s30;
	s17 =	sadd.s32 $0x10, s31;
	s16 =	sor.u32 $0x4000, s16  }
.LBB1_3:
0x29: {  	s19 =	sshll.u32 s18, $0xC  }
0x2a: {  	s19 =	sand.u32 $0x3FFFF000, s19  }
0x2b: {  	s20 =	sadd.s32 s19, s17  }
0x2c: {  	s31 =	smul.u32 $0x4080, s18;
	v1 =	vld [tilespmem:s20+$0x0]  }
0x2d: {  	v0 =	vld [tilespmem:s20+$0xFFFFFFF0]  }
0x2e: {  	s18 =	sshra.s32 s31, $0x2  }
0x2f: {  	s18 =	sadd.s32 s18, s16  }
0x30: {  	s21 =	sadd.s32 $0x0, s18  }
0x31: {  	p1 =	por p2, p2;
	s19 =	simm.s32 $0x4;
	s20 =	sadd.s32 $0x20, s20;
	[tilespmem:s21+$0x810 ss:$0x81] =	vst.msk $0xffff, v1  }
.LBB1_4:
0x32: {  	v1 =	vld [tilespmem:s20+$0x0];
	p2 =	sne.s32 s19, $0x1FC;
	[tilespmem:s21+$0x0 ss:$0x81] =	vst.msk $0xffff, v0;
	s21 =	smov.u32 s19;
	s19 =	sadd.s32 $0x4, s19  }
.Ltmp3:
0x33: {  	v0 =	vld [tilespmem:s20+$0xFFFFFFF0];
	(pc) =	sbr.rel @p2 .LBB1_4-.Ltmp3, $4  }
0x34: {  	_ = 	snop  }
0x35: {  	s21 =	sshra.s32 s21, $0x2  }
0x36: {  	s21 =	sadd.s32 s21, s18  }
0x37: {  	s20 =	sadd.s32 $0x20, s20;
	[tilespmem:s21+$0x810 ss:$0x81] =	vst.msk $0xffff, v1  }
.Ltmp4:
0x38: {  	(pc) =	sbr.rel @p1 .LBB1_3-.Ltmp4, $2  }
0x39: {  	_ =	sdelay $0x2  }
0x3a: {  	[tilespmem:s21+$0x0 ss:$0x81] =	vst.msk $0xffff, v0;
	s18 =	simm.s32 $0x1;
	p2 =	por $0x0, $0x0  }
0x3b: {  	s16 =	sshll.u32 s13, $0x3;
	s17 =	sand.u32 $0x78, s13;
	s14 =	sshll.u32 s14, $0x10  }
.Ltmp5:
0x3c: {  	s30 =	sand.u32 $0xF800, s13;
	s16 =	sand.u32 $0x3C00, s16;
	(pc) =	sbr.rel .LBB1_7-.Ltmp5, $4  }
0x3d: {  	s31 =	sand.u32 $0x7, s13;
	s14 =	sadd.s32 s3, s14;
	s16 =	sor.u32 s17, s16  }
0x3e: {  	s13 =	sshll.u32 s31, $0x12;
	s14 =	sadd.s32 s30, s14;
	s16 =	sshrl.u32 s16, $0x3  }
0x3f: {  	s13 =	sor.u32 $0x400, s13;
	s14 =	sadd.s32 s16, s14  }
0x40: {  	[hbm4b:s14+s13] =	stream.strided.scatter [tilespmem:s15], [sflag:$0x2], $0x2000, s9, s13, $0x20;
	[tilespmem:$0x8080] =	vst v63  }
.LBB1_8:
0x41: {  	_ =	sfence.sel $0x180000  }
0x42: {  	s2 =	simm.s32 $0x1;
	[bflag:$0x0] =	sbarrier.arrive $0xFFFF  }
0x43: {  	s31 =	simm.s32 $0x2;
	[sflag:s2] =	ssyncpa.u1 $0x1  }
0x44: {  	[sflag:s31] =	ssyncpa.u1 $0x1  }
0x45: {  	p0 =	sne.s32 s0, $0x0;
	_ =	strace $0x9000004A  }
0x46: {  	s0 =	sadd.s32 @!p0 $0x100000, s1;
	[bflag:$0x2] =	sbarrier.arrive $0xFFFF  }
0x47: {  	[sflag:s0] =	ssyncadd.tile.s32 @!p0 $0x1;
	_ =	shalt  }
.Lfunc_end1:
_tile_overlayer_lowered:
.L_overlay_start_2:
0x48: {  	(tag) =	ssettag $0x2  }
0x49: {  	s0 =	rddreg [dreg:$0x0];
	s2 =	stileid.u32  }
0x4a: {  	s1 =	rddreg [dreg:$0x1];
	p0 =	sne.s32 s2, $0x0  }
0x4b: {  	s3 =	rddreg [dreg:$0x2];
	[bflag:$0x3] =	sbarrier.arrive $0xFFFF;
	s2 =	simm.s32 @!p0 $0x1C01  }
0x4c: {  	[timem:s3], [sflag:s2] =	dma.local @!p0 [hbm:s0], s1  }
0x4d: {  	s0 =	simm.s32 @!p0 $0x1  }
0x4e: {  	_ =	swait.ge @!p0 [sflag:s0], s1  }
0x4f: {  	s1 =	ssub.s32 @!p0 $0x0, s1;
	[sflag:s0] =	ssyncset.done @!p0 $0x0  }
0x50: {  	[sflag:s0] =	ssyncadd.s32 @!p0 s1  }
0x51: {  	[bflag:$0x3] =	sbarrier.arrive $0xFFFF  }
0x52: {  	_ =	shalt  }

</sc_bundles>
